<compile_context>
chip_gen: v7x
topology: tpu7x:2x2x1
jax: 0.10.2.dev20260603
libtpu: 0.0.44.dev20260713+nightly
codegen_flags: <defaults>
</compile_context>

<pallas_src>
import functools

import jax
import jax.numpy as jnp
from jax import lax
from jax.experimental import pallas as pl
from jax.experimental.pallas import tpu as pltpu
from jax.experimental.pallas import tpu_sc as plsc

_S = 7.0
_N = 90
_LC = 5.0
_LN = 0.5
_BATCH = 4096
_M = _BATCH * 49
_NW = 32
_CELLS_W = _M // _NW
_CHUNK = 224
_NCH = _CELLS_W // _CHUNK
_CW = _CHUNK * _N
_GRP = _CHUNK // 16

_mesh = plsc.VectorSubcoreMesh(core_axis_name="c", subcore_axis_name="s")


@functools.partial(
    pl.kernel,
    out_type=jax.ShapeDtypeStruct((_NW, 16), jnp.float32),
    mesh=_mesh,
    scratch_types=[
        pltpu.VMEM((_CW,), jnp.float32),
        pltpu.VMEM((_CW,), jnp.float32),
        pltpu.VMEM((_CW,), jnp.float32),
        pltpu.VMEM((_CW,), jnp.float32),
        pltpu.VMEM((16,), jnp.float32),
        pltpu.SemaphoreType.DMA,
        pltpu.SemaphoreType.DMA,
    ],
    compiler_params=pltpu.CompilerParams(needs_layout_passes=False),
)
def _sc_loss(p_hbm, t_hbm, out_hbm, pv0, tv0, pv1, tv1, acc_v, sem0, sem1):
    wid = lax.axis_index("s") * 2 + lax.axis_index("c")
    iota = lax.broadcasted_iota(jnp.int32, (16,), 0)
    idx90 = iota * _N
    zero = jnp.zeros((16,), jnp.float32)

    def start_chunk(k, pv, tv, sem):
        start = (wid * _CELLS_W + k * _CHUNK) * _N
        pltpu.async_copy(p_hbm.at[pl.ds(start, _CW)], pv, sem)
        pltpu.async_copy(t_hbm.at[pl.ds(start, _CW)], tv, sem)

    def wait_chunk(pv, tv, sem):
        pltpu.make_async_copy(p_hbm.at[pl.ds(0, _CW)], pv, sem).wait()
        pltpu.make_async_copy(t_hbm.at[pl.ds(0, _CW)], tv, sem).wait()

    def compute_chunk(pv, tv, acc):

        def group_body(g, a):
            gidx = g * (16 * _N) + idx90

            def gp(c):
                return plsc.load_gather(pv, [gidx + c])

            def gt(c):
                return plsc.load_gather(tv, [gidx + c])

            t4 = gt(4)
            obj = (t4 > 0.0).astype(jnp.float32)

            cls = zero
            for c in range(10, _N):
                d = gp(c) - gt(c)
                cls = cls + d * d

            p0, p1, p2, p3, p4 = gp(0), gp(1), gp(2), gp(3), gp(4)
            p5, p6, p7, p8, p9 = gp(5), gp(6), gp(7), gp(8), gp(9)
            t0, t1, t2, t3 = gt(0), gt(1), gt(2), gt(3)
            t5, t6, t7, t8, t9 = gt(5), gt(6), gt(7), gt(8), gt(9)

            ax1 = p0 / _S - 0.5 * p2
            ay1 = p1 / _S - 0.5 * p3
            ax2 = ax1 / _S + 0.5 * p2
            ay2 = ay1 / _S + 0.5 * p3
            bx1 = p5 / _S - 0.5 * p7
            by1 = p6 / _S - 0.5 * p8
            bx2 = bx1 / _S + 0.5 * p7
            by2 = by1 / _S + 0.5 * p8
            tx1 = t0 / _S - 0.5 * t2
            ty1 = t1 / _S - 0.5 * t3
            tx2 = tx1 / _S + 0.5 * t2
            ty2 = ty1 / _S + 0.5 * t3
            at = (tx2 - tx1) * (ty2 - ty1)

            def iou(x1, y1, x2, y2):
                wx = jnp.maximum(jnp.minimum(x2, tx2) - jnp.maximum(x1, tx1), 0.0)
                wy = jnp.maximum(jnp.minimum(y2, ty2) - jnp.maximum(y1, ty1), 0.0)
                inter = wx * wy
                ap = (x2 - x1) * (y2 - y1)
                return inter / (ap + at - inter)

            iou0 = iou(ax1, ay1, ax2, ay2)
            iou1 = iou(bx1, by1, bx2, by2)
            sel = iou1 > iou0
            max_iou = jnp.where(sel, iou1, iou0)

            dx1 = jnp.where(sel, bx1, ax1) - jnp.where(sel, t5, tx1)
            dy1 = jnp.where(sel, by1, ay1) - jnp.where(sel, t6, ty1)
            dx2 = jnp.where(sel, bx2, ax2) - jnp.where(sel, t7, tx2)
            dy2 = jnp.where(sel, by2, ay2) - jnp.where(sel, t8, ty2)
            rpc = jnp.where(sel, p9, p4)

            xywh = dx1 * dx1 + dy1 * dy1 + dx2 * dx2 + dy2 * dy2
            cc = rpc - max_iou
            d4 = p4 - t4
            d9 = p9 - t9
            conf = d4 * d4 + d9 * d9

            contrib = obj * (cls + _LC * xywh + cc * cc) + (_LN * (1.0 - obj)) * conf
            return a + contrib

        return lax.fori_loop(0, _GRP, group_body, acc)

    start_chunk(0, pv0, tv0, sem0)

    def pair_body(kk, acc):
        start_chunk(2 * kk + 1, pv1, tv1, sem1)
        wait_chunk(pv0, tv0, sem0)
        acc = compute_chunk(pv0, tv0, acc)

        @pl.when(kk < _NCH // 2 - 1)
        def _():
            start_chunk(2 * kk + 2, pv0, tv0, sem0)

        wait_chunk(pv1, tv1, sem1)
        return compute_chunk(pv1, tv1, acc)

    acc = lax.fori_loop(0, _NCH // 2, pair_body, zero)
    acc_v[...] = acc
    pltpu.sync_copy(acc_v, out_hbm.at[wid])


def kernel(pred_tensor, target_tensor):
    parts = _sc_loss(pred_tensor.reshape(-1), target_tensor.reshape(-1))
    return jnp.sum(parts) * (1.0 / _BATCH)

# --- scband reference (transcript-rebuilt; emitter-appended) ---
"""Pipeline reference for scband-yolov1-loss-37469294691111 (READ-ONLY COPY).

The authoritative reference and input builder live on the scoring server;
editing this copy changes nothing except your own understanding.
"""

import jax, jax.numpy as jnp
import numpy as np

S = 7
B = 2
C = 80
N = 5 * B + C
LC = 5.0
LN = 0.5
BATCH = 4096


def setup_inputs(seed: int = 0) -> dict:
    key = jax.random.key(seed)
    k1, k2 = jax.random.split(key)
    pred = jax.random.normal(k1, (BATCH, S, S, N), dtype=jnp.float32)
    t = jax.random.uniform(k2, (BATCH, S, S, N), dtype=jnp.float32)
    # targets: confidence channel (index 4) must be exactly 0 (no object) or > 0 (object)
    conf = (t[..., 4] > 0.7).astype(jnp.float32)
    target = t.at[..., 4].set(conf)
    return {"pred_tensor": pred, "target_tensor": target}


def _loss(pred_tensor, target_tensor):
    batch = pred_tensor.shape[0]
    conf_t = target_tensor[..., 4]
    noobj_w = (conf_t == 0).astype(pred_tensor.dtype)
    obj_w = (conf_t > 0).astype(pred_tensor.dtype)

    # no-object confidence loss over both box confidence columns [4, 9]
    conf_cols = jnp.array([4 + 5 * b for b in range(B)], dtype=jnp.int32)
    diff_conf = (jnp.take(pred_tensor, conf_cols, axis=-1) - jnp.take(target_tensor, conf_cols, axis=-1)) ** 2
    noobj_conf_loss = jnp.sum(noobj_w[..., None] * diff_conf)

    # flatten grid cells
    pc = pred_tensor.reshape(-1, N)
    tc = target_tensor.reshape(-1, N)
    w = obj_w.reshape(-1)

    pb = pc[:, : 5 * B].reshape(-1, B, 5)
    tb = tc[:, : 5 * B].reshape(-1, B, 5)

    # faithfully replicate the torch in-place aliasing: pred_xyxy IS pred,
    # so the second assignment reads the already-overwritten xy columns.
    p_xy = pb[..., :2]
    p_wh = pb[..., 2:4]
    p_x1y1 = p_xy / float(S) - 0.5 * p_wh
    p_x2y2 = p_x1y1 / float(S) + 0.5 * p_wh  # aliasing bug preserved

    t0 = tb[:, 0, :]
    t_x1y1 = t0[:, :2] / float(S) - 0.5 * t0[:, 2:4]
    t_x2y2 = t_x1y1 / float(S) + 0.5 * t0[:, 2:4]  # aliasing bug preserved

    # IoU between the B mutated pred boxes and the mutated first target box, per cell
    tl = jnp.maximum(p_x1y1, t_x1y1[:, None, :])
    br = jnp.minimum(p_x2y2, t_x2y2[:, None, :])
    wh = jnp.maximum(br - tl, 0.0)
    inter = wh[..., 0] * wh[..., 1]
    area_p = (p_x2y2[..., 0] - p_x1y1[..., 0]) * (p_x2y2[..., 1] - p_x1y1[..., 1])
    area_t = (t_x2y2[:, 0] - t_x1y1[:, 0]) * (t_x2y2[:, 1] - t_x1y1[:, 1])
    union = area_p + area_t[:, None] - inter
    iou = inter / union  # [M, B]

    idx = jnp.argmax(iou, axis=1)  # responsible box per cell
    max_iou = jnp.take_along_axis(iou, idx[:, None], axis=1)[:, 0]

    # responsible pred row as mutated in-place by the torch loop: [x1,y1,x2,y2,conf]
    p_mut = jnp.concatenate([p_x1y1, p_x2y2, pb[..., 4:5]], axis=-1)  # [M,B,5]
    gidx = jnp.broadcast_to(idx[:, None, None], (p_mut.shape[0], 1, 5))
    resp_pred = jnp.take_along_axis(p_mut, gidx, axis=1)[:, 0, :]

    # target rows: only row 0 of each group is mutated in-place by the torch loop;
    # the selected row i+max_index is mutated iff max_index == 0
    t0_mut = jnp.concatenate([t_x1y1, t_x2y2, t0[:, 4:5]], axis=-1)
    tb_mut = tb.at[:, 0, :].set(t0_mut)
    resp_target = jnp.take_along_axis(tb_mut, gidx, axis=1)[:, 0, :]

    xy_loss = jnp.sum(w * jnp.sum((resp_pred[:, :2] - resp_target[:, :2]) ** 2, axis=1))
    wh_loss = jnp.sum(w * jnp.sum((resp_pred[:, 2:4] - resp_target[:, 2:4]) ** 2, axis=1))
    # torch stores max_iou.data (detached)
    coord_conf_loss = jnp.sum(w * (resp_pred[:, 4] - jax.lax.stop_gradient(max_iou)) ** 2)
    class_loss = jnp.sum(w[:, None] * (pc[:, 5 * B:] - tc[:, 5 * B:]) ** 2)

    loss = LC * (xy_loss + wh_loss) + coord_conf_loss + LN * noobj_conf_loss + class_loss
    return loss / float(batch)


def reference(pred_tensor, target_tensor):
    return _loss(pred_tensor, target_tensor)

if __name__ == "__main__":
    import jax
    _d = setup_inputs()
    print(jax.jit(kernel)(*tuple(_d.values())))

</pallas_src>

<mosaic_0001>
#map = affine_map<(d0, d1) -> (0)>
#map1 = affine_map<(d0, d1) -> (0, 0)>
module attributes {stable_mosaic.version = 14 : i64} {
  func.func @_sc_loss(%arg0: i32, %arg1: i32, %arg2: memref<18063360xf32, #tpu.memory_space<hbm>>, %arg3: memref<18063360xf32, #tpu.memory_space<hbm>>, %arg4: memref<32x16xf32, #tpu.memory_space<hbm>>, %arg5: memref<20160xf32, #tpu.memory_space<vmem>>, %arg6: memref<20160xf32, #tpu.memory_space<vmem>>, %arg7: memref<20160xf32, #tpu.memory_space<vmem>>, %arg8: memref<20160xf32, #tpu.memory_space<vmem>>, %arg9: memref<16xf32, #tpu.memory_space<vmem>>, %arg10: memref<!tpu.dma_semaphore, #tpu.memory_space<semaphore_mem>>, %arg11: memref<!tpu.dma_semaphore, #tpu.memory_space<semaphore_mem>>) attributes {dimension_semantics = [#tpu.dimension_semantics<core_parallel>, #tpu.dimension_semantics<subcore_parallel>], iteration_bounds = array<i64: 2, 16>, scalar_prefetch = 0 : i64, scratch_operands = 7 : i64, tpu.core_type = #tpu.core_type<sc_vector_subcore>, window_params = [{transform_indices = #map}, {transform_indices = #map}, {transform_indices = #map1}]} {
    %mul3A = arith.constant 2 : i32
    %mul3A_0 = arith.muli %arg1, %mul3A : i32
    %add3A = arith.addi %mul3A_0, %arg0 : i32
    %iota3A = tpu.iota {dimensions = array<i32: 0>} : vector<16xi32>
    %mul3A_1 = arith.constant 90 : i32
    %mul3A_2 = vector.broadcast %mul3A_1 : i32 to vector<16xi32>
    %mul3A_3 = arith.muli %iota3A, %mul3A_2 : vector<16xi32>
    %broadcast_in_dim3A = arith.constant 0.000000e+00 : f32
    %broadcast_in_dim3A_4 = vector.broadcast %broadcast_in_dim3A : f32 to vector<16xf32>
    %mul3A_5 = arith.constant 6272 : i32
    %mul3A_6 = arith.muli %add3A, %mul3A_5 : i32
    %add3A_7 = arith.constant 0 : i32
    %add3A_8 = arith.addi %mul3A_6, %add3A_7 : i32
    %mul3A_9 = arith.constant 90 : i32
    %mul3A_10 = arith.muli %add3A_8, %mul3A_9 : i32
    %dma_start3A = tpu.memref_slice %arg2[%mul3A_10] : memref<18063360xf32, #tpu.memory_space<hbm>> -> memref<20160xf32, #tpu.memory_space<hbm>>
    %dma_start3A_11 = tpu.memref_slice %arg2[%mul3A_10] : memref<18063360xf32, #tpu.memory_space<hbm>> -> memref<20160xf32, #tpu.memory_space<hbm>>
    tpu.enqueue_dma source(%dma_start3A_11 : memref<20160xf32, #tpu.memory_space<hbm>>) target(%arg5 : memref<20160xf32, #tpu.memory_space<vmem>>) target_semaphore(%arg10 : memref<!tpu.dma_semaphore, #tpu.memory_space<semaphore_mem>>)
    %dma_start3A_12 = tpu.memref_slice %arg3[%mul3A_10] : memref<18063360xf32, #tpu.memory_space<hbm>> -> memref<20160xf32, #tpu.memory_space<hbm>>
    %dma_start3A_13 = tpu.memref_slice %arg3[%mul3A_10] : memref<18063360xf32, #tpu.memory_space<hbm>> -> memref<20160xf32, #tpu.memory_space<hbm>>
    tpu.enqueue_dma source(%dma_start3A_13 : memref<20160xf32, #tpu.memory_space<hbm>>) target(%arg6 : memref<20160xf32, #tpu.memory_space<vmem>>) target_semaphore(%arg10 : memref<!tpu.dma_semaphore, #tpu.memory_space<semaphore_mem>>)
    %scan3A = arith.constant 0 : i32
    %scan3A_14 = arith.constant 14 : i32
    %scan3A_15 = arith.addi %scan3A, %scan3A_14 : i32
    %scan3A_16 = arith.constant 1 : i32
    %scan3A_17 = scf.for %scan3A_20 = %scan3A to %scan3A_15 step %scan3A_16 iter_args(%scan3A_21 = %broadcast_in_dim3A_4) -> (vector<16xf32>)  : i32 {
      %mul3A_22 = arith.constant 2 : i32
      %mul3A_23 = arith.muli %mul3A_22, %scan3A_20 : i32
      %add3A_24 = arith.constant 1 : i32
      %add3A_25 = arith.addi %mul3A_23, %add3A_24 : i32
      %mul3A_26 = arith.constant 6272 : i32
      %mul3A_27 = arith.muli %add3A, %mul3A_26 : i32
      %mul3A_28 = arith.constant 224 : i32
      %mul3A_29 = arith.muli %add3A_25, %mul3A_28 : i32
      %add3A_30 = arith.addi %mul3A_27, %mul3A_29 : i32
      %mul3A_31 = arith.constant 90 : i32
      %mul3A_32 = arith.muli %add3A_30, %mul3A_31 : i32
      %dma_start3A_33 = tpu.memref_slice %arg2[%mul3A_32] : memref<18063360xf32, #tpu.memory_space<hbm>> -> memref<20160xf32, #tpu.memory_space<hbm>>
      %dma_start3A_34 = tpu.memref_slice %arg2[%mul3A_32] : memref<18063360xf32, #tpu.memory_space<hbm>> -> memref<20160xf32, #tpu.memory_space<hbm>>
      tpu.enqueue_dma source(%dma_start3A_34 : memref<20160xf32, #tpu.memory_space<hbm>>) target(%arg7 : memref<20160xf32, #tpu.memory_space<vmem>>) target_semaphore(%arg11 : memref<!tpu.dma_semaphore, #tpu.memory_space<semaphore_mem>>)
      %dma_start3A_35 = tpu.memref_slice %arg3[%mul3A_32] : memref<18063360xf32, #tpu.memory_space<hbm>> -> memref<20160xf32, #tpu.memory_space<hbm>>
      %dma_start3A_36 = tpu.memref_slice %arg3[%mul3A_32] : memref<18063360xf32, #tpu.memory_space<hbm>> -> memref<20160xf32, #tpu.memory_space<hbm>>
      tpu.enqueue_dma source(%dma_start3A_36 : memref<20160xf32, #tpu.memory_space<hbm>>) target(%arg8 : memref<20160xf32, #tpu.memory_space<vmem>>) target_semaphore(%arg11 : memref<!tpu.dma_semaphore, #tpu.memory_space<semaphore_mem>>)
      %dma_wait3A = arith.constant 0 : i32
      %dma_wait3A_37 = tpu.memref_slice %arg2[%dma_wait3A] : memref<18063360xf32, #tpu.memory_space<hbm>> -> memref<20160xf32, #tpu.memory_space<hbm>>
      %dma_wait3A_38 = arith.constant 0 : i32
      %dma_wait3A_39 = tpu.memref_slice %arg2[%dma_wait3A_38] : memref<18063360xf32, #tpu.memory_space<hbm>> -> memref<20160xf32, #tpu.memory_space<hbm>>
      tpu.wait_dma2 semaphore(%arg10 : memref<!tpu.dma_semaphore, #tpu.memory_space<semaphore_mem>>) src(%dma_wait3A_39 : memref<20160xf32, #tpu.memory_space<hbm>>) dst(%arg5 : memref<20160xf32, #tpu.memory_space<vmem>>)
      %dma_wait3A_40 = arith.constant 0 : i32
      %dma_wait3A_41 = tpu.memref_slice %arg3[%dma_wait3A_40] : memref<18063360xf32, #tpu.memory_space<hbm>> -> memref<20160xf32, #tpu.memory_space<hbm>>
      %dma_wait3A_42 = arith.constant 0 : i32
      %dma_wait3A_43 = tpu.memref_slice %arg3[%dma_wait3A_42] : memref<18063360xf32, #tpu.memory_space<hbm>> -> memref<20160xf32, #tpu.memory_space<hbm>>
      tpu.wait_dma2 semaphore(%arg10 : memref<!tpu.dma_semaphore, #tpu.memory_space<semaphore_mem>>) src(%dma_wait3A_43 : memref<20160xf32, #tpu.memory_space<hbm>>) dst(%arg6 : memref<20160xf32, #tpu.memory_space<vmem>>)
      %scan3A_44 = arith.constant 0 : i32
      %scan3A_45 = arith.constant 14 : i32
      %scan3A_46 = arith.addi %scan3A_44, %scan3A_45 : i32
      %scan3A_47 = arith.constant 1 : i32
      %scan3A_48 = scf.for %scan3A_66 = %scan3A_44 to %scan3A_46 step %scan3A_47 iter_args(%scan3A_67 = %scan3A_21) -> (vector<16xf32>)  : i32 {
        %mul3A_68 = arith.constant 1440 : i32
        %mul3A_69 = arith.muli %scan3A_66, %mul3A_68 : i32
        %add3A_70 = vector.broadcast %mul3A_69 : i32 to vector<16xi32>
        %add3A_71 = arith.addi %add3A_70, %mul3A_3 : vector<16xi32>
        %add3A_72 = arith.constant 4 : i32
        %add3A_73 = vector.broadcast %add3A_72 : i32 to vector<16xi32>
        %add3A_74 = arith.addi %add3A_71, %add3A_73 : vector<16xi32>
        %gather3A = tpu.vector_load_idx %arg6[%add3A_74] : memref<20160xf32, #tpu.memory_space<vmem>>[vector<16xi32>], vector<16xf32>,
        %gt3A = arith.constant 0.000000e+00 : f32
        %gt3A_75 = vector.broadcast %gt3A : f32 to vector<16xf32>
        %gt3A_76 = arith.cmpf ogt, %gather3A, %gt3A_75 : vector<16xf32>
        %convert_element_type3A_77 = arith.extui %gt3A_76 : vector<16xi1> to vector<16xi32>
        %convert_element_type3A_78 = arith.sitofp %convert_element_type3A_77 : vector<16xi32> to vector<16xf32>
        %add3A_79 = arith.constant 10 : i32
        %add3A_80 = vector.broadcast %add3A_79 : i32 to vector<16xi32>
        %add3A_81 = arith.addi %add3A_71, %add3A_80 : vector<16xi32>
        %gather3A_82 = tpu.vector_load_idx %arg5[%add3A_81] : memref<20160xf32, #tpu.memory_space<vmem>>[vector<16xi32>], vector<16xf32>,
        %add3A_83 = arith.constant 10 : i32
        %add3A_84 = vector.broadcast %add3A_83 : i32 to vector<16xi32>
        %add3A_85 = arith.addi %add3A_71, %add3A_84 : vector<16xi32>
        %gather3A_86 = tpu.vector_load_idx %arg6[%add3A_85] : memref<20160xf32, #tpu.memory_space<vmem>>[vector<16xi32>], vector<16xf32>,
        %sub3A = arith.subf %gather3A_82, %gather3A_86 : vector<16xf32>
        %mul3A_87 = arith.mulf %sub3A, %sub3A : vector<16xf32>
        %add3A_88 = arith.addf %broadcast_in_dim3A_4, %mul3A_87 : vector<16xf32>
        %add3A_89 = arith.constant 11 : i32
        %add3A_90 = vector.broadcast %add3A_89 : i32 to vector<16xi32>
        %add3A_91 = arith.addi %add3A_71, %add3A_90 : vector<16xi32>
        %gather3A_92 = tpu.vector_load_idx %arg5[%add3A_91] : memref<20160xf32, #tpu.memory_space<vmem>>[vector<16xi32>], vector<16xf32>,
        %add3A_93 = arith.constant 11 : i32
        %add3A_94 = vector.broadcast %add3A_93 : i32 to vector<16xi32>
        %add3A_95 = arith.addi %add3A_71, %add3A_94 : vector<16xi32>
        %gather3A_96 = tpu.vector_load_idx %arg6[%add3A_95] : memref<20160xf32, #tpu.memory_space<vmem>>[vector<16xi32>], vector<16xf32>,
        %sub3A_97 = arith.subf %gather3A_92, %gather3A_96 : vector<16xf32>
        %mul3A_98 = arith.mulf %sub3A_97, %sub3A_97 : vector<16xf32>
        %add3A_99 = arith.addf %add3A_88, %mul3A_98 : vector<16xf32>
        %add3A_100 = arith.constant 12 : i32
        %add3A_101 = vector.broadcast %add3A_100 : i32 to vector<16xi32>
        %add3A_102 = arith.addi %add3A_71, %add3A_101 : vector<16xi32>
        %gather3A_103 = tpu.vector_load_idx %arg5[%add3A_102] : memref<20160xf32, #tpu.memory_space<vmem>>[vector<16xi32>], vector<16xf32>,
        %add3A_104 = arith.constant 12 : i32
        %add3A_105 = vector.broadcast %add3A_104 : i32 to vector<16xi32>
        %add3A_106 = arith.addi %add3A_71, %add3A_105 : vector<16xi32>
        %gather3A_107 = tpu.vector_load_idx %arg6[%add3A_106] : memref<20160xf32, #tpu.memory_space<vmem>>[vector<16xi32>], vector<16xf32>,
        %sub3A_108 = arith.subf %gather3A_103, %gather3A_107 : vector<16xf32>
        %mul3A_109 = arith.mulf %sub3A_108, %sub3A_108 : vector<16xf32>
        %add3A_110 = arith.addf %add3A_99, %mul3A_109 : vector<16xf32>
        %add3A_111 = arith.constant 13 : i32
        %add3A_112 = vector.broadcast %add3A_111 : i32 to vector<16xi32>
        %add3A_113 = arith.addi %add3A_71, %add3A_112 : vector<16xi32>
        %gather3A_114 = tpu.vector_load_idx %arg5[%add3A_113] : memref<20160xf32, #tpu.memory_space<vmem>>[vector<16xi32>], vector<16xf32>,
        %add3A_115 = arith.constant 13 : i32
        %add3A_116 = vector.broadcast %add3A_115 : i32 to vector<16xi32>
        %add3A_117 = arith.addi %add3A_71, %add3A_116 : vector<16xi32>
        %gather3A_118 = tpu.vector_load_idx %arg6[%add3A_117] : memref<20160xf32, #tpu.memory_space<vmem>>[vector<16xi32>], vector<16xf32>,
        %sub3A_119 = arith.subf %gather3A_114, %gather3A_118 : vector<16xf32>
        %mul3A_120 = arith.mulf %sub3A_119, %sub3A_119 : vector<16xf32>
        %add3A_121 = arith.addf %add3A_110, %mul3A_120 : vector<16xf32>
        %add3A_122 = arith.constant 14 : i32
        %add3A_123 = vector.broadcast %add3A_122 : i32 to vector<16xi32>
        %add3A_124 = arith.addi %add3A_71, %add3A_123 : vector<16xi32>
        %gather3A_125 = tpu.vector_load_idx %arg5[%add3A_124] : memref<20160xf32, #tpu.memory_space<vmem>>[vector<16xi32>], vector<16xf32>,
        %add3A_126 = arith.constant 14 : i32
        %add3A_127 = vector.broadcast %add3A_126 : i32 to vector<16xi32>
        %add3A_128 = arith.addi %add3A_71, %add3A_127 : vector<16xi32>
        %gather3A_129 = tpu.vector_load_idx %arg6[%add3A_128] : memref<20160xf32, #tpu.memory_space<vmem>>[vector<16xi32>], vector<16xf32>,
        %sub3A_130 = arith.subf %gather3A_125, %gather3A_129 : vector<16xf32>
        %mul3A_131 = arith.mulf %sub3A_130, %sub3A_130 : vector<16xf32>
        %add3A_132 = arith.addf %add3A_121, %mul3A_131 : vector<16xf32>
        %add3A_133 = arith.constant 15 : i32
        %add3A_134 = vector.broadcast %add3A_133 : i32 to vector<16xi32>
        %add3A_135 = arith.addi %add3A_71, %add3A_134 : vector<16xi32>
        %gather3A_136 = tpu.vector_load_idx %arg5[%add3A_135] : memref<20160xf32, #tpu.memory_space<vmem>>[vector<16xi32>], vector<16xf32>,
        %add3A_137 = arith.constant 15 : i32
        %add3A_138 = vector.broadcast %add3A_137 : i32 to vector<16xi32>
        %add3A_139 = arith.addi %add3A_71, %add3A_138 : vector<16xi32>
        %gather3A_140 = tpu.vector_load_idx %arg6[%add3A_139] : memref<20160xf32, #tpu.memory_space<vmem>>[vector<16xi32>], vector<16xf32>,
        %sub3A_141 = arith.subf %gather3A_136, %gather3A_140 : vector<16xf32>
        %mul3A_142 = arith.mulf %sub3A_141, %sub3A_141 : vector<16xf32>
        %add3A_143 = arith.addf %add3A_132, %mul3A_142 : vector<16xf32>
        %add3A_144 = arith.constant 16 : i32
        %add3A_145 = vector.broadcast %add3A_144 : i32 to vector<16xi32>
        %add3A_146 = arith.addi %add3A_71, %add3A_145 : vector<16xi32>
        %gather3A_147 = tpu.vector_load_idx %arg5[%add3A_146] : memref<20160xf32, #tpu.memory_space<vmem>>[vector<16xi32>], vector<16xf32>,
        %add3A_148 = arith.constant 16 : i32
        %add3A_149 = vector.broadcast %add3A_148 : i32 to vector<16xi32>
        %add3A_150 = arith.addi %add3A_71, %add3A_149 : vector<16xi32>
        %gather3A_151 = tpu.vector_load_idx %arg6[%add3A_150] : memref<20160xf32, #tpu.memory_space<vmem>>[vector<16xi32>], vector<16xf32>,
        %sub3A_152 = arith.subf %gather3A_147, %gather3A_151 : vector<16xf32>
        %mul3A_153 = arith.mulf %sub3A_152, %sub3A_152 : vector<16xf32>
        %add3A_154 = arith.addf %add3A_143, %mul3A_153 : vector<16xf32>
        %add3A_155 = arith.constant 17 : i32
        %add3A_156 = vector.broadcast %add3A_155 : i32 to vector<16xi32>
        %add3A_157 = arith.addi %add3A_71, %add3A_156 : vector<16xi32>
        %gather3A_158 = tpu.vector_load_idx %arg5[%add3A_157] : memref<20160xf32, #tpu.memory_space<vmem>>[vector<16xi32>], vector<16xf32>,
        %add3A_159 = arith.constant 17 : i32
        %add3A_160 = vector.broadcast %add3A_159 : i32 to vector<16xi32>
        %add3A_161 = arith.addi %add3A_71, %add3A_160 : vector<16xi32>
        %gather3A_162 = tpu.vector_load_idx %arg6[%add3A_161] : memref<20160xf32, #tpu.memory_space<vmem>>[vector<16xi32>], vector<16xf32>,
        %sub3A_163 = arith.subf %gather3A_158, %gather3A_162 : vector<16xf32>
        %mul3A_164 = arith.mulf %sub3A_163, %sub3A_163 : vector<16xf32>
        %add3A_165 = arith.addf %add3A_154, %mul3A_164 : vector<16xf32>
        %add3A_166 = arith.constant 18 : i32
        %add3A_167 = vector.broadcast %add3A_166 : i32 to vector<16xi32>
        %add3A_168 = arith.addi %add3A_71, %add3A_167 : vector<16xi32>
        %gather3A_169 = tpu.vector_load_idx %arg5[%add3A_168] : memref<20160xf32, #tpu.memory_space<vmem>>[vector<16xi32>], vector<16xf32>,
        %add3A_170 = arith.constant 18 : i32
        %add3A_171 = vector.broadcast %add3A_170 : i32 to vector<16xi32>
        %add3A_172 = arith.addi %add3A_71, %add3A_171 : vector<16xi32>
        %gather3A_173 = tpu.vector_load_idx %arg6[%add3A_172] : memref<20160xf32, #tpu.memory_space<vmem>>[vector<16xi32>], vector<16xf32>,
        %sub3A_174 = arith.subf %gather3A_169, %gather3A_173 : vector<16xf32>
        %mul3A_175 = arith.mulf %sub3A_174, %sub3A_174 : vector<16xf32>
        %add3A_176 = arith.addf %add3A_165, %mul3A_175 : vector<16xf32>
        %add3A_177 = arith.constant 19 : i32
        %add3A_178 = vector.broadcast %add3A_177 : i32 to vector<16xi32>
        %add3A_179 = arith.addi %add3A_71, %add3A_178 : vector<16xi32>
        %gather3A_180 = tpu.vector_load_idx %arg5[%add3A_179] : memref<20160xf32, #tpu.memory_space<vmem>>[vector<16xi32>], vector<16xf32>,
        %add3A_181 = arith.constant 19 : i32
        %add3A_182 = vector.broadcast %add3A_181 : i32 to vector<16xi32>
        %add3A_183 = arith.addi %add3A_71, %add3A_182 : vector<16xi32>
        %gather3A_184 = tpu.vector_load_idx %arg6[%add3A_183] : memref<20160xf32, #tpu.memory_space<vmem>>[vector<16xi32>], vector<16xf32>,
        %sub3A_185 = arith.subf %gather3A_180, %gather3A_184 : vector<16xf32>
        %mul3A_186 = arith.mulf %sub3A_185, %sub3A_185 : vector<16xf32>
        %add3A_187 = arith.addf %add3A_176, %mul3A_186 : vector<16xf32>
        %add3A_188 = arith.constant 20 : i32
        %add3A_189 = vector.broadcast %add3A_188 : i32 to vector<16xi32>
        %add3A_190 = arith.addi %add3A_71, %add3A_189 : vector<16xi32>
        %gather3A_191 = tpu.vector_load_idx %arg5[%add3A_190] : memref<20160xf32, #tpu.memory_space<vmem>>[vector<16xi32>], vector<16xf32>,
        %add3A_192 = arith.constant 20 : i32
        %add3A_193 = vector.broadcast %add3A_192 : i32 to vector<16xi32>
        %add3A_194 = arith.addi %add3A_71, %add3A_193 : vector<16xi32>
        %gather3A_195 = tpu.vector_load_idx %arg6[%add3A_194] : memref<20160xf32, #tpu.memory_space<vmem>>[vector<16xi32>], vector<16xf32>,
        %sub3A_196 = arith.subf %gather3A_191, %gather3A_195 : vector<16xf32>
        %mul3A_197 = arith.mulf %sub3A_196, %sub3A_196 : vector<16xf32>
        %add3A_198 = arith.addf %add3A_187, %mul3A_197 : vector<16xf32>
        %add3A_199 = arith.constant 21 : i32
        %add3A_200 = vector.broadcast %add3A_199 : i32 to vector<16xi32>
        %add3A_201 = arith.addi %add3A_71, %add3A_200 : vector<16xi32>
        %gather3A_202 = tpu.vector_load_idx %arg5[%add3A_201] : memref<20160xf32, #tpu.memory_space<vmem>>[vector<16xi32>], vector<16xf32>,
        %add3A_203 = arith.constant 21 : i32
        %add3A_204 = vector.broadcast %add3A_203 : i32 to vector<16xi32>
        %add3A_205 = arith.addi %add3A_71, %add3A_204 : vector<16xi32>
        %gather3A_206 = tpu.vector_load_idx %arg6[%add3A_205] : memref<20160xf32, #tpu.memory_space<vmem>>[vector<16xi32>], vector<16xf32>,
        %sub3A_207 = arith.subf %gather3A_202, %gather3A_206 : vector<16xf32>
        %mul3A_208 = arith.mulf %sub3A_207, %sub3A_207 : vector<16xf32>
        %add3A_209 = arith.addf %add3A_198, %mul3A_208 : vector<16xf32>
        %add3A_210 = arith.constant 22 : i32
        %add3A_211 = vector.broadcast %add3A_210 : i32 to vector<16xi32>
        %add3A_212 = arith.addi %add3A_71, %add3A_211 : vector<16xi32>
        %gather3A_213 = tpu.vector_load_idx %arg5[%add3A_212] : memref<20160xf32, #tpu.memory_space<vmem>>[vector<16xi32>], vector<16xf32>,
        %add3A_214 = arith.constant 22 : i32
        %add3A_215 = vector.broadcast %add3A_214 : i32 to vector<16xi32>
        %add3A_216 = arith.addi %add3A_71, %add3A_215 : vector<16xi32>
        %gather3A_217 = tpu.vector_load_idx %arg6[%add3A_216] : memref<20160xf32, #tpu.memory_space<vmem>>[vector<16xi32>], vector<16xf32>,
        %sub3A_218 = arith.subf %gather3A_213, %gather3A_217 : vector<16xf32>
        %mul3A_219 = arith.mulf %sub3A_218, %sub3A_218 : vector<16xf32>
        %add3A_220 = arith.addf %add3A_209, %mul3A_219 : vector<16xf32>
        %add3A_221 = arith.constant 23 : i32
        %add3A_222 = vector.broadcast %add3A_221 : i32 to vector<16xi32>
        %add3A_223 = arith.addi %add3A_71, %add3A_222 : vector<16xi32>
        %gather3A_224 = tpu.vector_load_idx %arg5[%add3A_223] : memref<20160xf32, #tpu.memory_space<vmem>>[vector<16xi32>], vector<16xf32>,
        %add3A_225 = arith.constant 23 : i32
        %add3A_226 = vector.broadcast %add3A_225 : i32 to vector<16xi32>
        %add3A_227 = arith.addi %add3A_71, %add3A_226 : vector<16xi32>
        %gather3A_228 = tpu.vector_load_idx %arg6[%add3A_227] : memref<20160xf32, #tpu.memory_space<vmem>>[vector<16xi32>], vector<16xf32>,
        %sub3A_229 = arith.subf %gather3A_224, %gather3A_228 : vector<16xf32>
        %mul3A_230 = arith.mulf %sub3A_229, %sub3A_229 : vector<16xf32>
        %add3A_231 = arith.addf %add3A_220, %mul3A_230 : vector<16xf32>
        %add3A_232 = arith.constant 24 : i32
        %add3A_233 = vector.broadcast %add3A_232 : i32 to vector<16xi32>
        %add3A_234 = arith.addi %add3A_71, %add3A_233 : vector<16xi32>
        %gather3A_235 = tpu.vector_load_idx %arg5[%add3A_234] : memref<20160xf32, #tpu.memory_space<vmem>>[vector<16xi32>], vector<16xf32>,
        %add3A_236 = arith.constant 24 : i32
        %add3A_237 = vector.broadcast %add3A_236 : i32 to vector<16xi32>
        %add3A_238 = arith.addi %add3A_71, %add3A_237 : vector<16xi32>
        %gather3A_239 = tpu.vector_load_idx %arg6[%add3A_238] : memref<20160xf32, #tpu.memory_space<vmem>>[vector<16xi32>], vector<16xf32>,
        %sub3A_240 = arith.subf %gather3A_235, %gather3A_239 : vector<16xf32>
        %mul3A_241 = arith.mulf %sub3A_240, %sub3A_240 : vector<16xf32>
        %add3A_242 = arith.addf %add3A_231, %mul3A_241 : vector<16xf32>
        %add3A_243 = arith.constant 25 : i32
        %add3A_244 = vector.broadcast %add3A_243 : i32 to vector<16xi32>
        %add3A_245 = arith.addi %add3A_71, %add3A_244 : vector<16xi32>
        %gather3A_246 = tpu.vector_load_idx %arg5[%add3A_245] : memref<20160xf32, #tpu.memory_space<vmem>>[vector<16xi32>], vector<16xf32>,
        %add3A_247 = arith.constant 25 : i32
        %add3A_248 = vector.broadcast %add3A_247 : i32 to vector<16xi32>
        %add3A_249 = arith.addi %add3A_71, %add3A_248 : vector<16xi32>
        %gather3A_250 = tpu.vector_load_idx %arg6[%add3A_249] : memref<20160xf32, #tpu.memory_space<vmem>>[vector<16xi32>], vector<16xf32>,
        %sub3A_251 = arith.subf %gather3A_246, %gather3A_250 : vector<16xf32>
        %mul3A_252 = arith.mulf %sub3A_251, %sub3A_251 : vector<16xf32>
        %add3A_253 = arith.addf %add3A_242, %mul3A_252 : vector<16xf32>
        %add3A_254 = arith.constant 26 : i32
        %add3A_255 = vector.broadcast %add3A_254 : i32 to vector<16xi32>
        %add3A_256 = arith.addi %add3A_71, %add3A_255 : vector<16xi32>
        %gather3A_257 = tpu.vector_load_idx %arg5[%add3A_256] : memref<20160xf32, #tpu.memory_space<vmem>>[vector<16xi32>], vector<16xf32>,
        %add3A_258 = arith.constant 26 : i32
        %add3A_259 = vector.broadcast %add3A_258 : i32 to vector<16xi32>
        %add3A_260 = arith.addi %add3A_71, %add3A_259 : vector<16xi32>
        %gather3A_261 = tpu.vector_load_idx %arg6[%add3A_260] : memref<20160xf32, #tpu.memory_space<vmem>>[vector<16xi32>], vector<16xf32>,
        %sub3A_262 = arith.subf %gather3A_257, %gather3A_261 : vector<16xf32>
        %mul3A_263 = arith.mulf %sub3A_262, %sub3A_262 : vector<16xf32>
        %add3A_264 = arith.addf %add3A_253, %mul3A_263 : vector<16xf32>
        %add3A_265 = arith.constant 27 : i32
        %add3A_266 = vector.broadcast %add3A_265 : i32 to vector<16xi32>
        %add3A_267 = arith.addi %add3A_71, %add3A_266 : vector<16xi32>
        %gather3A_268 = tpu.vector_load_idx %arg5[%add3A_267] : memref<20160xf32, #tpu.memory_space<vmem>>[vector<16xi32>], vector<16xf32>,
        %add3A_269 = arith.constant 27 : i32
        %add3A_270 = vector.broadcast %add3A_269 : i32 to vector<16xi32>
        %add3A_271 = arith.addi %add3A_71, %add3A_270 : vector<16xi32>
        %gather3A_272 = tpu.vector_load_idx %arg6[%add3A_271] : memref<20160xf32, #tpu.memory_space<vmem>>[vector<16xi32>], vector<16xf32>,
        %sub3A_273 = arith.subf %gather3A_268, %gather3A_272 : vector<16xf32>
        %mul3A_274 = arith.mulf %sub3A_273, %sub3A_273 : vector<16xf32>
        %add3A_275 = arith.addf %add3A_264, %mul3A_274 : vector<16xf32>
        %add3A_276 = arith.constant 28 : i32
        %add3A_277 = vector.broadcast %add3A_276 : i32 to vector<16xi32>
        %add3A_278 = arith.addi %add3A_71, %add3A_277 : vector<16xi32>
        %gather3A_279 = tpu.vector_load_idx %arg5[%add3A_278] : memref<20160xf32, #tpu.memory_space<vmem>>[vector<16xi32>], vector<16xf32>,
        %add3A_280 = arith.constant 28 : i32
        %add3A_281 = vector.broadcast %add3A_280 : i32 to vector<16xi32>
        %add3A_282 = arith.addi %add3A_71, %add3A_281 : vector<16xi32>
        %gather3A_283 = tpu.vector_load_idx %arg6[%add3A_282] : memref<20160xf32, #tpu.memory_space<vmem>>[vector<16xi32>], vector<16xf32>,
        %sub3A_284 = arith.subf %gather3A_279, %gather3A_283 : vector<16xf32>
        %mul3A_285 = arith.mulf %sub3A_284, %sub3A_284 : vector<16xf32>
        %add3A_286 = arith.addf %add3A_275, %mul3A_285 : vector<16xf32>
        %add3A_287 = arith.constant 29 : i32
        %add3A_288 = vector.broadcast %add3A_287 : i32 to vector<16xi32>
        %add3A_289 = arith.addi %add3A_71, %add3A_288 : vector<16xi32>
        %gather3A_290 = tpu.vector_load_idx %arg5[%add3A_289] : memref<20160xf32, #tpu.memory_space<vmem>>[vector<16xi32>], vector<16xf32>,
        %add3A_291 = arith.constant 29 : i32
        %add3A_292 = vector.broadcast %add3A_291 : i32 to vector<16xi32>
        %add3A_293 = arith.addi %add3A_71, %add3A_292 : vector<16xi32>
        %gather3A_294 = tpu.vector_load_idx %arg6[%add3A_293] : memref<20160xf32, #tpu.memory_space<vmem>>[vector<16xi32>], vector<16xf32>,
        %sub3A_295 = arith.subf %gather3A_290, %gather3A_294 : vector<16xf32>
        %mul3A_296 = arith.mulf %sub3A_295, %sub3A_295 : vector<16xf32>
        %add3A_297 = arith.addf %add3A_286, %mul3A_296 : vector<16xf32>
        %add3A_298 = arith.constant 30 : i32
        %add3A_299 = vector.broadcast %add3A_298 : i32 to vector<16xi32>
        %add3A_300 = arith.addi %add3A_71, %add3A_299 : vector<16xi32>
        %gather3A_301 = tpu.vector_load_idx %arg5[%add3A_300] : memref<20160xf32, #tpu.memory_space<vmem>>[vector<16xi32>], vector<16xf32>,
        %add3A_302 = arith.constant 30 : i32
        %add3A_303 = vector.broadcast %add3A_302 : i32 to vector<16xi32>
        %add3A_304 = arith.addi %add3A_71, %add3A_303 : vector<16xi32>
        %gather3A_305 = tpu.vector_load_idx %arg6[%add3A_304] : memref<20160xf32, #tpu.memory_space<vmem>>[vector<16xi32>], vector<16xf32>,
        %sub3A_306 = arith.subf %gather3A_301, %gather3A_305 : vector<16xf32>
        %mul3A_307 = arith.mulf %sub3A_306, %sub3A_306 : vector<16xf32>
        %add3A_308 = arith.addf %add3A_297, %mul3A_307 : vector<16xf32>
        %add3A_309 = arith.constant 31 : i32
        %add3A_310 = vector.broadcast %add3A_309 : i32 to vector<16xi32>
        %add3A_311 = arith.addi %add3A_71, %add3A_310 : vector<16xi32>
        %gather3A_312 = tpu.vector_load_idx %arg5[%add3A_311] : memref<20160xf32, #tpu.memory_space<vmem>>[vector<16xi32>], vector<16xf32>,
        %add3A_313 = arith.constant 31 : i32
        %add3A_314 = vector.broadcast %add3A_313 : i32 to vector<16xi32>
        %add3A_315 = arith.addi %add3A_71, %add3A_314 : vector<16xi32>
        %gather3A_316 = tpu.vector_load_idx %arg6[%add3A_315] : memref<20160xf32, #tpu.memory_space<vmem>>[vector<16xi32>], vector<16xf32>,
        %sub3A_317 = arith.subf %gather3A_312, %gather3A_316 : vector<16xf32>
        %mul3A_318 = arith.mulf %sub3A_317, %sub3A_317 : vector<16xf32>
        %add3A_319 = arith.addf %add3A_308, %mul3A_318 : vector<16xf32>
        %add3A_320 = arith.constant 32 : i32
        %add3A_321 = vector.broadcast %add3A_320 : i32 to vector<16xi32>
        %add3A_322 = arith.addi %add3A_71, %add3A_321 : vector<16xi32>
        %gather3A_323 = tpu.vector_load_idx %arg5[%add3A_322] : memref<20160xf32, #tpu.memory_space<vmem>>[vector<16xi32>], vector<16xf32>,
        %add3A_324 = arith.constant 32 : i32
        %add3A_325 = vector.broadcast %add3A_324 : i32 to vector<16xi32>
        %add3A_326 = arith.addi %add3A_71, %add3A_325 : vector<16xi32>
        %gather3A_327 = tpu.vector_load_idx %arg6[%add3A_326] : memref<20160xf32, #tpu.memory_space<vmem>>[vector<16xi32>], vector<16xf32>,
        %sub3A_328 = arith.subf %gather3A_323, %gather3A_327 : vector<16xf32>
        %mul3A_329 = arith.mulf %sub3A_328, %sub3A_328 : vector<16xf32>
        %add3A_330 = arith.addf %add3A_319, %mul3A_329 : vector<16xf32>
        %add3A_331 = arith.constant 33 : i32
        %add3A_332 = vector.broadcast %add3A_331 : i32 to vector<16xi32>
        %add3A_333 = arith.addi %add3A_71, %add3A_332 : vector<16xi32>
        %gather3A_334 = tpu.vector_load_idx %arg5[%add3A_333] : memref<20160xf32, #tpu.memory_space<vmem>>[vector<16xi32>], vector<16xf32>,
        %add3A_335 = arith.constant 33 : i32
        %add3A_336 = vector.broadcast %add3A_335 : i32 to vector<16xi32>
        %add3A_337 = arith.addi %add3A_71, %add3A_336 : vector<16xi32>
        %gather3A_338 = tpu.vector_load_idx %arg6[%add3A_337] : memref<20160xf32, #tpu.memory_space<vmem>>[vector<16xi32>], vector<16xf32>,
        %sub3A_339 = arith.subf %gather3A_334, %gather3A_338 : vector<16xf32>
        %mul3A_340 = arith.mulf %sub3A_339, %sub3A_339 : vector<16xf32>
        %add3A_341 = arith.addf %add3A_330, %mul3A_340 : vector<16xf32>
        %add3A_342 = arith.constant 34 : i32
        %add3A_343 = vector.broadcast %add3A_342 : i32 to vector<16xi32>
        %add3A_344 = arith.addi %add3A_71, %add3A_343 : vector<16xi32>
        %gather3A_345 = tpu.vector_load_idx %arg5[%add3A_344] : memref<20160xf32, #tpu.memory_space<vmem>>[vector<16xi32>], vector<16xf32>,
        %add3A_346 = arith.constant 34 : i32
        %add3A_347 = vector.broadcast %add3A_346 : i32 to vector<16xi32>
        %add3A_348 = arith.addi %add3A_71, %add3A_347 : vector<16xi32>
        %gather3A_349 = tpu.vector_load_idx %arg6[%add3A_348] : memref<20160xf32, #tpu.memory_space<vmem>>[vector<16xi32>], vector<16xf32>,
        %sub3A_350 = arith.subf %gather3A_345, %gather3A_349 : vector<16xf32>
        %mul3A_351 = arith.mulf %sub3A_350, %sub3A_350 : vector<16xf32>
        %add3A_352 = arith.addf %add3A_341, %mul3A_351 : vector<16xf32>
        %add3A_353 = arith.constant 35 : i32
        %add3A_354 = vector.broadcast %add3A_353 : i32 to vector<16xi32>
        %add3A_355 = arith.addi %add3A_71, %add3A_354 : vector<16xi32>
        %gather3A_356 = tpu.vector_load_idx %arg5[%add3A_355] : memref<20160xf32, #tpu.memory_space<vmem>>[vector<16xi32>], vector<16xf32>,
        %add3A_357 = arith.constant 35 : i32
        %add3A_358 = vector.broadcast %add3A_357 : i32 to vector<16xi32>
        %add3A_359 = arith.addi %add3A_71, %add3A_358 : vector<16xi32>
        %gather3A_360 = tpu.vector_load_idx %arg6[%add3A_359] : memref<20160xf32, #tpu.memory_space<vmem>>[vector<16xi32>], vector<16xf32>,
        %sub3A_361 = arith.subf %gather3A_356, %gather3A_360 : vector<16xf32>
        %mul3A_362 = arith.mulf %sub3A_361, %sub3A_361 : vector<16xf32>
        %add3A_363 = arith.addf %add3A_352, %mul3A_362 : vector<16xf32>
        %add3A_364 = arith.constant 36 : i32
        %add3A_365 = vector.broadcast %add3A_364 : i32 to vector<16xi32>
        %add3A_366 = arith.addi %add3A_71, %add3A_365 : vector<16xi32>
        %gather3A_367 = tpu.vector_load_idx %arg5[%add3A_366] : memref<20160xf32, #tpu.memory_space<vmem>>[vector<16xi32>], vector<16xf32>,
        %add3A_368 = arith.constant 36 : i32
        %add3A_369 = vector.broadcast %add3A_368 : i32 to vector<16xi32>
        %add3A_370 = arith.addi %add3A_71, %add3A_369 : vector<16xi32>
        %gather3A_371 = tpu.vector_load_idx %arg6[%add3A_370] : memref<20160xf32, #tpu.memory_space<vmem>>[vector<16xi32>], vector<16xf32>,
        %sub3A_372 = arith.subf %gather3A_367, %gather3A_371 : vector<16xf32>
        %mul3A_373 = arith.mulf %sub3A_372, %sub3A_372 : vector<16xf32>
        %add3A_374 = arith.addf %add3A_363, %mul3A_373 : vector<16xf32>
        %add3A_375 = arith.constant 37 : i32
        %add3A_376 = vector.broadcast %add3A_375 : i32 to vector<16xi32>
        %add3A_377 = arith.addi %add3A_71, %add3A_376 : vector<16xi32>
        %gather3A_378 = tpu.vector_load_idx %arg5[%add3A_377] : memref<20160xf32, #tpu.memory_space<vmem>>[vector<16xi32>], vector<16xf32>,
        %add3A_379 = arith.constant 37 : i32
        %add3A_380 = vector.broadcast %add3A_379 : i32 to vector<16xi32>
        %add3A_381 = arith.addi %add3A_71, %add3A_380 : vector<16xi32>
        %gather3A_382 = tpu.vector_load_idx %arg6[%add3A_381] : memref<20160xf32, #tpu.memory_space<vmem>>[vector<16xi32>], vector<16xf32>,
        %sub3A_383 = arith.subf %gather3A_378, %gather3A_382 : vector<16xf32>
        %mul3A_384 = arith.mulf %sub3A_383, %sub3A_383 : vector<16xf32>
        %add3A_385 = arith.addf %add3A_374, %mul3A_384 : vector<16xf32>
        %add3A_386 = arith.constant 38 : i32
        %add3A_387 = vector.broadcast %add3A_386 : i32 to vector<16xi32>
        %add3A_388 = arith.addi %add3A_71, %add3A_387 : vector<16xi32>
        %gather3A_389 = tpu.vector_load_idx %arg5[%add3A_388] : memref<20160xf32, #tpu.memory_space<vmem>>[vector<16xi32>], vector<16xf32>,
        %add3A_390 = arith.constant 38 : i32
        %add3A_391 = vector.broadcast %add3A_390 : i32 to vector<16xi32>
        %add3A_392 = arith.addi %add3A_71, %add3A_391 : vector<16xi32>
        %gather3A_393 = tpu.vector_load_idx %arg6[%add3A_392] : memref<20160xf32, #tpu.memory_space<vmem>>[vector<16xi32>], vector<16xf32>,
        %sub3A_394 = arith.subf %gather3A_389, %gather3A_393 : vector<16xf32>
        %mul3A_395 = arith.mulf %sub3A_394, %sub3A_394 : vector<16xf32>
        %add3A_396 = arith.addf %add3A_385, %mul3A_395 : vector<16xf32>
        %add3A_397 = arith.constant 39 : i32
        %add3A_398 = vector.broadcast %add3A_397 : i32 to vector<16xi32>
        %add3A_399 = arith.addi %add3A_71, %add3A_398 : vector<16xi32>
        %gather3A_400 = tpu.vector_load_idx %arg5[%add3A_399] : memref<20160xf32, #tpu.memory_space<vmem>>[vector<16xi32>], vector<16xf32>,
        %add3A_401 = arith.constant 39 : i32
        %add3A_402 = vector.broadcast %add3A_401 : i32 to vector<16xi32>
        %add3A_403 = arith.addi %add3A_71, %add3A_402 : vector<16xi32>
        %gather3A_404 = tpu.vector_load_idx %arg6[%add3A_403] : memref<20160xf32, #tpu.memory_space<vmem>>[vector<16xi32>], vector<16xf32>,
        %sub3A_405 = arith.subf %gather3A_400, %gather3A_404 : vector<16xf32>
        %mul3A_406 = arith.mulf %sub3A_405, %sub3A_405 : vector<16xf32>
        %add3A_407 = arith.addf %add3A_396, %mul3A_406 : vector<16xf32>
        %add3A_408 = arith.constant 40 : i32
        %add3A_409 = vector.broadcast %add3A_408 : i32 to vector<16xi32>
        %add3A_410 = arith.addi %add3A_71, %add3A_409 : vector<16xi32>
        %gather3A_411 = tpu.vector_load_idx %arg5[%add3A_410] : memref<20160xf32, #tpu.memory_space<vmem>>[vector<16xi32>], vector<16xf32>,
        %add3A_412 = arith.constant 40 : i32
        %add3A_413 = vector.broadcast %add3A_412 : i32 to vector<16xi32>
        %add3A_414 = arith.addi %add3A_71, %add3A_413 : vector<16xi32>
        %gather3A_415 = tpu.vector_load_idx %arg6[%add3A_414] : memref<20160xf32, #tpu.memory_space<vmem>>[vector<16xi32>], vector<16xf32>,
        %sub3A_416 = arith.subf %gather3A_411, %gather3A_415 : vector<16xf32>
        %mul3A_417 = arith.mulf %sub3A_416, %sub3A_416 : vector<16xf32>
        %add3A_418 = arith.addf %add3A_407, %mul3A_417 : vector<16xf32>
        %add3A_419 = arith.constant 41 : i32
        %add3A_420 = vector.broadcast %add3A_419 : i32 to vector<16xi32>
        %add3A_421 = arith.addi %add3A_71, %add3A_420 : vector<16xi32>
        %gather3A_422 = tpu.vector_load_idx %arg5[%add3A_421] : memref<20160xf32, #tpu.memory_space<vmem>>[vector<16xi32>], vector<16xf32>,
        %add3A_423 = arith.constant 41 : i32
        %add3A_424 = vector.broadcast %add3A_423 : i32 to vector<16xi32>
        %add3A_425 = arith.addi %add3A_71, %add3A_424 : vector<16xi32>
        %gather3A_426 = tpu.vector_load_idx %arg6[%add3A_425] : memref<20160xf32, #tpu.memory_space<vmem>>[vector<16xi32>], vector<16xf32>,
        %sub3A_427 = arith.subf %gather3A_422, %gather3A_426 : vector<16xf32>
        %mul3A_428 = arith.mulf %sub3A_427, %sub3A_427 : vector<16xf32>
        %add3A_429 = arith.addf %add3A_418, %mul3A_428 : vector<16xf32>
        %add3A_430 = arith.constant 42 : i32
        %add3A_431 = vector.broadcast %add3A_430 : i32 to vector<16xi32>
        %add3A_432 = arith.addi %add3A_71, %add3A_431 : vector<16xi32>
        %gather3A_433 = tpu.vector_load_idx %arg5[%add3A_432] : memref<20160xf32, #tpu.memory_space<vmem>>[vector<16xi32>], vector<16xf32>,
        %add3A_434 = arith.constant 42 : i32
        %add3A_435 = vector.broadcast %add3A_434 : i32 to vector<16xi32>
        %add3A_436 = arith.addi %add3A_71, %add3A_435 : vector<16xi32>
        %gather3A_437 = tpu.vector_load_idx %arg6[%add3A_436] : memref<20160xf32, #tpu.memory_space<vmem>>[vector<16xi32>], vector<16xf32>,
        %sub3A_438 = arith.subf %gather3A_433, %gather3A_437 : vector<16xf32>
        %mul3A_439 = arith.mulf %sub3A_438, %sub3A_438 : vector<16xf32>
        %add3A_440 = arith.addf %add3A_429, %mul3A_439 : vector<16xf32>
        %add3A_441 = arith.constant 43 : i32
        %add3A_442 = vector.broadcast %add3A_441 : i32 to vector<16xi32>
        %add3A_443 = arith.addi %add3A_71, %add3A_442 : vector<16xi32>
        %gather3A_444 = tpu.vector_load_idx %arg5[%add3A_443] : memref<20160xf32, #tpu.memory_space<vmem>>[vector<16xi32>], vector<16xf32>,
        %add3A_445 = arith.constant 43 : i32
        %add3A_446 = vector.broadcast %add3A_445 : i32 to vector<16xi32>
        %add3A_447 = arith.addi %add3A_71, %add3A_446 : vector<16xi32>
        %gather3A_448 = tpu.vector_load_idx %arg6[%add3A_447] : memref<20160xf32, #tpu.memory_space<vmem>>[vector<16xi32>], vector<16xf32>,
        %sub3A_449 = arith.subf %gather3A_444, %gather3A_448 : vector<16xf32>
        %mul3A_450 = arith.mulf %sub3A_449, %sub3A_449 : vector<16xf32>
        %add3A_451 = arith.addf %add3A_440, %mul3A_450 : vector<16xf32>
        %add3A_452 = arith.constant 44 : i32
        %add3A_453 = vector.broadcast %add3A_452 : i32 to vector<16xi32>
        %add3A_454 = arith.addi %add3A_71, %add3A_453 : vector<16xi32>
        %gather3A_455 = tpu.vector_load_idx %arg5[%add3A_454] : memref<20160xf32, #tpu.memory_space<vmem>>[vector<16xi32>], vector<16xf32>,
        %add3A_456 = arith.constant 44 : i32
        %add3A_457 = vector.broadcast %add3A_456 : i32 to vector<16xi32>
        %add3A_458 = arith.addi %add3A_71, %add3A_457 : vector<16xi32>
        %gather3A_459 = tpu.vector_load_idx %arg6[%add3A_458] : memref<20160xf32, #tpu.memory_space<vmem>>[vector<16xi32>], vector<16xf32>,
        %sub3A_460 = arith.subf %gather3A_455, %gather3A_459 : vector<16xf32>
        %mul3A_461 = arith.mulf %sub3A_460, %sub3A_460 : vector<16xf32>
        %add3A_462 = arith.addf %add3A_451, %mul3A_461 : vector<16xf32>
        %add3A_463 = arith.constant 45 : i32
        %add3A_464 = vector.broadcast %add3A_463 : i32 to vector<16xi32>
        %add3A_465 = arith.addi %add3A_71, %add3A_464 : vector<16xi32>
        %gather3A_466 = tpu.vector_load_idx %arg5[%add3A_465] : memref<20160xf32, #tpu.memory_space<vmem>>[vector<16xi32>], vector<16xf32>,
        %add3A_467 = arith.constant 45 : i32
        %add3A_468 = vector.broadcast %add3A_467 : i32 to vector<16xi32>
        %add3A_469 = arith.addi %add3A_71, %add3A_468 : vector<16xi32>
        %gather3A_470 = tpu.vector_load_idx %arg6[%add3A_469] : memref<20160xf32, #tpu.memory_space<vmem>>[vector<16xi32>], vector<16xf32>,
        %sub3A_471 = arith.subf %gather3A_466, %gather3A_470 : vector<16xf32>
        %mul3A_472 = arith.mulf %sub3A_471, %sub3A_471 : vector<16xf32>
        %add3A_473 = arith.addf %add3A_462, %mul3A_472 : vector<16xf32>
        %add3A_474 = arith.constant 46 : i32
        %add3A_475 = vector.broadcast %add3A_474 : i32 to vector<16xi32>
        %add3A_476 = arith.addi %add3A_71, %add3A_475 : vector<16xi32>
        %gather3A_477 = tpu.vector_load_idx %arg5[%add3A_476] : memref<20160xf32, #tpu.memory_space<vmem>>[vector<16xi32>], vector<16xf32>,
        %add3A_478 = arith.constant 46 : i32
        %add3A_479 = vector.broadcast %add3A_478 : i32 to vector<16xi32>
        %add3A_480 = arith.addi %add3A_71, %add3A_479 : vector<16xi32>
        %gather3A_481 = tpu.vector_load_idx %arg6[%add3A_480] : memref<20160xf32, #tpu.memory_space<vmem>>[vector<16xi32>], vector<16xf32>,
        %sub3A_482 = arith.subf %gather3A_477, %gather3A_481 : vector<16xf32>
        %mul3A_483 = arith.mulf %sub3A_482, %sub3A_482 : vector<16xf32>
        %add3A_484 = arith.addf %add3A_473, %mul3A_483 : vector<16xf32>
        %add3A_485 = arith.constant 47 : i32
        %add3A_486 = vector.broadcast %add3A_485 : i32 to vector<16xi32>
        %add3A_487 = arith.addi %add3A_71, %add3A_486 : vector<16xi32>
        %gather3A_488 = tpu.vector_load_idx %arg5[%add3A_487] : memref<20160xf32, #tpu.memory_space<vmem>>[vector<16xi32>], vector<16xf32>,
        %add3A_489 = arith.constant 47 : i32
        %add3A_490 = vector.broadcast %add3A_489 : i32 to vector<16xi32>
        %add3A_491 = arith.addi %add3A_71, %add3A_490 : vector<16xi32>
        %gather3A_492 = tpu.vector_load_idx %arg6[%add3A_491] : memref<20160xf32, #tpu.memory_space<vmem>>[vector<16xi32>], vector<16xf32>,
        %sub3A_493 = arith.subf %gather3A_488, %gather3A_492 : vector<16xf32>
        %mul3A_494 = arith.mulf %sub3A_493, %sub3A_493 : vector<16xf32>
        %add3A_495 = arith.addf %add3A_484, %mul3A_494 : vector<16xf32>
        %add3A_496 = arith.constant 48 : i32
        %add3A_497 = vector.broadcast %add3A_496 : i32 to vector<16xi32>
        %add3A_498 = arith.addi %add3A_71, %add3A_497 : vector<16xi32>
        %gather3A_499 = tpu.vector_load_idx %arg5[%add3A_498] : memref<20160xf32, #tpu.memory_space<vmem>>[vector<16xi32>], vector<16xf32>,
        %add3A_500 = arith.constant 48 : i32
        %add3A_501 = vector.broadcast %add3A_500 : i32 to vector<16xi32>
        %add3A_502 = arith.addi %add3A_71, %add3A_501 : vector<16xi32>
        %gather3A_503 = tpu.vector_load_idx %arg6[%add3A_502] : memref<20160xf32, #tpu.memory_space<vmem>>[vector<16xi32>], vector<16xf32>,
        %sub3A_504 = arith.subf %gather3A_499, %gather3A_503 : vector<16xf32>
        %mul3A_505 = arith.mulf %sub3A_504, %sub3A_504 : vector<16xf32>
        %add3A_506 = arith.addf %add3A_495, %mul3A_505 : vector<16xf32>
        %add3A_507 = arith.constant 49 : i32
        %add3A_508 = vector.broadcast %add3A_507 : i32 to vector<16xi32>
        %add3A_509 = arith.addi %add3A_71, %add3A_508 : vector<16xi32>
        %gather3A_510 = tpu.vector_load_idx %arg5[%add3A_509] : memref<20160xf32, #tpu.memory_space<vmem>>[vector<16xi32>], vector<16xf32>,
        %add3A_511 = arith.constant 49 : i32
        %add3A_512 = vector.broadcast %add3A_511 : i32 to vector<16xi32>
        %add3A_513 = arith.addi %add3A_71, %add3A_512 : vector<16xi32>
        %gather3A_514 = tpu.vector_load_idx %arg6[%add3A_513] : memref<20160xf32, #tpu.memory_space<vmem>>[vector<16xi32>], vector<16xf32>,
        %sub3A_515 = arith.subf %gather3A_510, %gather3A_514 : vector<16xf32>
        %mul3A_516 = arith.mulf %sub3A_515, %sub3A_515 : vector<16xf32>
        %add3A_517 = arith.addf %add3A_506, %mul3A_516 : vector<16xf32>
        %add3A_518 = arith.constant 50 : i32
        %add3A_519 = vector.broadcast %add3A_518 : i32 to vector<16xi32>
        %add3A_520 = arith.addi %add3A_71, %add3A_519 : vector<16xi32>
        %gather3A_521 = tpu.vector_load_idx %arg5[%add3A_520] : memref<20160xf32, #tpu.memory_space<vmem>>[vector<16xi32>], vector<16xf32>,
        %add3A_522 = arith.constant 50 : i32
        %add3A_523 = vector.broadcast %add3A_522 : i32 to vector<16xi32>
        %add3A_524 = arith.addi %add3A_71, %add3A_523 : vector<16xi32>
        %gather3A_525 = tpu.vector_load_idx %arg6[%add3A_524] : memref<20160xf32, #tpu.memory_space<vmem>>[vector<16xi32>], vector<16xf32>,
        %sub3A_526 = arith.subf %gather3A_521, %gather3A_525 : vector<16xf32>
        %mul3A_527 = arith.mulf %sub3A_526, %sub3A_526 : vector<16xf32>
        %add3A_528 = arith.addf %add3A_517, %mul3A_527 : vector<16xf32>
        %add3A_529 = arith.constant 51 : i32
        %add3A_530 = vector.broadcast %add3A_529 : i32 to vector<16xi32>
        %add3A_531 = arith.addi %add3A_71, %add3A_530 : vector<16xi32>
        %gather3A_532 = tpu.vector_load_idx %arg5[%add3A_531] : memref<20160xf32, #tpu.memory_space<vmem>>[vector<16xi32>], vector<16xf32>,
        %add3A_533 = arith.constant 51 : i32
        %add3A_534 = vector.broadcast %add3A_533 : i32 to vector<16xi32>
        %add3A_535 = arith.addi %add3A_71, %add3A_534 : vector<16xi32>
        %gather3A_536 = tpu.vector_load_idx %arg6[%add3A_535] : memref<20160xf32, #tpu.memory_space<vmem>>[vector<16xi32>], vector<16xf32>,
        %sub3A_537 = arith.subf %gather3A_532, %gather3A_536 : vector<16xf32>
        %mul3A_538 = arith.mulf %sub3A_537, %sub3A_537 : vector<16xf32>
        %add3A_539 = arith.addf %add3A_528, %mul3A_538 : vector<16xf32>
        %add3A_540 = arith.constant 52 : i32
        %add3A_541 = vector.broadcast %add3A_540 : i32 to vector<16xi32>
        %add3A_542 = arith.addi %add3A_71, %add3A_541 : vector<16xi32>
        %gather3A_543 = tpu.vector_load_idx %arg5[%add3A_542] : memref<20160xf32, #tpu.memory_space<vmem>>[vector<16xi32>], vector<16xf32>,
        %add3A_544 = arith.constant 52 : i32
        %add3A_545 = vector.broadcast %add3A_544 : i32 to vector<16xi32>
        %add3A_546 = arith.addi %add3A_71, %add3A_545 : vector<16xi32>
        %gather3A_547 = tpu.vector_load_idx %arg6[%add3A_546] : memref<20160xf32, #tpu.memory_space<vmem>>[vector<16xi32>], vector<16xf32>,
        %sub3A_548 = arith.subf %gather3A_543, %gather3A_547 : vector<16xf32>
        %mul3A_549 = arith.mulf %sub3A_548, %sub3A_548 : vector<16xf32>
        %add3A_550 = arith.addf %add3A_539, %mul3A_549 : vector<16xf32>
        %add3A_551 = arith.constant 53 : i32
        %add3A_552 = vector.broadcast %add3A_551 : i32 to vector<16xi32>
        %add3A_553 = arith.addi %add3A_71, %add3A_552 : vector<16xi32>
        %gather3A_554 = tpu.vector_load_idx %arg5[%add3A_553] : memref<20160xf32, #tpu.memory_space<vmem>>[vector<16xi32>], vector<16xf32>,
        %add3A_555 = arith.constant 53 : i32
        %add3A_556 = vector.broadcast %add3A_555 : i32 to vector<16xi32>
        %add3A_557 = arith.addi %add3A_71, %add3A_556 : vector<16xi32>
        %gather3A_558 = tpu.vector_load_idx %arg6[%add3A_557] : memref<20160xf32, #tpu.memory_space<vmem>>[vector<16xi32>], vector<16xf32>,
        %sub3A_559 = arith.subf %gather3A_554, %gather3A_558 : vector<16xf32>
        %mul3A_560 = arith.mulf %sub3A_559, %sub3A_559 : vector<16xf32>
        %add3A_561 = arith.addf %add3A_550, %mul3A_560 : vector<16xf32>
        %add3A_562 = arith.constant 54 : i32
        %add3A_563 = vector.broadcast %add3A_562 : i32 to vector<16xi32>
        %add3A_564 = arith.addi %add3A_71, %add3A_563 : vector<16xi32>
        %gather3A_565 = tpu.vector_load_idx %arg5[%add3A_564] : memref<20160xf32, #tpu.memory_space<vmem>>[vector<16xi32>], vector<16xf32>,
        %add3A_566 = arith.constant 54 : i32
        %add3A_567 = vector.broadcast %add3A_566 : i32 to vector<16xi32>
        %add3A_568 = arith.addi %add3A_71, %add3A_567 : vector<16xi32>
        %gather3A_569 = tpu.vector_load_idx %arg6[%add3A_568] : memref<20160xf32, #tpu.memory_space<vmem>>[vector<16xi32>], vector<16xf32>,
        %sub3A_570 = arith.subf %gather3A_565, %gather3A_569 : vector<16xf32>
        %mul3A_571 = arith.mulf %sub3A_570, %sub3A_570 : vector<16xf32>
        %add3A_572 = arith.addf %add3A_561, %mul3A_571 : vector<16xf32>
        %add3A_573 = arith.constant 55 : i32
        %add3A_574 = vector.broadcast %add3A_573 : i32 to vector<16xi32>
        %add3A_575 = arith.addi %add3A_71, %add3A_574 : vector<16xi32>
        %gather3A_576 = tpu.vector_load_idx %arg5[%add3A_575] : memref<20160xf32, #tpu.memory_space<vmem>>[vector<16xi32>], vector<16xf32>,
        %add3A_577 = arith.constant 55 : i32
        %add3A_578 = vector.broadcast %add3A_577 : i32 to vector<16xi32>
        %add3A_579 = arith.addi %add3A_71, %add3A_578 : vector<16xi32>
        %gather3A_580 = tpu.vector_load_idx %arg6[%add3A_579] : memref<20160xf32, #tpu.memory_space<vmem>>[vector<16xi32>], vector<16xf32>,
        %sub3A_581 = arith.subf %gather3A_576, %gather3A_580 : vector<16xf32>
        %mul3A_582 = arith.mulf %sub3A_581, %sub3A_581 : vector<16xf32>
        %add3A_583 = arith.addf %add3A_572, %mul3A_582 : vector<16xf32>
        %add3A_584 = arith.constant 56 : i32
        %add3A_585 = vector.broadcast %add3A_584 : i32 to vector<16xi32>
        %add3A_586 = arith.addi %add3A_71, %add3A_585 : vector<16xi32>
        %gather3A_587 = tpu.vector_load_idx %arg5[%add3A_586] : memref<20160xf32, #tpu.memory_space<vmem>>[vector<16xi32>], vector<16xf32>,
        %add3A_588 = arith.constant 56 : i32
        %add3A_589 = vector.broadcast %add3A_588 : i32 to vector<16xi32>
        %add3A_590 = arith.addi %add3A_71, %add3A_589 : vector<16xi32>
        %gather3A_591 = tpu.vector_load_idx %arg6[%add3A_590] : memref<20160xf32, #tpu.memory_space<vmem>>[vector<16xi32>], vector<16xf32>,
        %sub3A_592 = arith.subf %gather3A_587, %gather3A_591 : vector<16xf32>
        %mul3A_593 = arith.mulf %sub3A_592, %sub3A_592 : vector<16xf32>
        %add3A_594 = arith.addf %add3A_583, %mul3A_593 : vector<16xf32>
        %add3A_595 = arith.constant 57 : i32
        %add3A_596 = vector.broadcast %add3A_595 : i32 to vector<16xi32>
        %add3A_597 = arith.addi %add3A_71, %add3A_596 : vector<16xi32>
        %gather3A_598 = tpu.vector_load_idx %arg5[%add3A_597] : memref<20160xf32, #tpu.memory_space<vmem>>[vector<16xi32>], vector<16xf32>,
        %add3A_599 = arith.constant 57 : i32
        %add3A_600 = vector.broadcast %add3A_599 : i32 to vector<16xi32>
        %add3A_601 = arith.addi %add3A_71, %add3A_600 : vector<16xi32>
        %gather3A_602 = tpu.vector_load_idx %arg6[%add3A_601] : memref<20160xf32, #tpu.memory_space<vmem>>[vector<16xi32>], vector<16xf32>,
        %sub3A_603 = arith.subf %gather3A_598, %gather3A_602 : vector<16xf32>
        %mul3A_604 = arith.mulf %sub3A_603, %sub3A_603 : vector<16xf32>
        %add3A_605 = arith.addf %add3A_594, %mul3A_604 : vector<16xf32>
        %add3A_606 = arith.constant 58 : i32
        %add3A_607 = vector.broadcast %add3A_606 : i32 to vector<16xi32>
        %add3A_608 = arith.addi %add3A_71, %add3A_607 : vector<16xi32>
        %gather3A_609 = tpu.vector_load_idx %arg5[%add3A_608] : memref<20160xf32, #tpu.memory_space<vmem>>[vector<16xi32>], vector<16xf32>,
        %add3A_610 = arith.constant 58 : i32
        %add3A_611 = vector.broadcast %add3A_610 : i32 to vector<16xi32>
        %add3A_612 = arith.addi %add3A_71, %add3A_611 : vector<16xi32>
        %gather3A_613 = tpu.vector_load_idx %arg6[%add3A_612] : memref<20160xf32, #tpu.memory_space<vmem>>[vector<16xi32>], vector<16xf32>,
        %sub3A_614 = arith.subf %gather3A_609, %gather3A_613 : vector<16xf32>
        %mul3A_615 = arith.mulf %sub3A_614, %sub3A_614 : vector<16xf32>
        %add3A_616 = arith.addf %add3A_605, %mul3A_615 : vector<16xf32>
        %add3A_617 = arith.constant 59 : i32
        %add3A_618 = vector.broadcast %add3A_617 : i32 to vector<16xi32>
        %add3A_619 = arith.addi %add3A_71, %add3A_618 : vector<16xi32>
        %gather3A_620 = tpu.vector_load_idx %arg5[%add3A_619] : memref<20160xf32, #tpu.memory_space<vmem>>[vector<16xi32>], vector<16xf32>,
        %add3A_621 = arith.constant 59 : i32
        %add3A_622 = vector.broadcast %add3A_621 : i32 to vector<16xi32>
        %add3A_623 = arith.addi %add3A_71, %add3A_622 : vector<16xi32>
        %gather3A_624 = tpu.vector_load_idx %arg6[%add3A_623] : memref<20160xf32, #tpu.memory_space<vmem>>[vector<16xi32>], vector<16xf32>,
        %sub3A_625 = arith.subf %gather3A_620, %gather3A_624 : vector<16xf32>
        %mul3A_626 = arith.mulf %sub3A_625, %sub3A_625 : vector<16xf32>
        %add3A_627 = arith.addf %add3A_616, %mul3A_626 : vector<16xf32>
        %add3A_628 = arith.constant 60 : i32
        %add3A_629 = vector.broadcast %add3A_628 : i32 to vector<16xi32>
        %add3A_630 = arith.addi %add3A_71, %add3A_629 : vector<16xi32>
        %gather3A_631 = tpu.vector_load_idx %arg5[%add3A_630] : memref<20160xf32, #tpu.memory_space<vmem>>[vector<16xi32>], vector<16xf32>,
        %add3A_632 = arith.constant 60 : i32
        %add3A_633 = vector.broadcast %add3A_632 : i32 to vector<16xi32>
        %add3A_634 = arith.addi %add3A_71, %add3A_633 : vector<16xi32>
        %gather3A_635 = tpu.vector_load_idx %arg6[%add3A_634] : memref<20160xf32, #tpu.memory_space<vmem>>[vector<16xi32>], vector<16xf32>,
        %sub3A_636 = arith.subf %gather3A_631, %gather3A_635 : vector<16xf32>
        %mul3A_637 = arith.mulf %sub3A_636, %sub3A_636 : vector<16xf32>
        %add3A_638 = arith.addf %add3A_627, %mul3A_637 : vector<16xf32>
        %add3A_639 = arith.constant 61 : i32
        %add3A_640 = vector.broadcast %add3A_639 : i32 to vector<16xi32>
        %add3A_641 = arith.addi %add3A_71, %add3A_640 : vector<16xi32>
        %gather3A_642 = tpu.vector_load_idx %arg5[%add3A_641] : memref<20160xf32, #tpu.memory_space<vmem>>[vector<16xi32>], vector<16xf32>,
        %add3A_643 = arith.constant 61 : i32
        %add3A_644 = vector.broadcast %add3A_643 : i32 to vector<16xi32>
        %add3A_645 = arith.addi %add3A_71, %add3A_644 : vector<16xi32>
        %gather3A_646 = tpu.vector_load_idx %arg6[%add3A_645] : memref<20160xf32, #tpu.memory_space<vmem>>[vector<16xi32>], vector<16xf32>,
        %sub3A_647 = arith.subf %gather3A_642, %gather3A_646 : vector<16xf32>
        %mul3A_648 = arith.mulf %sub3A_647, %sub3A_647 : vector<16xf32>
        %add3A_649 = arith.addf %add3A_638, %mul3A_648 : vector<16xf32>
        %add3A_650 = arith.constant 62 : i32
        %add3A_651 = vector.broadcast %add3A_650 : i32 to vector<16xi32>
        %add3A_652 = arith.addi %add3A_71, %add3A_651 : vector<16xi32>
        %gather3A_653 = tpu.vector_load_idx %arg5[%add3A_652] : memref<20160xf32, #tpu.memory_space<vmem>>[vector<16xi32>], vector<16xf32>,
        %add3A_654 = arith.constant 62 : i32
        %add3A_655 = vector.broadcast %add3A_654 : i32 to vector<16xi32>
        %add3A_656 = arith.addi %add3A_71, %add3A_655 : vector<16xi32>
        %gather3A_657 = tpu.vector_load_idx %arg6[%add3A_656] : memref<20160xf32, #tpu.memory_space<vmem>>[vector<16xi32>], vector<16xf32>,
        %sub3A_658 = arith.subf %gather3A_653, %gather3A_657 : vector<16xf32>
        %mul3A_659 = arith.mulf %sub3A_658, %sub3A_658 : vector<16xf32>
        %add3A_660 = arith.addf %add3A_649, %mul3A_659 : vector<16xf32>
        %add3A_661 = arith.constant 63 : i32
        %add3A_662 = vector.broadcast %add3A_661 : i32 to vector<16xi32>
        %add3A_663 = arith.addi %add3A_71, %add3A_662 : vector<16xi32>
        %gather3A_664 = tpu.vector_load_idx %arg5[%add3A_663] : memref<20160xf32, #tpu.memory_space<vmem>>[vector<16xi32>], vector<16xf32>,
        %add3A_665 = arith.constant 63 : i32
        %add3A_666 = vector.broadcast %add3A_665 : i32 to vector<16xi32>
        %add3A_667 = arith.addi %add3A_71, %add3A_666 : vector<16xi32>
        %gather3A_668 = tpu.vector_load_idx %arg6[%add3A_667] : memref<20160xf32, #tpu.memory_space<vmem>>[vector<16xi32>], vector<16xf32>,
        %sub3A_669 = arith.subf %gather3A_664, %gather3A_668 : vector<16xf32>
        %mul3A_670 = arith.mulf %sub3A_669, %sub3A_669 : vector<16xf32>
        %add3A_671 = arith.addf %add3A_660, %mul3A_670 : vector<16xf32>
        %add3A_672 = arith.constant 64 : i32
        %add3A_673 = vector.broadcast %add3A_672 : i32 to vector<16xi32>
        %add3A_674 = arith.addi %add3A_71, %add3A_673 : vector<16xi32>
        %gather3A_675 = tpu.vector_load_idx %arg5[%add3A_674] : memref<20160xf32, #tpu.memory_space<vmem>>[vector<16xi32>], vector<16xf32>,
        %add3A_676 = arith.constant 64 : i32
        %add3A_677 = vector.broadcast %add3A_676 : i32 to vector<16xi32>
        %add3A_678 = arith.addi %add3A_71, %add3A_677 : vector<16xi32>
        %gather3A_679 = tpu.vector_load_idx %arg6[%add3A_678] : memref<20160xf32, #tpu.memory_space<vmem>>[vector<16xi32>], vector<16xf32>,
        %sub3A_680 = arith.subf %gather3A_675, %gather3A_679 : vector<16xf32>
        %mul3A_681 = arith.mulf %sub3A_680, %sub3A_680 : vector<16xf32>
        %add3A_682 = arith.addf %add3A_671, %mul3A_681 : vector<16xf32>
        %add3A_683 = arith.constant 65 : i32
        %add3A_684 = vector.broadcast %add3A_683 : i32 to vector<16xi32>
        %add3A_685 = arith.addi %add3A_71, %add3A_684 : vector<16xi32>
        %gather3A_686 = tpu.vector_load_idx %arg5[%add3A_685] : memref<20160xf32, #tpu.memory_space<vmem>>[vector<16xi32>], vector<16xf32>,
        %add3A_687 = arith.constant 65 : i32
        %add3A_688 = vector.broadcast %add3A_687 : i32 to vector<16xi32>
        %add3A_689 = arith.addi %add3A_71, %add3A_688 : vector<16xi32>
        %gather3A_690 = tpu.vector_load_idx %arg6[%add3A_689] : memref<20160xf32, #tpu.memory_space<vmem>>[vector<16xi32>], vector<16xf32>,
        %sub3A_691 = arith.subf %gather3A_686, %gather3A_690 : vector<16xf32>
        %mul3A_692 = arith.mulf %sub3A_691, %sub3A_691 : vector<16xf32>
        %add3A_693 = arith.addf %add3A_682, %mul3A_692 : vector<16xf32>
        %add3A_694 = arith.constant 66 : i32
        %add3A_695 = vector.broadcast %add3A_694 : i32 to vector<16xi32>
        %add3A_696 = arith.addi %add3A_71, %add3A_695 : vector<16xi32>
        %gather3A_697 = tpu.vector_load_idx %arg5[%add3A_696] : memref<20160xf32, #tpu.memory_space<vmem>>[vector<16xi32>], vector<16xf32>,
        %add3A_698 = arith.constant 66 : i32
        %add3A_699 = vector.broadcast %add3A_698 : i32 to vector<16xi32>
        %add3A_700 = arith.addi %add3A_71, %add3A_699 : vector<16xi32>
        %gather3A_701 = tpu.vector_load_idx %arg6[%add3A_700] : memref<20160xf32, #tpu.memory_space<vmem>>[vector<16xi32>], vector<16xf32>,
        %sub3A_702 = arith.subf %gather3A_697, %gather3A_701 : vector<16xf32>
        %mul3A_703 = arith.mulf %sub3A_702, %sub3A_702 : vector<16xf32>
        %add3A_704 = arith.addf %add3A_693, %mul3A_703 : vector<16xf32>
        %add3A_705 = arith.constant 67 : i32
        %add3A_706 = vector.broadcast %add3A_705 : i32 to vector<16xi32>
        %add3A_707 = arith.addi %add3A_71, %add3A_706 : vector<16xi32>
        %gather3A_708 = tpu.vector_load_idx %arg5[%add3A_707] : memref<20160xf32, #tpu.memory_space<vmem>>[vector<16xi32>], vector<16xf32>,
        %add3A_709 = arith.constant 67 : i32
        %add3A_710 = vector.broadcast %add3A_709 : i32 to vector<16xi32>
        %add3A_711 = arith.addi %add3A_71, %add3A_710 : vector<16xi32>
        %gather3A_712 = tpu.vector_load_idx %arg6[%add3A_711] : memref<20160xf32, #tpu.memory_space<vmem>>[vector<16xi32>], vector<16xf32>,
        %sub3A_713 = arith.subf %gather3A_708, %gather3A_712 : vector<16xf32>
        %mul3A_714 = arith.mulf %sub3A_713, %sub3A_713 : vector<16xf32>
        %add3A_715 = arith.addf %add3A_704, %mul3A_714 : vector<16xf32>
        %add3A_716 = arith.constant 68 : i32
        %add3A_717 = vector.broadcast %add3A_716 : i32 to vector<16xi32>
        %add3A_718 = arith.addi %add3A_71, %add3A_717 : vector<16xi32>
        %gather3A_719 = tpu.vector_load_idx %arg5[%add3A_718] : memref<20160xf32, #tpu.memory_space<vmem>>[vector<16xi32>], vector<16xf32>,
        %add3A_720 = arith.constant 68 : i32
        %add3A_721 = vector.broadcast %add3A_720 : i32 to vector<16xi32>
        %add3A_722 = arith.addi %add3A_71, %add3A_721 : vector<16xi32>
        %gather3A_723 = tpu.vector_load_idx %arg6[%add3A_722] : memref<20160xf32, #tpu.memory_space<vmem>>[vector<16xi32>], vector<16xf32>,
        %sub3A_724 = arith.subf %gather3A_719, %gather3A_723 : vector<16xf32>
        %mul3A_725 = arith.mulf %sub3A_724, %sub3A_724 : vector<16xf32>
        %add3A_726 = arith.addf %add3A_715, %mul3A_725 : vector<16xf32>
        %add3A_727 = arith.constant 69 : i32
        %add3A_728 = vector.broadcast %add3A_727 : i32 to vector<16xi32>
        %add3A_729 = arith.addi %add3A_71, %add3A_728 : vector<16xi32>
        %gather3A_730 = tpu.vector_load_idx %arg5[%add3A_729] : memref<20160xf32, #tpu.memory_space<vmem>>[vector<16xi32>], vector<16xf32>,
        %add3A_731 = arith.constant 69 : i32
        %add3A_732 = vector.broadcast %add3A_731 : i32 to vector<16xi32>
        %add3A_733 = arith.addi %add3A_71, %add3A_732 : vector<16xi32>
        %gather3A_734 = tpu.vector_load_idx %arg6[%add3A_733] : memref<20160xf32, #tpu.memory_space<vmem>>[vector<16xi32>], vector<16xf32>,
        %sub3A_735 = arith.subf %gather3A_730, %gather3A_734 : vector<16xf32>
        %mul3A_736 = arith.mulf %sub3A_735, %sub3A_735 : vector<16xf32>
        %add3A_737 = arith.addf %add3A_726, %mul3A_736 : vector<16xf32>
        %add3A_738 = arith.constant 70 : i32
        %add3A_739 = vector.broadcast %add3A_738 : i32 to vector<16xi32>
        %add3A_740 = arith.addi %add3A_71, %add3A_739 : vector<16xi32>
        %gather3A_741 = tpu.vector_load_idx %arg5[%add3A_740] : memref<20160xf32, #tpu.memory_space<vmem>>[vector<16xi32>], vector<16xf32>,
        %add3A_742 = arith.constant 70 : i32
        %add3A_743 = vector.broadcast %add3A_742 : i32 to vector<16xi32>
        %add3A_744 = arith.addi %add3A_71, %add3A_743 : vector<16xi32>
        %gather3A_745 = tpu.vector_load_idx %arg6[%add3A_744] : memref<20160xf32, #tpu.memory_space<vmem>>[vector<16xi32>], vector<16xf32>,
        %sub3A_746 = arith.subf %gather3A_741, %gather3A_745 : vector<16xf32>
        %mul3A_747 = arith.mulf %sub3A_746, %sub3A_746 : vector<16xf32>
        %add3A_748 = arith.addf %add3A_737, %mul3A_747 : vector<16xf32>
        %add3A_749 = arith.constant 71 : i32
        %add3A_750 = vector.broadcast %add3A_749 : i32 to vector<16xi32>
        %add3A_751 = arith.addi %add3A_71, %add3A_750 : vector<16xi32>
        %gather3A_752 = tpu.vector_load_idx %arg5[%add3A_751] : memref<20160xf32, #tpu.memory_space<vmem>>[vector<16xi32>], vector<16xf32>,
        %add3A_753 = arith.constant 71 : i32
        %add3A_754 = vector.broadcast %add3A_753 : i32 to vector<16xi32>
        %add3A_755 = arith.addi %add3A_71, %add3A_754 : vector<16xi32>
        %gather3A_756 = tpu.vector_load_idx %arg6[%add3A_755] : memref<20160xf32, #tpu.memory_space<vmem>>[vector<16xi32>], vector<16xf32>,
        %sub3A_757 = arith.subf %gather3A_752, %gather3A_756 : vector<16xf32>
        %mul3A_758 = arith.mulf %sub3A_757, %sub3A_757 : vector<16xf32>
        %add3A_759 = arith.addf %add3A_748, %mul3A_758 : vector<16xf32>
        %add3A_760 = arith.constant 72 : i32
        %add3A_761 = vector.broadcast %add3A_760 : i32 to vector<16xi32>
        %add3A_762 = arith.addi %add3A_71, %add3A_761 : vector<16xi32>
        %gather3A_763 = tpu.vector_load_idx %arg5[%add3A_762] : memref<20160xf32, #tpu.memory_space<vmem>>[vector<16xi32>], vector<16xf32>,
        %add3A_764 = arith.constant 72 : i32
        %add3A_765 = vector.broadcast %add3A_764 : i32 to vector<16xi32>
        %add3A_766 = arith.addi %add3A_71, %add3A_765 : vector<16xi32>
        %gather3A_767 = tpu.vector_load_idx %arg6[%add3A_766] : memref<20160xf32, #tpu.memory_space<vmem>>[vector<16xi32>], vector<16xf32>,
        %sub3A_768 = arith.subf %gather3A_763, %gather3A_767 : vector<16xf32>
        %mul3A_769 = arith.mulf %sub3A_768, %sub3A_768 : vector<16xf32>
        %add3A_770 = arith.addf %add3A_759, %mul3A_769 : vector<16xf32>
        %add3A_771 = arith.constant 73 : i32
        %add3A_772 = vector.broadcast %add3A_771 : i32 to vector<16xi32>
        %add3A_773 = arith.addi %add3A_71, %add3A_772 : vector<16xi32>
        %gather3A_774 = tpu.vector_load_idx %arg5[%add3A_773] : memref<20160xf32, #tpu.memory_space<vmem>>[vector<16xi32>], vector<16xf32>,
        %add3A_775 = arith.constant 73 : i32
        %add3A_776 = vector.broadcast %add3A_775 : i32 to vector<16xi32>
        %add3A_777 = arith.addi %add3A_71, %add3A_776 : vector<16xi32>
        %gather3A_778 = tpu.vector_load_idx %arg6[%add3A_777] : memref<20160xf32, #tpu.memory_space<vmem>>[vector<16xi32>], vector<16xf32>,
        %sub3A_779 = arith.subf %gather3A_774, %gather3A_778 : vector<16xf32>
        %mul3A_780 = arith.mulf %sub3A_779, %sub3A_779 : vector<16xf32>
        %add3A_781 = arith.addf %add3A_770, %mul3A_780 : vector<16xf32>
        %add3A_782 = arith.constant 74 : i32
        %add3A_783 = vector.broadcast %add3A_782 : i32 to vector<16xi32>
        %add3A_784 = arith.addi %add3A_71, %add3A_783 : vector<16xi32>
        %gather3A_785 = tpu.vector_load_idx %arg5[%add3A_784] : memref<20160xf32, #tpu.memory_space<vmem>>[vector<16xi32>], vector<16xf32>,
        %add3A_786 = arith.constant 74 : i32
        %add3A_787 = vector.broadcast %add3A_786 : i32 to vector<16xi32>
        %add3A_788 = arith.addi %add3A_71, %add3A_787 : vector<16xi32>
        %gather3A_789 = tpu.vector_load_idx %arg6[%add3A_788] : memref<20160xf32, #tpu.memory_space<vmem>>[vector<16xi32>], vector<16xf32>,
        %sub3A_790 = arith.subf %gather3A_785, %gather3A_789 : vector<16xf32>
        %mul3A_791 = arith.mulf %sub3A_790, %sub3A_790 : vector<16xf32>
        %add3A_792 = arith.addf %add3A_781, %mul3A_791 : vector<16xf32>
        %add3A_793 = arith.constant 75 : i32
        %add3A_794 = vector.broadcast %add3A_793 : i32 to vector<16xi32>
        %add3A_795 = arith.addi %add3A_71, %add3A_794 : vector<16xi32>
        %gather3A_796 = tpu.vector_load_idx %arg5[%add3A_795] : memref<20160xf32, #tpu.memory_space<vmem>>[vector<16xi32>], vector<16xf32>,
        %add3A_797 = arith.constant 75 : i32
        %add3A_798 = vector.broadcast %add3A_797 : i32 to vector<16xi32>
        %add3A_799 = arith.addi %add3A_71, %add3A_798 : vector<16xi32>
        %gather3A_800 = tpu.vector_load_idx %arg6[%add3A_799] : memref<20160xf32, #tpu.memory_space<vmem>>[vector<16xi32>], vector<16xf32>,
        %sub3A_801 = arith.subf %gather3A_796, %gather3A_800 : vector<16xf32>
        %mul3A_802 = arith.mulf %sub3A_801, %sub3A_801 : vector<16xf32>
        %add3A_803 = arith.addf %add3A_792, %mul3A_802 : vector<16xf32>
        %add3A_804 = arith.constant 76 : i32
        %add3A_805 = vector.broadcast %add3A_804 : i32 to vector<16xi32>
        %add3A_806 = arith.addi %add3A_71, %add3A_805 : vector<16xi32>
        %gather3A_807 = tpu.vector_load_idx %arg5[%add3A_806] : memref<20160xf32, #tpu.memory_space<vmem>>[vector<16xi32>], vector<16xf32>,
        %add3A_808 = arith.constant 76 : i32
        %add3A_809 = vector.broadcast %add3A_808 : i32 to vector<16xi32>
        %add3A_810 = arith.addi %add3A_71, %add3A_809 : vector<16xi32>
        %gather3A_811 = tpu.vector_load_idx %arg6[%add3A_810] : memref<20160xf32, #tpu.memory_space<vmem>>[vector<16xi32>], vector<16xf32>,
        %sub3A_812 = arith.subf %gather3A_807, %gather3A_811 : vector<16xf32>
        %mul3A_813 = arith.mulf %sub3A_812, %sub3A_812 : vector<16xf32>
        %add3A_814 = arith.addf %add3A_803, %mul3A_813 : vector<16xf32>
        %add3A_815 = arith.constant 77 : i32
        %add3A_816 = vector.broadcast %add3A_815 : i32 to vector<16xi32>
        %add3A_817 = arith.addi %add3A_71, %add3A_816 : vector<16xi32>
        %gather3A_818 = tpu.vector_load_idx %arg5[%add3A_817] : memref<20160xf32, #tpu.memory_space<vmem>>[vector<16xi32>], vector<16xf32>,
        %add3A_819 = arith.constant 77 : i32
        %add3A_820 = vector.broadcast %add3A_819 : i32 to vector<16xi32>
        %add3A_821 = arith.addi %add3A_71, %add3A_820 : vector<16xi32>
        %gather3A_822 = tpu.vector_load_idx %arg6[%add3A_821] : memref<20160xf32, #tpu.memory_space<vmem>>[vector<16xi32>], vector<16xf32>,
        %sub3A_823 = arith.subf %gather3A_818, %gather3A_822 : vector<16xf32>
        %mul3A_824 = arith.mulf %sub3A_823, %sub3A_823 : vector<16xf32>
        %add3A_825 = arith.addf %add3A_814, %mul3A_824 : vector<16xf32>
        %add3A_826 = arith.constant 78 : i32
        %add3A_827 = vector.broadcast %add3A_826 : i32 to vector<16xi32>
        %add3A_828 = arith.addi %add3A_71, %add3A_827 : vector<16xi32>
        %gather3A_829 = tpu.vector_load_idx %arg5[%add3A_828] : memref<20160xf32, #tpu.memory_space<vmem>>[vector<16xi32>], vector<16xf32>,
        %add3A_830 = arith.constant 78 : i32
        %add3A_831 = vector.broadcast %add3A_830 : i32 to vector<16xi32>
        %add3A_832 = arith.addi %add3A_71, %add3A_831 : vector<16xi32>
        %gather3A_833 = tpu.vector_load_idx %arg6[%add3A_832] : memref<20160xf32, #tpu.memory_space<vmem>>[vector<16xi32>], vector<16xf32>,
        %sub3A_834 = arith.subf %gather3A_829, %gather3A_833 : vector<16xf32>
        %mul3A_835 = arith.mulf %sub3A_834, %sub3A_834 : vector<16xf32>
        %add3A_836 = arith.addf %add3A_825, %mul3A_835 : vector<16xf32>
        %add3A_837 = arith.constant 79 : i32
        %add3A_838 = vector.broadcast %add3A_837 : i32 to vector<16xi32>
        %add3A_839 = arith.addi %add3A_71, %add3A_838 : vector<16xi32>
        %gather3A_840 = tpu.vector_load_idx %arg5[%add3A_839] : memref<20160xf32, #tpu.memory_space<vmem>>[vector<16xi32>], vector<16xf32>,
        %add3A_841 = arith.constant 79 : i32
        %add3A_842 = vector.broadcast %add3A_841 : i32 to vector<16xi32>
        %add3A_843 = arith.addi %add3A_71, %add3A_842 : vector<16xi32>
        %gather3A_844 = tpu.vector_load_idx %arg6[%add3A_843] : memref<20160xf32, #tpu.memory_space<vmem>>[vector<16xi32>], vector<16xf32>,
        %sub3A_845 = arith.subf %gather3A_840, %gather3A_844 : vector<16xf32>
        %mul3A_846 = arith.mulf %sub3A_845, %sub3A_845 : vector<16xf32>
        %add3A_847 = arith.addf %add3A_836, %mul3A_846 : vector<16xf32>
        %add3A_848 = arith.constant 80 : i32
        %add3A_849 = vector.broadcast %add3A_848 : i32 to vector<16xi32>
        %add3A_850 = arith.addi %add3A_71, %add3A_849 : vector<16xi32>
        %gather3A_851 = tpu.vector_load_idx %arg5[%add3A_850] : memref<20160xf32, #tpu.memory_space<vmem>>[vector<16xi32>], vector<16xf32>,
        %add3A_852 = arith.constant 80 : i32
        %add3A_853 = vector.broadcast %add3A_852 : i32 to vector<16xi32>
        %add3A_854 = arith.addi %add3A_71, %add3A_853 : vector<16xi32>
        %gather3A_855 = tpu.vector_load_idx %arg6[%add3A_854] : memref<20160xf32, #tpu.memory_space<vmem>>[vector<16xi32>], vector<16xf32>,
        %sub3A_856 = arith.subf %gather3A_851, %gather3A_855 : vector<16xf32>
        %mul3A_857 = arith.mulf %sub3A_856, %sub3A_856 : vector<16xf32>
        %add3A_858 = arith.addf %add3A_847, %mul3A_857 : vector<16xf32>
        %add3A_859 = arith.constant 81 : i32
        %add3A_860 = vector.broadcast %add3A_859 : i32 to vector<16xi32>
        %add3A_861 = arith.addi %add3A_71, %add3A_860 : vector<16xi32>
        %gather3A_862 = tpu.vector_load_idx %arg5[%add3A_861] : memref<20160xf32, #tpu.memory_space<vmem>>[vector<16xi32>], vector<16xf32>,
        %add3A_863 = arith.constant 81 : i32
        %add3A_864 = vector.broadcast %add3A_863 : i32 to vector<16xi32>
        %add3A_865 = arith.addi %add3A_71, %add3A_864 : vector<16xi32>
        %gather3A_866 = tpu.vector_load_idx %arg6[%add3A_865] : memref<20160xf32, #tpu.memory_space<vmem>>[vector<16xi32>], vector<16xf32>,
        %sub3A_867 = arith.subf %gather3A_862, %gather3A_866 : vector<16xf32>
        %mul3A_868 = arith.mulf %sub3A_867, %sub3A_867 : vector<16xf32>
        %add3A_869 = arith.addf %add3A_858, %mul3A_868 : vector<16xf32>
        %add3A_870 = arith.constant 82 : i32
        %add3A_871 = vector.broadcast %add3A_870 : i32 to vector<16xi32>
        %add3A_872 = arith.addi %add3A_71, %add3A_871 : vector<16xi32>
        %gather3A_873 = tpu.vector_load_idx %arg5[%add3A_872] : memref<20160xf32, #tpu.memory_space<vmem>>[vector<16xi32>], vector<16xf32>,
        %add3A_874 = arith.constant 82 : i32
        %add3A_875 = vector.broadcast %add3A_874 : i32 to vector<16xi32>
        %add3A_876 = arith.addi %add3A_71, %add3A_875 : vector<16xi32>
        %gather3A_877 = tpu.vector_load_idx %arg6[%add3A_876] : memref<20160xf32, #tpu.memory_space<vmem>>[vector<16xi32>], vector<16xf32>,
        %sub3A_878 = arith.subf %gather3A_873, %gather3A_877 : vector<16xf32>
        %mul3A_879 = arith.mulf %sub3A_878, %sub3A_878 : vector<16xf32>
        %add3A_880 = arith.addf %add3A_869, %mul3A_879 : vector<16xf32>
        %add3A_881 = arith.constant 83 : i32
        %add3A_882 = vector.broadcast %add3A_881 : i32 to vector<16xi32>
        %add3A_883 = arith.addi %add3A_71, %add3A_882 : vector<16xi32>
        %gather3A_884 = tpu.vector_load_idx %arg5[%add3A_883] : memref<20160xf32, #tpu.memory_space<vmem>>[vector<16xi32>], vector<16xf32>,
        %add3A_885 = arith.constant 83 : i32
        %add3A_886 = vector.broadcast %add3A_885 : i32 to vector<16xi32>
        %add3A_887 = arith.addi %add3A_71, %add3A_886 : vector<16xi32>
        %gather3A_888 = tpu.vector_load_idx %arg6[%add3A_887] : memref<20160xf32, #tpu.memory_space<vmem>>[vector<16xi32>], vector<16xf32>,
        %sub3A_889 = arith.subf %gather3A_884, %gather3A_888 : vector<16xf32>
        %mul3A_890 = arith.mulf %sub3A_889, %sub3A_889 : vector<16xf32>
        %add3A_891 = arith.addf %add3A_880, %mul3A_890 : vector<16xf32>
        %add3A_892 = arith.constant 84 : i32
        %add3A_893 = vector.broadcast %add3A_892 : i32 to vector<16xi32>
        %add3A_894 = arith.addi %add3A_71, %add3A_893 : vector<16xi32>
        %gather3A_895 = tpu.vector_load_idx %arg5[%add3A_894] : memref<20160xf32, #tpu.memory_space<vmem>>[vector<16xi32>], vector<16xf32>,
        %add3A_896 = arith.constant 84 : i32
        %add3A_897 = vector.broadcast %add3A_896 : i32 to vector<16xi32>
        %add3A_898 = arith.addi %add3A_71, %add3A_897 : vector<16xi32>
        %gather3A_899 = tpu.vector_load_idx %arg6[%add3A_898] : memref<20160xf32, #tpu.memory_space<vmem>>[vector<16xi32>], vector<16xf32>,
        %sub3A_900 = arith.subf %gather3A_895, %gather3A_899 : vector<16xf32>
        %mul3A_901 = arith.mulf %sub3A_900, %sub3A_900 : vector<16xf32>
        %add3A_902 = arith.addf %add3A_891, %mul3A_901 : vector<16xf32>
        %add3A_903 = arith.constant 85 : i32
        %add3A_904 = vector.broadcast %add3A_903 : i32 to vector<16xi32>
        %add3A_905 = arith.addi %add3A_71, %add3A_904 : vector<16xi32>
        %gather3A_906 = tpu.vector_load_idx %arg5[%add3A_905] : memref<20160xf32, #tpu.memory_space<vmem>>[vector<16xi32>], vector<16xf32>,
        %add3A_907 = arith.constant 85 : i32
        %add3A_908 = vector.broadcast %add3A_907 : i32 to vector<16xi32>
        %add3A_909 = arith.addi %add3A_71, %add3A_908 : vector<16xi32>
        %gather3A_910 = tpu.vector_load_idx %arg6[%add3A_909] : memref<20160xf32, #tpu.memory_space<vmem>>[vector<16xi32>], vector<16xf32>,
        %sub3A_911 = arith.subf %gather3A_906, %gather3A_910 : vector<16xf32>
        %mul3A_912 = arith.mulf %sub3A_911, %sub3A_911 : vector<16xf32>
        %add3A_913 = arith.addf %add3A_902, %mul3A_912 : vector<16xf32>
        %add3A_914 = arith.constant 86 : i32
        %add3A_915 = vector.broadcast %add3A_914 : i32 to vector<16xi32>
        %add3A_916 = arith.addi %add3A_71, %add3A_915 : vector<16xi32>
        %gather3A_917 = tpu.vector_load_idx %arg5[%add3A_916] : memref<20160xf32, #tpu.memory_space<vmem>>[vector<16xi32>], vector<16xf32>,
        %add3A_918 = arith.constant 86 : i32
        %add3A_919 = vector.broadcast %add3A_918 : i32 to vector<16xi32>
        %add3A_920 = arith.addi %add3A_71, %add3A_919 : vector<16xi32>
        %gather3A_921 = tpu.vector_load_idx %arg6[%add3A_920] : memref<20160xf32, #tpu.memory_space<vmem>>[vector<16xi32>], vector<16xf32>,
        %sub3A_922 = arith.subf %gather3A_917, %gather3A_921 : vector<16xf32>
        %mul3A_923 = arith.mulf %sub3A_922, %sub3A_922 : vector<16xf32>
        %add3A_924 = arith.addf %add3A_913, %mul3A_923 : vector<16xf32>
        %add3A_925 = arith.constant 87 : i32
        %add3A_926 = vector.broadcast %add3A_925 : i32 to vector<16xi32>
        %add3A_927 = arith.addi %add3A_71, %add3A_926 : vector<16xi32>
        %gather3A_928 = tpu.vector_load_idx %arg5[%add3A_927] : memref<20160xf32, #tpu.memory_space<vmem>>[vector<16xi32>], vector<16xf32>,
        %add3A_929 = arith.constant 87 : i32
        %add3A_930 = vector.broadcast %add3A_929 : i32 to vector<16xi32>
        %add3A_931 = arith.addi %add3A_71, %add3A_930 : vector<16xi32>
        %gather3A_932 = tpu.vector_load_idx %arg6[%add3A_931] : memref<20160xf32, #tpu.memory_space<vmem>>[vector<16xi32>], vector<16xf32>,
        %sub3A_933 = arith.subf %gather3A_928, %gather3A_932 : vector<16xf32>
        %mul3A_934 = arith.mulf %sub3A_933, %sub3A_933 : vector<16xf32>
        %add3A_935 = arith.addf %add3A_924, %mul3A_934 : vector<16xf32>
        %add3A_936 = arith.constant 88 : i32
        %add3A_937 = vector.broadcast %add3A_936 : i32 to vector<16xi32>
        %add3A_938 = arith.addi %add3A_71, %add3A_937 : vector<16xi32>
        %gather3A_939 = tpu.vector_load_idx %arg5[%add3A_938] : memref<20160xf32, #tpu.memory_space<vmem>>[vector<16xi32>], vector<16xf32>,
        %add3A_940 = arith.constant 88 : i32
        %add3A_941 = vector.broadcast %add3A_940 : i32 to vector<16xi32>
        %add3A_942 = arith.addi %add3A_71, %add3A_941 : vector<16xi32>
        %gather3A_943 = tpu.vector_load_idx %arg6[%add3A_942] : memref<20160xf32, #tpu.memory_space<vmem>>[vector<16xi32>], vector<16xf32>,
        %sub3A_944 = arith.subf %gather3A_939, %gather3A_943 : vector<16xf32>
        %mul3A_945 = arith.mulf %sub3A_944, %sub3A_944 : vector<16xf32>
        %add3A_946 = arith.addf %add3A_935, %mul3A_945 : vector<16xf32>
        %add3A_947 = arith.constant 89 : i32
        %add3A_948 = vector.broadcast %add3A_947 : i32 to vector<16xi32>
        %add3A_949 = arith.addi %add3A_71, %add3A_948 : vector<16xi32>
        %gather3A_950 = tpu.vector_load_idx %arg5[%add3A_949] : memref<20160xf32, #tpu.memory_space<vmem>>[vector<16xi32>], vector<16xf32>,
        %add3A_951 = arith.constant 89 : i32
        %add3A_952 = vector.broadcast %add3A_951 : i32 to vector<16xi32>
        %add3A_953 = arith.addi %add3A_71, %add3A_952 : vector<16xi32>
        %gather3A_954 = tpu.vector_load_idx %arg6[%add3A_953] : memref<20160xf32, #tpu.memory_space<vmem>>[vector<16xi32>], vector<16xf32>,
        %sub3A_955 = arith.subf %gather3A_950, %gather3A_954 : vector<16xf32>
        %mul3A_956 = arith.mulf %sub3A_955, %sub3A_955 : vector<16xf32>
        %add3A_957 = arith.addf %add3A_946, %mul3A_956 : vector<16xf32>
        %add3A_958 = arith.constant 0 : i32
        %add3A_959 = vector.broadcast %add3A_958 : i32 to vector<16xi32>
        %add3A_960 = arith.addi %add3A_71, %add3A_959 : vector<16xi32>
        %gather3A_961 = tpu.vector_load_idx %arg5[%add3A_960] : memref<20160xf32, #tpu.memory_space<vmem>>[vector<16xi32>], vector<16xf32>,
        %add3A_962 = arith.constant 1 : i32
        %add3A_963 = vector.broadcast %add3A_962 : i32 to vector<16xi32>
        %add3A_964 = arith.addi %add3A_71, %add3A_963 : vector<16xi32>
        %gather3A_965 = tpu.vector_load_idx %arg5[%add3A_964] : memref<20160xf32, #tpu.memory_space<vmem>>[vector<16xi32>], vector<16xf32>,
        %add3A_966 = arith.constant 2 : i32
        %add3A_967 = vector.broadcast %add3A_966 : i32 to vector<16xi32>
        %add3A_968 = arith.addi %add3A_71, %add3A_967 : vector<16xi32>
        %gather3A_969 = tpu.vector_load_idx %arg5[%add3A_968] : memref<20160xf32, #tpu.memory_space<vmem>>[vector<16xi32>], vector<16xf32>,
        %add3A_970 = arith.constant 3 : i32
        %add3A_971 = vector.broadcast %add3A_970 : i32 to vector<16xi32>
        %add3A_972 = arith.addi %add3A_71, %add3A_971 : vector<16xi32>
        %gather3A_973 = tpu.vector_load_idx %arg5[%add3A_972] : memref<20160xf32, #tpu.memory_space<vmem>>[vector<16xi32>], vector<16xf32>,
        %add3A_974 = arith.constant 4 : i32
        %add3A_975 = vector.broadcast %add3A_974 : i32 to vector<16xi32>
        %add3A_976 = arith.addi %add3A_71, %add3A_975 : vector<16xi32>
        %gather3A_977 = tpu.vector_load_idx %arg5[%add3A_976] : memref<20160xf32, #tpu.memory_space<vmem>>[vector<16xi32>], vector<16xf32>,
        %add3A_978 = arith.constant 5 : i32
        %add3A_979 = vector.broadcast %add3A_978 : i32 to vector<16xi32>
        %add3A_980 = arith.addi %add3A_71, %add3A_979 : vector<16xi32>
        %gather3A_981 = tpu.vector_load_idx %arg5[%add3A_980] : memref<20160xf32, #tpu.memory_space<vmem>>[vector<16xi32>], vector<16xf32>,
        %add3A_982 = arith.constant 6 : i32
        %add3A_983 = vector.broadcast %add3A_982 : i32 to vector<16xi32>
        %add3A_984 = arith.addi %add3A_71, %add3A_983 : vector<16xi32>
        %gather3A_985 = tpu.vector_load_idx %arg5[%add3A_984] : memref<20160xf32, #tpu.memory_space<vmem>>[vector<16xi32>], vector<16xf32>,
        %add3A_986 = arith.constant 7 : i32
        %add3A_987 = vector.broadcast %add3A_986 : i32 to vector<16xi32>
        %add3A_988 = arith.addi %add3A_71, %add3A_987 : vector<16xi32>
        %gather3A_989 = tpu.vector_load_idx %arg5[%add3A_988] : memref<20160xf32, #tpu.memory_space<vmem>>[vector<16xi32>], vector<16xf32>,
        %add3A_990 = arith.constant 8 : i32
        %add3A_991 = vector.broadcast %add3A_990 : i32 to vector<16xi32>
        %add3A_992 = arith.addi %add3A_71, %add3A_991 : vector<16xi32>
        %gather3A_993 = tpu.vector_load_idx %arg5[%add3A_992] : memref<20160xf32, #tpu.memory_space<vmem>>[vector<16xi32>], vector<16xf32>,
        %add3A_994 = arith.constant 9 : i32
        %add3A_995 = vector.broadcast %add3A_994 : i32 to vector<16xi32>
        %add3A_996 = arith.addi %add3A_71, %add3A_995 : vector<16xi32>
        %gather3A_997 = tpu.vector_load_idx %arg5[%add3A_996] : memref<20160xf32, #tpu.memory_space<vmem>>[vector<16xi32>], vector<16xf32>,
        %add3A_998 = arith.constant 0 : i32
        %add3A_999 = vector.broadcast %add3A_998 : i32 to vector<16xi32>
        %add3A_1000 = arith.addi %add3A_71, %add3A_999 : vector<16xi32>
        %gather3A_1001 = tpu.vector_load_idx %arg6[%add3A_1000] : memref<20160xf32, #tpu.memory_space<vmem>>[vector<16xi32>], vector<16xf32>,
        %add3A_1002 = arith.constant 1 : i32
        %add3A_1003 = vector.broadcast %add3A_1002 : i32 to vector<16xi32>
        %add3A_1004 = arith.addi %add3A_71, %add3A_1003 : vector<16xi32>
        %gather3A_1005 = tpu.vector_load_idx %arg6[%add3A_1004] : memref<20160xf32, #tpu.memory_space<vmem>>[vector<16xi32>], vector<16xf32>,
        %add3A_1006 = arith.constant 2 : i32
        %add3A_1007 = vector.broadcast %add3A_1006 : i32 to vector<16xi32>
        %add3A_1008 = arith.addi %add3A_71, %add3A_1007 : vector<16xi32>
        %gather3A_1009 = tpu.vector_load_idx %arg6[%add3A_1008] : memref<20160xf32, #tpu.memory_space<vmem>>[vector<16xi32>], vector<16xf32>,
        %add3A_1010 = arith.constant 3 : i32
        %add3A_1011 = vector.broadcast %add3A_1010 : i32 to vector<16xi32>
        %add3A_1012 = arith.addi %add3A_71, %add3A_1011 : vector<16xi32>
        %gather3A_1013 = tpu.vector_load_idx %arg6[%add3A_1012] : memref<20160xf32, #tpu.memory_space<vmem>>[vector<16xi32>], vector<16xf32>,
        %add3A_1014 = arith.constant 5 : i32
        %add3A_1015 = vector.broadcast %add3A_1014 : i32 to vector<16xi32>
        %add3A_1016 = arith.addi %add3A_71, %add3A_1015 : vector<16xi32>
        %gather3A_1017 = tpu.vector_load_idx %arg6[%add3A_1016] : memref<20160xf32, #tpu.memory_space<vmem>>[vector<16xi32>], vector<16xf32>,
        %add3A_1018 = arith.constant 6 : i32
        %add3A_1019 = vector.broadcast %add3A_1018 : i32 to vector<16xi32>
        %add3A_1020 = arith.addi %add3A_71, %add3A_1019 : vector<16xi32>
        %gather3A_1021 = tpu.vector_load_idx %arg6[%add3A_1020] : memref<20160xf32, #tpu.memory_space<vmem>>[vector<16xi32>], vector<16xf32>,
        %add3A_1022 = arith.constant 7 : i32
        %add3A_1023 = vector.broadcast %add3A_1022 : i32 to vector<16xi32>
        %add3A_1024 = arith.addi %add3A_71, %add3A_1023 : vector<16xi32>
        %gather3A_1025 = tpu.vector_load_idx %arg6[%add3A_1024] : memref<20160xf32, #tpu.memory_space<vmem>>[vector<16xi32>], vector<16xf32>,
        %add3A_1026 = arith.constant 8 : i32
        %add3A_1027 = vector.broadcast %add3A_1026 : i32 to vector<16xi32>
        %add3A_1028 = arith.addi %add3A_71, %add3A_1027 : vector<16xi32>
        %gather3A_1029 = tpu.vector_load_idx %arg6[%add3A_1028] : memref<20160xf32, #tpu.memory_space<vmem>>[vector<16xi32>], vector<16xf32>,
        %add3A_1030 = arith.constant 9 : i32
        %add3A_1031 = vector.broadcast %add3A_1030 : i32 to vector<16xi32>
        %add3A_1032 = arith.addi %add3A_71, %add3A_1031 : vector<16xi32>
        %gather3A_1033 = tpu.vector_load_idx %arg6[%add3A_1032] : memref<20160xf32, #tpu.memory_space<vmem>>[vector<16xi32>], vector<16xf32>,
        %div3A = arith.constant 7.000000e+00 : f32
        %div3A_1034 = vector.broadcast %div3A : f32 to vector<16xf32>
        %div3A_1035 = arith.divf %gather3A_961, %div3A_1034 : vector<16xf32>
        %mul3A_1036 = arith.constant 5.000000e-01 : f32
        %mul3A_1037 = vector.broadcast %mul3A_1036 : f32 to vector<16xf32>
        %mul3A_1038 = arith.mulf %mul3A_1037, %gather3A_969 : vector<16xf32>
        %sub3A_1039 = arith.subf %div3A_1035, %mul3A_1038 : vector<16xf32>
        %div3A_1040 = arith.constant 7.000000e+00 : f32
        %div3A_1041 = vector.broadcast %div3A_1040 : f32 to vector<16xf32>
        %div3A_1042 = arith.divf %gather3A_965, %div3A_1041 : vector<16xf32>
        %mul3A_1043 = arith.constant 5.000000e-01 : f32
        %mul3A_1044 = vector.broadcast %mul3A_1043 : f32 to vector<16xf32>
        %mul3A_1045 = arith.mulf %mul3A_1044, %gather3A_973 : vector<16xf32>
        %sub3A_1046 = arith.subf %div3A_1042, %mul3A_1045 : vector<16xf32>
        %div3A_1047 = arith.constant 7.000000e+00 : f32
        %div3A_1048 = vector.broadcast %div3A_1047 : f32 to vector<16xf32>
        %div3A_1049 = arith.divf %sub3A_1039, %div3A_1048 : vector<16xf32>
        %mul3A_1050 = arith.constant 5.000000e-01 : f32
        %mul3A_1051 = vector.broadcast %mul3A_1050 : f32 to vector<16xf32>
        %mul3A_1052 = arith.mulf %mul3A_1051, %gather3A_969 : vector<16xf32>
        %add3A_1053 = arith.addf %div3A_1049, %mul3A_1052 : vector<16xf32>
        %div3A_1054 = arith.constant 7.000000e+00 : f32
        %div3A_1055 = vector.broadcast %div3A_1054 : f32 to vector<16xf32>
        %div3A_1056 = arith.divf %sub3A_1046, %div3A_1055 : vector<16xf32>
        %mul3A_1057 = arith.constant 5.000000e-01 : f32
        %mul3A_1058 = vector.broadcast %mul3A_1057 : f32 to vector<16xf32>
        %mul3A_1059 = arith.mulf %mul3A_1058, %gather3A_973 : vector<16xf32>
        %add3A_1060 = arith.addf %div3A_1056, %mul3A_1059 : vector<16xf32>
        %div3A_1061 = arith.constant 7.000000e+00 : f32
        %div3A_1062 = vector.broadcast %div3A_1061 : f32 to vector<16xf32>
        %div3A_1063 = arith.divf %gather3A_981, %div3A_1062 : vector<16xf32>
        %mul3A_1064 = arith.constant 5.000000e-01 : f32
        %mul3A_1065 = vector.broadcast %mul3A_1064 : f32 to vector<16xf32>
        %mul3A_1066 = arith.mulf %mul3A_1065, %gather3A_989 : vector<16xf32>
        %sub3A_1067 = arith.subf %div3A_1063, %mul3A_1066 : vector<16xf32>
        %div3A_1068 = arith.constant 7.000000e+00 : f32
        %div3A_1069 = vector.broadcast %div3A_1068 : f32 to vector<16xf32>
        %div3A_1070 = arith.divf %gather3A_985, %div3A_1069 : vector<16xf32>
        %mul3A_1071 = arith.constant 5.000000e-01 : f32
        %mul3A_1072 = vector.broadcast %mul3A_1071 : f32 to vector<16xf32>
        %mul3A_1073 = arith.mulf %mul3A_1072, %gather3A_993 : vector<16xf32>
        %sub3A_1074 = arith.subf %div3A_1070, %mul3A_1073 : vector<16xf32>
        %div3A_1075 = arith.constant 7.000000e+00 : f32
        %div3A_1076 = vector.broadcast %div3A_1075 : f32 to vector<16xf32>
        %div3A_1077 = arith.divf %sub3A_1067, %div3A_1076 : vector<16xf32>
        %mul3A_1078 = arith.constant 5.000000e-01 : f32
        %mul3A_1079 = vector.broadcast %mul3A_1078 : f32 to vector<16xf32>
        %mul3A_1080 = arith.mulf %mul3A_1079, %gather3A_989 : vector<16xf32>
        %add3A_1081 = arith.addf %div3A_1077, %mul3A_1080 : vector<16xf32>
        %div3A_1082 = arith.constant 7.000000e+00 : f32
        %div3A_1083 = vector.broadcast %div3A_1082 : f32 to vector<16xf32>
        %div3A_1084 = arith.divf %sub3A_1074, %div3A_1083 : vector<16xf32>
        %mul3A_1085 = arith.constant 5.000000e-01 : f32
        %mul3A_1086 = vector.broadcast %mul3A_1085 : f32 to vector<16xf32>
        %mul3A_1087 = arith.mulf %mul3A_1086, %gather3A_993 : vector<16xf32>
        %add3A_1088 = arith.addf %div3A_1084, %mul3A_1087 : vector<16xf32>
        %div3A_1089 = arith.constant 7.000000e+00 : f32
        %div3A_1090 = vector.broadcast %div3A_1089 : f32 to vector<16xf32>
        %div3A_1091 = arith.divf %gather3A_1001, %div3A_1090 : vector<16xf32>
        %mul3A_1092 = arith.constant 5.000000e-01 : f32
        %mul3A_1093 = vector.broadcast %mul3A_1092 : f32 to vector<16xf32>
        %mul3A_1094 = arith.mulf %mul3A_1093, %gather3A_1009 : vector<16xf32>
        %sub3A_1095 = arith.subf %div3A_1091, %mul3A_1094 : vector<16xf32>
        %div3A_1096 = arith.constant 7.000000e+00 : f32
        %div3A_1097 = vector.broadcast %div3A_1096 : f32 to vector<16xf32>
        %div3A_1098 = arith.divf %gather3A_1005, %div3A_1097 : vector<16xf32>
        %mul3A_1099 = arith.constant 5.000000e-01 : f32
        %mul3A_1100 = vector.broadcast %mul3A_1099 : f32 to vector<16xf32>
        %mul3A_1101 = arith.mulf %mul3A_1100, %gather3A_1013 : vector<16xf32>
        %sub3A_1102 = arith.subf %div3A_1098, %mul3A_1101 : vector<16xf32>
        %div3A_1103 = arith.constant 7.000000e+00 : f32
        %div3A_1104 = vector.broadcast %div3A_1103 : f32 to vector<16xf32>
        %div3A_1105 = arith.divf %sub3A_1095, %div3A_1104 : vector<16xf32>
        %mul3A_1106 = arith.constant 5.000000e-01 : f32
        %mul3A_1107 = vector.broadcast %mul3A_1106 : f32 to vector<16xf32>
        %mul3A_1108 = arith.mulf %mul3A_1107, %gather3A_1009 : vector<16xf32>
        %add3A_1109 = arith.addf %div3A_1105, %mul3A_1108 : vector<16xf32>
        %div3A_1110 = arith.constant 7.000000e+00 : f32
        %div3A_1111 = vector.broadcast %div3A_1110 : f32 to vector<16xf32>
        %div3A_1112 = arith.divf %sub3A_1102, %div3A_1111 : vector<16xf32>
        %mul3A_1113 = arith.constant 5.000000e-01 : f32
        %mul3A_1114 = vector.broadcast %mul3A_1113 : f32 to vector<16xf32>
        %mul3A_1115 = arith.mulf %mul3A_1114, %gather3A_1013 : vector<16xf32>
        %add3A_1116 = arith.addf %div3A_1112, %mul3A_1115 : vector<16xf32>
        %sub3A_1117 = arith.subf %add3A_1109, %sub3A_1095 : vector<16xf32>
        %sub3A_1118 = arith.subf %add3A_1116, %sub3A_1102 : vector<16xf32>
        %mul3A_1119 = arith.mulf %sub3A_1117, %sub3A_1118 : vector<16xf32>
        %min3A = arith.minimumf %add3A_1053, %add3A_1109 : vector<16xf32>
        %max3A = arith.maximumf %sub3A_1039, %sub3A_1095 : vector<16xf32>
        %sub3A_1120 = arith.subf %min3A, %max3A : vector<16xf32>
        %max3A_1121 = arith.constant 0.000000e+00 : f32
        %max3A_1122 = vector.broadcast %max3A_1121 : f32 to vector<16xf32>
        %max3A_1123 = arith.maximumf %sub3A_1120, %max3A_1122 : vector<16xf32>
        %min3A_1124 = arith.minimumf %add3A_1060, %add3A_1116 : vector<16xf32>
        %max3A_1125 = arith.maximumf %sub3A_1046, %sub3A_1102 : vector<16xf32>
        %sub3A_1126 = arith.subf %min3A_1124, %max3A_1125 : vector<16xf32>
        %max3A_1127 = arith.constant 0.000000e+00 : f32
        %max3A_1128 = vector.broadcast %max3A_1127 : f32 to vector<16xf32>
        %max3A_1129 = arith.maximumf %sub3A_1126, %max3A_1128 : vector<16xf32>
        %mul3A_1130 = arith.mulf %max3A_1123, %max3A_1129 : vector<16xf32>
        %sub3A_1131 = arith.subf %add3A_1053, %sub3A_1039 : vector<16xf32>
        %sub3A_1132 = arith.subf %add3A_1060, %sub3A_1046 : vector<16xf32>
        %mul3A_1133 = arith.mulf %sub3A_1131, %sub3A_1132 : vector<16xf32>
        %add3A_1134 = arith.addf %mul3A_1133, %mul3A_1119 : vector<16xf32>
        %sub3A_1135 = arith.subf %add3A_1134, %mul3A_1130 : vector<16xf32>
        %div3A_1136 = arith.divf %mul3A_1130, %sub3A_1135 : vector<16xf32>
        %min3A_1137 = arith.minimumf %add3A_1081, %add3A_1109 : vector<16xf32>
        %max3A_1138 = arith.maximumf %sub3A_1067, %sub3A_1095 : vector<16xf32>
        %sub3A_1139 = arith.subf %min3A_1137, %max3A_1138 : vector<16xf32>
        %max3A_1140 = arith.constant 0.000000e+00 : f32
        %max3A_1141 = vector.broadcast %max3A_1140 : f32 to vector<16xf32>
        %max3A_1142 = arith.maximumf %sub3A_1139, %max3A_1141 : vector<16xf32>
        %min3A_1143 = arith.minimumf %add3A_1088, %add3A_1116 : vector<16xf32>
        %max3A_1144 = arith.maximumf %sub3A_1074, %sub3A_1102 : vector<16xf32>
        %sub3A_1145 = arith.subf %min3A_1143, %max3A_1144 : vector<16xf32>
        %max3A_1146 = arith.constant 0.000000e+00 : f32
        %max3A_1147 = vector.broadcast %max3A_1146 : f32 to vector<16xf32>
        %max3A_1148 = arith.maximumf %sub3A_1145, %max3A_1147 : vector<16xf32>
        %mul3A_1149 = arith.mulf %max3A_1142, %max3A_1148 : vector<16xf32>
        %sub3A_1150 = arith.subf %add3A_1081, %sub3A_1067 : vector<16xf32>
        %sub3A_1151 = arith.subf %add3A_1088, %sub3A_1074 : vector<16xf32>
        %mul3A_1152 = arith.mulf %sub3A_1150, %sub3A_1151 : vector<16xf32>
        %add3A_1153 = arith.addf %mul3A_1152, %mul3A_1119 : vector<16xf32>
        %sub3A_1154 = arith.subf %add3A_1153, %mul3A_1149 : vector<16xf32>
        %div3A_1155 = arith.divf %mul3A_1149, %sub3A_1154 : vector<16xf32>
        %gt3A_1156 = arith.cmpf ogt, %div3A_1155, %div3A_1136 : vector<16xf32>
        %select_n3A = arith.select %gt3A_1156, %div3A_1155, %div3A_1136 : vector<16xi1>, vector<16xf32>
        %select_n3A_1157 = arith.select %gt3A_1156, %sub3A_1067, %sub3A_1039 : vector<16xi1>, vector<16xf32>
        %select_n3A_1158 = arith.select %gt3A_1156, %gather3A_1017, %sub3A_1095 : vector<16xi1>, vector<16xf32>
        %sub3A_1159 = arith.subf %select_n3A_1157, %select_n3A_1158 : vector<16xf32>
        %select_n3A_1160 = arith.select %gt3A_1156, %sub3A_1074, %sub3A_1046 : vector<16xi1>, vector<16xf32>
        %select_n3A_1161 = arith.select %gt3A_1156, %gather3A_1021, %sub3A_1102 : vector<16xi1>, vector<16xf32>
        %sub3A_1162 = arith.subf %select_n3A_1160, %select_n3A_1161 : vector<16xf32>
        %select_n3A_1163 = arith.select %gt3A_1156, %add3A_1081, %add3A_1053 : vector<16xi1>, vector<16xf32>
        %select_n3A_1164 = arith.select %gt3A_1156, %gather3A_1025, %add3A_1109 : vector<16xi1>, vector<16xf32>
        %sub3A_1165 = arith.subf %select_n3A_1163, %select_n3A_1164 : vector<16xf32>
        %select_n3A_1166 = arith.select %gt3A_1156, %add3A_1088, %add3A_1060 : vector<16xi1>, vector<16xf32>
        %select_n3A_1167 = arith.select %gt3A_1156, %gather3A_1029, %add3A_1116 : vector<16xi1>, vector<16xf32>
        %sub3A_1168 = arith.subf %select_n3A_1166, %select_n3A_1167 : vector<16xf32>
        %select_n3A_1169 = arith.select %gt3A_1156, %gather3A_997, %gather3A_977 : vector<16xi1>, vector<16xf32>
        %mul3A_1170 = arith.mulf %sub3A_1159, %sub3A_1159 : vector<16xf32>
        %mul3A_1171 = arith.mulf %sub3A_1162, %sub3A_1162 : vector<16xf32>
        %add3A_1172 = arith.addf %mul3A_1170, %mul3A_1171 : vector<16xf32>
        %mul3A_1173 = arith.mulf %sub3A_1165, %sub3A_1165 : vector<16xf32>
        %add3A_1174 = arith.addf %add3A_1172, %mul3A_1173 : vector<16xf32>
        %mul3A_1175 = arith.mulf %sub3A_1168, %sub3A_1168 : vector<16xf32>
        %add3A_1176 = arith.addf %add3A_1174, %mul3A_1175 : vector<16xf32>
        %sub3A_1177 = arith.subf %select_n3A_1169, %select_n3A : vector<16xf32>
        %sub3A_1178 = arith.subf %gather3A_977, %gather3A : vector<16xf32>
        %sub3A_1179 = arith.subf %gather3A_997, %gather3A_1033 : vector<16xf32>
        %mul3A_1180 = arith.mulf %sub3A_1178, %sub3A_1178 : vector<16xf32>
        %mul3A_1181 = arith.mulf %sub3A_1179, %sub3A_1179 : vector<16xf32>
        %add3A_1182 = arith.addf %mul3A_1180, %mul3A_1181 : vector<16xf32>
        %mul3A_1183 = arith.constant 5.000000e+00 : f32
        %mul3A_1184 = vector.broadcast %mul3A_1183 : f32 to vector<16xf32>
        %mul3A_1185 = arith.mulf %mul3A_1184, %add3A_1176 : vector<16xf32>
        %add3A_1186 = arith.addf %add3A_957, %mul3A_1185 : vector<16xf32>
        %mul3A_1187 = arith.mulf %sub3A_1177, %sub3A_1177 : vector<16xf32>
        %add3A_1188 = arith.addf %add3A_1186, %mul3A_1187 : vector<16xf32>
        %mul3A_1189 = arith.mulf %convert_element_type3A_78, %add3A_1188 : vector<16xf32>
        %sub3A_1190 = arith.constant 1.000000e+00 : f32
        %sub3A_1191 = vector.broadcast %sub3A_1190 : f32 to vector<16xf32>
        %sub3A_1192 = arith.subf %sub3A_1191, %convert_element_type3A_78 : vector<16xf32>
        %mul3A_1193 = arith.constant 5.000000e-01 : f32
        %mul3A_1194 = vector.broadcast %mul3A_1193 : f32 to vector<16xf32>
        %mul3A_1195 = arith.mulf %mul3A_1194, %sub3A_1192 : vector<16xf32>
        %mul3A_1196 = arith.mulf %mul3A_1195, %add3A_1182 : vector<16xf32>
        %add3A_1197 = arith.addf %mul3A_1189, %mul3A_1196 : vector<16xf32>
        %add3A_1198 = arith.addf %scan3A_67, %add3A_1197 : vector<16xf32>
        scf.yield %add3A_1198 : vector<16xf32>
      }
      %scan3A_49 = arith.constant 14 : i32
      %lt3A = arith.constant 13 : i32
      %lt3A_50 = arith.cmpi slt, %scan3A_20, %lt3A : i32
      %convert_element_type3A = arith.extui %lt3A_50 : i1 to i32
      %cond3A = arith.constant 0 : i32
      %cond3A_51 = arith.cmpi ne, %convert_element_type3A, %cond3A : i32
      scf.if %cond3A_51 {
        %mul3A_66 = arith.constant 2 : i32
        %mul3A_67 = arith.muli %mul3A_66, %scan3A_20 : i32
        %add3A_68 = arith.constant 2 : i32
        %add3A_69 = arith.addi %mul3A_67, %add3A_68 : i32
        %mul3A_70 = arith.constant 6272 : i32
        %mul3A_71 = arith.muli %add3A, %mul3A_70 : i32
        %mul3A_72 = arith.constant 224 : i32
        %mul3A_73 = arith.muli %add3A_69, %mul3A_72 : i32
        %add3A_74 = arith.addi %mul3A_71, %mul3A_73 : i32
        %mul3A_75 = arith.constant 90 : i32
        %mul3A_76 = arith.muli %add3A_74, %mul3A_75 : i32
        %dma_start3A_77 = tpu.memref_slice %arg2[%mul3A_76] : memref<18063360xf32, #tpu.memory_space<hbm>> -> memref<20160xf32, #tpu.memory_space<hbm>>
        %dma_start3A_78 = tpu.memref_slice %arg2[%mul3A_76] : memref<18063360xf32, #tpu.memory_space<hbm>> -> memref<20160xf32, #tpu.memory_space<hbm>>
        tpu.enqueue_dma source(%dma_start3A_78 : memref<20160xf32, #tpu.memory_space<hbm>>) target(%arg5 : memref<20160xf32, #tpu.memory_space<vmem>>) target_semaphore(%arg10 : memref<!tpu.dma_semaphore, #tpu.memory_space<semaphore_mem>>)
        %dma_start3A_79 = tpu.memref_slice %arg3[%mul3A_76] : memref<18063360xf32, #tpu.memory_space<hbm>> -> memref<20160xf32, #tpu.memory_space<hbm>>
        %dma_start3A_80 = tpu.memref_slice %arg3[%mul3A_76] : memref<18063360xf32, #tpu.memory_space<hbm>> -> memref<20160xf32, #tpu.memory_space<hbm>>
        tpu.enqueue_dma source(%dma_start3A_80 : memref<20160xf32, #tpu.memory_space<hbm>>) target(%arg6 : memref<20160xf32, #tpu.memory_space<vmem>>) target_semaphore(%arg10 : memref<!tpu.dma_semaphore, #tpu.memory_space<semaphore_mem>>)
      } else {
      }
      %dma_wait3A_52 = arith.constant 0 : i32
      %dma_wait3A_53 = tpu.memref_slice %arg2[%dma_wait3A_52] : memref<18063360xf32, #tpu.memory_space<hbm>> -> memref<20160xf32, #tpu.memory_space<hbm>>
      %dma_wait3A_54 = arith.constant 0 : i32
      %dma_wait3A_55 = tpu.memref_slice %arg2[%dma_wait3A_54] : memref<18063360xf32, #tpu.memory_space<hbm>> -> memref<20160xf32, #tpu.memory_space<hbm>>
      tpu.wait_dma2 semaphore(%arg11 : memref<!tpu.dma_semaphore, #tpu.memory_space<semaphore_mem>>) src(%dma_wait3A_55 : memref<20160xf32, #tpu.memory_space<hbm>>) dst(%arg7 : memref<20160xf32, #tpu.memory_space<vmem>>)
      %dma_wait3A_56 = arith.constant 0 : i32
      %dma_wait3A_57 = tpu.memref_slice %arg3[%dma_wait3A_56] : memref<18063360xf32, #tpu.memory_space<hbm>> -> memref<20160xf32, #tpu.memory_space<hbm>>
      %dma_wait3A_58 = arith.constant 0 : i32
      %dma_wait3A_59 = tpu.memref_slice %arg3[%dma_wait3A_58] : memref<18063360xf32, #tpu.memory_space<hbm>> -> memref<20160xf32, #tpu.memory_space<hbm>>
      tpu.wait_dma2 semaphore(%arg11 : memref<!tpu.dma_semaphore, #tpu.memory_space<semaphore_mem>>) src(%dma_wait3A_59 : memref<20160xf32, #tpu.memory_space<hbm>>) dst(%arg8 : memref<20160xf32, #tpu.memory_space<vmem>>)
      %scan3A_60 = arith.constant 0 : i32
      %scan3A_61 = arith.constant 14 : i32
      %scan3A_62 = arith.addi %scan3A_60, %scan3A_61 : i32
      %scan3A_63 = arith.constant 1 : i32
      %scan3A_64 = scf.for %scan3A_66 = %scan3A_60 to %scan3A_62 step %scan3A_63 iter_args(%scan3A_67 = %scan3A_48) -> (vector<16xf32>)  : i32 {
        %mul3A_68 = arith.constant 1440 : i32
        %mul3A_69 = arith.muli %scan3A_66, %mul3A_68 : i32
        %add3A_70 = vector.broadcast %mul3A_69 : i32 to vector<16xi32>
        %add3A_71 = arith.addi %add3A_70, %mul3A_3 : vector<16xi32>
        %add3A_72 = arith.constant 4 : i32
        %add3A_73 = vector.broadcast %add3A_72 : i32 to vector<16xi32>
        %add3A_74 = arith.addi %add3A_71, %add3A_73 : vector<16xi32>
        %gather3A = tpu.vector_load_idx %arg8[%add3A_74] : memref<20160xf32, #tpu.memory_space<vmem>>[vector<16xi32>], vector<16xf32>,
        %gt3A = arith.constant 0.000000e+00 : f32
        %gt3A_75 = vector.broadcast %gt3A : f32 to vector<16xf32>
        %gt3A_76 = arith.cmpf ogt, %gather3A, %gt3A_75 : vector<16xf32>
        %convert_element_type3A_77 = arith.extui %gt3A_76 : vector<16xi1> to vector<16xi32>
        %convert_element_type3A_78 = arith.sitofp %convert_element_type3A_77 : vector<16xi32> to vector<16xf32>
        %add3A_79 = arith.constant 10 : i32
        %add3A_80 = vector.broadcast %add3A_79 : i32 to vector<16xi32>
        %add3A_81 = arith.addi %add3A_71, %add3A_80 : vector<16xi32>
        %gather3A_82 = tpu.vector_load_idx %arg7[%add3A_81] : memref<20160xf32, #tpu.memory_space<vmem>>[vector<16xi32>], vector<16xf32>,
        %add3A_83 = arith.constant 10 : i32
        %add3A_84 = vector.broadcast %add3A_83 : i32 to vector<16xi32>
        %add3A_85 = arith.addi %add3A_71, %add3A_84 : vector<16xi32>
        %gather3A_86 = tpu.vector_load_idx %arg8[%add3A_85] : memref<20160xf32, #tpu.memory_space<vmem>>[vector<16xi32>], vector<16xf32>,
        %sub3A = arith.subf %gather3A_82, %gather3A_86 : vector<16xf32>
        %mul3A_87 = arith.mulf %sub3A, %sub3A : vector<16xf32>
        %add3A_88 = arith.addf %broadcast_in_dim3A_4, %mul3A_87 : vector<16xf32>
        %add3A_89 = arith.constant 11 : i32
        %add3A_90 = vector.broadcast %add3A_89 : i32 to vector<16xi32>
        %add3A_91 = arith.addi %add3A_71, %add3A_90 : vector<16xi32>
        %gather3A_92 = tpu.vector_load_idx %arg7[%add3A_91] : memref<20160xf32, #tpu.memory_space<vmem>>[vector<16xi32>], vector<16xf32>,
        %add3A_93 = arith.constant 11 : i32
        %add3A_94 = vector.broadcast %add3A_93 : i32 to vector<16xi32>
        %add3A_95 = arith.addi %add3A_71, %add3A_94 : vector<16xi32>
        %gather3A_96 = tpu.vector_load_idx %arg8[%add3A_95] : memref<20160xf32, #tpu.memory_space<vmem>>[vector<16xi32>], vector<16xf32>,
        %sub3A_97 = arith.subf %gather3A_92, %gather3A_96 : vector<16xf32>
        %mul3A_98 = arith.mulf %sub3A_97, %sub3A_97 : vector<16xf32>
        %add3A_99 = arith.addf %add3A_88, %mul3A_98 : vector<16xf32>
        %add3A_100 = arith.constant 12 : i32
        %add3A_101 = vector.broadcast %add3A_100 : i32 to vector<16xi32>
        %add3A_102 = arith.addi %add3A_71, %add3A_101 : vector<16xi32>
        %gather3A_103 = tpu.vector_load_idx %arg7[%add3A_102] : memref<20160xf32, #tpu.memory_space<vmem>>[vector<16xi32>], vector<16xf32>,
        %add3A_104 = arith.constant 12 : i32
        %add3A_105 = vector.broadcast %add3A_104 : i32 to vector<16xi32>
        %add3A_106 = arith.addi %add3A_71, %add3A_105 : vector<16xi32>
        %gather3A_107 = tpu.vector_load_idx %arg8[%add3A_106] : memref<20160xf32, #tpu.memory_space<vmem>>[vector<16xi32>], vector<16xf32>,
        %sub3A_108 = arith.subf %gather3A_103, %gather3A_107 : vector<16xf32>
        %mul3A_109 = arith.mulf %sub3A_108, %sub3A_108 : vector<16xf32>
        %add3A_110 = arith.addf %add3A_99, %mul3A_109 : vector<16xf32>
        %add3A_111 = arith.constant 13 : i32
        %add3A_112 = vector.broadcast %add3A_111 : i32 to vector<16xi32>
        %add3A_113 = arith.addi %add3A_71, %add3A_112 : vector<16xi32>
        %gather3A_114 = tpu.vector_load_idx %arg7[%add3A_113] : memref<20160xf32, #tpu.memory_space<vmem>>[vector<16xi32>], vector<16xf32>,
        %add3A_115 = arith.constant 13 : i32
        %add3A_116 = vector.broadcast %add3A_115 : i32 to vector<16xi32>
        %add3A_117 = arith.addi %add3A_71, %add3A_116 : vector<16xi32>
        %gather3A_118 = tpu.vector_load_idx %arg8[%add3A_117] : memref<20160xf32, #tpu.memory_space<vmem>>[vector<16xi32>], vector<16xf32>,
        %sub3A_119 = arith.subf %gather3A_114, %gather3A_118 : vector<16xf32>
        %mul3A_120 = arith.mulf %sub3A_119, %sub3A_119 : vector<16xf32>
        %add3A_121 = arith.addf %add3A_110, %mul3A_120 : vector<16xf32>
        %add3A_122 = arith.constant 14 : i32
        %add3A_123 = vector.broadcast %add3A_122 : i32 to vector<16xi32>
        %add3A_124 = arith.addi %add3A_71, %add3A_123 : vector<16xi32>
        %gather3A_125 = tpu.vector_load_idx %arg7[%add3A_124] : memref<20160xf32, #tpu.memory_space<vmem>>[vector<16xi32>], vector<16xf32>,
        %add3A_126 = arith.constant 14 : i32
        %add3A_127 = vector.broadcast %add3A_126 : i32 to vector<16xi32>
        %add3A_128 = arith.addi %add3A_71, %add3A_127 : vector<16xi32>
        %gather3A_129 = tpu.vector_load_idx %arg8[%add3A_128] : memref<20160xf32, #tpu.memory_space<vmem>>[vector<16xi32>], vector<16xf32>,
        %sub3A_130 = arith.subf %gather3A_125, %gather3A_129 : vector<16xf32>
        %mul3A_131 = arith.mulf %sub3A_130, %sub3A_130 : vector<16xf32>
        %add3A_132 = arith.addf %add3A_121, %mul3A_131 : vector<16xf32>
        %add3A_133 = arith.constant 15 : i32
        %add3A_134 = vector.broadcast %add3A_133 : i32 to vector<16xi32>
        %add3A_135 = arith.addi %add3A_71, %add3A_134 : vector<16xi32>
        %gather3A_136 = tpu.vector_load_idx %arg7[%add3A_135] : memref<20160xf32, #tpu.memory_space<vmem>>[vector<16xi32>], vector<16xf32>,
        %add3A_137 = arith.constant 15 : i32
        %add3A_138 = vector.broadcast %add3A_137 : i32 to vector<16xi32>
        %add3A_139 = arith.addi %add3A_71, %add3A_138 : vector<16xi32>
        %gather3A_140 = tpu.vector_load_idx %arg8[%add3A_139] : memref<20160xf32, #tpu.memory_space<vmem>>[vector<16xi32>], vector<16xf32>,
        %sub3A_141 = arith.subf %gather3A_136, %gather3A_140 : vector<16xf32>
        %mul3A_142 = arith.mulf %sub3A_141, %sub3A_141 : vector<16xf32>
        %add3A_143 = arith.addf %add3A_132, %mul3A_142 : vector<16xf32>
        %add3A_144 = arith.constant 16 : i32
        %add3A_145 = vector.broadcast %add3A_144 : i32 to vector<16xi32>
        %add3A_146 = arith.addi %add3A_71, %add3A_145 : vector<16xi32>
        %gather3A_147 = tpu.vector_load_idx %arg7[%add3A_146] : memref<20160xf32, #tpu.memory_space<vmem>>[vector<16xi32>], vector<16xf32>,
        %add3A_148 = arith.constant 16 : i32
        %add3A_149 = vector.broadcast %add3A_148 : i32 to vector<16xi32>
        %add3A_150 = arith.addi %add3A_71, %add3A_149 : vector<16xi32>
        %gather3A_151 = tpu.vector_load_idx %arg8[%add3A_150] : memref<20160xf32, #tpu.memory_space<vmem>>[vector<16xi32>], vector<16xf32>,
        %sub3A_152 = arith.subf %gather3A_147, %gather3A_151 : vector<16xf32>
        %mul3A_153 = arith.mulf %sub3A_152, %sub3A_152 : vector<16xf32>
        %add3A_154 = arith.addf %add3A_143, %mul3A_153 : vector<16xf32>
        %add3A_155 = arith.constant 17 : i32
        %add3A_156 = vector.broadcast %add3A_155 : i32 to vector<16xi32>
        %add3A_157 = arith.addi %add3A_71, %add3A_156 : vector<16xi32>
        %gather3A_158 = tpu.vector_load_idx %arg7[%add3A_157] : memref<20160xf32, #tpu.memory_space<vmem>>[vector<16xi32>], vector<16xf32>,
        %add3A_159 = arith.constant 17 : i32
        %add3A_160 = vector.broadcast %add3A_159 : i32 to vector<16xi32>
        %add3A_161 = arith.addi %add3A_71, %add3A_160 : vector<16xi32>
        %gather3A_162 = tpu.vector_load_idx %arg8[%add3A_161] : memref<20160xf32, #tpu.memory_space<vmem>>[vector<16xi32>], vector<16xf32>,
        %sub3A_163 = arith.subf %gather3A_158, %gather3A_162 : vector<16xf32>
        %mul3A_164 = arith.mulf %sub3A_163, %sub3A_163 : vector<16xf32>
        %add3A_165 = arith.addf %add3A_154, %mul3A_164 : vector<16xf32>
        %add3A_166 = arith.constant 18 : i32
        %add3A_167 = vector.broadcast %add3A_166 : i32 to vector<16xi32>
        %add3A_168 = arith.addi %add3A_71, %add3A_167 : vector<16xi32>
        %gather3A_169 = tpu.vector_load_idx %arg7[%add3A_168] : memref<20160xf32, #tpu.memory_space<vmem>>[vector<16xi32>], vector<16xf32>,
        %add3A_170 = arith.constant 18 : i32
        %add3A_171 = vector.broadcast %add3A_170 : i32 to vector<16xi32>
        %add3A_172 = arith.addi %add3A_71, %add3A_171 : vector<16xi32>
        %gather3A_173 = tpu.vector_load_idx %arg8[%add3A_172] : memref<20160xf32, #tpu.memory_space<vmem>>[vector<16xi32>], vector<16xf32>,
        %sub3A_174 = arith.subf %gather3A_169, %gather3A_173 : vector<16xf32>
        %mul3A_175 = arith.mulf %sub3A_174, %sub3A_174 : vector<16xf32>
        %add3A_176 = arith.addf %add3A_165, %mul3A_175 : vector<16xf32>
        %add3A_177 = arith.constant 19 : i32
        %add3A_178 = vector.broadcast %add3A_177 : i32 to vector<16xi32>
        %add3A_179 = arith.addi %add3A_71, %add3A_178 : vector<16xi32>
        %gather3A_180 = tpu.vector_load_idx %arg7[%add3A_179] : memref<20160xf32, #tpu.memory_space<vmem>>[vector<16xi32>], vector<16xf32>,
        %add3A_181 = arith.constant 19 : i32
        %add3A_182 = vector.broadcast %add3A_181 : i32 to vector<16xi32>
        %add3A_183 = arith.addi %add3A_71, %add3A_182 : vector<16xi32>
        %gather3A_184 = tpu.vector_load_idx %arg8[%add3A_183] : memref<20160xf32, #tpu.memory_space<vmem>>[vector<16xi32>], vector<16xf32>,
        %sub3A_185 = arith.subf %gather3A_180, %gather3A_184 : vector<16xf32>
        %mul3A_186 = arith.mulf %sub3A_185, %sub3A_185 : vector<16xf32>
        %add3A_187 = arith.addf %add3A_176, %mul3A_186 : vector<16xf32>
        %add3A_188 = arith.constant 20 : i32
        %add3A_189 = vector.broadcast %add3A_188 : i32 to vector<16xi32>
        %add3A_190 = arith.addi %add3A_71, %add3A_189 : vector<16xi32>
        %gather3A_191 = tpu.vector_load_idx %arg7[%add3A_190] : memref<20160xf32, #tpu.memory_space<vmem>>[vector<16xi32>], vector<16xf32>,
        %add3A_192 = arith.constant 20 : i32
        %add3A_193 = vector.broadcast %add3A_192 : i32 to vector<16xi32>
        %add3A_194 = arith.addi %add3A_71, %add3A_193 : vector<16xi32>
        %gather3A_195 = tpu.vector_load_idx %arg8[%add3A_194] : memref<20160xf32, #tpu.memory_space<vmem>>[vector<16xi32>], vector<16xf32>,
        %sub3A_196 = arith.subf %gather3A_191, %gather3A_195 : vector<16xf32>
        %mul3A_197 = arith.mulf %sub3A_196, %sub3A_196 : vector<16xf32>
        %add3A_198 = arith.addf %add3A_187, %mul3A_197 : vector<16xf32>
        %add3A_199 = arith.constant 21 : i32
        %add3A_200 = vector.broadcast %add3A_199 : i32 to vector<16xi32>
        %add3A_201 = arith.addi %add3A_71, %add3A_200 : vector<16xi32>
        %gather3A_202 = tpu.vector_load_idx %arg7[%add3A_201] : memref<20160xf32, #tpu.memory_space<vmem>>[vector<16xi32>], vector<16xf32>,
        %add3A_203 = arith.constant 21 : i32
        %add3A_204 = vector.broadcast %add3A_203 : i32 to vector<16xi32>
        %add3A_205 = arith.addi %add3A_71, %add3A_204 : vector<16xi32>
        %gather3A_206 = tpu.vector_load_idx %arg8[%add3A_205] : memref<20160xf32, #tpu.memory_space<vmem>>[vector<16xi32>], vector<16xf32>,
        %sub3A_207 = arith.subf %gather3A_202, %gather3A_206 : vector<16xf32>
        %mul3A_208 = arith.mulf %sub3A_207, %sub3A_207 : vector<16xf32>
        %add3A_209 = arith.addf %add3A_198, %mul3A_208 : vector<16xf32>
        %add3A_210 = arith.constant 22 : i32
        %add3A_211 = vector.broadcast %add3A_210 : i32 to vector<16xi32>
        %add3A_212 = arith.addi %add3A_71, %add3A_211 : vector<16xi32>
        %gather3A_213 = tpu.vector_load_idx %arg7[%add3A_212] : memref<20160xf32, #tpu.memory_space<vmem>>[vector<16xi32>], vector<16xf32>,
        %add3A_214 = arith.constant 22 : i32
        %add3A_215 = vector.broadcast %add3A_214 : i32 to vector<16xi32>
        %add3A_216 = arith.addi %add3A_71, %add3A_215 : vector<16xi32>
        %gather3A_217 = tpu.vector_load_idx %arg8[%add3A_216] : memref<20160xf32, #tpu.memory_space<vmem>>[vector<16xi32>], vector<16xf32>,
        %sub3A_218 = arith.subf %gather3A_213, %gather3A_217 : vector<16xf32>
        %mul3A_219 = arith.mulf %sub3A_218, %sub3A_218 : vector<16xf32>
        %add3A_220 = arith.addf %add3A_209, %mul3A_219 : vector<16xf32>
        %add3A_221 = arith.constant 23 : i32
        %add3A_222 = vector.broadcast %add3A_221 : i32 to vector<16xi32>
        %add3A_223 = arith.addi %add3A_71, %add3A_222 : vector<16xi32>
        %gather3A_224 = tpu.vector_load_idx %arg7[%add3A_223] : memref<20160xf32, #tpu.memory_space<vmem>>[vector<16xi32>], vector<16xf32>,
        %add3A_225 = arith.constant 23 : i32
        %add3A_226 = vector.broadcast %add3A_225 : i32 to vector<16xi32>
        %add3A_227 = arith.addi %add3A_71, %add3A_226 : vector<16xi32>
        %gather3A_228 = tpu.vector_load_idx %arg8[%add3A_227] : memref<20160xf32, #tpu.memory_space<vmem>>[vector<16xi32>], vector<16xf32>,
        %sub3A_229 = arith.subf %gather3A_224, %gather3A_228 : vector<16xf32>
        %mul3A_230 = arith.mulf %sub3A_229, %sub3A_229 : vector<16xf32>
        %add3A_231 = arith.addf %add3A_220, %mul3A_230 : vector<16xf32>
        %add3A_232 = arith.constant 24 : i32
        %add3A_233 = vector.broadcast %add3A_232 : i32 to vector<16xi32>
        %add3A_234 = arith.addi %add3A_71, %add3A_233 : vector<16xi32>
        %gather3A_235 = tpu.vector_load_idx %arg7[%add3A_234] : memref<20160xf32, #tpu.memory_space<vmem>>[vector<16xi32>], vector<16xf32>,
        %add3A_236 = arith.constant 24 : i32
        %add3A_237 = vector.broadcast %add3A_236 : i32 to vector<16xi32>
        %add3A_238 = arith.addi %add3A_71, %add3A_237 : vector<16xi32>
        %gather3A_239 = tpu.vector_load_idx %arg8[%add3A_238] : memref<20160xf32, #tpu.memory_space<vmem>>[vector<16xi32>], vector<16xf32>,
        %sub3A_240 = arith.subf %gather3A_235, %gather3A_239 : vector<16xf32>
        %mul3A_241 = arith.mulf %sub3A_240, %sub3A_240 : vector<16xf32>
        %add3A_242 = arith.addf %add3A_231, %mul3A_241 : vector<16xf32>
        %add3A_243 = arith.constant 25 : i32
        %add3A_244 = vector.broadcast %add3A_243 : i32 to vector<16xi32>
        %add3A_245 = arith.addi %add3A_71, %add3A_244 : vector<16xi32>
        %gather3A_246 = tpu.vector_load_idx %arg7[%add3A_245] : memref<20160xf32, #tpu.memory_space<vmem>>[vector<16xi32>], vector<16xf32>,
        %add3A_247 = arith.constant 25 : i32
        %add3A_248 = vector.broadcast %add3A_247 : i32 to vector<16xi32>
        %add3A_249 = arith.addi %add3A_71, %add3A_248 : vector<16xi32>
        %gather3A_250 = tpu.vector_load_idx %arg8[%add3A_249] : memref<20160xf32, #tpu.memory_space<vmem>>[vector<16xi32>], vector<16xf32>,
        %sub3A_251 = arith.subf %gather3A_246, %gather3A_250 : vector<16xf32>
        %mul3A_252 = arith.mulf %sub3A_251, %sub3A_251 : vector<16xf32>
        %add3A_253 = arith.addf %add3A_242, %mul3A_252 : vector<16xf32>
        %add3A_254 = arith.constant 26 : i32
        %add3A_255 = vector.broadcast %add3A_254 : i32 to vector<16xi32>
        %add3A_256 = arith.addi %add3A_71, %add3A_255 : vector<16xi32>
        %gather3A_257 = tpu.vector_load_idx %arg7[%add3A_256] : memref<20160xf32, #tpu.memory_space<vmem>>[vector<16xi32>], vector<16xf32>,
        %add3A_258 = arith.constant 26 : i32
        %add3A_259 = vector.broadcast %add3A_258 : i32 to vector<16xi32>
        %add3A_260 = arith.addi %add3A_71, %add3A_259 : vector<16xi32>
        %gather3A_261 = tpu.vector_load_idx %arg8[%add3A_260] : memref<20160xf32, #tpu.memory_space<vmem>>[vector<16xi32>], vector<16xf32>,
        %sub3A_262 = arith.subf %gather3A_257, %gather3A_261 : vector<16xf32>
        %mul3A_263 = arith.mulf %sub3A_262, %sub3A_262 : vector<16xf32>
        %add3A_264 = arith.addf %add3A_253, %mul3A_263 : vector<16xf32>
        %add3A_265 = arith.constant 27 : i32
        %add3A_266 = vector.broadcast %add3A_265 : i32 to vector<16xi32>
        %add3A_267 = arith.addi %add3A_71, %add3A_266 : vector<16xi32>
        %gather3A_268 = tpu.vector_load_idx %arg7[%add3A_267] : memref<20160xf32, #tpu.memory_space<vmem>>[vector<16xi32>], vector<16xf32>,
        %add3A_269 = arith.constant 27 : i32
        %add3A_270 = vector.broadcast %add3A_269 : i32 to vector<16xi32>
        %add3A_271 = arith.addi %add3A_71, %add3A_270 : vector<16xi32>
        %gather3A_272 = tpu.vector_load_idx %arg8[%add3A_271] : memref<20160xf32, #tpu.memory_space<vmem>>[vector<16xi32>], vector<16xf32>,
        %sub3A_273 = arith.subf %gather3A_268, %gather3A_272 : vector<16xf32>
        %mul3A_274 = arith.mulf %sub3A_273, %sub3A_273 : vector<16xf32>
        %add3A_275 = arith.addf %add3A_264, %mul3A_274 : vector<16xf32>
        %add3A_276 = arith.constant 28 : i32
        %add3A_277 = vector.broadcast %add3A_276 : i32 to vector<16xi32>
        %add3A_278 = arith.addi %add3A_71, %add3A_277 : vector<16xi32>
        %gather3A_279 = tpu.vector_load_idx %arg7[%add3A_278] : memref<20160xf32, #tpu.memory_space<vmem>>[vector<16xi32>], vector<16xf32>,
        %add3A_280 = arith.constant 28 : i32
        %add3A_281 = vector.broadcast %add3A_280 : i32 to vector<16xi32>
        %add3A_282 = arith.addi %add3A_71, %add3A_281 : vector<16xi32>
        %gather3A_283 = tpu.vector_load_idx %arg8[%add3A_282] : memref<20160xf32, #tpu.memory_space<vmem>>[vector<16xi32>], vector<16xf32>,
        %sub3A_284 = arith.subf %gather3A_279, %gather3A_283 : vector<16xf32>
        %mul3A_285 = arith.mulf %sub3A_284, %sub3A_284 : vector<16xf32>
        %add3A_286 = arith.addf %add3A_275, %mul3A_285 : vector<16xf32>
        %add3A_287 = arith.constant 29 : i32
        %add3A_288 = vector.broadcast %add3A_287 : i32 to vector<16xi32>
        %add3A_289 = arith.addi %add3A_71, %add3A_288 : vector<16xi32>
        %gather3A_290 = tpu.vector_load_idx %arg7[%add3A_289] : memref<20160xf32, #tpu.memory_space<vmem>>[vector<16xi32>], vector<16xf32>,
        %add3A_291 = arith.constant 29 : i32
        %add3A_292 = vector.broadcast %add3A_291 : i32 to vector<16xi32>
        %add3A_293 = arith.addi %add3A_71, %add3A_292 : vector<16xi32>
        %gather3A_294 = tpu.vector_load_idx %arg8[%add3A_293] : memref<20160xf32, #tpu.memory_space<vmem>>[vector<16xi32>], vector<16xf32>,
        %sub3A_295 = arith.subf %gather3A_290, %gather3A_294 : vector<16xf32>
        %mul3A_296 = arith.mulf %sub3A_295, %sub3A_295 : vector<16xf32>
        %add3A_297 = arith.addf %add3A_286, %mul3A_296 : vector<16xf32>
        %add3A_298 = arith.constant 30 : i32
        %add3A_299 = vector.broadcast %add3A_298 : i32 to vector<16xi32>
        %add3A_300 = arith.addi %add3A_71, %add3A_299 : vector<16xi32>
        %gather3A_301 = tpu.vector_load_idx %arg7[%add3A_300] : memref<20160xf32, #tpu.memory_space<vmem>>[vector<16xi32>], vector<16xf32>,
        %add3A_302 = arith.constant 30 : i32
        %add3A_303 = vector.broadcast %add3A_302 : i32 to vector<16xi32>
        %add3A_304 = arith.addi %add3A_71, %add3A_303 : vector<16xi32>
        %gather3A_305 = tpu.vector_load_idx %arg8[%add3A_304] : memref<20160xf32, #tpu.memory_space<vmem>>[vector<16xi32>], vector<16xf32>,
        %sub3A_306 = arith.subf %gather3A_301, %gather3A_305 : vector<16xf32>
        %mul3A_307 = arith.mulf %sub3A_306, %sub3A_306 : vector<16xf32>
        %add3A_308 = arith.addf %add3A_297, %mul3A_307 : vector<16xf32>
        %add3A_309 = arith.constant 31 : i32
        %add3A_310 = vector.broadcast %add3A_309 : i32 to vector<16xi32>
        %add3A_311 = arith.addi %add3A_71, %add3A_310 : vector<16xi32>
        %gather3A_312 = tpu.vector_load_idx %arg7[%add3A_311] : memref<20160xf32, #tpu.memory_space<vmem>>[vector<16xi32>], vector<16xf32>,
        %add3A_313 = arith.constant 31 : i32
        %add3A_314 = vector.broadcast %add3A_313 : i32 to vector<16xi32>
        %add3A_315 = arith.addi %add3A_71, %add3A_314 : vector<16xi32>
        %gather3A_316 = tpu.vector_load_idx %arg8[%add3A_315] : memref<20160xf32, #tpu.memory_space<vmem>>[vector<16xi32>], vector<16xf32>,
        %sub3A_317 = arith.subf %gather3A_312, %gather3A_316 : vector<16xf32>
        %mul3A_318 = arith.mulf %sub3A_317, %sub3A_317 : vector<16xf32>
        %add3A_319 = arith.addf %add3A_308, %mul3A_318 : vector<16xf32>
        %add3A_320 = arith.constant 32 : i32
        %add3A_321 = vector.broadcast %add3A_320 : i32 to vector<16xi32>
        %add3A_322 = arith.addi %add3A_71, %add3A_321 : vector<16xi32>
        %gather3A_323 = tpu.vector_load_idx %arg7[%add3A_322] : memref<20160xf32, #tpu.memory_space<vmem>>[vector<16xi32>], vector<16xf32>,
        %add3A_324 = arith.constant 32 : i32
        %add3A_325 = vector.broadcast %add3A_324 : i32 to vector<16xi32>
        %add3A_326 = arith.addi %add3A_71, %add3A_325 : vector<16xi32>
        %gather3A_327 = tpu.vector_load_idx %arg8[%add3A_326] : memref<20160xf32, #tpu.memory_space<vmem>>[vector<16xi32>], vector<16xf32>,
        %sub3A_328 = arith.subf %gather3A_323, %gather3A_327 : vector<16xf32>
        %mul3A_329 = arith.mulf %sub3A_328, %sub3A_328 : vector<16xf32>
        %add3A_330 = arith.addf %add3A_319, %mul3A_329 : vector<16xf32>
        %add3A_331 = arith.constant 33 : i32
        %add3A_332 = vector.broadcast %add3A_331 : i32 to vector<16xi32>
        %add3A_333 = arith.addi %add3A_71, %add3A_332 : vector<16xi32>
        %gather3A_334 = tpu.vector_load_idx %arg7[%add3A_333] : memref<20160xf32, #tpu.memory_space<vmem>>[vector<16xi32>], vector<16xf32>,
        %add3A_335 = arith.constant 33 : i32
        %add3A_336 = vector.broadcast %add3A_335 : i32 to vector<16xi32>
        %add3A_337 = arith.addi %add3A_71, %add3A_336 : vector<16xi32>
        %gather3A_338 = tpu.vector_load_idx %arg8[%add3A_337] : memref<20160xf32, #tpu.memory_space<vmem>>[vector<16xi32>], vector<16xf32>,
        %sub3A_339 = arith.subf %gather3A_334, %gather3A_338 : vector<16xf32>
        %mul3A_340 = arith.mulf %sub3A_339, %sub3A_339 : vector<16xf32>
        %add3A_341 = arith.addf %add3A_330, %mul3A_340 : vector<16xf32>
        %add3A_342 = arith.constant 34 : i32
        %add3A_343 = vector.broadcast %add3A_342 : i32 to vector<16xi32>
        %add3A_344 = arith.addi %add3A_71, %add3A_343 : vector<16xi32>
        %gather3A_345 = tpu.vector_load_idx %arg7[%add3A_344] : memref<20160xf32, #tpu.memory_space<vmem>>[vector<16xi32>], vector<16xf32>,
        %add3A_346 = arith.constant 34 : i32
        %add3A_347 = vector.broadcast %add3A_346 : i32 to vector<16xi32>
        %add3A_348 = arith.addi %add3A_71, %add3A_347 : vector<16xi32>
        %gather3A_349 = tpu.vector_load_idx %arg8[%add3A_348] : memref<20160xf32, #tpu.memory_space<vmem>>[vector<16xi32>], vector<16xf32>,
        %sub3A_350 = arith.subf %gather3A_345, %gather3A_349 : vector<16xf32>
        %mul3A_351 = arith.mulf %sub3A_350, %sub3A_350 : vector<16xf32>
        %add3A_352 = arith.addf %add3A_341, %mul3A_351 : vector<16xf32>
        %add3A_353 = arith.constant 35 : i32
        %add3A_354 = vector.broadcast %add3A_353 : i32 to vector<16xi32>
        %add3A_355 = arith.addi %add3A_71, %add3A_354 : vector<16xi32>
        %gather3A_356 = tpu.vector_load_idx %arg7[%add3A_355] : memref<20160xf32, #tpu.memory_space<vmem>>[vector<16xi32>], vector<16xf32>,
        %add3A_357 = arith.constant 35 : i32
        %add3A_358 = vector.broadcast %add3A_357 : i32 to vector<16xi32>
        %add3A_359 = arith.addi %add3A_71, %add3A_358 : vector<16xi32>
        %gather3A_360 = tpu.vector_load_idx %arg8[%add3A_359] : memref<20160xf32, #tpu.memory_space<vmem>>[vector<16xi32>], vector<16xf32>,
        %sub3A_361 = arith.subf %gather3A_356, %gather3A_360 : vector<16xf32>
        %mul3A_362 = arith.mulf %sub3A_361, %sub3A_361 : vector<16xf32>
        %add3A_363 = arith.addf %add3A_352, %mul3A_362 : vector<16xf32>
        %add3A_364 = arith.constant 36 : i32
        %add3A_365 = vector.broadcast %add3A_364 : i32 to vector<16xi32>
        %add3A_366 = arith.addi %add3A_71, %add3A_365 : vector<16xi32>
        %gather3A_367 = tpu.vector_load_idx %arg7[%add3A_366] : memref<20160xf32, #tpu.memory_space<vmem>>[vector<16xi32>], vector<16xf32>,
        %add3A_368 = arith.constant 36 : i32
        %add3A_369 = vector.broadcast %add3A_368 : i32 to vector<16xi32>
        %add3A_370 = arith.addi %add3A_71, %add3A_369 : vector<16xi32>
        %gather3A_371 = tpu.vector_load_idx %arg8[%add3A_370] : memref<20160xf32, #tpu.memory_space<vmem>>[vector<16xi32>], vector<16xf32>,
        %sub3A_372 = arith.subf %gather3A_367, %gather3A_371 : vector<16xf32>
        %mul3A_373 = arith.mulf %sub3A_372, %sub3A_372 : vector<16xf32>
        %add3A_374 = arith.addf %add3A_363, %mul3A_373 : vector<16xf32>
        %add3A_375 = arith.constant 37 : i32
        %add3A_376 = vector.broadcast %add3A_375 : i32 to vector<16xi32>
        %add3A_377 = arith.addi %add3A_71, %add3A_376 : vector<16xi32>
        %gather3A_378 = tpu.vector_load_idx %arg7[%add3A_377] : memref<20160xf32, #tpu.memory_space<vmem>>[vector<16xi32>], vector<16xf32>,
        %add3A_379 = arith.constant 37 : i32
        %add3A_380 = vector.broadcast %add3A_379 : i32 to vector<16xi32>
        %add3A_381 = arith.addi %add3A_71, %add3A_380 : vector<16xi32>
        %gather3A_382 = tpu.vector_load_idx %arg8[%add3A_381] : memref<20160xf32, #tpu.memory_space<vmem>>[vector<16xi32>], vector<16xf32>,
        %sub3A_383 = arith.subf %gather3A_378, %gather3A_382 : vector<16xf32>
        %mul3A_384 = arith.mulf %sub3A_383, %sub3A_383 : vector<16xf32>
        %add3A_385 = arith.addf %add3A_374, %mul3A_384 : vector<16xf32>
        %add3A_386 = arith.constant 38 : i32
        %add3A_387 = vector.broadcast %add3A_386 : i32 to vector<16xi32>
        %add3A_388 = arith.addi %add3A_71, %add3A_387 : vector<16xi32>
        %gather3A_389 = tpu.vector_load_idx %arg7[%add3A_388] : memref<20160xf32, #tpu.memory_space<vmem>>[vector<16xi32>], vector<16xf32>,
        %add3A_390 = arith.constant 38 : i32
        %add3A_391 = vector.broadcast %add3A_390 : i32 to vector<16xi32>
        %add3A_392 = arith.addi %add3A_71, %add3A_391 : vector<16xi32>
        %gather3A_393 = tpu.vector_load_idx %arg8[%add3A_392] : memref<20160xf32, #tpu.memory_space<vmem>>[vector<16xi32>], vector<16xf32>,
        %sub3A_394 = arith.subf %gather3A_389, %gather3A_393 : vector<16xf32>
        %mul3A_395 = arith.mulf %sub3A_394, %sub3A_394 : vector<16xf32>
        %add3A_396 = arith.addf %add3A_385, %mul3A_395 : vector<16xf32>
        %add3A_397 = arith.constant 39 : i32
        %add3A_398 = vector.broadcast %add3A_397 : i32 to vector<16xi32>
        %add3A_399 = arith.addi %add3A_71, %add3A_398 : vector<16xi32>
        %gather3A_400 = tpu.vector_load_idx %arg7[%add3A_399] : memref<20160xf32, #tpu.memory_space<vmem>>[vector<16xi32>], vector<16xf32>,
        %add3A_401 = arith.constant 39 : i32
        %add3A_402 = vector.broadcast %add3A_401 : i32 to vector<16xi32>
        %add3A_403 = arith.addi %add3A_71, %add3A_402 : vector<16xi32>
        %gather3A_404 = tpu.vector_load_idx %arg8[%add3A_403] : memref<20160xf32, #tpu.memory_space<vmem>>[vector<16xi32>], vector<16xf32>,
        %sub3A_405 = arith.subf %gather3A_400, %gather3A_404 : vector<16xf32>
        %mul3A_406 = arith.mulf %sub3A_405, %sub3A_405 : vector<16xf32>
        %add3A_407 = arith.addf %add3A_396, %mul3A_406 : vector<16xf32>
        %add3A_408 = arith.constant 40 : i32
        %add3A_409 = vector.broadcast %add3A_408 : i32 to vector<16xi32>
        %add3A_410 = arith.addi %add3A_71, %add3A_409 : vector<16xi32>
        %gather3A_411 = tpu.vector_load_idx %arg7[%add3A_410] : memref<20160xf32, #tpu.memory_space<vmem>>[vector<16xi32>], vector<16xf32>,
        %add3A_412 = arith.constant 40 : i32
        %add3A_413 = vector.broadcast %add3A_412 : i32 to vector<16xi32>
        %add3A_414 = arith.addi %add3A_71, %add3A_413 : vector<16xi32>
        %gather3A_415 = tpu.vector_load_idx %arg8[%add3A_414] : memref<20160xf32, #tpu.memory_space<vmem>>[vector<16xi32>], vector<16xf32>,
        %sub3A_416 = arith.subf %gather3A_411, %gather3A_415 : vector<16xf32>
        %mul3A_417 = arith.mulf %sub3A_416, %sub3A_416 : vector<16xf32>
        %add3A_418 = arith.addf %add3A_407, %mul3A_417 : vector<16xf32>
        %add3A_419 = arith.constant 41 : i32
        %add3A_420 = vector.broadcast %add3A_419 : i32 to vector<16xi32>
        %add3A_421 = arith.addi %add3A_71, %add3A_420 : vector<16xi32>
        %gather3A_422 = tpu.vector_load_idx %arg7[%add3A_421] : memref<20160xf32, #tpu.memory_space<vmem>>[vector<16xi32>], vector<16xf32>,
        %add3A_423 = arith.constant 41 : i32
        %add3A_424 = vector.broadcast %add3A_423 : i32 to vector<16xi32>
        %add3A_425 = arith.addi %add3A_71, %add3A_424 : vector<16xi32>
        %gather3A_426 = tpu.vector_load_idx %arg8[%add3A_425] : memref<20160xf32, #tpu.memory_space<vmem>>[vector<16xi32>], vector<16xf32>,
        %sub3A_427 = arith.subf %gather3A_422, %gather3A_426 : vector<16xf32>
        %mul3A_428 = arith.mulf %sub3A_427, %sub3A_427 : vector<16xf32>
        %add3A_429 = arith.addf %add3A_418, %mul3A_428 : vector<16xf32>
        %add3A_430 = arith.constant 42 : i32
        %add3A_431 = vector.broadcast %add3A_430 : i32 to vector<16xi32>
        %add3A_432 = arith.addi %add3A_71, %add3A_431 : vector<16xi32>
        %gather3A_433 = tpu.vector_load_idx %arg7[%add3A_432] : memref<20160xf32, #tpu.memory_space<vmem>>[vector<16xi32>], vector<16xf32>,
        %add3A_434 = arith.constant 42 : i32
        %add3A_435 = vector.broadcast %add3A_434 : i32 to vector<16xi32>
        %add3A_436 = arith.addi %add3A_71, %add3A_435 : vector<16xi32>
        %gather3A_437 = tpu.vector_load_idx %arg8[%add3A_436] : memref<20160xf32, #tpu.memory_space<vmem>>[vector<16xi32>], vector<16xf32>,
        %sub3A_438 = arith.subf %gather3A_433, %gather3A_437 : vector<16xf32>
        %mul3A_439 = arith.mulf %sub3A_438, %sub3A_438 : vector<16xf32>
        %add3A_440 = arith.addf %add3A_429, %mul3A_439 : vector<16xf32>
        %add3A_441 = arith.constant 43 : i32
        %add3A_442 = vector.broadcast %add3A_441 : i32 to vector<16xi32>
        %add3A_443 = arith.addi %add3A_71, %add3A_442 : vector<16xi32>
        %gather3A_444 = tpu.vector_load_idx %arg7[%add3A_443] : memref<20160xf32, #tpu.memory_space<vmem>>[vector<16xi32>], vector<16xf32>,
        %add3A_445 = arith.constant 43 : i32
        %add3A_446 = vector.broadcast %add3A_445 : i32 to vector<16xi32>
        %add3A_447 = arith.addi %add3A_71, %add3A_446 : vector<16xi32>
        %gather3A_448 = tpu.vector_load_idx %arg8[%add3A_447] : memref<20160xf32, #tpu.memory_space<vmem>>[vector<16xi32>], vector<16xf32>,
        %sub3A_449 = arith.subf %gather3A_444, %gather3A_448 : vector<16xf32>
        %mul3A_450 = arith.mulf %sub3A_449, %sub3A_449 : vector<16xf32>
        %add3A_451 = arith.addf %add3A_440, %mul3A_450 : vector<16xf32>
        %add3A_452 = arith.constant 44 : i32
        %add3A_453 = vector.broadcast %add3A_452 : i32 to vector<16xi32>
        %add3A_454 = arith.addi %add3A_71, %add3A_453 : vector<16xi32>
        %gather3A_455 = tpu.vector_load_idx %arg7[%add3A_454] : memref<20160xf32, #tpu.memory_space<vmem>>[vector<16xi32>], vector<16xf32>,
        %add3A_456 = arith.constant 44 : i32
        %add3A_457 = vector.broadcast %add3A_456 : i32 to vector<16xi32>
        %add3A_458 = arith.addi %add3A_71, %add3A_457 : vector<16xi32>
        %gather3A_459 = tpu.vector_load_idx %arg8[%add3A_458] : memref<20160xf32, #tpu.memory_space<vmem>>[vector<16xi32>], vector<16xf32>,
        %sub3A_460 = arith.subf %gather3A_455, %gather3A_459 : vector<16xf32>
        %mul3A_461 = arith.mulf %sub3A_460, %sub3A_460 : vector<16xf32>
        %add3A_462 = arith.addf %add3A_451, %mul3A_461 : vector<16xf32>
        %add3A_463 = arith.constant 45 : i32
        %add3A_464 = vector.broadcast %add3A_463 : i32 to vector<16xi32>
        %add3A_465 = arith.addi %add3A_71, %add3A_464 : vector<16xi32>
        %gather3A_466 = tpu.vector_load_idx %arg7[%add3A_465] : memref<20160xf32, #tpu.memory_space<vmem>>[vector<16xi32>], vector<16xf32>,
        %add3A_467 = arith.constant 45 : i32
        %add3A_468 = vector.broadcast %add3A_467 : i32 to vector<16xi32>
        %add3A_469 = arith.addi %add3A_71, %add3A_468 : vector<16xi32>
        %gather3A_470 = tpu.vector_load_idx %arg8[%add3A_469] : memref<20160xf32, #tpu.memory_space<vmem>>[vector<16xi32>], vector<16xf32>,
        %sub3A_471 = arith.subf %gather3A_466, %gather3A_470 : vector<16xf32>
        %mul3A_472 = arith.mulf %sub3A_471, %sub3A_471 : vector<16xf32>
        %add3A_473 = arith.addf %add3A_462, %mul3A_472 : vector<16xf32>
        %add3A_474 = arith.constant 46 : i32
        %add3A_475 = vector.broadcast %add3A_474 : i32 to vector<16xi32>
        %add3A_476 = arith.addi %add3A_71, %add3A_475 : vector<16xi32>
        %gather3A_477 = tpu.vector_load_idx %arg7[%add3A_476] : memref<20160xf32, #tpu.memory_space<vmem>>[vector<16xi32>], vector<16xf32>,
        %add3A_478 = arith.constant 46 : i32
        %add3A_479 = vector.broadcast %add3A_478 : i32 to vector<16xi32>
        %add3A_480 = arith.addi %add3A_71, %add3A_479 : vector<16xi32>
        %gather3A_481 = tpu.vector_load_idx %arg8[%add3A_480] : memref<20160xf32, #tpu.memory_space<vmem>>[vector<16xi32>], vector<16xf32>,
        %sub3A_482 = arith.subf %gather3A_477, %gather3A_481 : vector<16xf32>
        %mul3A_483 = arith.mulf %sub3A_482, %sub3A_482 : vector<16xf32>
        %add3A_484 = arith.addf %add3A_473, %mul3A_483 : vector<16xf32>
        %add3A_485 = arith.constant 47 : i32
        %add3A_486 = vector.broadcast %add3A_485 : i32 to vector<16xi32>
        %add3A_487 = arith.addi %add3A_71, %add3A_486 : vector<16xi32>
        %gather3A_488 = tpu.vector_load_idx %arg7[%add3A_487] : memref<20160xf32, #tpu.memory_space<vmem>>[vector<16xi32>], vector<16xf32>,
        %add3A_489 = arith.constant 47 : i32
        %add3A_490 = vector.broadcast %add3A_489 : i32 to vector<16xi32>
        %add3A_491 = arith.addi %add3A_71, %add3A_490 : vector<16xi32>
        %gather3A_492 = tpu.vector_load_idx %arg8[%add3A_491] : memref<20160xf32, #tpu.memory_space<vmem>>[vector<16xi32>], vector<16xf32>,
        %sub3A_493 = arith.subf %gather3A_488, %gather3A_492 : vector<16xf32>
        %mul3A_494 = arith.mulf %sub3A_493, %sub3A_493 : vector<16xf32>
        %add3A_495 = arith.addf %add3A_484, %mul3A_494 : vector<16xf32>
        %add3A_496 = arith.constant 48 : i32
        %add3A_497 = vector.broadcast %add3A_496 : i32 to vector<16xi32>
        %add3A_498 = arith.addi %add3A_71, %add3A_497 : vector<16xi32>
        %gather3A_499 = tpu.vector_load_idx %arg7[%add3A_498] : memref<20160xf32, #tpu.memory_space<vmem>>[vector<16xi32>], vector<16xf32>,
        %add3A_500 = arith.constant 48 : i32
        %add3A_501 = vector.broadcast %add3A_500 : i32 to vector<16xi32>
        %add3A_502 = arith.addi %add3A_71, %add3A_501 : vector<16xi32>
        %gather3A_503 = tpu.vector_load_idx %arg8[%add3A_502] : memref<20160xf32, #tpu.memory_space<vmem>>[vector<16xi32>], vector<16xf32>,
        %sub3A_504 = arith.subf %gather3A_499, %gather3A_503 : vector<16xf32>
        %mul3A_505 = arith.mulf %sub3A_504, %sub3A_504 : vector<16xf32>
        %add3A_506 = arith.addf %add3A_495, %mul3A_505 : vector<16xf32>
        %add3A_507 = arith.constant 49 : i32
        %add3A_508 = vector.broadcast %add3A_507 : i32 to vector<16xi32>
        %add3A_509 = arith.addi %add3A_71, %add3A_508 : vector<16xi32>
        %gather3A_510 = tpu.vector_load_idx %arg7[%add3A_509] : memref<20160xf32, #tpu.memory_space<vmem>>[vector<16xi32>], vector<16xf32>,
        %add3A_511 = arith.constant 49 : i32
        %add3A_512 = vector.broadcast %add3A_511 : i32 to vector<16xi32>
        %add3A_513 = arith.addi %add3A_71, %add3A_512 : vector<16xi32>
        %gather3A_514 = tpu.vector_load_idx %arg8[%add3A_513] : memref<20160xf32, #tpu.memory_space<vmem>>[vector<16xi32>], vector<16xf32>,
        %sub3A_515 = arith.subf %gather3A_510, %gather3A_514 : vector<16xf32>
        %mul3A_516 = arith.mulf %sub3A_515, %sub3A_515 : vector<16xf32>
        %add3A_517 = arith.addf %add3A_506, %mul3A_516 : vector<16xf32>
        %add3A_518 = arith.constant 50 : i32
        %add3A_519 = vector.broadcast %add3A_518 : i32 to vector<16xi32>
        %add3A_520 = arith.addi %add3A_71, %add3A_519 : vector<16xi32>
        %gather3A_521 = tpu.vector_load_idx %arg7[%add3A_520] : memref<20160xf32, #tpu.memory_space<vmem>>[vector<16xi32>], vector<16xf32>,
        %add3A_522 = arith.constant 50 : i32
        %add3A_523 = vector.broadcast %add3A_522 : i32 to vector<16xi32>
        %add3A_524 = arith.addi %add3A_71, %add3A_523 : vector<16xi32>
        %gather3A_525 = tpu.vector_load_idx %arg8[%add3A_524] : memref<20160xf32, #tpu.memory_space<vmem>>[vector<16xi32>], vector<16xf32>,
        %sub3A_526 = arith.subf %gather3A_521, %gather3A_525 : vector<16xf32>
        %mul3A_527 = arith.mulf %sub3A_526, %sub3A_526 : vector<16xf32>
        %add3A_528 = arith.addf %add3A_517, %mul3A_527 : vector<16xf32>
        %add3A_529 = arith.constant 51 : i32
        %add3A_530 = vector.broadcast %add3A_529 : i32 to vector<16xi32>
        %add3A_531 = arith.addi %add3A_71, %add3A_530 : vector<16xi32>
        %gather3A_532 = tpu.vector_load_idx %arg7[%add3A_531] : memref<20160xf32, #tpu.memory_space<vmem>>[vector<16xi32>], vector<16xf32>,
        %add3A_533 = arith.constant 51 : i32
        %add3A_534 = vector.broadcast %add3A_533 : i32 to vector<16xi32>
        %add3A_535 = arith.addi %add3A_71, %add3A_534 : vector<16xi32>
        %gather3A_536 = tpu.vector_load_idx %arg8[%add3A_535] : memref<20160xf32, #tpu.memory_space<vmem>>[vector<16xi32>], vector<16xf32>,
        %sub3A_537 = arith.subf %gather3A_532, %gather3A_536 : vector<16xf32>
        %mul3A_538 = arith.mulf %sub3A_537, %sub3A_537 : vector<16xf32>
        %add3A_539 = arith.addf %add3A_528, %mul3A_538 : vector<16xf32>
        %add3A_540 = arith.constant 52 : i32
        %add3A_541 = vector.broadcast %add3A_540 : i32 to vector<16xi32>
        %add3A_542 = arith.addi %add3A_71, %add3A_541 : vector<16xi32>
        %gather3A_543 = tpu.vector_load_idx %arg7[%add3A_542] : memref<20160xf32, #tpu.memory_space<vmem>>[vector<16xi32>], vector<16xf32>,
        %add3A_544 = arith.constant 52 : i32
        %add3A_545 = vector.broadcast %add3A_544 : i32 to vector<16xi32>
        %add3A_546 = arith.addi %add3A_71, %add3A_545 : vector<16xi32>
        %gather3A_547 = tpu.vector_load_idx %arg8[%add3A_546] : memref<20160xf32, #tpu.memory_space<vmem>>[vector<16xi32>], vector<16xf32>,
        %sub3A_548 = arith.subf %gather3A_543, %gather3A_547 : vector<16xf32>
        %mul3A_549 = arith.mulf %sub3A_548, %sub3A_548 : vector<16xf32>
        %add3A_550 = arith.addf %add3A_539, %mul3A_549 : vector<16xf32>
        %add3A_551 = arith.constant 53 : i32
        %add3A_552 = vector.broadcast %add3A_551 : i32 to vector<16xi32>
        %add3A_553 = arith.addi %add3A_71, %add3A_552 : vector<16xi32>
        %gather3A_554 = tpu.vector_load_idx %arg7[%add3A_553] : memref<20160xf32, #tpu.memory_space<vmem>>[vector<16xi32>], vector<16xf32>,
        %add3A_555 = arith.constant 53 : i32
        %add3A_556 = vector.broadcast %add3A_555 : i32 to vector<16xi32>
        %add3A_557 = arith.addi %add3A_71, %add3A_556 : vector<16xi32>
        %gather3A_558 = tpu.vector_load_idx %arg8[%add3A_557] : memref<20160xf32, #tpu.memory_space<vmem>>[vector<16xi32>], vector<16xf32>,
        %sub3A_559 = arith.subf %gather3A_554, %gather3A_558 : vector<16xf32>
        %mul3A_560 = arith.mulf %sub3A_559, %sub3A_559 : vector<16xf32>
        %add3A_561 = arith.addf %add3A_550, %mul3A_560 : vector<16xf32>
        %add3A_562 = arith.constant 54 : i32
        %add3A_563 = vector.broadcast %add3A_562 : i32 to vector<16xi32>
        %add3A_564 = arith.addi %add3A_71, %add3A_563 : vector<16xi32>
        %gather3A_565 = tpu.vector_load_idx %arg7[%add3A_564] : memref<20160xf32, #tpu.memory_space<vmem>>[vector<16xi32>], vector<16xf32>,
        %add3A_566 = arith.constant 54 : i32
        %add3A_567 = vector.broadcast %add3A_566 : i32 to vector<16xi32>
        %add3A_568 = arith.addi %add3A_71, %add3A_567 : vector<16xi32>
        %gather3A_569 = tpu.vector_load_idx %arg8[%add3A_568] : memref<20160xf32, #tpu.memory_space<vmem>>[vector<16xi32>], vector<16xf32>,
        %sub3A_570 = arith.subf %gather3A_565, %gather3A_569 : vector<16xf32>
        %mul3A_571 = arith.mulf %sub3A_570, %sub3A_570 : vector<16xf32>
        %add3A_572 = arith.addf %add3A_561, %mul3A_571 : vector<16xf32>
        %add3A_573 = arith.constant 55 : i32
        %add3A_574 = vector.broadcast %add3A_573 : i32 to vector<16xi32>
        %add3A_575 = arith.addi %add3A_71, %add3A_574 : vector<16xi32>
        %gather3A_576 = tpu.vector_load_idx %arg7[%add3A_575] : memref<20160xf32, #tpu.memory_space<vmem>>[vector<16xi32>], vector<16xf32>,
        %add3A_577 = arith.constant 55 : i32
        %add3A_578 = vector.broadcast %add3A_577 : i32 to vector<16xi32>
        %add3A_579 = arith.addi %add3A_71, %add3A_578 : vector<16xi32>
        %gather3A_580 = tpu.vector_load_idx %arg8[%add3A_579] : memref<20160xf32, #tpu.memory_space<vmem>>[vector<16xi32>], vector<16xf32>,
        %sub3A_581 = arith.subf %gather3A_576, %gather3A_580 : vector<16xf32>
        %mul3A_582 = arith.mulf %sub3A_581, %sub3A_581 : vector<16xf32>
        %add3A_583 = arith.addf %add3A_572, %mul3A_582 : vector<16xf32>
        %add3A_584 = arith.constant 56 : i32
        %add3A_585 = vector.broadcast %add3A_584 : i32 to vector<16xi32>
        %add3A_586 = arith.addi %add3A_71, %add3A_585 : vector<16xi32>
        %gather3A_587 = tpu.vector_load_idx %arg7[%add3A_586] : memref<20160xf32, #tpu.memory_space<vmem>>[vector<16xi32>], vector<16xf32>,
        %add3A_588 = arith.constant 56 : i32
        %add3A_589 = vector.broadcast %add3A_588 : i32 to vector<16xi32>
        %add3A_590 = arith.addi %add3A_71, %add3A_589 : vector<16xi32>
        %gather3A_591 = tpu.vector_load_idx %arg8[%add3A_590] : memref<20160xf32, #tpu.memory_space<vmem>>[vector<16xi32>], vector<16xf32>,
        %sub3A_592 = arith.subf %gather3A_587, %gather3A_591 : vector<16xf32>
        %mul3A_593 = arith.mulf %sub3A_592, %sub3A_592 : vector<16xf32>
        %add3A_594 = arith.addf %add3A_583, %mul3A_593 : vector<16xf32>
        %add3A_595 = arith.constant 57 : i32
        %add3A_596 = vector.broadcast %add3A_595 : i32 to vector<16xi32>
        %add3A_597 = arith.addi %add3A_71, %add3A_596 : vector<16xi32>
        %gather3A_598 = tpu.vector_load_idx %arg7[%add3A_597] : memref<20160xf32, #tpu.memory_space<vmem>>[vector<16xi32>], vector<16xf32>,
        %add3A_599 = arith.constant 57 : i32
        %add3A_600 = vector.broadcast %add3A_599 : i32 to vector<16xi32>
        %add3A_601 = arith.addi %add3A_71, %add3A_600 : vector<16xi32>
        %gather3A_602 = tpu.vector_load_idx %arg8[%add3A_601] : memref<20160xf32, #tpu.memory_space<vmem>>[vector<16xi32>], vector<16xf32>,
        %sub3A_603 = arith.subf %gather3A_598, %gather3A_602 : vector<16xf32>
        %mul3A_604 = arith.mulf %sub3A_603, %sub3A_603 : vector<16xf32>
        %add3A_605 = arith.addf %add3A_594, %mul3A_604 : vector<16xf32>
        %add3A_606 = arith.constant 58 : i32
        %add3A_607 = vector.broadcast %add3A_606 : i32 to vector<16xi32>
        %add3A_608 = arith.addi %add3A_71, %add3A_607 : vector<16xi32>
        %gather3A_609 = tpu.vector_load_idx %arg7[%add3A_608] : memref<20160xf32, #tpu.memory_space<vmem>>[vector<16xi32>], vector<16xf32>,
        %add3A_610 = arith.constant 58 : i32
        %add3A_611 = vector.broadcast %add3A_610 : i32 to vector<16xi32>
        %add3A_612 = arith.addi %add3A_71, %add3A_611 : vector<16xi32>
        %gather3A_613 = tpu.vector_load_idx %arg8[%add3A_612] : memref<20160xf32, #tpu.memory_space<vmem>>[vector<16xi32>], vector<16xf32>,
        %sub3A_614 = arith.subf %gather3A_609, %gather3A_613 : vector<16xf32>
        %mul3A_615 = arith.mulf %sub3A_614, %sub3A_614 : vector<16xf32>
        %add3A_616 = arith.addf %add3A_605, %mul3A_615 : vector<16xf32>
        %add3A_617 = arith.constant 59 : i32
        %add3A_618 = vector.broadcast %add3A_617 : i32 to vector<16xi32>
        %add3A_619 = arith.addi %add3A_71, %add3A_618 : vector<16xi32>
        %gather3A_620 = tpu.vector_load_idx %arg7[%add3A_619] : memref<20160xf32, #tpu.memory_space<vmem>>[vector<16xi32>], vector<16xf32>,
        %add3A_621 = arith.constant 59 : i32
        %add3A_622 = vector.broadcast %add3A_621 : i32 to vector<16xi32>
        %add3A_623 = arith.addi %add3A_71, %add3A_622 : vector<16xi32>
        %gather3A_624 = tpu.vector_load_idx %arg8[%add3A_623] : memref<20160xf32, #tpu.memory_space<vmem>>[vector<16xi32>], vector<16xf32>,
        %sub3A_625 = arith.subf %gather3A_620, %gather3A_624 : vector<16xf32>
        %mul3A_626 = arith.mulf %sub3A_625, %sub3A_625 : vector<16xf32>
        %add3A_627 = arith.addf %add3A_616, %mul3A_626 : vector<16xf32>
        %add3A_628 = arith.constant 60 : i32
        %add3A_629 = vector.broadcast %add3A_628 : i32 to vector<16xi32>
        %add3A_630 = arith.addi %add3A_71, %add3A_629 : vector<16xi32>
        %gather3A_631 = tpu.vector_load_idx %arg7[%add3A_630] : memref<20160xf32, #tpu.memory_space<vmem>>[vector<16xi32>], vector<16xf32>,
        %add3A_632 = arith.constant 60 : i32
        %add3A_633 = vector.broadcast %add3A_632 : i32 to vector<16xi32>
        %add3A_634 = arith.addi %add3A_71, %add3A_633 : vector<16xi32>
        %gather3A_635 = tpu.vector_load_idx %arg8[%add3A_634] : memref<20160xf32, #tpu.memory_space<vmem>>[vector<16xi32>], vector<16xf32>,
        %sub3A_636 = arith.subf %gather3A_631, %gather3A_635 : vector<16xf32>
        %mul3A_637 = arith.mulf %sub3A_636, %sub3A_636 : vector<16xf32>
        %add3A_638 = arith.addf %add3A_627, %mul3A_637 : vector<16xf32>
        %add3A_639 = arith.constant 61 : i32
        %add3A_640 = vector.broadcast %add3A_639 : i32 to vector<16xi32>
        %add3A_641 = arith.addi %add3A_71, %add3A_640 : vector<16xi32>
        %gather3A_642 = tpu.vector_load_idx %arg7[%add3A_641] : memref<20160xf32, #tpu.memory_space<vmem>>[vector<16xi32>], vector<16xf32>,
        %add3A_643 = arith.constant 61 : i32
        %add3A_644 = vector.broadcast %add3A_643 : i32 to vector<16xi32>
        %add3A_645 = arith.addi %add3A_71, %add3A_644 : vector<16xi32>
        %gather3A_646 = tpu.vector_load_idx %arg8[%add3A_645] : memref<20160xf32, #tpu.memory_space<vmem>>[vector<16xi32>], vector<16xf32>,
        %sub3A_647 = arith.subf %gather3A_642, %gather3A_646 : vector<16xf32>
        %mul3A_648 = arith.mulf %sub3A_647, %sub3A_647 : vector<16xf32>
        %add3A_649 = arith.addf %add3A_638, %mul3A_648 : vector<16xf32>
        %add3A_650 = arith.constant 62 : i32
        %add3A_651 = vector.broadcast %add3A_650 : i32 to vector<16xi32>
        %add3A_652 = arith.addi %add3A_71, %add3A_651 : vector<16xi32>
        %gather3A_653 = tpu.vector_load_idx %arg7[%add3A_652] : memref<20160xf32, #tpu.memory_space<vmem>>[vector<16xi32>], vector<16xf32>,
        %add3A_654 = arith.constant 62 : i32
        %add3A_655 = vector.broadcast %add3A_654 : i32 to vector<16xi32>
        %add3A_656 = arith.addi %add3A_71, %add3A_655 : vector<16xi32>
        %gather3A_657 = tpu.vector_load_idx %arg8[%add3A_656] : memref<20160xf32, #tpu.memory_space<vmem>>[vector<16xi32>], vector<16xf32>,
        %sub3A_658 = arith.subf %gather3A_653, %gather3A_657 : vector<16xf32>
        %mul3A_659 = arith.mulf %sub3A_658, %sub3A_658 : vector<16xf32>
        %add3A_660 = arith.addf %add3A_649, %mul3A_659 : vector<16xf32>
        %add3A_661 = arith.constant 63 : i32
        %add3A_662 = vector.broadcast %add3A_661 : i32 to vector<16xi32>
        %add3A_663 = arith.addi %add3A_71, %add3A_662 : vector<16xi32>
        %gather3A_664 = tpu.vector_load_idx %arg7[%add3A_663] : memref<20160xf32, #tpu.memory_space<vmem>>[vector<16xi32>], vector<16xf32>,
        %add3A_665 = arith.constant 63 : i32
        %add3A_666 = vector.broadcast %add3A_665 : i32 to vector<16xi32>
        %add3A_667 = arith.addi %add3A_71, %add3A_666 : vector<16xi32>
        %gather3A_668 = tpu.vector_load_idx %arg8[%add3A_667] : memref<20160xf32, #tpu.memory_space<vmem>>[vector<16xi32>], vector<16xf32>,
        %sub3A_669 = arith.subf %gather3A_664, %gather3A_668 : vector<16xf32>
        %mul3A_670 = arith.mulf %sub3A_669, %sub3A_669 : vector<16xf32>
        %add3A_671 = arith.addf %add3A_660, %mul3A_670 : vector<16xf32>
        %add3A_672 = arith.constant 64 : i32
        %add3A_673 = vector.broadcast %add3A_672 : i32 to vector<16xi32>
        %add3A_674 = arith.addi %add3A_71, %add3A_673 : vector<16xi32>
        %gather3A_675 = tpu.vector_load_idx %arg7[%add3A_674] : memref<20160xf32, #tpu.memory_space<vmem>>[vector<16xi32>], vector<16xf32>,
        %add3A_676 = arith.constant 64 : i32
        %add3A_677 = vector.broadcast %add3A_676 : i32 to vector<16xi32>
        %add3A_678 = arith.addi %add3A_71, %add3A_677 : vector<16xi32>
        %gather3A_679 = tpu.vector_load_idx %arg8[%add3A_678] : memref<20160xf32, #tpu.memory_space<vmem>>[vector<16xi32>], vector<16xf32>,
        %sub3A_680 = arith.subf %gather3A_675, %gather3A_679 : vector<16xf32>
        %mul3A_681 = arith.mulf %sub3A_680, %sub3A_680 : vector<16xf32>
        %add3A_682 = arith.addf %add3A_671, %mul3A_681 : vector<16xf32>
        %add3A_683 = arith.constant 65 : i32
        %add3A_684 = vector.broadcast %add3A_683 : i32 to vector<16xi32>
        %add3A_685 = arith.addi %add3A_71, %add3A_684 : vector<16xi32>
        %gather3A_686 = tpu.vector_load_idx %arg7[%add3A_685] : memref<20160xf32, #tpu.memory_space<vmem>>[vector<16xi32>], vector<16xf32>,
        %add3A_687 = arith.constant 65 : i32
        %add3A_688 = vector.broadcast %add3A_687 : i32 to vector<16xi32>
        %add3A_689 = arith.addi %add3A_71, %add3A_688 : vector<16xi32>
        %gather3A_690 = tpu.vector_load_idx %arg8[%add3A_689] : memref<20160xf32, #tpu.memory_space<vmem>>[vector<16xi32>], vector<16xf32>,
        %sub3A_691 = arith.subf %gather3A_686, %gather3A_690 : vector<16xf32>
        %mul3A_692 = arith.mulf %sub3A_691, %sub3A_691 : vector<16xf32>
        %add3A_693 = arith.addf %add3A_682, %mul3A_692 : vector<16xf32>
        %add3A_694 = arith.constant 66 : i32
        %add3A_695 = vector.broadcast %add3A_694 : i32 to vector<16xi32>
        %add3A_696 = arith.addi %add3A_71, %add3A_695 : vector<16xi32>
        %gather3A_697 = tpu.vector_load_idx %arg7[%add3A_696] : memref<20160xf32, #tpu.memory_space<vmem>>[vector<16xi32>], vector<16xf32>,
        %add3A_698 = arith.constant 66 : i32
        %add3A_699 = vector.broadcast %add3A_698 : i32 to vector<16xi32>
        %add3A_700 = arith.addi %add3A_71, %add3A_699 : vector<16xi32>
        %gather3A_701 = tpu.vector_load_idx %arg8[%add3A_700] : memref<20160xf32, #tpu.memory_space<vmem>>[vector<16xi32>], vector<16xf32>,
        %sub3A_702 = arith.subf %gather3A_697, %gather3A_701 : vector<16xf32>
        %mul3A_703 = arith.mulf %sub3A_702, %sub3A_702 : vector<16xf32>
        %add3A_704 = arith.addf %add3A_693, %mul3A_703 : vector<16xf32>
        %add3A_705 = arith.constant 67 : i32
        %add3A_706 = vector.broadcast %add3A_705 : i32 to vector<16xi32>
        %add3A_707 = arith.addi %add3A_71, %add3A_706 : vector<16xi32>
        %gather3A_708 = tpu.vector_load_idx %arg7[%add3A_707] : memref<20160xf32, #tpu.memory_space<vmem>>[vector<16xi32>], vector<16xf32>,
        %add3A_709 = arith.constant 67 : i32
        %add3A_710 = vector.broadcast %add3A_709 : i32 to vector<16xi32>
        %add3A_711 = arith.addi %add3A_71, %add3A_710 : vector<16xi32>
        %gather3A_712 = tpu.vector_load_idx %arg8[%add3A_711] : memref<20160xf32, #tpu.memory_space<vmem>>[vector<16xi32>], vector<16xf32>,
        %sub3A_713 = arith.subf %gather3A_708, %gather3A_712 : vector<16xf32>
        %mul3A_714 = arith.mulf %sub3A_713, %sub3A_713 : vector<16xf32>
        %add3A_715 = arith.addf %add3A_704, %mul3A_714 : vector<16xf32>
        %add3A_716 = arith.constant 68 : i32
        %add3A_717 = vector.broadcast %add3A_716 : i32 to vector<16xi32>
        %add3A_718 = arith.addi %add3A_71, %add3A_717 : vector<16xi32>
        %gather3A_719 = tpu.vector_load_idx %arg7[%add3A_718] : memref<20160xf32, #tpu.memory_space<vmem>>[vector<16xi32>], vector<16xf32>,
        %add3A_720 = arith.constant 68 : i32
        %add3A_721 = vector.broadcast %add3A_720 : i32 to vector<16xi32>
        %add3A_722 = arith.addi %add3A_71, %add3A_721 : vector<16xi32>
        %gather3A_723 = tpu.vector_load_idx %arg8[%add3A_722] : memref<20160xf32, #tpu.memory_space<vmem>>[vector<16xi32>], vector<16xf32>,
        %sub3A_724 = arith.subf %gather3A_719, %gather3A_723 : vector<16xf32>
        %mul3A_725 = arith.mulf %sub3A_724, %sub3A_724 : vector<16xf32>
        %add3A_726 = arith.addf %add3A_715, %mul3A_725 : vector<16xf32>
        %add3A_727 = arith.constant 69 : i32
        %add3A_728 = vector.broadcast %add3A_727 : i32 to vector<16xi32>
        %add3A_729 = arith.addi %add3A_71, %add3A_728 : vector<16xi32>
        %gather3A_730 = tpu.vector_load_idx %arg7[%add3A_729] : memref<20160xf32, #tpu.memory_space<vmem>>[vector<16xi32>], vector<16xf32>,
        %add3A_731 = arith.constant 69 : i32
        %add3A_732 = vector.broadcast %add3A_731 : i32 to vector<16xi32>
        %add3A_733 = arith.addi %add3A_71, %add3A_732 : vector<16xi32>
        %gather3A_734 = tpu.vector_load_idx %arg8[%add3A_733] : memref<20160xf32, #tpu.memory_space<vmem>>[vector<16xi32>], vector<16xf32>,
        %sub3A_735 = arith.subf %gather3A_730, %gather3A_734 : vector<16xf32>
        %mul3A_736 = arith.mulf %sub3A_735, %sub3A_735 : vector<16xf32>
        %add3A_737 = arith.addf %add3A_726, %mul3A_736 : vector<16xf32>
        %add3A_738 = arith.constant 70 : i32
        %add3A_739 = vector.broadcast %add3A_738 : i32 to vector<16xi32>
        %add3A_740 = arith.addi %add3A_71, %add3A_739 : vector<16xi32>
        %gather3A_741 = tpu.vector_load_idx %arg7[%add3A_740] : memref<20160xf32, #tpu.memory_space<vmem>>[vector<16xi32>], vector<16xf32>,
        %add3A_742 = arith.constant 70 : i32
        %add3A_743 = vector.broadcast %add3A_742 : i32 to vector<16xi32>
        %add3A_744 = arith.addi %add3A_71, %add3A_743 : vector<16xi32>
        %gather3A_745 = tpu.vector_load_idx %arg8[%add3A_744] : memref<20160xf32, #tpu.memory_space<vmem>>[vector<16xi32>], vector<16xf32>,
        %sub3A_746 = arith.subf %gather3A_741, %gather3A_745 : vector<16xf32>
        %mul3A_747 = arith.mulf %sub3A_746, %sub3A_746 : vector<16xf32>
        %add3A_748 = arith.addf %add3A_737, %mul3A_747 : vector<16xf32>
        %add3A_749 = arith.constant 71 : i32
        %add3A_750 = vector.broadcast %add3A_749 : i32 to vector<16xi32>
        %add3A_751 = arith.addi %add3A_71, %add3A_750 : vector<16xi32>
        %gather3A_752 = tpu.vector_load_idx %arg7[%add3A_751] : memref<20160xf32, #tpu.memory_space<vmem>>[vector<16xi32>], vector<16xf32>,
        %add3A_753 = arith.constant 71 : i32
        %add3A_754 = vector.broadcast %add3A_753 : i32 to vector<16xi32>
        %add3A_755 = arith.addi %add3A_71, %add3A_754 : vector<16xi32>
        %gather3A_756 = tpu.vector_load_idx %arg8[%add3A_755] : memref<20160xf32, #tpu.memory_space<vmem>>[vector<16xi32>], vector<16xf32>,
        %sub3A_757 = arith.subf %gather3A_752, %gather3A_756 : vector<16xf32>
        %mul3A_758 = arith.mulf %sub3A_757, %sub3A_757 : vector<16xf32>
        %add3A_759 = arith.addf %add3A_748, %mul3A_758 : vector<16xf32>
        %add3A_760 = arith.constant 72 : i32
        %add3A_761 = vector.broadcast %add3A_760 : i32 to vector<16xi32>
        %add3A_762 = arith.addi %add3A_71, %add3A_761 : vector<16xi32>
        %gather3A_763 = tpu.vector_load_idx %arg7[%add3A_762] : memref<20160xf32, #tpu.memory_space<vmem>>[vector<16xi32>], vector<16xf32>,
        %add3A_764 = arith.constant 72 : i32
        %add3A_765 = vector.broadcast %add3A_764 : i32 to vector<16xi32>
        %add3A_766 = arith.addi %add3A_71, %add3A_765 : vector<16xi32>
        %gather3A_767 = tpu.vector_load_idx %arg8[%add3A_766] : memref<20160xf32, #tpu.memory_space<vmem>>[vector<16xi32>], vector<16xf32>,
        %sub3A_768 = arith.subf %gather3A_763, %gather3A_767 : vector<16xf32>
        %mul3A_769 = arith.mulf %sub3A_768, %sub3A_768 : vector<16xf32>
        %add3A_770 = arith.addf %add3A_759, %mul3A_769 : vector<16xf32>
        %add3A_771 = arith.constant 73 : i32
        %add3A_772 = vector.broadcast %add3A_771 : i32 to vector<16xi32>
        %add3A_773 = arith.addi %add3A_71, %add3A_772 : vector<16xi32>
        %gather3A_774 = tpu.vector_load_idx %arg7[%add3A_773] : memref<20160xf32, #tpu.memory_space<vmem>>[vector<16xi32>], vector<16xf32>,
        %add3A_775 = arith.constant 73 : i32
        %add3A_776 = vector.broadcast %add3A_775 : i32 to vector<16xi32>
        %add3A_777 = arith.addi %add3A_71, %add3A_776 : vector<16xi32>
        %gather3A_778 = tpu.vector_load_idx %arg8[%add3A_777] : memref<20160xf32, #tpu.memory_space<vmem>>[vector<16xi32>], vector<16xf32>,
        %sub3A_779 = arith.subf %gather3A_774, %gather3A_778 : vector<16xf32>
        %mul3A_780 = arith.mulf %sub3A_779, %sub3A_779 : vector<16xf32>
        %add3A_781 = arith.addf %add3A_770, %mul3A_780 : vector<16xf32>
        %add3A_782 = arith.constant 74 : i32
        %add3A_783 = vector.broadcast %add3A_782 : i32 to vector<16xi32>
        %add3A_784 = arith.addi %add3A_71, %add3A_783 : vector<16xi32>
        %gather3A_785 = tpu.vector_load_idx %arg7[%add3A_784] : memref<20160xf32, #tpu.memory_space<vmem>>[vector<16xi32>], vector<16xf32>,
        %add3A_786 = arith.constant 74 : i32
        %add3A_787 = vector.broadcast %add3A_786 : i32 to vector<16xi32>
        %add3A_788 = arith.addi %add3A_71, %add3A_787 : vector<16xi32>
        %gather3A_789 = tpu.vector_load_idx %arg8[%add3A_788] : memref<20160xf32, #tpu.memory_space<vmem>>[vector<16xi32>], vector<16xf32>,
        %sub3A_790 = arith.subf %gather3A_785, %gather3A_789 : vector<16xf32>
        %mul3A_791 = arith.mulf %sub3A_790, %sub3A_790 : vector<16xf32>
        %add3A_792 = arith.addf %add3A_781, %mul3A_791 : vector<16xf32>
        %add3A_793 = arith.constant 75 : i32
        %add3A_794 = vector.broadcast %add3A_793 : i32 to vector<16xi32>
        %add3A_795 = arith.addi %add3A_71, %add3A_794 : vector<16xi32>
        %gather3A_796 = tpu.vector_load_idx %arg7[%add3A_795] : memref<20160xf32, #tpu.memory_space<vmem>>[vector<16xi32>], vector<16xf32>,
        %add3A_797 = arith.constant 75 : i32
        %add3A_798 = vector.broadcast %add3A_797 : i32 to vector<16xi32>
        %add3A_799 = arith.addi %add3A_71, %add3A_798 : vector<16xi32>
        %gather3A_800 = tpu.vector_load_idx %arg8[%add3A_799] : memref<20160xf32, #tpu.memory_space<vmem>>[vector<16xi32>], vector<16xf32>,
        %sub3A_801 = arith.subf %gather3A_796, %gather3A_800 : vector<16xf32>
        %mul3A_802 = arith.mulf %sub3A_801, %sub3A_801 : vector<16xf32>
        %add3A_803 = arith.addf %add3A_792, %mul3A_802 : vector<16xf32>
        %add3A_804 = arith.constant 76 : i32
        %add3A_805 = vector.broadcast %add3A_804 : i32 to vector<16xi32>
        %add3A_806 = arith.addi %add3A_71, %add3A_805 : vector<16xi32>
        %gather3A_807 = tpu.vector_load_idx %arg7[%add3A_806] : memref<20160xf32, #tpu.memory_space<vmem>>[vector<16xi32>], vector<16xf32>,
        %add3A_808 = arith.constant 76 : i32
        %add3A_809 = vector.broadcast %add3A_808 : i32 to vector<16xi32>
        %add3A_810 = arith.addi %add3A_71, %add3A_809 : vector<16xi32>
        %gather3A_811 = tpu.vector_load_idx %arg8[%add3A_810] : memref<20160xf32, #tpu.memory_space<vmem>>[vector<16xi32>], vector<16xf32>,
        %sub3A_812 = arith.subf %gather3A_807, %gather3A_811 : vector<16xf32>
        %mul3A_813 = arith.mulf %sub3A_812, %sub3A_812 : vector<16xf32>
        %add3A_814 = arith.addf %add3A_803, %mul3A_813 : vector<16xf32>
        %add3A_815 = arith.constant 77 : i32
        %add3A_816 = vector.broadcast %add3A_815 : i32 to vector<16xi32>
        %add3A_817 = arith.addi %add3A_71, %add3A_816 : vector<16xi32>
        %gather3A_818 = tpu.vector_load_idx %arg7[%add3A_817] : memref<20160xf32, #tpu.memory_space<vmem>>[vector<16xi32>], vector<16xf32>,
        %add3A_819 = arith.constant 77 : i32
        %add3A_820 = vector.broadcast %add3A_819 : i32 to vector<16xi32>
        %add3A_821 = arith.addi %add3A_71, %add3A_820 : vector<16xi32>
        %gather3A_822 = tpu.vector_load_idx %arg8[%add3A_821] : memref<20160xf32, #tpu.memory_space<vmem>>[vector<16xi32>], vector<16xf32>,
        %sub3A_823 = arith.subf %gather3A_818, %gather3A_822 : vector<16xf32>
        %mul3A_824 = arith.mulf %sub3A_823, %sub3A_823 : vector<16xf32>
        %add3A_825 = arith.addf %add3A_814, %mul3A_824 : vector<16xf32>
        %add3A_826 = arith.constant 78 : i32
        %add3A_827 = vector.broadcast %add3A_826 : i32 to vector<16xi32>
        %add3A_828 = arith.addi %add3A_71, %add3A_827 : vector<16xi32>
        %gather3A_829 = tpu.vector_load_idx %arg7[%add3A_828] : memref<20160xf32, #tpu.memory_space<vmem>>[vector<16xi32>], vector<16xf32>,
        %add3A_830 = arith.constant 78 : i32
        %add3A_831 = vector.broadcast %add3A_830 : i32 to vector<16xi32>
        %add3A_832 = arith.addi %add3A_71, %add3A_831 : vector<16xi32>
        %gather3A_833 = tpu.vector_load_idx %arg8[%add3A_832] : memref<20160xf32, #tpu.memory_space<vmem>>[vector<16xi32>], vector<16xf32>,
        %sub3A_834 = arith.subf %gather3A_829, %gather3A_833 : vector<16xf32>
        %mul3A_835 = arith.mulf %sub3A_834, %sub3A_834 : vector<16xf32>
        %add3A_836 = arith.addf %add3A_825, %mul3A_835 : vector<16xf32>
        %add3A_837 = arith.constant 79 : i32
        %add3A_838 = vector.broadcast %add3A_837 : i32 to vector<16xi32>
        %add3A_839 = arith.addi %add3A_71, %add3A_838 : vector<16xi32>
        %gather3A_840 = tpu.vector_load_idx %arg7[%add3A_839] : memref<20160xf32, #tpu.memory_space<vmem>>[vector<16xi32>], vector<16xf32>,
        %add3A_841 = arith.constant 79 : i32
        %add3A_842 = vector.broadcast %add3A_841 : i32 to vector<16xi32>
        %add3A_843 = arith.addi %add3A_71, %add3A_842 : vector<16xi32>
        %gather3A_844 = tpu.vector_load_idx %arg8[%add3A_843] : memref<20160xf32, #tpu.memory_space<vmem>>[vector<16xi32>], vector<16xf32>,
        %sub3A_845 = arith.subf %gather3A_840, %gather3A_844 : vector<16xf32>
        %mul3A_846 = arith.mulf %sub3A_845, %sub3A_845 : vector<16xf32>
        %add3A_847 = arith.addf %add3A_836, %mul3A_846 : vector<16xf32>
        %add3A_848 = arith.constant 80 : i32
        %add3A_849 = vector.broadcast %add3A_848 : i32 to vector<16xi32>
        %add3A_850 = arith.addi %add3A_71, %add3A_849 : vector<16xi32>
        %gather3A_851 = tpu.vector_load_idx %arg7[%add3A_850] : memref<20160xf32, #tpu.memory_space<vmem>>[vector<16xi32>], vector<16xf32>,
        %add3A_852 = arith.constant 80 : i32
        %add3A_853 = vector.broadcast %add3A_852 : i32 to vector<16xi32>
        %add3A_854 = arith.addi %add3A_71, %add3A_853 : vector<16xi32>
        %gather3A_855 = tpu.vector_load_idx %arg8[%add3A_854] : memref<20160xf32, #tpu.memory_space<vmem>>[vector<16xi32>], vector<16xf32>,
        %sub3A_856 = arith.subf %gather3A_851, %gather3A_855 : vector<16xf32>
        %mul3A_857 = arith.mulf %sub3A_856, %sub3A_856 : vector<16xf32>
        %add3A_858 = arith.addf %add3A_847, %mul3A_857 : vector<16xf32>
        %add3A_859 = arith.constant 81 : i32
        %add3A_860 = vector.broadcast %add3A_859 : i32 to vector<16xi32>
        %add3A_861 = arith.addi %add3A_71, %add3A_860 : vector<16xi32>
        %gather3A_862 = tpu.vector_load_idx %arg7[%add3A_861] : memref<20160xf32, #tpu.memory_space<vmem>>[vector<16xi32>], vector<16xf32>,
        %add3A_863 = arith.constant 81 : i32
        %add3A_864 = vector.broadcast %add3A_863 : i32 to vector<16xi32>
        %add3A_865 = arith.addi %add3A_71, %add3A_864 : vector<16xi32>
        %gather3A_866 = tpu.vector_load_idx %arg8[%add3A_865] : memref<20160xf32, #tpu.memory_space<vmem>>[vector<16xi32>], vector<16xf32>,
        %sub3A_867 = arith.subf %gather3A_862, %gather3A_866 : vector<16xf32>
        %mul3A_868 = arith.mulf %sub3A_867, %sub3A_867 : vector<16xf32>
        %add3A_869 = arith.addf %add3A_858, %mul3A_868 : vector<16xf32>
        %add3A_870 = arith.constant 82 : i32
        %add3A_871 = vector.broadcast %add3A_870 : i32 to vector<16xi32>
        %add3A_872 = arith.addi %add3A_71, %add3A_871 : vector<16xi32>
        %gather3A_873 = tpu.vector_load_idx %arg7[%add3A_872] : memref<20160xf32, #tpu.memory_space<vmem>>[vector<16xi32>], vector<16xf32>,
        %add3A_874 = arith.constant 82 : i32
        %add3A_875 = vector.broadcast %add3A_874 : i32 to vector<16xi32>
        %add3A_876 = arith.addi %add3A_71, %add3A_875 : vector<16xi32>
        %gather3A_877 = tpu.vector_load_idx %arg8[%add3A_876] : memref<20160xf32, #tpu.memory_space<vmem>>[vector<16xi32>], vector<16xf32>,
        %sub3A_878 = arith.subf %gather3A_873, %gather3A_877 : vector<16xf32>
        %mul3A_879 = arith.mulf %sub3A_878, %sub3A_878 : vector<16xf32>
        %add3A_880 = arith.addf %add3A_869, %mul3A_879 : vector<16xf32>
        %add3A_881 = arith.constant 83 : i32
        %add3A_882 = vector.broadcast %add3A_881 : i32 to vector<16xi32>
        %add3A_883 = arith.addi %add3A_71, %add3A_882 : vector<16xi32>
        %gather3A_884 = tpu.vector_load_idx %arg7[%add3A_883] : memref<20160xf32, #tpu.memory_space<vmem>>[vector<16xi32>], vector<16xf32>,
        %add3A_885 = arith.constant 83 : i32
        %add3A_886 = vector.broadcast %add3A_885 : i32 to vector<16xi32>
        %add3A_887 = arith.addi %add3A_71, %add3A_886 : vector<16xi32>
        %gather3A_888 = tpu.vector_load_idx %arg8[%add3A_887] : memref<20160xf32, #tpu.memory_space<vmem>>[vector<16xi32>], vector<16xf32>,
        %sub3A_889 = arith.subf %gather3A_884, %gather3A_888 : vector<16xf32>
        %mul3A_890 = arith.mulf %sub3A_889, %sub3A_889 : vector<16xf32>
        %add3A_891 = arith.addf %add3A_880, %mul3A_890 : vector<16xf32>
        %add3A_892 = arith.constant 84 : i32
        %add3A_893 = vector.broadcast %add3A_892 : i32 to vector<16xi32>
        %add3A_894 = arith.addi %add3A_71, %add3A_893 : vector<16xi32>
        %gather3A_895 = tpu.vector_load_idx %arg7[%add3A_894] : memref<20160xf32, #tpu.memory_space<vmem>>[vector<16xi32>], vector<16xf32>,
        %add3A_896 = arith.constant 84 : i32
        %add3A_897 = vector.broadcast %add3A_896 : i32 to vector<16xi32>
        %add3A_898 = arith.addi %add3A_71, %add3A_897 : vector<16xi32>
        %gather3A_899 = tpu.vector_load_idx %arg8[%add3A_898] : memref<20160xf32, #tpu.memory_space<vmem>>[vector<16xi32>], vector<16xf32>,
        %sub3A_900 = arith.subf %gather3A_895, %gather3A_899 : vector<16xf32>
        %mul3A_901 = arith.mulf %sub3A_900, %sub3A_900 : vector<16xf32>
        %add3A_902 = arith.addf %add3A_891, %mul3A_901 : vector<16xf32>
        %add3A_903 = arith.constant 85 : i32
        %add3A_904 = vector.broadcast %add3A_903 : i32 to vector<16xi32>
        %add3A_905 = arith.addi %add3A_71, %add3A_904 : vector<16xi32>
        %gather3A_906 = tpu.vector_load_idx %arg7[%add3A_905] : memref<20160xf32, #tpu.memory_space<vmem>>[vector<16xi32>], vector<16xf32>,
        %add3A_907 = arith.constant 85 : i32
        %add3A_908 = vector.broadcast %add3A_907 : i32 to vector<16xi32>
        %add3A_909 = arith.addi %add3A_71, %add3A_908 : vector<16xi32>
        %gather3A_910 = tpu.vector_load_idx %arg8[%add3A_909] : memref<20160xf32, #tpu.memory_space<vmem>>[vector<16xi32>], vector<16xf32>,
        %sub3A_911 = arith.subf %gather3A_906, %gather3A_910 : vector<16xf32>
        %mul3A_912 = arith.mulf %sub3A_911, %sub3A_911 : vector<16xf32>
        %add3A_913 = arith.addf %add3A_902, %mul3A_912 : vector<16xf32>
        %add3A_914 = arith.constant 86 : i32
        %add3A_915 = vector.broadcast %add3A_914 : i32 to vector<16xi32>
        %add3A_916 = arith.addi %add3A_71, %add3A_915 : vector<16xi32>
        %gather3A_917 = tpu.vector_load_idx %arg7[%add3A_916] : memref<20160xf32, #tpu.memory_space<vmem>>[vector<16xi32>], vector<16xf32>,
        %add3A_918 = arith.constant 86 : i32
        %add3A_919 = vector.broadcast %add3A_918 : i32 to vector<16xi32>
        %add3A_920 = arith.addi %add3A_71, %add3A_919 : vector<16xi32>
        %gather3A_921 = tpu.vector_load_idx %arg8[%add3A_920] : memref<20160xf32, #tpu.memory_space<vmem>>[vector<16xi32>], vector<16xf32>,
        %sub3A_922 = arith.subf %gather3A_917, %gather3A_921 : vector<16xf32>
        %mul3A_923 = arith.mulf %sub3A_922, %sub3A_922 : vector<16xf32>
        %add3A_924 = arith.addf %add3A_913, %mul3A_923 : vector<16xf32>
        %add3A_925 = arith.constant 87 : i32
        %add3A_926 = vector.broadcast %add3A_925 : i32 to vector<16xi32>
        %add3A_927 = arith.addi %add3A_71, %add3A_926 : vector<16xi32>
        %gather3A_928 = tpu.vector_load_idx %arg7[%add3A_927] : memref<20160xf32, #tpu.memory_space<vmem>>[vector<16xi32>], vector<16xf32>,
        %add3A_929 = arith.constant 87 : i32
        %add3A_930 = vector.broadcast %add3A_929 : i32 to vector<16xi32>
        %add3A_931 = arith.addi %add3A_71, %add3A_930 : vector<16xi32>
        %gather3A_932 = tpu.vector_load_idx %arg8[%add3A_931] : memref<20160xf32, #tpu.memory_space<vmem>>[vector<16xi32>], vector<16xf32>,
        %sub3A_933 = arith.subf %gather3A_928, %gather3A_932 : vector<16xf32>
        %mul3A_934 = arith.mulf %sub3A_933, %sub3A_933 : vector<16xf32>
        %add3A_935 = arith.addf %add3A_924, %mul3A_934 : vector<16xf32>
        %add3A_936 = arith.constant 88 : i32
        %add3A_937 = vector.broadcast %add3A_936 : i32 to vector<16xi32>
        %add3A_938 = arith.addi %add3A_71, %add3A_937 : vector<16xi32>
        %gather3A_939 = tpu.vector_load_idx %arg7[%add3A_938] : memref<20160xf32, #tpu.memory_space<vmem>>[vector<16xi32>], vector<16xf32>,
        %add3A_940 = arith.constant 88 : i32
        %add3A_941 = vector.broadcast %add3A_940 : i32 to vector<16xi32>
        %add3A_942 = arith.addi %add3A_71, %add3A_941 : vector<16xi32>
        %gather3A_943 = tpu.vector_load_idx %arg8[%add3A_942] : memref<20160xf32, #tpu.memory_space<vmem>>[vector<16xi32>], vector<16xf32>,
        %sub3A_944 = arith.subf %gather3A_939, %gather3A_943 : vector<16xf32>
        %mul3A_945 = arith.mulf %sub3A_944, %sub3A_944 : vector<16xf32>
        %add3A_946 = arith.addf %add3A_935, %mul3A_945 : vector<16xf32>
        %add3A_947 = arith.constant 89 : i32
        %add3A_948 = vector.broadcast %add3A_947 : i32 to vector<16xi32>
        %add3A_949 = arith.addi %add3A_71, %add3A_948 : vector<16xi32>
        %gather3A_950 = tpu.vector_load_idx %arg7[%add3A_949] : memref<20160xf32, #tpu.memory_space<vmem>>[vector<16xi32>], vector<16xf32>,
        %add3A_951 = arith.constant 89 : i32
        %add3A_952 = vector.broadcast %add3A_951 : i32 to vector<16xi32>
        %add3A_953 = arith.addi %add3A_71, %add3A_952 : vector<16xi32>
        %gather3A_954 = tpu.vector_load_idx %arg8[%add3A_953] : memref<20160xf32, #tpu.memory_space<vmem>>[vector<16xi32>], vector<16xf32>,
        %sub3A_955 = arith.subf %gather3A_950, %gather3A_954 : vector<16xf32>
        %mul3A_956 = arith.mulf %sub3A_955, %sub3A_955 : vector<16xf32>
        %add3A_957 = arith.addf %add3A_946, %mul3A_956 : vector<16xf32>
        %add3A_958 = arith.constant 0 : i32
        %add3A_959 = vector.broadcast %add3A_958 : i32 to vector<16xi32>
        %add3A_960 = arith.addi %add3A_71, %add3A_959 : vector<16xi32>
        %gather3A_961 = tpu.vector_load_idx %arg7[%add3A_960] : memref<20160xf32, #tpu.memory_space<vmem>>[vector<16xi32>], vector<16xf32>,
        %add3A_962 = arith.constant 1 : i32
        %add3A_963 = vector.broadcast %add3A_962 : i32 to vector<16xi32>
        %add3A_964 = arith.addi %add3A_71, %add3A_963 : vector<16xi32>
        %gather3A_965 = tpu.vector_load_idx %arg7[%add3A_964] : memref<20160xf32, #tpu.memory_space<vmem>>[vector<16xi32>], vector<16xf32>,
        %add3A_966 = arith.constant 2 : i32
        %add3A_967 = vector.broadcast %add3A_966 : i32 to vector<16xi32>
        %add3A_968 = arith.addi %add3A_71, %add3A_967 : vector<16xi32>
        %gather3A_969 = tpu.vector_load_idx %arg7[%add3A_968] : memref<20160xf32, #tpu.memory_space<vmem>>[vector<16xi32>], vector<16xf32>,
        %add3A_970 = arith.constant 3 : i32
        %add3A_971 = vector.broadcast %add3A_970 : i32 to vector<16xi32>
        %add3A_972 = arith.addi %add3A_71, %add3A_971 : vector<16xi32>
        %gather3A_973 = tpu.vector_load_idx %arg7[%add3A_972] : memref<20160xf32, #tpu.memory_space<vmem>>[vector<16xi32>], vector<16xf32>,
        %add3A_974 = arith.constant 4 : i32
        %add3A_975 = vector.broadcast %add3A_974 : i32 to vector<16xi32>
        %add3A_976 = arith.addi %add3A_71, %add3A_975 : vector<16xi32>
        %gather3A_977 = tpu.vector_load_idx %arg7[%add3A_976] : memref<20160xf32, #tpu.memory_space<vmem>>[vector<16xi32>], vector<16xf32>,
        %add3A_978 = arith.constant 5 : i32
        %add3A_979 = vector.broadcast %add3A_978 : i32 to vector<16xi32>
        %add3A_980 = arith.addi %add3A_71, %add3A_979 : vector<16xi32>
        %gather3A_981 = tpu.vector_load_idx %arg7[%add3A_980] : memref<20160xf32, #tpu.memory_space<vmem>>[vector<16xi32>], vector<16xf32>,
        %add3A_982 = arith.constant 6 : i32
        %add3A_983 = vector.broadcast %add3A_982 : i32 to vector<16xi32>
        %add3A_984 = arith.addi %add3A_71, %add3A_983 : vector<16xi32>
        %gather3A_985 = tpu.vector_load_idx %arg7[%add3A_984] : memref<20160xf32, #tpu.memory_space<vmem>>[vector<16xi32>], vector<16xf32>,
        %add3A_986 = arith.constant 7 : i32
        %add3A_987 = vector.broadcast %add3A_986 : i32 to vector<16xi32>
        %add3A_988 = arith.addi %add3A_71, %add3A_987 : vector<16xi32>
        %gather3A_989 = tpu.vector_load_idx %arg7[%add3A_988] : memref<20160xf32, #tpu.memory_space<vmem>>[vector<16xi32>], vector<16xf32>,
        %add3A_990 = arith.constant 8 : i32
        %add3A_991 = vector.broadcast %add3A_990 : i32 to vector<16xi32>
        %add3A_992 = arith.addi %add3A_71, %add3A_991 : vector<16xi32>
        %gather3A_993 = tpu.vector_load_idx %arg7[%add3A_992] : memref<20160xf32, #tpu.memory_space<vmem>>[vector<16xi32>], vector<16xf32>,
        %add3A_994 = arith.constant 9 : i32
        %add3A_995 = vector.broadcast %add3A_994 : i32 to vector<16xi32>
        %add3A_996 = arith.addi %add3A_71, %add3A_995 : vector<16xi32>
        %gather3A_997 = tpu.vector_load_idx %arg7[%add3A_996] : memref<20160xf32, #tpu.memory_space<vmem>>[vector<16xi32>], vector<16xf32>,
        %add3A_998 = arith.constant 0 : i32
        %add3A_999 = vector.broadcast %add3A_998 : i32 to vector<16xi32>
        %add3A_1000 = arith.addi %add3A_71, %add3A_999 : vector<16xi32>
        %gather3A_1001 = tpu.vector_load_idx %arg8[%add3A_1000] : memref<20160xf32, #tpu.memory_space<vmem>>[vector<16xi32>], vector<16xf32>,
        %add3A_1002 = arith.constant 1 : i32
        %add3A_1003 = vector.broadcast %add3A_1002 : i32 to vector<16xi32>
        %add3A_1004 = arith.addi %add3A_71, %add3A_1003 : vector<16xi32>
        %gather3A_1005 = tpu.vector_load_idx %arg8[%add3A_1004] : memref<20160xf32, #tpu.memory_space<vmem>>[vector<16xi32>], vector<16xf32>,
        %add3A_1006 = arith.constant 2 : i32
        %add3A_1007 = vector.broadcast %add3A_1006 : i32 to vector<16xi32>
        %add3A_1008 = arith.addi %add3A_71, %add3A_1007 : vector<16xi32>
        %gather3A_1009 = tpu.vector_load_idx %arg8[%add3A_1008] : memref<20160xf32, #tpu.memory_space<vmem>>[vector<16xi32>], vector<16xf32>,
        %add3A_1010 = arith.constant 3 : i32
        %add3A_1011 = vector.broadcast %add3A_1010 : i32 to vector<16xi32>
        %add3A_1012 = arith.addi %add3A_71, %add3A_1011 : vector<16xi32>
        %gather3A_1013 = tpu.vector_load_idx %arg8[%add3A_1012] : memref<20160xf32, #tpu.memory_space<vmem>>[vector<16xi32>], vector<16xf32>,
        %add3A_1014 = arith.constant 5 : i32
        %add3A_1015 = vector.broadcast %add3A_1014 : i32 to vector<16xi32>
        %add3A_1016 = arith.addi %add3A_71, %add3A_1015 : vector<16xi32>
        %gather3A_1017 = tpu.vector_load_idx %arg8[%add3A_1016] : memref<20160xf32, #tpu.memory_space<vmem>>[vector<16xi32>], vector<16xf32>,
        %add3A_1018 = arith.constant 6 : i32
        %add3A_1019 = vector.broadcast %add3A_1018 : i32 to vector<16xi32>
        %add3A_1020 = arith.addi %add3A_71, %add3A_1019 : vector<16xi32>
        %gather3A_1021 = tpu.vector_load_idx %arg8[%add3A_1020] : memref<20160xf32, #tpu.memory_space<vmem>>[vector<16xi32>], vector<16xf32>,
        %add3A_1022 = arith.constant 7 : i32
        %add3A_1023 = vector.broadcast %add3A_1022 : i32 to vector<16xi32>
        %add3A_1024 = arith.addi %add3A_71, %add3A_1023 : vector<16xi32>
        %gather3A_1025 = tpu.vector_load_idx %arg8[%add3A_1024] : memref<20160xf32, #tpu.memory_space<vmem>>[vector<16xi32>], vector<16xf32>,
        %add3A_1026 = arith.constant 8 : i32
        %add3A_1027 = vector.broadcast %add3A_1026 : i32 to vector<16xi32>
        %add3A_1028 = arith.addi %add3A_71, %add3A_1027 : vector<16xi32>
        %gather3A_1029 = tpu.vector_load_idx %arg8[%add3A_1028] : memref<20160xf32, #tpu.memory_space<vmem>>[vector<16xi32>], vector<16xf32>,
        %add3A_1030 = arith.constant 9 : i32
        %add3A_1031 = vector.broadcast %add3A_1030 : i32 to vector<16xi32>
        %add3A_1032 = arith.addi %add3A_71, %add3A_1031 : vector<16xi32>
        %gather3A_1033 = tpu.vector_load_idx %arg8[%add3A_1032] : memref<20160xf32, #tpu.memory_space<vmem>>[vector<16xi32>], vector<16xf32>,
        %div3A = arith.constant 7.000000e+00 : f32
        %div3A_1034 = vector.broadcast %div3A : f32 to vector<16xf32>
        %div3A_1035 = arith.divf %gather3A_961, %div3A_1034 : vector<16xf32>
        %mul3A_1036 = arith.constant 5.000000e-01 : f32
        %mul3A_1037 = vector.broadcast %mul3A_1036 : f32 to vector<16xf32>
        %mul3A_1038 = arith.mulf %mul3A_1037, %gather3A_969 : vector<16xf32>
        %sub3A_1039 = arith.subf %div3A_1035, %mul3A_1038 : vector<16xf32>
        %div3A_1040 = arith.constant 7.000000e+00 : f32
        %div3A_1041 = vector.broadcast %div3A_1040 : f32 to vector<16xf32>
        %div3A_1042 = arith.divf %gather3A_965, %div3A_1041 : vector<16xf32>
        %mul3A_1043 = arith.constant 5.000000e-01 : f32
        %mul3A_1044 = vector.broadcast %mul3A_1043 : f32 to vector<16xf32>
        %mul3A_1045 = arith.mulf %mul3A_1044, %gather3A_973 : vector<16xf32>
        %sub3A_1046 = arith.subf %div3A_1042, %mul3A_1045 : vector<16xf32>
        %div3A_1047 = arith.constant 7.000000e+00 : f32
        %div3A_1048 = vector.broadcast %div3A_1047 : f32 to vector<16xf32>
        %div3A_1049 = arith.divf %sub3A_1039, %div3A_1048 : vector<16xf32>
        %mul3A_1050 = arith.constant 5.000000e-01 : f32
        %mul3A_1051 = vector.broadcast %mul3A_1050 : f32 to vector<16xf32>
        %mul3A_1052 = arith.mulf %mul3A_1051, %gather3A_969 : vector<16xf32>
        %add3A_1053 = arith.addf %div3A_1049, %mul3A_1052 : vector<16xf32>
        %div3A_1054 = arith.constant 7.000000e+00 : f32
        %div3A_1055 = vector.broadcast %div3A_1054 : f32 to vector<16xf32>
        %div3A_1056 = arith.divf %sub3A_1046, %div3A_1055 : vector<16xf32>
        %mul3A_1057 = arith.constant 5.000000e-01 : f32
        %mul3A_1058 = vector.broadcast %mul3A_1057 : f32 to vector<16xf32>
        %mul3A_1059 = arith.mulf %mul3A_1058, %gather3A_973 : vector<16xf32>
        %add3A_1060 = arith.addf %div3A_1056, %mul3A_1059 : vector<16xf32>
        %div3A_1061 = arith.constant 7.000000e+00 : f32
        %div3A_1062 = vector.broadcast %div3A_1061 : f32 to vector<16xf32>
        %div3A_1063 = arith.divf %gather3A_981, %div3A_1062 : vector<16xf32>
        %mul3A_1064 = arith.constant 5.000000e-01 : f32
        %mul3A_1065 = vector.broadcast %mul3A_1064 : f32 to vector<16xf32>
        %mul3A_1066 = arith.mulf %mul3A_1065, %gather3A_989 : vector<16xf32>
        %sub3A_1067 = arith.subf %div3A_1063, %mul3A_1066 : vector<16xf32>
        %div3A_1068 = arith.constant 7.000000e+00 : f32
        %div3A_1069 = vector.broadcast %div3A_1068 : f32 to vector<16xf32>
        %div3A_1070 = arith.divf %gather3A_985, %div3A_1069 : vector<16xf32>
        %mul3A_1071 = arith.constant 5.000000e-01 : f32
        %mul3A_1072 = vector.broadcast %mul3A_1071 : f32 to vector<16xf32>
        %mul3A_1073 = arith.mulf %mul3A_1072, %gather3A_993 : vector<16xf32>
        %sub3A_1074 = arith.subf %div3A_1070, %mul3A_1073 : vector<16xf32>
        %div3A_1075 = arith.constant 7.000000e+00 : f32
        %div3A_1076 = vector.broadcast %div3A_1075 : f32 to vector<16xf32>
        %div3A_1077 = arith.divf %sub3A_1067, %div3A_1076 : vector<16xf32>
        %mul3A_1078 = arith.constant 5.000000e-01 : f32
        %mul3A_1079 = vector.broadcast %mul3A_1078 : f32 to vector<16xf32>
        %mul3A_1080 = arith.mulf %mul3A_1079, %gather3A_989 : vector<16xf32>
        %add3A_1081 = arith.addf %div3A_1077, %mul3A_1080 : vector<16xf32>
        %div3A_1082 = arith.constant 7.000000e+00 : f32
        %div3A_1083 = vector.broadcast %div3A_1082 : f32 to vector<16xf32>
        %div3A_1084 = arith.divf %sub3A_1074, %div3A_1083 : vector<16xf32>
        %mul3A_1085 = arith.constant 5.000000e-01 : f32
        %mul3A_1086 = vector.broadcast %mul3A_1085 : f32 to vector<16xf32>
        %mul3A_1087 = arith.mulf %mul3A_1086, %gather3A_993 : vector<16xf32>
        %add3A_1088 = arith.addf %div3A_1084, %mul3A_1087 : vector<16xf32>
        %div3A_1089 = arith.constant 7.000000e+00 : f32
        %div3A_1090 = vector.broadcast %div3A_1089 : f32 to vector<16xf32>
        %div3A_1091 = arith.divf %gather3A_1001, %div3A_1090 : vector<16xf32>
        %mul3A_1092 = arith.constant 5.000000e-01 : f32
        %mul3A_1093 = vector.broadcast %mul3A_1092 : f32 to vector<16xf32>
        %mul3A_1094 = arith.mulf %mul3A_1093, %gather3A_1009 : vector<16xf32>
        %sub3A_1095 = arith.subf %div3A_1091, %mul3A_1094 : vector<16xf32>
        %div3A_1096 = arith.constant 7.000000e+00 : f32
        %div3A_1097 = vector.broadcast %div3A_1096 : f32 to vector<16xf32>
        %div3A_1098 = arith.divf %gather3A_1005, %div3A_1097 : vector<16xf32>
        %mul3A_1099 = arith.constant 5.000000e-01 : f32
        %mul3A_1100 = vector.broadcast %mul3A_1099 : f32 to vector<16xf32>
        %mul3A_1101 = arith.mulf %mul3A_1100, %gather3A_1013 : vector<16xf32>
        %sub3A_1102 = arith.subf %div3A_1098, %mul3A_1101 : vector<16xf32>
        %div3A_1103 = arith.constant 7.000000e+00 : f32
        %div3A_1104 = vector.broadcast %div3A_1103 : f32 to vector<16xf32>
        %div3A_1105 = arith.divf %sub3A_1095, %div3A_1104 : vector<16xf32>
        %mul3A_1106 = arith.constant 5.000000e-01 : f32
        %mul3A_1107 = vector.broadcast %mul3A_1106 : f32 to vector<16xf32>
        %mul3A_1108 = arith.mulf %mul3A_1107, %gather3A_1009 : vector<16xf32>
        %add3A_1109 = arith.addf %div3A_1105, %mul3A_1108 : vector<16xf32>
        %div3A_1110 = arith.constant 7.000000e+00 : f32
        %div3A_1111 = vector.broadcast %div3A_1110 : f32 to vector<16xf32>
        %div3A_1112 = arith.divf %sub3A_1102, %div3A_1111 : vector<16xf32>
        %mul3A_1113 = arith.constant 5.000000e-01 : f32
        %mul3A_1114 = vector.broadcast %mul3A_1113 : f32 to vector<16xf32>
        %mul3A_1115 = arith.mulf %mul3A_1114, %gather3A_1013 : vector<16xf32>
        %add3A_1116 = arith.addf %div3A_1112, %mul3A_1115 : vector<16xf32>
        %sub3A_1117 = arith.subf %add3A_1109, %sub3A_1095 : vector<16xf32>
        %sub3A_1118 = arith.subf %add3A_1116, %sub3A_1102 : vector<16xf32>
        %mul3A_1119 = arith.mulf %sub3A_1117, %sub3A_1118 : vector<16xf32>
        %min3A = arith.minimumf %add3A_1053, %add3A_1109 : vector<16xf32>
        %max3A = arith.maximumf %sub3A_1039, %sub3A_1095 : vector<16xf32>
        %sub3A_1120 = arith.subf %min3A, %max3A : vector<16xf32>
        %max3A_1121 = arith.constant 0.000000e+00 : f32
        %max3A_1122 = vector.broadcast %max3A_1121 : f32 to vector<16xf32>
        %max3A_1123 = arith.maximumf %sub3A_1120, %max3A_1122 : vector<16xf32>
        %min3A_1124 = arith.minimumf %add3A_1060, %add3A_1116 : vector<16xf32>
        %max3A_1125 = arith.maximumf %sub3A_1046, %sub3A_1102 : vector<16xf32>
        %sub3A_1126 = arith.subf %min3A_1124, %max3A_1125 : vector<16xf32>
        %max3A_1127 = arith.constant 0.000000e+00 : f32
        %max3A_1128 = vector.broadcast %max3A_1127 : f32 to vector<16xf32>
        %max3A_1129 = arith.maximumf %sub3A_1126, %max3A_1128 : vector<16xf32>
        %mul3A_1130 = arith.mulf %max3A_1123, %max3A_1129 : vector<16xf32>
        %sub3A_1131 = arith.subf %add3A_1053, %sub3A_1039 : vector<16xf32>
        %sub3A_1132 = arith.subf %add3A_1060, %sub3A_1046 : vector<16xf32>
        %mul3A_1133 = arith.mulf %sub3A_1131, %sub3A_1132 : vector<16xf32>
        %add3A_1134 = arith.addf %mul3A_1133, %mul3A_1119 : vector<16xf32>
        %sub3A_1135 = arith.subf %add3A_1134, %mul3A_1130 : vector<16xf32>
        %div3A_1136 = arith.divf %mul3A_1130, %sub3A_1135 : vector<16xf32>
        %min3A_1137 = arith.minimumf %add3A_1081, %add3A_1109 : vector<16xf32>
        %max3A_1138 = arith.maximumf %sub3A_1067, %sub3A_1095 : vector<16xf32>
        %sub3A_1139 = arith.subf %min3A_1137, %max3A_1138 : vector<16xf32>
        %max3A_1140 = arith.constant 0.000000e+00 : f32
        %max3A_1141 = vector.broadcast %max3A_1140 : f32 to vector<16xf32>
        %max3A_1142 = arith.maximumf %sub3A_1139, %max3A_1141 : vector<16xf32>
        %min3A_1143 = arith.minimumf %add3A_1088, %add3A_1116 : vector<16xf32>
        %max3A_1144 = arith.maximumf %sub3A_1074, %sub3A_1102 : vector<16xf32>
        %sub3A_1145 = arith.subf %min3A_1143, %max3A_1144 : vector<16xf32>
        %max3A_1146 = arith.constant 0.000000e+00 : f32
        %max3A_1147 = vector.broadcast %max3A_1146 : f32 to vector<16xf32>
        %max3A_1148 = arith.maximumf %sub3A_1145, %max3A_1147 : vector<16xf32>
        %mul3A_1149 = arith.mulf %max3A_1142, %max3A_1148 : vector<16xf32>
        %sub3A_1150 = arith.subf %add3A_1081, %sub3A_1067 : vector<16xf32>
        %sub3A_1151 = arith.subf %add3A_1088, %sub3A_1074 : vector<16xf32>
        %mul3A_1152 = arith.mulf %sub3A_1150, %sub3A_1151 : vector<16xf32>
        %add3A_1153 = arith.addf %mul3A_1152, %mul3A_1119 : vector<16xf32>
        %sub3A_1154 = arith.subf %add3A_1153, %mul3A_1149 : vector<16xf32>
        %div3A_1155 = arith.divf %mul3A_1149, %sub3A_1154 : vector<16xf32>
        %gt3A_1156 = arith.cmpf ogt, %div3A_1155, %div3A_1136 : vector<16xf32>
        %select_n3A = arith.select %gt3A_1156, %div3A_1155, %div3A_1136 : vector<16xi1>, vector<16xf32>
        %select_n3A_1157 = arith.select %gt3A_1156, %sub3A_1067, %sub3A_1039 : vector<16xi1>, vector<16xf32>
        %select_n3A_1158 = arith.select %gt3A_1156, %gather3A_1017, %sub3A_1095 : vector<16xi1>, vector<16xf32>
        %sub3A_1159 = arith.subf %select_n3A_1157, %select_n3A_1158 : vector<16xf32>
        %select_n3A_1160 = arith.select %gt3A_1156, %sub3A_1074, %sub3A_1046 : vector<16xi1>, vector<16xf32>
        %select_n3A_1161 = arith.select %gt3A_1156, %gather3A_1021, %sub3A_1102 : vector<16xi1>, vector<16xf32>
        %sub3A_1162 = arith.subf %select_n3A_1160, %select_n3A_1161 : vector<16xf32>
        %select_n3A_1163 = arith.select %gt3A_1156, %add3A_1081, %add3A_1053 : vector<16xi1>, vector<16xf32>
        %select_n3A_1164 = arith.select %gt3A_1156, %gather3A_1025, %add3A_1109 : vector<16xi1>, vector<16xf32>
        %sub3A_1165 = arith.subf %select_n3A_1163, %select_n3A_1164 : vector<16xf32>
        %select_n3A_1166 = arith.select %gt3A_1156, %add3A_1088, %add3A_1060 : vector<16xi1>, vector<16xf32>
        %select_n3A_1167 = arith.select %gt3A_1156, %gather3A_1029, %add3A_1116 : vector<16xi1>, vector<16xf32>
        %sub3A_1168 = arith.subf %select_n3A_1166, %select_n3A_1167 : vector<16xf32>
        %select_n3A_1169 = arith.select %gt3A_1156, %gather3A_997, %gather3A_977 : vector<16xi1>, vector<16xf32>
        %mul3A_1170 = arith.mulf %sub3A_1159, %sub3A_1159 : vector<16xf32>
        %mul3A_1171 = arith.mulf %sub3A_1162, %sub3A_1162 : vector<16xf32>
        %add3A_1172 = arith.addf %mul3A_1170, %mul3A_1171 : vector<16xf32>
        %mul3A_1173 = arith.mulf %sub3A_1165, %sub3A_1165 : vector<16xf32>
        %add3A_1174 = arith.addf %add3A_1172, %mul3A_1173 : vector<16xf32>
        %mul3A_1175 = arith.mulf %sub3A_1168, %sub3A_1168 : vector<16xf32>
        %add3A_1176 = arith.addf %add3A_1174, %mul3A_1175 : vector<16xf32>
        %sub3A_1177 = arith.subf %select_n3A_1169, %select_n3A : vector<16xf32>
        %sub3A_1178 = arith.subf %gather3A_977, %gather3A : vector<16xf32>
        %sub3A_1179 = arith.subf %gather3A_997, %gather3A_1033 : vector<16xf32>
        %mul3A_1180 = arith.mulf %sub3A_1178, %sub3A_1178 : vector<16xf32>
        %mul3A_1181 = arith.mulf %sub3A_1179, %sub3A_1179 : vector<16xf32>
        %add3A_1182 = arith.addf %mul3A_1180, %mul3A_1181 : vector<16xf32>
        %mul3A_1183 = arith.constant 5.000000e+00 : f32
        %mul3A_1184 = vector.broadcast %mul3A_1183 : f32 to vector<16xf32>
        %mul3A_1185 = arith.mulf %mul3A_1184, %add3A_1176 : vector<16xf32>
        %add3A_1186 = arith.addf %add3A_957, %mul3A_1185 : vector<16xf32>
        %mul3A_1187 = arith.mulf %sub3A_1177, %sub3A_1177 : vector<16xf32>
        %add3A_1188 = arith.addf %add3A_1186, %mul3A_1187 : vector<16xf32>
        %mul3A_1189 = arith.mulf %convert_element_type3A_78, %add3A_1188 : vector<16xf32>
        %sub3A_1190 = arith.constant 1.000000e+00 : f32
        %sub3A_1191 = vector.broadcast %sub3A_1190 : f32 to vector<16xf32>
        %sub3A_1192 = arith.subf %sub3A_1191, %convert_element_type3A_78 : vector<16xf32>
        %mul3A_1193 = arith.constant 5.000000e-01 : f32
        %mul3A_1194 = vector.broadcast %mul3A_1193 : f32 to vector<16xf32>
        %mul3A_1195 = arith.mulf %mul3A_1194, %sub3A_1192 : vector<16xf32>
        %mul3A_1196 = arith.mulf %mul3A_1195, %add3A_1182 : vector<16xf32>
        %add3A_1197 = arith.addf %mul3A_1189, %mul3A_1196 : vector<16xf32>
        %add3A_1198 = arith.addf %scan3A_67, %add3A_1197 : vector<16xf32>
        scf.yield %add3A_1198 : vector<16xf32>
      }
      %scan3A_65 = arith.constant 14 : i32
      scf.yield %scan3A_64 : vector<16xf32>
    }
    %scan3A_18 = arith.constant 14 : i32
    %swap3A = arith.constant 0 : index
    %swap3A_19 = tpu.vector_load %arg9[%swap3A] {strides = array<i32>} : memref<16xf32, #tpu.memory_space<vmem>>, vector<16xf32>,
    tpu.vector_store %arg9[%swap3A], %scan3A_17 {strides = array<i32>} : memref<16xf32, #tpu.memory_space<vmem>>, vector<16xf32>,
    "tpu.region"() ({
      %run_scoped3A = tpu.sem_alloc : memref<!tpu.dma_semaphore, #tpu.memory_space<semaphore_mem>>
      %dma_start3A_20 = arith.constant 0 : i32
      %dma_start3A_21 = tpu.memref_slice %arg4[%add3A, %dma_start3A_20] : memref<32x16xf32, #tpu.memory_space<hbm>> -> memref<1x16xf32, #tpu.memory_space<hbm>>
      %dma_start3A_22 = tpu.memref_squeeze %dma_start3A_21 : memref<1x16xf32, #tpu.memory_space<hbm>> -> memref<16xf32, #tpu.memory_space<hbm>>
      %dma_start3A_23 = arith.constant 0 : i32
      %dma_start3A_24 = tpu.memref_slice %arg4[%add3A, %dma_start3A_23] : memref<32x16xf32, #tpu.memory_space<hbm>> -> memref<1x16xf32, #tpu.memory_space<hbm>>
      %dma_start3A_25 = tpu.memref_squeeze %dma_start3A_24 : memref<1x16xf32, #tpu.memory_space<hbm>> -> memref<16xf32, #tpu.memory_space<hbm>>
      tpu.enqueue_dma source(%arg9 : memref<16xf32, #tpu.memory_space<vmem>>) target(%dma_start3A_25 : memref<16xf32, #tpu.memory_space<hbm>>) target_semaphore(%run_scoped3A : memref<!tpu.dma_semaphore, #tpu.memory_space<semaphore_mem>>)
      %dma_wait3A = arith.constant 0 : i32
      %dma_wait3A_26 = tpu.memref_slice %arg4[%add3A, %dma_wait3A] : memref<32x16xf32, #tpu.memory_space<hbm>> -> memref<1x16xf32, #tpu.memory_space<hbm>>
      %dma_wait3A_27 = tpu.memref_squeeze %dma_wait3A_26 : memref<1x16xf32, #tpu.memory_space<hbm>> -> memref<16xf32, #tpu.memory_space<hbm>>
      %dma_wait3A_28 = arith.constant 0 : i32
      %dma_wait3A_29 = tpu.memref_slice %arg4[%add3A, %dma_wait3A_28] : memref<32x16xf32, #tpu.memory_space<hbm>> -> memref<1x16xf32, #tpu.memory_space<hbm>>
      %dma_wait3A_30 = tpu.memref_squeeze %dma_wait3A_29 : memref<1x16xf32, #tpu.memory_space<hbm>> -> memref<16xf32, #tpu.memory_space<hbm>>
      tpu.wait_dma2 semaphore(%run_scoped3A : memref<!tpu.dma_semaphore, #tpu.memory_space<semaphore_mem>>) src(%arg9 : memref<16xf32, #tpu.memory_space<vmem>>) dst(%dma_wait3A_30 : memref<16xf32, #tpu.memory_space<hbm>>)
      tpu.yield
    }) : () -> ()
    return
  }
}

</mosaic_0001>

<sc_bundles>
// kernel: kernel.3.cloned.1.call-start
scs
__scs_entry_jumppad:
0x0: {  	(pc) =	sbr.rel $0x88, $3  }
0x1: {  	(tag) =	ssettag $0x0;
	lr =	simm.s32 $0x1  }
0x2: {  	[smem:$0x3F9F] =	sst lr;
	_ =	strace $0xD0000000  }
0x3: {  	_ = 	snop  }
0x4: {  	_ = 	snop  }
0x5: {  	_ = 	snop  }
0x6: {  	_ = 	snop  }
0x7: {  	_ = 	snop  }
__scs_overlays_trampoline_lowered:
0x8: {  	[smem:$0x3FAE] =	sst s0  }
0x9: {  	[smem:$0x3FAF] =	sst s1  }
0xa: {  	[smem:$0x3FB0] =	sst s2  }
0xb: {  	[smem:$0x3FB1] =	sst s3  }
0xc: {  	[smem:$0x3FB2] =	sst s4  }
0xd: {  	[smem:$0x3FB3] =	sst s5  }
0xe: {  	[smem:$0x3FB4] =	sst s6  }
0xf: {  	[smem:$0x3FB5] =	sst s7  }
0x10: {  	[smem:$0x3FB6] =	sst s8  }
0x11: {  	[smem:$0x3FB7] =	sst s9;
	s0 =	simm.s32 @!p0 $0x0  }
0x12: {  	s1 =	sld [smem:$0x3F9D];
	s0 =	simm.s32 @p0 $0x1  }
0x13: {  	[smem:$0x3FB8] =	sst s0;
	s0 =	simm.s32 @!p1 $0x0  }
0x14: {  	s2 =	sld [smem:$0x3F9C];
	s0 =	simm.s32 @p1 $0x1  }
0x15: {  	[smem:$0x3FB9] =	sst s0;
	s0 =	simm.s32 @!p2 $0x0  }
0x16: {  	s3 =	sld [smem:$0x3FDB];
	s0 =	simm.s32 @p2 $0x1  }
0x17: {  	s4 =	simm.s32 $0x1BF5;
	[smem:$0x3FBB] =	sst s0  }
0x18: {  	s0 =	sld [smem:$0x3F9E];
	_ =	swait.ge [sflag:s4], $0x0  }
0x19: {  	s7 =	sld [smem:$0x3F9F]  }
0x1a: {  	s8 =	sadd.s32 $0xFFFFE003, lr  }
0x1b: {  	s9 =	sadd.s32 $0xFFFFFEF7, lr;
	s5 =	simm.s32 $0xFFFFFFFF;
	p2 =	slt.u32 s8, $0xFFFFF086  }
0x1c: {  	p1 =	slt.u32 s9, $0xF7A;
	s5 =	simm.s32 @!p2 $0x0  }
0x1d: {  	s5 =	simm.s32 @p1 $0x1;
	p0 =	seq.s32 s7, s2  }
0x1e: {  	s7 =	smul.u32 @!p0 $0xF7A, s2;
	p2 =	seq.s32 @!p0 s5, $0x0  }
0x1f: {  	s9 =	smul.u32 $0xF7A, s1;
	s8 =	simm.s32 @!p0 $0x1BF5;
	p2 =	por !p2, p0  }
0x20: {  	[sflag:s8] =	ssyncset.s32 @!p0 $0xFFFFF086;
	s6 =	sadd.s32 @!p0 s3, s7;
	s7 =	simm.s32 @!p0 $0x108  }
0x21: {  	s3 =	sadd.s32 s3, s9;
	s6 =	sadd.s32 @!p0 $0x88, s6;
	s7 =	simm.s32 @p2 $0x1082  }
0x22: {  	[simem:s7], [sflag:s8] =	dma.local @!p0 [hbm:s6], $0xF7A  }
0x23: {  	s9 =	sor.u32 $0xD0000000, s2;
	s6 =	simm.s32 $0x108;
	_ =	swait.ge @!p0 [sflag:s8], $0x0  }
0x24: {  	s3 =	sadd.s32 $0x88, s3;
	s6 =	simm.s32 @!p1 $0x1082;
	[sflag:s4] =	ssyncset.s32 $0xFFFFF086  }
0x25: {  	[simem:s6], [sflag:s4] =	dma.local [hbm:s3], $0xF7A  }
0x26: {  	[smem:$0x3F9F] =	sst s1;
	(tag) =	ssettag s2;
	_ =	strace s9  }
0x27: {  	s1 =	sld [smem:$0x3FAF]  }
0x28: {  	s2 =	sld [smem:$0x3FB0]  }
0x29: {  	s4 =	sld [smem:$0x3FB2]  }
0x2a: {  	p0 =	seq.s32 s5, $0x0;
	s5 =	sld [smem:$0x3FB3]  }
0x2b: {  	s6 =	sld [smem:$0x3FB4]  }
0x2c: {  	s7 =	sld [smem:$0x3FB5]  }
0x2d: {  	s3 =	simm.s32 $0x108;
	s8 =	sld [smem:$0x3FB6]  }
0x2e: {  	s3 =	simm.s32 @!p0 $0x1082;
	s9 =	sld [smem:$0x3FB7]  }
0x2f: {  	lr =	sadd.s32 s0, s3;
	s0 =	sld [smem:$0x3FAE]  }
0x30: {  	s3 =	sld [smem:$0x3FB1]  }
0x31: {  	[smem:$0x3FBA] =	sst s10  }
0x32: {  	s10 =	sld [smem:$0x3FB8];
	_ =	sdelay $0x3  }
0x33: {  	p0 =	seq.s32 s10, $0x1;
	s10 =	sld [smem:$0x3FBA];
	_ =	sdelay $0x3  }
0x34: {  	[smem:$0x3FBA] =	sst s10  }
0x35: {  	s10 =	sld [smem:$0x3FB9];
	_ =	sdelay $0x3  }
0x36: {  	p1 =	seq.s32 s10, $0x1;
	s10 =	sld [smem:$0x3FBA];
	_ =	sdelay $0x3  }
0x37: {  	[smem:$0x3FBA] =	sst s10  }
0x38: {  	s10 =	sld [smem:$0x3FBB]  }
0x39: {  	_ = 	snop;
	(pc) =	sbr.ind lr, $3  }
0x3a: {  	_ = 	snop  }
0x3b: {  	_ = 	snop  }
0x3c: {  	p2 =	seq.s32 s10, $0x1;
	s10 =	sld [smem:$0x3FBA]  }
0x3d: {  	_ =	shalt  }
0x3e: {  	_ =	shalt  }
0x3f: {  	_ =	shalt  }
0x40: {  	_ =	shalt  }
0x41: {  	_ =	shalt  }
0x42: {  	_ =	shalt  }
0x43: {  	_ =	shalt  }
0x44: {  	_ =	shalt  }
0x45: {  	_ =	shalt  }
0x46: {  	_ =	shalt  }
0x47: {  	_ =	shalt  }
0x48: {  	_ =	shalt  }
0x49: {  	_ =	shalt  }
0x4a: {  	_ =	shalt  }
0x4b: {  	_ =	shalt  }
0x4c: {  	_ =	shalt  }
0x4d: {  	_ =	shalt  }
0x4e: {  	_ =	shalt  }
0x4f: {  	_ =	shalt  }
0x50: {  	_ =	shalt  }
0x51: {  	_ =	shalt  }
0x52: {  	_ =	shalt  }
0x53: {  	_ =	shalt  }
0x54: {  	_ =	shalt  }
0x55: {  	_ =	shalt  }
0x56: {  	_ =	shalt  }
0x57: {  	_ =	shalt  }
0x58: {  	_ =	shalt  }
0x59: {  	_ =	shalt  }
0x5a: {  	_ =	shalt  }
0x5b: {  	_ =	shalt  }
0x5c: {  	_ =	shalt  }
0x5d: {  	_ =	shalt  }
0x5e: {  	_ =	shalt  }
0x5f: {  	_ =	shalt  }
0x60: {  	_ =	shalt  }
0x61: {  	_ =	shalt  }
0x62: {  	_ =	shalt  }
0x63: {  	_ =	shalt  }
0x64: {  	_ =	shalt  }
0x65: {  	_ =	shalt  }
0x66: {  	_ =	shalt  }
0x67: {  	_ =	shalt  }
0x68: {  	_ =	shalt  }
0x69: {  	_ =	shalt  }
0x6a: {  	_ =	shalt  }
0x6b: {  	_ =	shalt  }
0x6c: {  	_ =	shalt  }
0x6d: {  	_ =	shalt  }
0x6e: {  	_ =	shalt  }
0x6f: {  	_ =	shalt  }
0x70: {  	_ =	shalt  }
0x71: {  	_ =	shalt  }
0x72: {  	_ =	shalt  }
0x73: {  	_ =	shalt  }
0x74: {  	_ =	shalt  }
0x75: {  	_ =	shalt  }
0x76: {  	_ =	shalt  }
0x77: {  	_ =	shalt  }
0x78: {  	_ =	shalt  }
0x79: {  	_ =	shalt  }
0x7a: {  	_ =	shalt  }
0x7b: {  	_ =	shalt  }
0x7c: {  	_ =	shalt  }
0x7d: {  	_ =	shalt  }
0x7e: {  	_ =	shalt  }
0x7f: {  	_ =	shalt  }
0x80: {  	_ =	shalt  }
0x81: {  	_ =	shalt  }
0x82: {  	_ =	shalt  }
0x83: {  	_ =	shalt  }
0x84: {  	_ =	shalt  }
0x85: {  	_ =	shalt  }
0x86: {  	_ =	shalt  }
0x87: {  	_ =	shalt  }
.Lfunc_end0:
.L_simem_size_0:
called_computation_lowered:
.L_overlay_start_0:
0x88: {  	s2 =	sld [smem:$0x3FD9]  }
0x89: {  	s3 =	sld [smem:$0x3FFE];
	_ =	sdelay $0x1  }
0x8a: {  	s1 =	srdreg.scid  }
0x8b: {  	s0 =	sand.u32 $0x1, s1  }
0x8c: {  	s16 =	sshll.u32 s0, $0xA;
	s2 =	sadd.s32 s3, s2  }
0x8d: {  	s2 =	sadd.s32 s2, s16  }
0x8e: {  	[smem:$0x3FC6] =	sst s2  }
0x8f: {  	_ = 	snop  }
0x90: {  	(tm) =	ssettm $0x1  }
0x91: {  	s17 =	sld [smem:$0x3FFB];
	_ =	sdelay $0x3  }
0x92: {  	_ =	strace s17  }
0x93: {  	s2 =	sld [smem:$0x3FFC];
	_ =	sdelay $0x3  }
0x94: {  	_ =	strace s2  }
0x95: {  	s2 =	sld [smem:$0x3FFD];
	_ =	sdelay $0x3  }
0x96: {  	_ =	strace s2  }
0x97: {  	_ =	strace $0x8FFFFFFF  }
0x98: {  	s18 =	sld [smem:$0x3FDB];
	_ =	sdelay $0x1  }
0x99: {  	s19 =	simm.s32 $_scs_section_size  }
0x9a: {  	s4 =	simm.s32 $_size__tile_overlayer_lowered;
	s5 =	simm.s32 $_tile_overlayer_lowered  }
0x9b: {  	s22 =	simm.s32 $0x1BFF;
	s21 =	sshll.u32 s5, $0x1;
	s2 =	sadd.s32 s19, s18  }
0x9c: {  	s6 =	simm.s32 $0x0;
	s20 =	sshll.u32 s4, $0x1;
	s4 =	sadd.s32 s21, s2  }
0x9d: {  	[timem:s6], [sflag:s22] =	dma.local [hbm:s4], s20  }
0x9e: {  	_ =	swait.ge [sflag:s22], s20  }
0x9f: {  	s3 =	ssub.s32 $0x0, s20;
	[sflag:s22] =	ssyncset.done $0x0  }
0xa0: {  	[sflag:s22] =	ssyncadd.s32 s3;
	_ =	sdelay $0x1  }
0xa1: {  	s23 =	simm.s32 $0x1B8B  }
0xa2: {  	_ =	swait.ge [sflag:s23], $0x1  }
0xa3: {  	[sflag:s23] =	ssyncset.done $0x0  }
0xa4: {  	s25 =	simm.s32 $0x1B8E;
	s24 =	sld [smem:$0x3FFE];
	[sflag:s23] =	ssyncadd.s32 $0xFFFFFFFF  }
0xa5: {  	s26 =	simm.s32 $execute0_lowered;
	[smem:$0x3FD2] =	sst s25  }
0xa6: {  	s4 =	sshll.u32 s26, $0x1;
	_ =	strace $0x80000046;
	[dreg:$0x1] =	wrdreg $0xFFFFFFFF  }
0xa7: {  	s28 =	simm.s32 $_size_execute0_lowered;
	s2 =	sadd.s32 s2, s4;
	[dreg:$0x0] =	wrdreg $0x0  }
0xa8: {  	s4 =	sshll.u32 s28, $0x1;
	[dreg:$0x2] =	wrdreg s2  }
0xa9: {  	[dreg:$0x3] =	wrdreg s4  }
0xaa: {  	[dreg:$0x4] =	wrdreg $0xC0  }
0xab: {  	_ =	task [dreg:s6], $0x5FFFF  }
0xac: {  	[dreg:$0x1] =	wrdreg $0xFFFFFFFF  }
0xad: {  	[dreg:$0x0] =	wrdreg $0x60  }
0xae: {  	[dreg:$0x2] =	wrdreg s24  }
0xaf: {  	[dreg:$0x3] =	wrdreg $0x9  }
0xb0: {  	_ =	task.clear_ibuf [dreg:s6], $0x4FFFF;
	_ =	strace $0x90000046  }
0xb1: {  	s29 =	simm.s32 $0x9;
	_ =	strace $0x80000048  }
0xb2: {  	_ =	swait.ge [sflag:s29], $0x1  }
0xb3: {  	[sflag:s29] =	ssyncadd.s32 $0xFFFFFFFF  }
0xb4: {  	_ =	strace $0x90000048  }
0xb5: {  	_ =	sfence  }
0xb6: {  	s30 =	sld [smem:$0x0];
	_ =	sdelay $0x2  }
0xb7: {  	s31 =	sshll.u32 s1, $0xD;
	s1 =	sshrl.u32 s1, $0x2  }
0xb8: {  	s3 =	sand.u32 $0x4000, s31;
	s1 =	sadd.s32 s1, s30  }
0xb9: {  	s0 =	sor.u32 s3, s0;
	s1 =	sshll.u32 s1, $0x11  }
0xba: {  	s0 =	sor.u32 s1, s0  }
0xbb: {  	s0 =	sadd.s32 $0x8F2B, s0  }
0xbc: {  	[sflag:s0] =	ssyncadd.remote.s32 $0x1  }
0xbd: {  	_ =	sfence.sel $0xFFFF  }
0xbe: {  	[dreg:$0x0] =	wrdreg $0xFFFFFFFF;
	(pc) =	sbr.abs _section_cstart, $3  }
0xbf: {  	[dreg:$0x1] =	wrdreg $0xFFFFFFFF  }
0xc0: {  	_ =	task.clear_ibuf [dreg:s6], $0x2FFFF;
	_ =	strace $0x9FFFFFFF  }
0xc1: {  	(tm) =	ssettm $0x7FFFFFFF  }
tec
execute0_lowered:
.L_overlay_start_1:
0x0: {  	(tag) =	ssettag $0x1  }
0x1: {  	v0 =	vlaneseq.u32  }
0x2: {  	s9 =	rddreg [dreg:$0x0];
	s1 =	simm.s32 $0x0;
	v29 =	vmul.u32 $0x5A, v0  }
0x3: {  	[smem:$0x7FF] =	sst s1  }
0x4: {  	s0 =	rddreg [dreg:$0x1];
	_ =	strace $0x80000047;
	v0 =	vadd.s32 $0xC, v29;
	[tilespmem:$0x1FFA0] =	vst v29  }
0x5: {  	v2 =	vadd.s32 $0x43, v29;
	[tilespmem:$0x1FC30] =	vst v0  }
0x6: {  	v61 =	vadd.s32 $0x41, v29;
	[tilespmem:$0x1FCC0] =	vst v2  }
0x7: {  	v57 =	vadd.s32 $0x40, v29;
	[tilespmem:$0x1FCE0] =	vst v61  }
0x8: {  	v53 =	vadd.s32 $0x3F, v29;
	[tilespmem:$0x1FCF0] =	vst v57  }
0x9: {  	v6 =	vadd.s32 $0x3D, v29;
	[tilespmem:$0x1FD00] =	vst v53  }
0xa: {  	v12 =	vadd.s32 $0x3E, v29;
	[tilespmem:$0x1FD10] =	vst v6  }
0xb: {  	v8 =	vadd.s32 $0x3C, v29;
	[tilespmem:$0x1FD20] =	vst v12  }
0xc: {  	v7 =	vadd.s32 $0x3B, v29;
	[tilespmem:$0x1FD30] =	vst v8  }
0xd: {  	v10 =	vadd.s32 $0x3A, v29;
	[tilespmem:$0x1FD40] =	vst v7  }
0xe: {  	v15 =	vadd.s32 $0x39, v29;
	[tilespmem:$0x1FD50] =	vst v10  }
0xf: {  	v16 =	vadd.s32 $0x38, v29;
	[tilespmem:$0x1FD60] =	vst v15  }
0x10: {  	v40 =	vadd.s32 $0x36, v29;
	[tilespmem:$0x1FD70] =	vst v16  }
0x11: {  	v59 =	vadd.s32 $0x12, v29;
	[tilespmem:$0x1FD80] =	vst v40  }
0x12: {  	v55 =	vadd.s32 $0x14, v29;
	[tilespmem:$0x1FD90] =	vst v59  }
0x13: {  	v22 =	vadd.s32 $0x16, v29;
	[tilespmem:$0x1FDA0] =	vst v55  }
0x14: {  	v52 =	vadd.s32 $0x18, v29;
	[tilespmem:$0x1FDB0] =	vst v22  }
0x15: {  	v27 =	vadd.s32 $0x1A, v29;
	[tilespmem:$0x1FDC0] =	vst v52  }
0x16: {  	v56 =	vadd.s32 $0x11, v29;
	[tilespmem:$0x1FDD0] =	vst v27  }
0x17: {  	v19 =	vadd.s32 $0x13, v29;
	[tilespmem:$0x1FDE0] =	vst v56  }
0x18: {  	v51 =	vadd.s32 $0x15, v29;
	[tilespmem:$0x1FDF0] =	vst v19  }
0x19: {  	v23 =	vadd.s32 $0x17, v29;
	[tilespmem:$0x1FE00] =	vst v51  }
0x1a: {  	v25 =	vadd.s32 $0x19, v29;
	[tilespmem:$0x1FE10] =	vst v23  }
0x1b: {  	v35 =	vadd.s32 $0x1B, v29;
	[tilespmem:$0x1FE20] =	vst v25  }
0x1c: {  	v36 =	vadd.s32 $0x1C, v29;
	[tilespmem:$0x1FE30] =	vst v35  }
0x1d: {  	v37 =	vadd.s32 $0x1D, v29;
	[tilespmem:$0x1FE40] =	vst v36  }
0x1e: {  	v38 =	vadd.s32 $0x1E, v29;
	[tilespmem:$0x1FE50] =	vst v37  }
0x1f: {  	v39 =	vadd.s32 $0x1F, v29;
	[tilespmem:$0x1FE60] =	vst v38  }
0x20: {  	v41 =	vadd.s32 $0x20, v29;
	[tilespmem:$0x1FE70] =	vst v39  }
0x21: {  	v43 =	vadd.s32 $0x37, v29;
	[tilespmem:$0x1FE80] =	vst v41  }
0x22: {  	v26 =	vadd.s32 $0x10, v29;
	[tilespmem:$0x1FE90] =	vst v43  }
0x23: {  	v44 =	vadd.s32 $0x21, v29;
	[tilespmem:$0x1FEA0] =	vst v26  }
0x24: {  	v47 =	vadd.s32 $0x22, v29;
	[tilespmem:$0x1FEB0] =	vst v44  }
0x25: {  	v48 =	vadd.s32 $0x23, v29;
	[tilespmem:$0x1FEC0] =	vst v47  }
0x26: {  	v54 =	vadd.s32 $0x4, v29;
	[tilespmem:$0x1FED0] =	vst v48  }
0x27: {  	v49 =	vadd.s32 $0x24, v29;
	[tilespmem:$0x1FEE0] =	vst v54  }
0x28: {  	v50 =	vadd.s32 $0x25, v29;
	[tilespmem:$0x1FEF0] =	vst v49  }
0x29: {  	v9 =	vadd.s32 $0x26, v29;
	[tilespmem:$0x1FF00] =	vst v50  }
0x2a: {  	v46 =	vadd.s32 $0x27, v29;
	[tilespmem:$0x1FF10] =	vst v9  }
0x2b: {  	v33 =	vadd.s32 $0x28, v29;
	[tilespmem:$0x1FF20] =	vst v46  }
0x2c: {  	v34 =	vadd.s32 $0x29, v29;
	[tilespmem:$0x1FF30] =	vst v33  }
0x2d: {  	v30 =	vadd.s32 $0x2A, v29;
	[tilespmem:$0x1FF40] =	vst v34  }
0x2e: {  	v14 =	vadd.s32 $0x2B, v29;
	[tilespmem:$0x1FF50] =	vst v30  }
0x2f: {  	v28 =	vadd.s32 $0x2C, v29;
	[tilespmem:$0x1FF60] =	vst v14  }
0x30: {  	v31 =	vadd.s32 $0x2D, v29;
	[tilespmem:$0x1FF70] =	vst v28  }
0x31: {  	v13 =	vadd.s32 $0x2E, v29;
	[tilespmem:$0x1FF80] =	vst v31  }
0x32: {  	v42 =	vadd.s32 $0xA, v29;
	[tilespmem:$0x1FF90] =	vst v13  }
0x33: {  	v62 =	vadd.s32 $0xD, v29;
	[tilespmem:$0x1FFB0] =	vst v42  }
0x34: {  	v1 =	vimm.f32 $7.000000000e+00;
	v63 =	vadd.s32 $0xF, v29;
	[tilespmem:$0x1FFC0] =	vst v62  }
0x35: {  	(erf) = vrcp.f32 v1;
	v0 =	vadd.s32 $0x2F, v29;
	[tilespmem:$0x1FFD0] =	vst v63  }
0x36: {  	[tilespmem:$0x1FC40] =	vst v0;
	v0 =	vadd.s32 $0x30, v29  }
0x37: {  	[tilespmem:$0x1FC50] =	vst v0;
	v0 =	vadd.s32 $0x31, v29  }
0x38: {  	s3 =	srdreg.scid;
	s2 =	stileid.u32;
	s13 =	simm.s32 $0xED00;
	[tilespmem:$0x1FC60] =	vst v0;
	v0 =	vadd.s32 $0x32, v29  }
0x39: {  	s14 =	simm.s32 $0x1;
	s15 =	simm.s32 $0x2;
	s16 =	simm.s32 $0x13C00;
	[tilespmem:$0x1FC70] =	vst v0;
	v0 =	vadd.s32 $0x33, v29  }
0x3a: {  	s17 =	simm.s32 $0x3;
	s3 =	sand.u32 $0x1, s3;
	s4 =	sshll.u32 s2, $0x1;
	[tilespmem:$0x1FC80] =	vst v0;
	v0 =	vadd.s32 $0x34, v29  }
0x3b: {  	s18 =	simm.s32 $0x0;
	s5 =	ssub.s32 $0x2, s3;
	s7 =	sor.u32 s3, s4;
	v45 =	vadd.s32 $0xB, v29;
	[tilespmem:$0x1FC90] =	vst v0;
	v0 =	vadd.s32 $0x35, v29  }
0x3c: {  	s3 =	sadd.s32 $0x380000, s9;
	s4 =	sadd.s32 $0x5A7400, s9;
	v58 =	vadd.s32 $0xE, v29;
	s8 =	smul.u32 $0x113A0, s7;
	[tilespmem:$0x1FFE0] =	vst v45  }
0x3d: {  	s6 =	sshrl.u32 s5, $0x1;
	s11 =	smul.u32 $0x1880, s7;
	s12 =	sshll.u32 s7, $0x4;
	[tilespmem:$0x1FFF0] =	vst v58  }
0x3e: {  	s10 =	ssub.s32 s5, s6;
	s9 =	sadd.s32 s9, s12;
	s12 =	simm.s32 $0x9E00;
	[tilespmem:$0x1FCA0] =	vst v0;
	v0 =	vpop (erf)  }
0x3f: {  	s5 =	sadd.s32 s3, s8;
	s6 =	sadd.s32 s4, s8;
	s7 =	sadd.s32 $0xE0, s11;
	[tilespmem:$0x1FCB0] =	vst v0;
	v0 =	vadd.s32 $0x42, v29  }
0x40: {  	v32 =	vimm.s32 $0x0;
	s8 =	sadd.s32 $0x1C0, s11;
	s10 =	smax.u32 s10, $0x1;
	s11 =	simm.s32 $0x4F00;
	[tilespmem:$0x1FCD0] =	vst v0  }
.LBB2_1:
0x41: {  	[tilespmem:s1], [sflag:$0x1] =	stream.linear.gather [hbm4b:s5+s1], $0x4EC0, $0x38;
	[tilespmem:$0x13C80] =	vst v63  }
0x42: {  	s19 =	simm.s32 $0x0  }
0x43: {  	v3 =	vimm.f32 $0.0e+00;
	[tilespmem:s11], [sflag:$0x1] =	stream.linear.gather [hbm4b:s6+s1], $0x4EC0, $0x38;
	[tilespmem:$0x13C80] =	vst v63  }
.LBB2_2:
0x44: {  	s20 =	smul.u32 $0x1C0, s19;
	_ =	sdelay $0x1  }
0x45: {  	s21 =	sadd.s32 s7, s20  }
0x46: {  	s21 =	smul.u32 $0x5A, s21;
	_ =	sdelay $0x1  }
0x47: {  	s21 =	sshrl.u32 s21, $0x3  }
0x48: {  	s22 =	simm.s32 $0x0;
	s23 =	sadd.s32 s3, s21  }
0x49: {  	[tilespmem:s12], [sflag:$0x2] =	stream.linear.gather [hbm4b:s23+s22], $0x4EC0, $0x38;
	[tilespmem:$0x13C80] =	vst v63  }
0x4a: {  	[tilespmem:$0x1F8A0] =	vst v3;
	s21 =	sadd.s32 s4, s21  }
0x4b: {  	[tilespmem:s13], [sflag:$0x2] =	stream.linear.gather [hbm4b:s21+s22], $0x4EC0, $0x38;
	[tilespmem:$0x13C80] =	vst v63  }
0x4c: {  	_ =	swait.ge [sflag:s14], $0x4EC0  }
0x4d: {  	v1 =	vadd.s32 s22, v29;
	[sflag:s14] =	ssyncset.done $0x0  }
0x4e: {  	[sflag:s14] =	ssyncadd.s32 $0xFFFFB140  }
0x4f: {  	_ =	swait.ge [sflag:s14], $0x4EC0  }
0x50: {  	[sflag:s14] =	ssyncset.done $0x0  }
0x51: {  	[sflag:s14] =	ssyncadd.s32 $0xFFFFB140  }
0x52: {  	v3 =	vadd.s32 s22, v0;
	v0 =	vld.idx.msk [tilespmem:v1+s1+$0x0], $0xffff;
	_ =	sdelay $0x3  }
0x53: {  	v60 =	vmov v30  }
0x54: {  	v30 =	vmovc v34;
	v34 =	vmovc v31;
	v31 =	vmov v28;
	v28 =	vmov v2;
	v2 =	vadd.s32 s22, v2;
	[tilespmem:$0x1FAE0] =	vst v0;
	v0 =	vld.idx.msk [tilespmem:v1+s11+$0x0], $0xffff;
	_ =	sdelay $0x4  }
0x55: {  	[tilespmem:$0x1FAF0] =	vst v0;
	v0 =	vld.idx.msk [tilespmem:v2+s1+$0x0], $0xffff;
	_ =	sdelay $0x4  }
0x56: {  	[tilespmem:$0x1F950] =	vst v0;
	v0 =	vld.idx.msk [tilespmem:v2+s11+$0x0], $0xffff;
	_ =	sdelay $0x4  }
0x57: {  	[tilespmem:$0x1F960] =	vst v0;
	v0 =	vld.idx.msk [tilespmem:v3+s1+$0x0], $0xffff;
	_ =	sdelay $0x4  }
0x58: {  	v4 =	vadd.s32 s22, v61;
	[tilespmem:$0x1F9A0] =	vst v0;
	v0 =	vld.idx.msk [tilespmem:v3+s11+$0x0], $0xffff;
	_ =	sdelay $0x4  }
0x59: {  	v5 =	vadd.s32 s22, v57;
	[tilespmem:$0x1F9B0] =	vst v0;
	v0 =	vld.idx.msk [tilespmem:v4+s1+$0x0], $0xffff;
	_ =	sdelay $0x4  }
0x5a: {  	[tilespmem:$0x1F990] =	vst v0;
	v0 =	vld.idx.msk [tilespmem:v5+s1+$0x0], $0xffff;
	_ =	sdelay $0x4  }
0x5b: {  	v2 =	vadd.s32 s22, v53;
	[tilespmem:$0x1F9F0] =	vst v0;
	v0 =	vld.idx.msk [tilespmem:v5+s11+$0x0], $0xffff;
	_ =	sdelay $0x4  }
0x5c: {  	v3 =	vadd.s32 s22, v12;
	[tilespmem:$0x1FA00] =	vst v0;
	v0 =	vld.idx.msk [tilespmem:v2+s1+$0x0], $0xffff;
	_ =	sdelay $0x4  }
0x5d: {  	[tilespmem:$0x1F9D0] =	vst v0;
	v0 =	vld.idx.msk [tilespmem:v3+s1+$0x0], $0xffff;
	_ =	sdelay $0x4  }
0x5e: {  	v6 =	vadd.s32 s22, v6;
	[tilespmem:$0x1FA60] =	vst v0;
	v0 =	vld.idx.msk [tilespmem:v3+s11+$0x0], $0xffff;
	_ =	sdelay $0x4  }
0x5f: {  	[tilespmem:$0x1FA70] =	vst v0;
	v0 =	vld.idx.msk [tilespmem:v6+s1+$0x0], $0xffff;
	_ =	sdelay $0x4  }
0x60: {  	v8 =	vadd.s32 s22, v8;
	[tilespmem:$0x1FA30] =	vst v0;
	v0 =	vld.idx.msk [tilespmem:v6+s11+$0x0], $0xffff  }
0x61: {  	v24 =	vadd.s32 s22, v7;
	_ =	sdelay $0x3  }
0x62: {  	[tilespmem:$0x1FA40] =	vst v0;
	v0 =	vld.idx.msk [tilespmem:v8+s1+$0x0], $0xffff  }
0x63: {  	v20 =	vadd.s32 s22, v10;
	v1 =	vld.idx.msk [tilespmem:v24+s11+$0x0], $0xffff;
	_ =	sdelay $0x2  }
0x64: {  	v15 =	vadd.s32 s22, v15  }
0x65: {  	[tilespmem:$0x1FA80] =	vst v0;
	v0 =	vld.idx.msk [tilespmem:v8+s11+$0x0], $0xffff  }
0x66: {  	v16 =	vadd.s32 s22, v16;
	[tilespmem:$0x1FA20] =	vst v1;
	v1 =	vld.idx.msk [tilespmem:v20+s1+$0x0], $0xffff  }
0x67: {  	v11 =	vld.idx.msk [tilespmem:v4+s11+$0x0], $0xffff  }
0x68: {  	v21 =	vadd.s32 s22, v43;
	v10 =	vld.idx.msk [tilespmem:v20+s11+$0x0], $0xffff  }
0x69: {  	v7 =	vld.idx.msk [tilespmem:v15+s11+$0x0], $0xffff  }
0x6a: {  	[tilespmem:$0x1FA90] =	vst v0;
	v0 =	vld.idx.msk [tilespmem:v24+s1+$0x0], $0xffff  }
0x6b: {  	v53 =	vmov v22;
	[tilespmem:$0x1F9E0] =	vst v1;
	v1 =	vadd.s32 s22, v40;
	v40 =	vld.idx.msk [tilespmem:v16+s1+$0x0], $0xffff;
	v22 =	vadd.s32 s22, v42  }
0x6c: {  	v24 =	vld [tilespmem:$0x1FC30]  }
0x6d: {  	v42 =	vld.idx.msk [tilespmem:v21+s11+$0x0], $0xffff  }
0x6e: {  	v12 =	vld.idx.msk [tilespmem:v2+s11+$0x0], $0xffff  }
0x6f: {  	v5 =	vld.idx.msk [tilespmem:v21+s1+$0x0], $0xffff;
	[tilespmem:$0x1FA10] =	vst v0;
	v0 =	vmov v46;
	v46 =	vmov v23;
	v23 =	vadd.s32 s22, v45  }
0x70: {  	v2 =	vmov v14;
	v14 =	vld.idx.msk [tilespmem:v22+s11+$0x0], $0xffff  }
0x71: {  	v4 =	vmov v13;
	v6 =	vld.idx.msk [tilespmem:v16+s11+$0x0], $0xffff;
	v13 =	vadd.s32 s22, v24  }
0x72: {  	v16 =	vld.idx.msk [tilespmem:v22+s1+$0x0], $0xffff  }
0x73: {  	v17 =	vadd.s32 s22, v62;
	v8 =	vld.idx.msk [tilespmem:v15+s1+$0x0], $0xffff  }
0x74: {  	v18 =	vld.idx.msk [tilespmem:v23+s1+$0x0], $0xffff  }
0x75: {  	v20 =	vadd.s32 s22, v58;
	v15 =	vld.idx.msk [tilespmem:v23+s11+$0x0], $0xffff  }
0x76: {  	v21 =	vld.idx.msk [tilespmem:v13+s1+$0x0], $0xffff  }
0x77: {  	v13 =	vld.idx.msk [tilespmem:v13+s11+$0x0], $0xffff  }
0x78: {  	v58 =	vadd.s32 s22, v63;
	v23 =	vld.idx.msk [tilespmem:v17+s1+$0x0], $0xffff  }
0x79: {  	v17 =	vld.idx.msk [tilespmem:v17+s11+$0x0], $0xffff  }
0x7a: {  	v14 =	vsub.f32 v16, v14;
	v16 =	vld.idx.msk [tilespmem:v20+s11+$0x0], $0xffff;
	v24 =	vadd.s32 s22, v26  }
0x7b: {  	v26 =	vld.idx.msk [tilespmem:v20+s1+$0x0], $0xffff  }
0x7c: {  	v3 =	vld.idx.msk [tilespmem:v1+s1+$0x0], $0xffff;
	v15 =	vsub.f32 v18, v15;
	v18 =	vadd.s32 s22, v56  }
0x7d: {  	v22 =	vld.idx.msk [tilespmem:v58+s11+$0x0], $0xffff  }
0x7e: {  	v20 =	vld.idx.msk [tilespmem:v58+s1+$0x0], $0xffff;
	v13 =	vsub.f32 v21, v13;
	v21 =	vadd.s32 s22, v59;
	v59 =	vsub.f32 v23, v17  }
0x7f: {  	v14 =	vmul.f32 v14, v14;
	v56 =	vmov v43;
	v43 =	vld.idx.msk [tilespmem:v24+s1+$0x0], $0xffff;
	v15 =	vmul.f32 v15, v15  }
0x80: {  	v23 =	vld.idx.msk [tilespmem:v24+s11+$0x0], $0xffff;
	v58 =	vmul.f32 v59, v59;
	v59 =	vsub.f32 v26, v16;
	v16 =	vadd.s32 s22, v55  }
0x81: {  	v17 =	vadd.s32 s22, v19;
	v13 =	vmul.f32 v13, v13;
	v14 =	vadd.f32 v15, v14;
	v24 =	vld.idx.msk [tilespmem:v18+s1+$0x0], $0xffff  }
0x82: {  	v18 =	vld.idx.msk [tilespmem:v18+s11+$0x0], $0xffff  }
0x83: {  	v26 =	vld.idx.msk [tilespmem:v21+s1+$0x0], $0xffff;
	v13 =	vadd.f32 v13, v14  }
0x84: {  	v21 =	vld.idx.msk [tilespmem:v21+s11+$0x0], $0xffff  }
0x85: {  	v55 =	vsub.f32 v43, v23;
	v23 =	vadd.s32 s22, v53;
	v43 =	vld.idx.msk [tilespmem:v16+s1+$0x0], $0xffff;
	v13 =	vadd.f32 v58, v13  }
0x86: {  	v58 =	vmul.f32 v59, v59;
	v59 =	vsub.f32 v20, v22;
	v20 =	vadd.s32 s22, v51;
	v22 =	vld.idx.msk [tilespmem:v17+s1+$0x0], $0xffff  }
0x87: {  	v17 =	vld.idx.msk [tilespmem:v17+s11+$0x0], $0xffff  }
0x88: {  	v16 =	vld.idx.msk [tilespmem:v16+s11+$0x0], $0xffff;
	v13 =	vadd.f32 v58, v13;
	v51 =	vmul.f32 v59, v59  }
0x89: {  	v19 =	vld.idx.msk [tilespmem:v1+s11+$0x0], $0xffff;
	v59 =	vsub.f32 v24, v18  }
0x8a: {  	v18 =	vadd.s32 s22, v46;
	v13 =	vadd.f32 v51, v13;
	v51 =	vsub.f32 v26, v21;
	v26 =	vld.idx.msk [tilespmem:v23+s1+$0x0], $0xffff  }
0x8b: {  	v24 =	vld.idx.msk [tilespmem:v20+s1+$0x0], $0xffff  }
0x8c: {  	v58 =	vmul.f32 v55, v55;
	v21 =	vadd.s32 s22, v52;
	v20 =	vld.idx.msk [tilespmem:v20+s11+$0x0], $0xffff;
	v55 =	vsub.f32 v22, v17  }
0x8d: {  	v17 =	vadd.s32 s22, v25;
	v25 =	vsub.f32 v43, v16;
	v16 =	vadd.s32 s22, v27;
	v27 =	vld [tilespmem:$0x1FC60]  }
0x8e: {  	v46 =	vmul.f32 v59, v59;
	v13 =	vadd.f32 v58, v13;
	v58 =	vld.idx.msk [tilespmem:v23+s11+$0x0], $0xffff  }
0x8f: {  	v23 =	vld.idx.msk [tilespmem:v18+s1+$0x0], $0xffff  }
0x90: {  	v53 =	vmul.f32 v51, v51;
	v18 =	vld.idx.msk [tilespmem:v18+s11+$0x0], $0xffff;
	v13 =	vadd.f32 v46, v13  }
0x91: {  	v46 =	vld.idx.msk [tilespmem:v21+s1+$0x0], $0xffff  }
0x92: {  	v59 =	vmul.f32 v55, v55;
	v21 =	vld.idx.msk [tilespmem:v21+s11+$0x0], $0xffff;
	v13 =	vadd.f32 v53, v13;
	v53 =	vadd.s32 s22, v35  }
0x93: {  	v52 =	vsub.f32 v24, v20;
	v24 =	vld.idx.msk [tilespmem:v17+s1+$0x0], $0xffff  }
0x94: {  	v17 =	vld.idx.msk [tilespmem:v17+s11+$0x0], $0xffff;
	v13 =	vadd.f32 v59, v13;
	v59 =	vadd.s32 s22, v36  }
0x95: {  	v58 =	vsub.f32 v26, v58;
	v26 =	vld.idx.msk [tilespmem:v16+s1+$0x0], $0xffff  }
0x96: {  	v51 =	vmul.f32 v25, v25;
	v16 =	vld.idx.msk [tilespmem:v16+s11+$0x0], $0xffff;
	v36 =	vsub.f32 v23, v18;
	v18 =	vadd.s32 s22, v37  }
0x97: {  	v55 =	vmul.f32 v52, v52;
	v23 =	vld.idx.msk [tilespmem:v53+s1+$0x0], $0xffff  }
0x98: {  	v35 =	vmul.f32 v58, v58;
	v58 =	vadd.s32 s22, v39;
	v13 =	vadd.f32 v51, v13;
	v20 =	vld.idx.msk [tilespmem:v53+s11+$0x0], $0xffff  }
0x99: {  	v51 =	vadd.s32 s22, v38;
	v52 =	vld.idx.msk [tilespmem:v59+s1+$0x0], $0xffff  }
0x9a: {  	v46 =	vsub.f32 v46, v21;
	v13 =	vadd.f32 v55, v13;
	v22 =	vld.idx.msk [tilespmem:v59+s11+$0x0], $0xffff  }
0x9b: {  	v37 =	vmul.f32 v36, v36;
	v59 =	vld.idx.msk [tilespmem:v18+s1+$0x0], $0xffff  }
0x9c: {  	v53 =	vmul.f32 v46, v46;
	v46 =	vadd.s32 s22, v44;
	v18 =	vld.idx.msk [tilespmem:v18+s11+$0x0], $0xffff;
	v13 =	vadd.f32 v35, v13  }
0x9d: {  	v55 =	vsub.f32 v24, v17;
	v17 =	vld.idx.msk [tilespmem:v58+s11+$0x0], $0xffff  }
0x9e: {  	v38 =	vld.idx.msk [tilespmem:v51+s1+$0x0], $0xffff;
	v13 =	vadd.f32 v37, v13;
	v37 =	vadd.s32 s22, v41  }
0x9f: {  	v36 =	vsub.f32 v26, v16;
	v21 =	vld.idx.msk [tilespmem:v51+s11+$0x0], $0xffff  }
0xa0: {  	v41 =	vsub.f32 v23, v20;
	v23 =	vld.idx.msk [tilespmem:v58+s1+$0x0], $0xffff;
	v13 =	vadd.f32 v53, v13;
	v53 =	vadd.s32 s22, v47  }
0xa1: {  	v35 =	vmul.f32 v55, v55;
	v39 =	vmul.f32 v36, v36;
	v36 =	vld.idx.msk [tilespmem:v46+s1+$0x0], $0xffff  }
0xa2: {  	v20 =	vld.idx.msk [tilespmem:v46+s11+$0x0], $0xffff  }
0xa3: {  	v13 =	vadd.f32 v35, v13;
	v35 =	vadd.s32 s22, v48;
	v55 =	vld.idx.msk [tilespmem:v37+s1+$0x0], $0xffff  }
0xa4: {  	v16 =	vld.idx.msk [tilespmem:v37+s11+$0x0], $0xffff  }
0xa5: {  	v13 =	vadd.f32 v39, v13;
	v39 =	vadd.s32 s22, v49;
	v46 =	vld.idx.msk [tilespmem:v53+s1+$0x0], $0xffff  }
0xa6: {  	v51 =	vmul.f32 v41, v41;
	v52 =	vsub.f32 v52, v22;
	v22 =	vld.idx.msk [tilespmem:v53+s11+$0x0], $0xffff  }
0xa7: {  	v49 =	vadd.s32 s22, v50;
	v53 =	vadd.s32 s22, v9;
	v9 =	vadd.s32 s22, v0;
	v0 =	vld [tilespmem:$0x1FC90]  }
0xa8: {  	v59 =	vsub.f32 v59, v18;
	v58 =	vmul.f32 v52, v52;
	v13 =	vadd.f32 v51, v13;
	v50 =	vld.idx.msk [tilespmem:v35+s1+$0x0], $0xffff  }
0xa9: {  	v38 =	vsub.f32 v38, v21;
	v18 =	vld.idx.msk [tilespmem:v35+s11+$0x0], $0xffff  }
0xaa: {  	v37 =	vmul.f32 v59, v59;
	v13 =	vadd.f32 v58, v13;
	v52 =	vsub.f32 v55, v16;
	v55 =	vld.idx.msk [tilespmem:v39+s1+$0x0], $0xffff  }
0xab: {  	v21 =	vld.idx.msk [tilespmem:v39+s11+$0x0], $0xffff  }
0xac: {  	v48 =	vsub.f32 v23, v17;
	v47 =	vmul.f32 v38, v38;
	v35 =	vld.idx.msk [tilespmem:v49+s1+$0x0], $0xffff;
	v13 =	vadd.f32 v37, v13  }
0xad: {  	v38 =	vadd.s32 s22, v33;
	v17 =	vld.idx.msk [tilespmem:v49+s11+$0x0], $0xffff  }
0xae: {  	v51 =	vmul.f32 v48, v48;
	v39 =	vld.idx.msk [tilespmem:v53+s1+$0x0], $0xffff;
	v13 =	vadd.f32 v47, v13  }
0xaf: {  	v59 =	vsub.f32 v36, v20;
	v16 =	vld.idx.msk [tilespmem:v53+s11+$0x0], $0xffff  }
0xb0: {  	v48 =	vadd.s32 s22, v30;
	v58 =	vmul.f32 v52, v52;
	v49 =	vld.idx.msk [tilespmem:v9+s1+$0x0], $0xffff;
	v13 =	vadd.f32 v51, v13  }
0xb1: {  	v36 =	vmul.f32 v59, v59;
	v20 =	vld.idx.msk [tilespmem:v9+s11+$0x0], $0xffff  }
0xb2: {  	v37 =	vsub.f32 v46, v22;
	v52 =	vadd.s32 s22, v60;
	v53 =	vld.idx.msk [tilespmem:v38+s1+$0x0], $0xffff;
	v13 =	vadd.f32 v58, v13  }
0xb3: {  	v33 =	vadd.s32 s22, v31;
	v59 =	vadd.s32 s22, v2;
	v22 =	vld.idx.msk [tilespmem:v38+s11+$0x0], $0xffff;
	v38 =	vadd.s32 s22, v34  }
0xb4: {  	v34 =	vld [tilespmem:$0x1FC70];
	v46 =	vmul.f32 v37, v37;
	v47 =	vsub.f32 v50, v18;
	v13 =	vadd.f32 v36, v13  }
0xb5: {  	v60 =	vld.idx.msk [tilespmem:v48+s1+$0x0], $0xffff  }
0xb6: {  	v18 =	vld.idx.msk [tilespmem:v48+s11+$0x0], $0xffff;
	v50 =	vmul.f32 v47, v47;
	v51 =	vsub.f32 v55, v21;
	v13 =	vadd.f32 v46, v13  }
0xb7: {  	v30 =	vsub.f32 v39, v16;
	v21 =	vld.idx.msk [tilespmem:v52+s11+$0x0], $0xffff  }
0xb8: {  	v39 =	vld.idx.msk [tilespmem:v59+s1+$0x0], $0xffff;
	v55 =	vmul.f32 v51, v51;
	v58 =	vsub.f32 v35, v17;
	v13 =	vadd.f32 v50, v13  }
0xb9: {  	v37 =	vsub.f32 v49, v20;
	v49 =	vld.idx.msk [tilespmem:v33+s1+$0x0], $0xffff  }
0xba: {  	v16 =	vld.idx.msk [tilespmem:v33+s11+$0x0], $0xffff;
	v9 =	vmul.f32 v58, v58;
	v13 =	vadd.f32 v55, v13  }
0xbb: {  	v35 =	vld.idx.msk [tilespmem:v52+s1+$0x0], $0xffff  }
0xbc: {  	v52 =	vld [tilespmem:$0x1FC40];
	v36 =	vmul.f32 v30, v30;
	v13 =	vadd.f32 v9, v13  }
0xbd: {  	v48 =	vadd.s32 s22, v4;
	v17 =	vld.idx.msk [tilespmem:v59+s11+$0x0], $0xffff  }
0xbe: {  	v47 =	vsub.f32 v53, v22;
	v59 =	vld [tilespmem:$0x1FC50];
	v46 =	vmul.f32 v37, v37;
	v13 =	vadd.f32 v36, v13  }
0xbf: {  	v53 =	vld.idx.msk [tilespmem:v38+s1+$0x0], $0xffff;
	v51 =	vsub.f32 v60, v18;
	v33 =	vsub.f32 v49, v16  }
0xc0: {  	v20 =	vld.idx.msk [tilespmem:v38+s11+$0x0], $0xffff;
	v16 =	vadd.s32 s22, v34;
	v50 =	vmul.f32 v47, v47;
	v13 =	vadd.f32 v46, v13  }
0xc1: {  	v38 =	vld [tilespmem:$0x1FC80];
	v18 =	vadd.s32 s22, v52  }
0xc2: {  	v60 =	vld.idx.msk [tilespmem:v48+s1+$0x0], $0xffff;
	v58 =	vsub.f32 v35, v21;
	v55 =	vmul.f32 v51, v51;
	v13 =	vadd.f32 v50, v13  }
0xc3: {  	v22 =	vld.idx.msk [tilespmem:v48+s11+$0x0], $0xffff;
	v21 =	vadd.s32 s22, v59;
	v25 =	vsub.f32 v39, v17  }
0xc4: {  	v17 =	vadd.s32 s22, v27;
	v27 =	vld [tilespmem:$0x1FCA0];
	v9 =	vmul.f32 v58, v58;
	v13 =	vadd.f32 v55, v13  }
0xc5: {  	v26 =	vld.idx.msk [tilespmem:v16+s1+$0x0], $0xffff  }
0xc6: {  	v31 =	vmul.f32 v25, v25;
	v30 =	vld.idx.msk [tilespmem:v18+s1+$0x0], $0xffff;
	v13 =	vadd.f32 v9, v13  }
0xc7: {  	v24 =	vadd.s32 s22, v0;
	v18 =	vld.idx.msk [tilespmem:v18+s11+$0x0], $0xffff  }
0xc8: {  	v37 =	vsub.f32 v53, v20;
	v35 =	vld.idx.msk [tilespmem:v21+s1+$0x0], $0xffff;
	v36 =	vmul.f32 v33, v33;
	v13 =	vadd.f32 v31, v13  }
0xc9: {  	v44 =	vadd.s32 s22, v38;
	v22 =	vsub.f32 v60, v22;
	v21 =	vld.idx.msk [tilespmem:v21+s11+$0x0], $0xffff  }
0xca: {  	v15 =	vmul.f32 v37, v37;
	v39 =	vld.idx.msk [tilespmem:v17+s1+$0x0], $0xffff;
	v13 =	vadd.f32 v36, v13  }
0xcb: {  	v47 =	vmul.f32 v22, v22;
	v17 =	vld.idx.msk [tilespmem:v17+s11+$0x0], $0xffff  }
0xcc: {  	v16 =	vld.idx.msk [tilespmem:v16+s11+$0x0], $0xffff;
	v20 =	vadd.s32 s22, v27;
	v18 =	vsub.f32 v30, v18;
	v13 =	vadd.f32 v15, v13  }
0xcd: {  	v60 =	vld.idx.msk [tilespmem:v24+s1+$0x0], $0xffff  }
0xce: {  	v22 =	vld.idx.msk [tilespmem:v44+s1+$0x0], $0xffff;
	v50 =	vsub.f32 v35, v21;
	v49 =	vmul.f32 v18, v18;
	v13 =	vadd.f32 v47, v13  }
0xcf: {  	v59 =	vld.idx.msk [tilespmem:v44+s11+$0x0], $0xffff  }
0xd0: {  	v24 =	vld.idx.msk [tilespmem:v24+s11+$0x0], $0xffff;
	v17 =	vsub.f32 v39, v17;
	v30 =	vmul.f32 v50, v50;
	v13 =	vadd.f32 v49, v13  }
0xd1: {  	v14 =	vadd.s32 s22, v54;
	v16 =	vsub.f32 v26, v16;
	v50 =	vld.idx.msk [tilespmem:v20+s1+$0x0], $0xffff  }
0xd2: {  	v54 =	vadd.s32 $0x4A, v29;
	v17 =	vmul.f32 v17, v17;
	v20 =	vld.idx.msk [tilespmem:v20+s11+$0x0], $0xffff;
	v13 =	vadd.f32 v30, v13  }
0xd3: {  	[tilespmem:$0x1F8D0] =	vst v54;
	v54 =	vadd.s32 s22, v54;
	v16 =	vmul.f32 v16, v16;
	v55 =	vadd.s32 $0x4B, v29  }
0xd4: {  	[tilespmem:$0x1F8C0] =	vst v55;
	v49 =	vadd.s32 s22, v55;
	v55 =	vsub.f32 v22, v59;
	v13 =	vadd.f32 v17, v13;
	_ =	sdelay $0x1  }
0xd5: {  	v0 =	vld [tilespmem:$0x1F950];
	v60 =	vsub.f32 v60, v24;
	v59 =	vmul.f32 v55, v55;
	v13 =	vadd.f32 v16, v13  }
0xd6: {  	v31 =	vadd.s32 $0x48, v29;
	v33 =	vsub.f32 v50, v20;
	v55 =	vsub.f32 v3, v19;
	v3 =	vld [tilespmem:$0x1F960]  }
0xd7: {  	[tilespmem:$0x1F8F0] =	vst v31;
	v30 =	vadd.s32 s22, v31;
	v31 =	vmul.f32 v60, v60;
	v13 =	vadd.f32 v59, v13  }
0xd8: {  	v58 =	vmov v45;
	v45 =	vld.idx.msk [tilespmem:v54+s11+$0x0], $0xffff  }
0xd9: {  	v20 =	vld.idx.msk [tilespmem:v54+s1+$0x0], $0xffff;
	v54 =	vmul.f32 v33, v33;
	v13 =	vadd.f32 v31, v13;
	_ =	sdelay $0x1  }
0xda: {  	v13 =	vadd.f32 v54, v13;
	v54 =	vsub.f32 v0, v3;
	v0 =	vld [tilespmem:$0x1F990];
	_ =	sdelay $0x2  }
0xdb: {  	v31 =	vsub.f32 v40, v6  }
0xdc: {  	v3 =	vld [tilespmem:$0x1F9B0]  }
0xdd: {  	v17 =	vmul.f32 v31, v31;
	v31 =	vsub.f32 v0, v11;
	v0 =	vld [tilespmem:$0x1F9A0];
	_ =	sdelay $0x4  }
0xde: {  	v11 =	vsub.f32 v0, v3;
	v0 =	vld [tilespmem:$0x1F9D0];
	_ =	sdelay $0x1  }
0xdf: {  	v37 =	vor.u32 $0x1, v29  }
0xe0: {  	v46 =	vadd.s32 s22, v37;
	_ =	sdelay $0x1  }
0xe1: {  	v48 =	vadd.s32 $0x4C, v29;
	v12 =	vsub.f32 v0, v12;
	v0 =	vld [tilespmem:$0x1F9E0]  }
0xe2: {  	v21 =	vadd.s32 s22, v48  }
0xe3: {  	v39 =	vadd.s32 $0x5, v29  }
0xe4: {  	v2 =	vadd.s32 $0x8, v29;
	[tilespmem:$0x1F940] =	vst v39;
	v43 =	vadd.s32 s22, v39;
	v39 =	vld.idx.msk [tilespmem:v46+s1+$0x0], $0xffff;
	v59 =	vmul.f32 v55, v55  }
0xe5: {  	[tilespmem:$0x1F9C0] =	vst v2;
	v9 =	vadd.s32 s22, v2;
	v2 =	vld [tilespmem:$0x1FA00]  }
0xe6: {  	v13 =	vadd.f32 v59, v13;
	v59 =	vsub.f32 v0, v10;
	v0 =	vld [tilespmem:$0x1F9F0]  }
0xe7: {  	v22 =	vld.idx.msk [tilespmem:v21+s1+$0x0], $0xffff  }
0xe8: {  	v24 =	vld.idx.msk [tilespmem:v49+s1+$0x0], $0xffff  }
0xe9: {  	[tilespmem:$0x1F8B0] =	vst v48;
	v48 =	vadd.s32 $0x49, v29;
	v47 =	vadd.s32 $0x47, v29;
	v18 =	vld.idx.msk [tilespmem:v49+s11+$0x0], $0xffff  }
0xea: {  	v23 =	vadd.s32 s22, v48;
	[tilespmem:$0x1F900] =	vst v47;
	v35 =	vadd.s32 s22, v47;
	v47 =	vld.idx.msk [tilespmem:v30+s1+$0x0], $0xffff  }
0xeb: {  	v60 =	vsub.f32 v5, v42;
	v4 =	vsub.f32 v0, v2;
	v0 =	vld [tilespmem:$0x1FA10]  }
0xec: {  	v2 =	vld [tilespmem:$0x1FA20]  }
0xed: {  	v49 =	vld.idx.msk [tilespmem:v30+s11+$0x0], $0xffff;
	v30 =	vmul.f32 v60, v60  }
0xee: {  	v21 =	vld.idx.msk [tilespmem:v21+s11+$0x0], $0xffff  }
0xef: {  	v38 =	vadd.s32 $0x2, v29;
	v19 =	vld.idx.msk [tilespmem:v23+s1+$0x0], $0xffff;
	v16 =	vadd.f32 v30, v13  }
0xf0: {  	s21 =	simm.s32 $0x5A0;
	v23 =	vld.idx.msk [tilespmem:v23+s11+$0x0], $0xffff;
	v42 =	vadd.s32 s22, v38  }
0xf1: {  	v16 =	vadd.f32 v17, v16;
	v17 =	vadd.s32 s21, v61;
	v61 =	vsub.f32 v0, v2;
	v0 =	vld [tilespmem:$0x1FA30]  }
0xf2: {  	v2 =	vld [tilespmem:$0x1FA40]  }
0xf3: {  	v5 =	vld.idx.msk [tilespmem:v43+s1+$0x0], $0xffff  }
0xf4: {  	v41 =	vld.idx.msk [tilespmem:v35+s1+$0x0], $0xffff  }
0xf5: {  	v34 =	vadd.s32 $0x6, v29;
	v44 =	vld.idx.msk [tilespmem:v42+s1+$0x0], $0xffff  }
0xf6: {  	[tilespmem:$0x1F970] =	vst v34;
	v40 =	vadd.s32 s22, v34;
	v34 =	vld.idx.msk [tilespmem:v35+s11+$0x0], $0xffff  }
0xf7: {  	v35 =	vsub.f32 v8, v7;
	v7 =	vsub.f32 v0, v2;
	v0 =	vld [tilespmem:$0x1FA60]  }
0xf8: {  	v25 =	vadd.s32 $0x56, v29;
	v2 =	vld [tilespmem:$0x1FA70]  }
0xf9: {  	[tilespmem:$0x1FAC0] =	vst v25;
	v36 =	vadd.s32 $0x3, v29;
	v42 =	vld.idx.msk [tilespmem:v42+s11+$0x0], $0xffff  }
0xfa: {  	[tilespmem:$0x1F8E0] =	vst v48;
	v48 =	vadd.s32 s22, v36;
	v19 =	vsub.f32 v19, v23;
	v23 =	vadd.s32 s22, v25;
	v25 =	vld [tilespmem:$0x1FCB0]  }
0xfb: {  	v26 =	vadd.s32 $0x46, v29;
	v50 =	vadd.s32 $0x7, v29;
	v6 =	vld [tilespmem:$0x1FA90]  }
0xfc: {  	[tilespmem:$0x1F980] =	vst v50;
	v8 =	vld.idx.msk [tilespmem:v9+s1+$0x0], $0xffff;
	v13 =	vadd.s32 s22, v50;
	v50 =	vadd.s32 s22, v26  }
0xfd: {  	v1 =	vadd.s32 $0x45, v29;
	v53 =	vadd.s32 $0x4D, v29;
	v2 =	vsub.f32 v0, v2;
	v0 =	vld [tilespmem:$0x1FA80]  }
0xfe: {  	v52 =	vadd.s32 $0x57, v29;
	v15 =	vadd.s32 s21, v29;
	v55 =	vmul.f32 v35, v35;
	v35 =	vld.idx.msk [tilespmem:v40+s1+$0x0], $0xffff  }
0xff: {  	[tilespmem:$0x1FAA0] =	vst v1;
	v20 =	vsub.f32 v20, v45;
	v45 =	vadd.s32 s22, v52;
	v60 =	vadd.s32 $0x44, v29;
	v30 =	vld.idx.msk [tilespmem:v48+s1+$0x0], $0xffff  }
0x100: {  	[tilespmem:$0x1F930] =	vst v36;
	v16 =	vadd.f32 v55, v16;
	v55 =	vadd.s32 s22, v1;
	v1 =	vld [tilespmem:$0x1FAF0];
	v36 =	vmul.f32 v59, v59  }
0x101: {  	v20 =	vmul.f32 v20, v20;
	[tilespmem:$0x1FAB0] =	vst v60;
	v19 =	vmul.f32 v19, v19;
	v10 =	vld.idx.msk [tilespmem:v50+s11+$0x0], $0xffff;
	v59 =	vadd.s32 s22, v60  }
0x102: {  	v60 =	vld.idx.msk [tilespmem:v48+s11+$0x0], $0xffff;
	v36 =	vadd.f32 v36, v16;
	v33 =	vmul.f32 v61, v61;
	v6 =	vsub.f32 v0, v6  }
0x103: {  	v18 =	vsub.f32 v24, v18;
	v44 =	vmul.f32 $5.000000000e-01, v44;
	v16 =	vsub.f32 v22, v21;
	v22 =	vld.idx.msk [tilespmem:v46+s11+$0x0], $0xffff  }
0x104: {  	[tilespmem:$0x1FAD0] =	vst v52;
	v52 =	vsub.f32 v41, v34;
	v33 =	vadd.f32 v33, v36;
	v0 =	vld [tilespmem:$0x1FCD0];
	v6 =	vmul.f32 v6, v6  }
0x105: {  	[tilespmem:$0x1F920] =	vst v38;
	v38 =	vadd.s32 s21, v28;
	v5 =	vmul.f32 v5, v25;
	v18 =	vmul.f32 v18, v18;
	v61 =	vld.idx.msk [tilespmem:v50+s1+$0x0], $0xffff  }
0x106: {  	v24 =	vmul.f32 v52, v52;
	v3 =	vld.idx.msk [tilespmem:v13+s1+$0x0], $0xffff;
	v7 =	vmul.f32 v7, v7;
	v6 =	vadd.f32 v6, v33  }
0x107: {  	v49 =	vsub.f32 v47, v49;
	v30 =	vmul.f32 $5.000000000e-01, v30;
	v11 =	vmul.f32 v11, v11;
	v21 =	vld.idx.msk [tilespmem:v55+s11+$0x0], $0xffff  }
0x108: {  	v48 =	vmul.f32 v1, v25;
	v50 =	vld.idx.msk [tilespmem:v59+s1+$0x0], $0xffff;
	v2 =	vmul.f32 v2, v2;
	v1 =	vadd.f32 v7, v6  }
0x109: {  	[tilespmem:$0x1F910] =	vst v37;
	v46 =	vmul.f32 $5.000000000e-01, v60;
	v22 =	vmul.f32 v22, v25;
	v37 =	vadd.s32 s21, v0;
	v0 =	vld [tilespmem:$0x1FAE0]  }
0x10a: {  	v10 =	vsub.f32 v61, v10;
	v6 =	vld.idx.msk [tilespmem:v55+s1+$0x0], $0xffff;
	v1 =	vadd.f32 v2, v1;
	v2 =	vmul.f32 v12, v12  }
0x10b: {  	[tilespmem:$0x1FA50] =	vst v26;
	v36 =	vadd.s32 s21, v57;
	v57 =	vmul.f32 $5.000000000e-01, v42;
	v12 =	vmul.f32 $5.000000000e-01, v3;
	v3 =	vld.idx.msk [tilespmem:v59+s11+$0x0], $0xffff  }
0x10c: {  	v43 =	vld.idx.msk [tilespmem:v43+s11+$0x0], $0xffff;
	v26 =	vmul.f32 v10, v10;
	v1 =	vadd.f32 v2, v1;
	v2 =	vmul.f32 v4, v4  }
0x10d: {  	v9 =	vld.idx.msk [tilespmem:v9+s11+$0x0], $0xffff;
	v10 =	vsub.f32 v48, v57;
	v7 =	vmul.f32 v39, v25;
	v55 =	vmul.f32 v35, v25  }
0x10e: {  	[tilespmem:$0x1FB40] =	vst v53;
	v13 =	vld.idx.msk [tilespmem:v13+s11+$0x0], $0xffff;
	v35 =	vmul.f32 $5.000000000e-01, v8;
	v4 =	vmul.f32 v31, v31;
	v1 =	vadd.f32 v2, v1  }
0x10f: {  	v42 =	vld.idx.msk [tilespmem:v15+s1+$0x0], $0xffff;
	v0 =	vmul.f32 v0, v25;
	v5 =	vsub.f32 v5, v12;
	v6 =	vsub.f32 v6, v21  }
0x110: {  	v33 =	vld.idx.msk [tilespmem:v38+s11+$0x0], $0xffff;
	v39 =	vmul.f32 v49, v49;
	v59 =	vsub.f32 v50, v3;
	v1 =	vadd.f32 v4, v1  }
0x111: {  	v2 =	vmul.f32 v54, v54;
	v49 =	vmul.f32 v5, v25;
	v54 =	vld.idx.msk [tilespmem:v38+s1+$0x0], $0xffff;
	v4 =	vsub.f32 v0, v44  }
0x112: {  	v0 =	vsub.f32 v7, v30;
	v60 =	vmul.f32 v59, v59;
	v59 =	vld.idx.msk [tilespmem:v37+s1+$0x0], $0xffff;
	v7 =	vadd.f32 v11, v1  }
0x113: {  	v3 =	vsub.f32 v55, v35;
	v61 =	vmul.f32 v6, v6;
	v1 =	vld.idx.msk [tilespmem:v14+s11+$0x0], $0xffff;
	v6 =	vmul.f32 v4, v25  }
0x114: {  	v50 =	vmul.f32 v10, v25;
	v47 =	vadd.f32 v2, v7;
	v2 =	vld.idx.msk [tilespmem:v14+s1+$0x0], $0xffff;
	v7 =	vsub.f32 v22, v46  }
0x115: {  	v55 =	vmul.f32 v3, v25;
	v14 =	vadd.f32 v6, v44;
	v6 =	vld.idx.msk [tilespmem:v15+s11+$0x0], $0xffff;
	v15 =	vadd.f32 v49, v12  }
0x116: {  	v48 =	vmul.f32 v0, v25;
	[tilespmem:$0x1FB10] =	vst v54;
	v12 =	vadd.f32 v50, v57;
	v11 =	vadd.f32 v60, v47  }
0x117: {  	v57 =	vmax.f32 v4, v10;
	v52 =	vmul.f32 v7, v25;
	[tilespmem:$0x1FB20] =	vst v59;
	v47 =	vadd.s32 s22, v53;
	v53 =	vld.idx.msk [tilespmem:v36+s1+$0x0], $0xffff  }
0x118: {  	v60 =	vmax.f32 v0, v7;
	v28 =	vsub.f32 v12, v10;
	v21 =	vadd.f32 v61, v11;
	v61 =	vld.idx.msk [tilespmem:v37+s11+$0x0], $0xffff  }
0x119: {  	v31 =	vmin.f32 v14, v12;
	v54 =	vsub.f32 v14, v4;
	v11 =	vadd.f32 v55, v35;
	v55 =	vld.idx.msk [tilespmem:v36+s11+$0x0], $0xffff  }
0x11a: {  	v51 =	vadd.s32 $0x4E, v29;
	v8 =	vadd.f32 v52, v46;
	v35 =	vld.idx.msk [tilespmem:v17+s1+$0x0], $0xffff;
	[tilespmem:$0x1FB00] =	vst v6;
	v6 =	vadd.f32 v48, v30  }
0x11b: {  	v59 =	vmax.f32 v3, v7;
	v37 =	vld.idx.msk [tilespmem:v17+s11+$0x0], $0xffff;
	v17 =	vsub.f32 v31, v57;
	v21 =	vadd.f32 v26, v21  }
0x11c: {  	v31 =	vsub.f32 v15, v5;
	v41 =	vmin.f32 v6, v8;
	[tilespmem:$0x1FB50] =	vst v53;
	v57 =	vsub.f32 v6, v0;
	v53 =	vld [tilespmem:$0x1FD20]  }
0x11d: {  	v52 =	vmin.f32 v15, v12;
	v21 =	vadd.f32 v24, v21;
	v24 =	vsub.f32 v41, v60;
	v41 =	vld.idx.msk [tilespmem:v47+s1+$0x0], $0xffff  }
0x11e: {  	v36 =	vadd.s32 $0x50, v29;
	v30 =	vmax.f32 v5, v10;
	v46 =	vsub.f32 v8, v7;
	[tilespmem:$0x1FB60] =	vst v55;
	v55 =	vld.idx.msk [tilespmem:v47+s11+$0x0], $0xffff  }
0x11f: {  	v22 =	vsub.f32 v52, v30;
	[tilespmem:$0x1FB30] =	vst v61;
	v44 =	vmul.f32 v57, v54;
	v61 =	vadd.s32 s22, v51;
	v54 =	vld [tilespmem:$0x1FD00]  }
0x120: {  	v38 =	vmul.f32 v46, v28;
	v28 =	vadd.s32 $0x4F, v29;
	v21 =	vadd.f32 v39, v21;
	v39 =	vld.idx.msk [tilespmem:v45+s1+$0x0], $0xffff  }
0x121: {  	v34 =	vsub.f32 v11, v3;
	v17 =	vmax.f32 v17, $0.0e+00;
	v30 =	vadd.s32 s22, v28;
	v45 =	vld.idx.msk [tilespmem:v45+s11+$0x0], $0xffff  }
0x122: {  	v60 =	vmin.f32 v11, v8;
	v57 =	vadd.s32 s22, v36;
	v19 =	vadd.f32 v19, v21;
	v21 =	vld.idx.msk [tilespmem:v23+s1+$0x0], $0xffff  }
0x123: {  	v50 =	vmul.f32 v34, v31;
	v22 =	vmax.f32 v22, $0.0e+00;
	v46 =	vsub.f32 v60, v59;
	v23 =	vld.idx.msk [tilespmem:v23+s11+$0x0], $0xffff  }
0x124: {  	v31 =	vadd.s32 $0x53, v29;
	v59 =	vadd.s32 $0x51, v29;
	v24 =	vmax.f32 v24, $0.0e+00;
	v60 =	vld.idx.msk [tilespmem:v61+s1+$0x0], $0xffff  }
0x125: {  	v17 =	vmul.f32 v24, v17;
	v46 =	vmax.f32 v46, $0.0e+00;
	v48 =	vld.idx.msk [tilespmem:v61+s11+$0x0], $0xffff;
	v61 =	vadd.s32 s22, v59  }
0x126: {  	v44 =	vadd.f32 v38, v44;
	v38 =	vadd.f32 v38, v50;
	v22 =	vmul.f32 v46, v22;
	v46 =	vld.idx.msk [tilespmem:v30+s11+$0x0], $0xffff  }
0x127: {  	v19 =	vadd.f32 v20, v19;
	v24 =	vsub.f32 v41, v55;
	v50 =	vld.idx.msk [tilespmem:v57+s1+$0x0], $0xffff;
	v41 =	vadd.s32 s22, v31  }
0x128: {  	v34 =	vsub.f32 v44, v17;
	v44 =	vld.idx.msk [tilespmem:v57+s11+$0x0], $0xffff  }
0x129: {  	[tilespmem:$0x1FB80] =	vst v28;
	v28 =	vadd.s32 $0x52, v29;
	v55 =	vadd.s32 s21, v54;
	v18 =	vadd.f32 v18, v19;
	v19 =	vld.idx.msk [tilespmem:v30+s1+$0x0], $0xffff  }
0x12a: {  	v30 =	vadd.s32 s22, v28;
	v52 =	vld.idx.msk [tilespmem:v61+s1+$0x0], $0xffff  }
0x12b: {  	[tilespmem:$0x1FBA0] =	vst v59;
	v38 =	vsub.f32 v38, v22;
	v59 =	vld.idx.msk [tilespmem:v61+s11+$0x0], $0xffff  }
0x12c: {  	v16 =	vmul.f32 v16, v16;
	v57 =	vadd.s32 $0x54, v29;
	(erf) = vrcp.f32 v34;
	v34 =	vld.idx.msk [tilespmem:v41+s1+$0x0], $0xffff  }
0x12d: {  	[tilespmem:$0x1FB70] =	vst v51;
	(erf) = vrcp.f32 v38;
	v20 =	vsub.f32 v60, v48;
	v60 =	vadd.s32 s22, v57;
	v41 =	vld.idx.msk [tilespmem:v41+s11+$0x0], $0xffff  }
0x12e: {  	[tilespmem:$0x1FBC0] =	vst v31;
	v61 =	vadd.s32 $0x55, v29;
	v38 =	vld.idx.msk [tilespmem:v55+s1+$0x0], $0xffff  }
0x12f: {  	[tilespmem:$0x1FBB0] =	vst v28;
	v24 =	vmul.f32 v24, v24;
	v16 =	vadd.f32 v16, v18;
	v31 =	vadd.s32 s22, v61;
	v28 =	vld.idx.msk [tilespmem:v30+s1+$0x0], $0xffff  }
0x130: {  	v25 =	vadd.s32 $0x9, v29;
	[tilespmem:$0x1FB90] =	vst v36;
	v51 =	vsub.f32 v39, v45;
	v30 =	vld.idx.msk [tilespmem:v30+s11+$0x0], $0xffff  }
0x131: {  	v39 =	vld.idx.msk [tilespmem:v55+s11+$0x0], $0xffff;
	v16 =	vadd.f32 v24, v16;
	v19 =	vsub.f32 v19, v46;
	v20 =	vmul.f32 v20, v20  }
0x132: {  	v26 =	vadd.s32 s22, v25;
	[tilespmem:$0x1FBD0] =	vst v57;
	v36 =	vsub.f32 v50, v44;
	v57 =	vld.idx.msk [tilespmem:v60+s1+$0x0], $0xffff  }
0x133: {  	v16 =	vadd.f32 v20, v16;
	v19 =	vmul.f32 v19, v19;
	v18 =	vsub.f32 v52, v59;
	v59 =	vld.idx.msk [tilespmem:v60+s11+$0x0], $0xffff  }
0x134: {  	v21 =	vsub.f32 v21, v23;
	v23 =	vadd.s32 s21, v53;
	[tilespmem:$0x1FBE0] =	vst v61;
	v60 =	vld.idx.msk [tilespmem:v31+s1+$0x0], $0xffff  }
0x135: {  	v20 =	vmul.f32 v36, v36;
	v16 =	vadd.f32 v19, v16;
	v61 =	vld.idx.msk [tilespmem:v31+s11+$0x0], $0xffff;
	v24 =	vsub.f32 v28, v30;
	v30 =	vpop (erf)  }
0x136: {  	v44 =	vsub.f32 v34, v41;
	v52 =	vld.idx.msk [tilespmem:v40+s11+$0x0], $0xffff;
	v18 =	vmul.f32 v18, v18;
	v28 =	vadd.s32 $0x58, v29;
	v49 =	vpop (erf)  }
0x137: {  	v36 =	vld.idx.msk [tilespmem:v26+s11+$0x0], $0xffff;
	v16 =	vadd.f32 v20, v16;
	v17 =	vmul.f32 v30, v17;
	v22 =	vmul.f32 v49, v22  }
0x138: {  	v55 =	vadd.s32 $0x59, v29;
	v41 =	vld [tilespmem:$0x1FD50];
	v54 =	vmul.f32 v44, v44;
	v34 =	vadd.s32 s22, v28  }
0x139: {  	v44 =	vld.idx.msk [tilespmem:v23+s11+$0x0], $0xffff;
	v31 =	vmul.f32 v24, v24;
	v16 =	vadd.f32 v18, v16;
	vm0 =	vgt.f32 v22, v17  }
0x13a: {  	v29 =	vld [tilespmem:$0x1FD30];
	v19 =	vsub.f32 v57, v59;
	v20 =	vsub.f32 v60, v61;
	v4 =	vsel vm0, v5, v4  }
0x13b: {  	v61 =	vld [tilespmem:$0x1FD10];
	v5 =	vsel vm0, v43, v10;
	v0 =	vsel vm0, v3, v0;
	v3 =	vsel vm0, v52, v7  }
0x13c: {  	v57 =	vadd.s32 s22, v55;
	v43 =	vld.idx.msk [tilespmem:v23+s1+$0x0], $0xffff;
	v4 =	vsub.f32 v4, v5;
	v0 =	vsub.f32 v0, v3  }
0x13d: {  	v16 =	vadd.f32 v31, v16;
	v14 =	vsel vm0, v15, v14;
	v7 =	vsel vm0, v13, v12;
	v12 =	vld.idx.msk [tilespmem:v26+s1+$0x0], $0xffff  }
0x13e: {  	v8 =	vsel vm0, v9, v8;
	v59 =	vld.idx.msk [tilespmem:v34+s1+$0x0], $0xffff;
	v4 =	vmul.f32 v4, v4;
	v0 =	vmul.f32 v0, v0  }
0x13f: {  	v9 =	vadd.s32 s21, v29;
	v60 =	vld.idx.msk [tilespmem:v34+s11+$0x0], $0xffff;
	v3 =	vsub.f32 v14, v7;
	v14 =	vadd.s32 s21, v41  }
0x140: {  	v5 =	vmul.f32 v19, v19;
	v16 =	vadd.f32 v54, v16;
	v4 =	vadd.f32 v0, v4;
	v0 =	vld [tilespmem:$0x1FD60]  }
0x141: {  	[tilespmem:$0x1FBF0] =	vst v28;
	v34 =	vld [tilespmem:$0x1FD40]  }
0x142: {  	v6 =	vsel vm0, v11, v6;
	v7 =	vmul.f32 v20, v20;
	v28 =	vld.idx.msk [tilespmem:v57+s1+$0x0], $0xffff;
	v5 =	vadd.f32 v5, v16  }
0x143: {  	v31 =	vmul.f32 v21, v21;
	v6 =	vsub.f32 v6, v8;
	v30 =	vld.idx.msk [tilespmem:v57+s11+$0x0], $0xffff  }
0x144: {  	v3 =	vmul.f32 v3, v3;
	v24 =	vadd.s32 s21, v61;
	v5 =	vadd.f32 v7, v5;
	v50 =	vld.idx.msk [tilespmem:v14+s1+$0x0], $0xffff  }
0x145: {  	v40 =	vmul.f32 v51, v51;
	v7 =	vsub.f32 v59, v60;
	v47 =	vadd.s32 s21, v0;
	v0 =	vld.idx.msk [tilespmem:v9+s1+$0x0], $0xffff  }
0x146: {  	v3 =	vadd.f32 v4, v3;
	v4 =	vmul.f32 v6, v6;
	v6 =	vld [tilespmem:$0x1FD70];
	v5 =	vadd.f32 v31, v5  }
0x147: {  	vm1 =	vgt.f32 v1, $0.0e+00;
	v1 =	vsub.f32 v2, v1;
	v10 =	vadd.s32 s21, v34;
	v51 =	vld.idx.msk [tilespmem:v14+s11+$0x0], $0xffff  }
0x148: {  	v60 =	vld [tilespmem:$0x1FD80];
	v7 =	vmul.f32 v7, v7;
	v57 =	vsub.f32 v28, v30;
	v5 =	vadd.f32 v40, v5  }
0x149: {  	v2 =	vsel vm0, v12, v2;
	v59 =	vsel vm0, v22, v17;
	v45 =	vld.idx.msk [tilespmem:v24+s1+$0x0], $0xffff;
	v3 =	vadd.f32 v3, v4  }
0x14a: {  	v5 =	vadd.f32 v7, v5;
	[tilespmem:$0x1FC20] =	vst v0;
	v0 =	vld.idx.msk [tilespmem:v9+s11+$0x0], $0xffff;
	v9 =	vmul.f32 v57, v57  }
0x14b: {  	v1 =	vmul.f32 v1, v1;
	v2 =	vsub.f32 v2, v59;
	v46 =	vld.idx.msk [tilespmem:v24+s11+$0x0], $0xffff;
	v6 =	vadd.s32 s21, v6  }
0x14c: {  	v8 =	vsub.f32 v12, v36;
	v48 =	vld.idx.msk [tilespmem:v10+s1+$0x0], $0xffff;
	v3 =	vmul.f32 $5.000000000e+00, v3;
	v5 =	vadd.f32 v9, v5  }
0x14d: {  	v4 =	vsel vm1, $0x3F800000, v32;
	v2 =	vmul.f32 v2, v2;
	v49 =	vld.idx.msk [tilespmem:v10+s11+$0x0], $0xffff;
	v7 =	vadd.s32 s21, v56  }
0x14e: {  	v61 =	vsub.f32 $1.000000000e+00, v4;
	v52 =	vld.idx.msk [tilespmem:v47+s1+$0x0], $0xffff;
	v3 =	vadd.f32 v3, v5;
	v5 =	vmul.f32 v8, v8  }
0x14f: {  	v53 =	vld.idx.msk [tilespmem:v47+s11+$0x0], $0xffff  }
0x150: {  	v54 =	vld.idx.msk [tilespmem:v6+s1+$0x0], $0xffff;
	v1 =	vadd.f32 v5, v1;
	v2 =	vadd.f32 v3, v2;
	v3 =	vmul.f32 $5.000000000e-01, v61  }
0x151: {  	[tilespmem:$0x1FC00] =	vst v55;
	v9 =	vadd.s32 s21, v60;
	v55 =	vld.idx.msk [tilespmem:v6+s11+$0x0], $0xffff  }
0x152: {  	v56 =	vld.idx.msk [tilespmem:v7+s1+$0x0], $0xffff;
	v4 =	vmul.f32 v4, v2;
	v1 =	vmul.f32 v1, v3  }
0x153: {  	v6 =	vadd.s32 s21, v27;
	v3 =	vld [tilespmem:$0x1FFB0]  }
0x154: {  	v40 =	vadd.f32 v4, v1;
	v1 =	vld [tilespmem:$0x1FC90]  }
0x155: {  	v57 =	vld.idx.msk [tilespmem:v7+s11+$0x0], $0xffff  }
0x156: {  	v59 =	vld.idx.msk [tilespmem:v9+s1+$0x0], $0xffff  }
0x157: {  	v60 =	vld.idx.msk [tilespmem:v9+s11+$0x0], $0xffff  }
0x158: {  	v61 =	vld.idx.msk [tilespmem:v6+s11+$0x0], $0xffff  }
0x159: {  	[tilespmem:$0x1FC10] =	vst v25;
	s22 =	simm.s32 $0xB40;
	v5 =	vadd.s32 s21, v58;
	v2 =	vld.idx.msk [tilespmem:v6+s1+$0x0], $0xffff;
	v4 =	vadd.s32 s21, v3;
	v1 =	vadd.s32 s21, v1  }
.LBB2_3:
0x15a: {  	_ =	sdelay $0x1  }
0x15b: {  	v3 =	vld [tilespmem:$0x1FC30]  }
0x15c: {  	v7 =	vld [tilespmem:$0x1F8A0]  }
0x15d: {  	v9 =	vld.idx.msk [tilespmem:v5+s1+$0x0], $0xffff  }
0x15e: {  	v5 =	vld.idx.msk [tilespmem:v5+s11+$0x0], $0xffff  }
0x15f: {  	v10 =	vld [tilespmem:$0x1FFF0]  }
0x160: {  	v14 =	vld [tilespmem:$0x1FEA0]  }
0x161: {  	v47 =	vld [tilespmem:$0x1FDE0]  }
0x162: {  	v16 =	vld [tilespmem:$0x1FD90]  }
0x163: {  	v17 =	vld [tilespmem:$0x1FDF0]  }
0x164: {  	v24 =	vld [tilespmem:$0x1FDA0]  }
0x165: {  	v26 =	vld [tilespmem:$0x1FE00]  }
0x166: {  	v8 =	vadd.s32 s21, v62;
	v29 =	vld [tilespmem:$0x1FDB0]  }
0x167: {  	v32 =	vld [tilespmem:$0x1FE10]  }
0x168: {  	v12 =	vadd.s32 s21, v63;
	v36 =	vld [tilespmem:$0x1FDC0]  }
0x169: {  	v18 =	vld [tilespmem:$0x1FF10]  }
0x16a: {  	v6 =	vadd.s32 s21, v3;
	v3 =	vld.idx.msk [tilespmem:v1+s1+$0x0], $0xffff  }
0x16b: {  	v13 =	vld.idx.msk [tilespmem:v8+s1+$0x0], $0xffff  }
0x16c: {  	v8 =	vld.idx.msk [tilespmem:v8+s11+$0x0], $0xffff  }
0x16d: {  	v58 =	vld.idx.msk [tilespmem:v12+s1+$0x0], $0xffff  }
0x16e: {  	v20 =	vld.idx.msk [tilespmem:v12+s11+$0x0], $0xffff  }
0x16f: {  	v7 =	vadd.f32 v40, v7;
	v5 =	vsub.f32 v9, v5;
	v9 =	vadd.s32 s21, v47;
	v47 =	vld [tilespmem:$0x1FE20]  }
0x170: {  	v10 =	vadd.s32 s21, v10;
	v1 =	vld.idx.msk [tilespmem:v1+s11+$0x0], $0xffff  }
0x171: {  	v14 =	vadd.s32 s21, v14;
	[tilespmem:$0x1F8A0] =	vst v7;
	v7 =	vld.idx.msk [tilespmem:v4+s1+$0x0], $0xffff  }
0x172: {  	v4 =	vld.idx.msk [tilespmem:v4+s11+$0x0], $0xffff  }
0x173: {  	v11 =	vld.idx.msk [tilespmem:v6+s1+$0x0], $0xffff  }
0x174: {  	v16 =	vadd.s32 s21, v16;
	v6 =	vld.idx.msk [tilespmem:v6+s11+$0x0], $0xffff  }
0x175: {  	v15 =	vld.idx.msk [tilespmem:v10+s1+$0x0], $0xffff  }
0x176: {  	v17 =	vadd.s32 s21, v17;
	v21 =	vld.idx.msk [tilespmem:v14+s1+$0x0], $0xffff  }
0x177: {  	v22 =	vld.idx.msk [tilespmem:v14+s11+$0x0], $0xffff  }
0x178: {  	v23 =	vld.idx.msk [tilespmem:v9+s1+$0x0], $0xffff  }
0x179: {  	v25 =	vld.idx.msk [tilespmem:v16+s1+$0x0], $0xffff  }
0x17a: {  	v27 =	vld.idx.msk [tilespmem:v16+s11+$0x0], $0xffff  }
0x17b: {  	v14 =	vadd.s32 s21, v24;
	v28 =	vld.idx.msk [tilespmem:v17+s1+$0x0], $0xffff;
	v4 =	vsub.f32 v7, v4  }
0x17c: {  	v16 =	vadd.s32 s21, v29;
	v30 =	vld.idx.msk [tilespmem:v17+s11+$0x0], $0xffff  }
0x17d: {  	v5 =	vmul.f32 v5, v5;
	v7 =	vld.idx.msk [tilespmem:v10+s11+$0x0], $0xffff;
	v4 =	vmul.f32 v4, v4;
	v6 =	vsub.f32 v11, v6  }
0x17e: {  	v29 =	vld [tilespmem:$0x1FE50]  }
0x17f: {  	v1 =	vsub.f32 v3, v1;
	v3 =	vld [tilespmem:$0x1FB80];
	v4 =	vadd.f32 v5, v4;
	v5 =	vmul.f32 v6, v6  }
0x180: {  	v17 =	vadd.s32 s21, v32;
	v31 =	vld.idx.msk [tilespmem:v14+s1+$0x0], $0xffff;
	v6 =	vsub.f32 v13, v8  }
0x181: {  	v41 =	vld.idx.msk [tilespmem:v16+s1+$0x0], $0xffff;
	v4 =	vadd.f32 v5, v4  }
0x182: {  	v5 =	vmul.f32 v6, v6;
	v6 =	vsub.f32 v15, v7;
	v7 =	vld.idx.msk [tilespmem:v9+s11+$0x0], $0xffff;
	v15 =	vadd.s32 s21, v26  }
0x183: {  	v26 =	vld [tilespmem:$0x1FE40]  }
0x184: {  	v4 =	vadd.f32 v5, v4;
	v5 =	vmul.f32 v6, v6;
	v6 =	vsub.f32 v58, v20;
	v58 =	vld.idx.msk [tilespmem:v16+s11+$0x0], $0xffff  }
0x185: {  	v20 =	vld.idx.msk [tilespmem:v17+s1+$0x0], $0xffff  }
0x186: {  	v4 =	vadd.f32 v5, v4;
	v5 =	vmul.f32 v6, v6;
	v6 =	vsub.f32 v21, v22;
	v21 =	vld [tilespmem:$0x1FDD0]  }
0x187: {  	v34 =	vld.idx.msk [tilespmem:v15+s1+$0x0], $0xffff  }
0x188: {  	v40 =	vld.idx.msk [tilespmem:v15+s11+$0x0], $0xffff;
	v15 =	vadd.s32 s21, v47  }
0x189: {  	v47 =	vld [tilespmem:$0x1FE80];
	v4 =	vadd.f32 v5, v4  }
0x18a: {  	v5 =	vmul.f32 v6, v6;
	v6 =	vsub.f32 v23, v7;
	v7 =	vld.idx.msk [tilespmem:v14+s11+$0x0], $0xffff;
	v14 =	vadd.s32 s21, v36  }
0x18b: {  	v23 =	vld [tilespmem:$0x1FE30]  }
0x18c: {  	v36 =	vld [tilespmem:$0x1FE70]  }
0x18d: {  	v4 =	vadd.f32 v5, v4;
	v5 =	vmul.f32 v6, v6;
	v6 =	vsub.f32 v25, v27;
	v25 =	vld.idx.msk [tilespmem:v15+s1+$0x0], $0xffff  }
0x18e: {  	v27 =	vld.idx.msk [tilespmem:v15+s11+$0x0], $0xffff  }
0x18f: {  	v16 =	vadd.s32 s21, v21;
	v22 =	vld.idx.msk [tilespmem:v14+s1+$0x0], $0xffff  }
0x190: {  	v4 =	vadd.f32 v5, v4;
	v5 =	vmul.f32 v6, v6;
	v6 =	vsub.f32 v28, v30;
	v24 =	vld.idx.msk [tilespmem:v14+s11+$0x0], $0xffff  }
0x191: {  	v14 =	vadd.s32 s21, v26;
	v26 =	vld [tilespmem:$0x1FED0]  }
0x192: {  	v4 =	vadd.f32 v5, v4;
	v5 =	vmul.f32 v6, v6;
	v6 =	vsub.f32 v31, v7;
	v7 =	vld.idx.msk [tilespmem:v17+s11+$0x0], $0xffff  }
0x193: {  	v17 =	vadd.s32 s21, v23;
	v31 =	vld [tilespmem:$0x1FE60]  }
0x194: {  	v23 =	vld [tilespmem:$0x1FEC0]  }
0x195: {  	v15 =	vadd.s32 s21, v29;
	v28 =	vld.idx.msk [tilespmem:v16+s1+$0x0], $0xffff  }
0x196: {  	v4 =	vadd.f32 v5, v4;
	v5 =	vmul.f32 v6, v6;
	v6 =	vsub.f32 v34, v40;
	v34 =	vld.idx.msk [tilespmem:v14+s1+$0x0], $0xffff  }
0x197: {  	v40 =	vld.idx.msk [tilespmem:v14+s11+$0x0], $0xffff  }
0x198: {  	v4 =	vadd.f32 v5, v4;
	v30 =	vld.idx.msk [tilespmem:v17+s1+$0x0], $0xffff  }
0x199: {  	v5 =	vmul.f32 v6, v6;
	v6 =	vsub.f32 v41, v58;
	v32 =	vld.idx.msk [tilespmem:v17+s11+$0x0], $0xffff;
	v17 =	vadd.s32 s21, v36  }
0x19a: {  	v41 =	vld.idx.msk [tilespmem:v15+s1+$0x0], $0xffff;
	v14 =	vadd.s32 s21, v47  }
0x19b: {  	v4 =	vadd.f32 v5, v4;
	v5 =	vmul.f32 v6, v6;
	v6 =	vsub.f32 v20, v7;
	v7 =	vld.idx.msk [tilespmem:v16+s11+$0x0], $0xffff  }
0x19c: {  	v16 =	vadd.s32 s21, v31;
	v20 =	vld [tilespmem:$0x1FEB0]  }
0x19d: {  	v18 =	vadd.s32 s21, v18;
	v31 =	vld [tilespmem:$0x1FF00]  }
0x19e: {  	v4 =	vadd.f32 v5, v4;
	v5 =	vmul.f32 v6, v6;
	v6 =	vsub.f32 v22, v24;
	v22 =	vld.idx.msk [tilespmem:v17+s1+$0x0], $0xffff  }
0x19f: {  	v24 =	vld.idx.msk [tilespmem:v17+s11+$0x0], $0xffff  }
0x1a0: {  	v4 =	vadd.f32 v5, v4;
	v5 =	vmul.f32 v6, v6;
	v6 =	vsub.f32 v25, v27;
	v25 =	vld.idx.msk [tilespmem:v14+s1+$0x0], $0xffff  }
0x1a1: {  	v58 =	vld.idx.msk [tilespmem:v16+s1+$0x0], $0xffff  }
0x1a2: {  	v17 =	vadd.s32 s21, v26;
	v21 =	vld.idx.msk [tilespmem:v16+s11+$0x0], $0xffff  }
0x1a3: {  	v16 =	vadd.s32 s21, v23;
	v23 =	vld.idx.msk [tilespmem:v18+s1+$0x0], $0xffff  }
0x1a4: {  	v4 =	vadd.f32 v5, v4;
	v5 =	vmul.f32 v6, v6;
	v6 =	vsub.f32 v28, v7;
	v7 =	vld.idx.msk [tilespmem:v15+s11+$0x0], $0xffff  }
0x1a5: {  	v28 =	vld [tilespmem:$0x1FEF0]  }
0x1a6: {  	v15 =	vadd.s32 s21, v20;
	v20 =	vld [tilespmem:$0x1FF90]  }
0x1a7: {  	v36 =	vld.idx.msk [tilespmem:v17+s11+$0x0], $0xffff  }
0x1a8: {  	v8 =	vsub.f32 v22, v24;
	v24 =	vld [tilespmem:$0x1FF40]  }
0x1a9: {  	v4 =	vadd.f32 v5, v4;
	v5 =	vmul.f32 v6, v6;
	v6 =	vsub.f32 v30, v32;
	v30 =	vld.idx.msk [tilespmem:v16+s1+$0x0], $0xffff  }
0x1aa: {  	v32 =	vld.idx.msk [tilespmem:v16+s11+$0x0], $0xffff  }
0x1ab: {  	v4 =	vadd.f32 v5, v4;
	v5 =	vmul.f32 v6, v6;
	v6 =	vsub.f32 v34, v40;
	v27 =	vld.idx.msk [tilespmem:v15+s1+$0x0], $0xffff  }
0x1ac: {  	v29 =	vld.idx.msk [tilespmem:v15+s11+$0x0], $0xffff;
	v15 =	vadd.s32 s21, v31  }
0x1ad: {  	v34 =	vld.idx.msk [tilespmem:v17+s1+$0x0], $0xffff;
	v4 =	vadd.f32 v5, v4;
	v5 =	vmul.f32 v6, v6;
	v6 =	vsub.f32 v41, v7  }
0x1ae: {  	v7 =	vld.idx.msk [tilespmem:v14+s11+$0x0], $0xffff  }
0x1af: {  	v41 =	vld [tilespmem:$0x1FF20];
	v4 =	vadd.f32 v5, v4;
	v5 =	vmul.f32 v6, v6  }
0x1b0: {  	v14 =	vadd.s32 s21, v28;
	v6 =	vsub.f32 v58, v21;
	v21 =	vld [tilespmem:$0x1FF30]  }
0x1b1: {  	v5 =	vadd.f32 v5, v4;
	v4 =	vld [tilespmem:$0x1FEE0]  }
0x1b2: {  	v58 =	vld.idx.msk [tilespmem:v15+s1+$0x0], $0xffff  }
0x1b3: {  	v22 =	vld.idx.msk [tilespmem:v15+s11+$0x0], $0xffff  }
0x1b4: {  	v15 =	vadd.s32 s21, v24;
	v24 =	vld [tilespmem:$0x1FC40]  }
0x1b5: {  	v6 =	vmul.f32 v6, v6;
	v40 =	vld.idx.msk [tilespmem:v14+s1+$0x0], $0xffff;
	v17 =	vadd.s32 s21, v41  }
0x1b6: {  	v47 =	vld.idx.msk [tilespmem:v14+s11+$0x0], $0xffff  }
0x1b7: {  	v7 =	vsub.f32 v25, v7;
	v25 =	vld.idx.msk [tilespmem:v18+s11+$0x0], $0xffff;
	v5 =	vadd.f32 v6, v5;
	v6 =	vmul.f32 v8, v8  }
0x1b8: {  	v41 =	vld [tilespmem:$0x1FF80];
	v14 =	vadd.s32 s21, v21  }
0x1b9: {  	v5 =	vadd.f32 v6, v5;
	v6 =	vmul.f32 v7, v7;
	v7 =	vsub.f32 v27, v29;
	v27 =	vld [tilespmem:$0x1FF50]  }
0x1ba: {  	v26 =	vld.idx.msk [tilespmem:v17+s1+$0x0], $0xffff  }
0x1bb: {  	v28 =	vld.idx.msk [tilespmem:v17+s11+$0x0], $0xffff  }
0x1bc: {  	v5 =	vadd.f32 v6, v5;
	v6 =	vmul.f32 v7, v7;
	v7 =	vsub.f32 v30, v32;
	v30 =	vld [tilespmem:$0x1FF60]  }
0x1bd: {  	v32 =	vld.idx.msk [tilespmem:v15+s1+$0x0], $0xffff  }
0x1be: {  	v21 =	vadd.s32 s21, v20;
	v19 =	vadd.s32 s21, v41;
	v29 =	vld.idx.msk [tilespmem:v14+s1+$0x0], $0xffff  }
0x1bf: {  	v5 =	vadd.f32 v6, v5;
	v6 =	vmul.f32 v7, v7;
	v7 =	vsub.f32 v34, v36;
	v34 =	vld [tilespmem:$0x1FF70]  }
0x1c0: {  	v31 =	vld.idx.msk [tilespmem:v14+s11+$0x0], $0xffff;
	v18 =	vadd.s32 s21, v27  }
0x1c1: {  	v36 =	vld.idx.msk [tilespmem:v15+s11+$0x0], $0xffff  }
0x1c2: {  	v27 =	vld [tilespmem:$0x1FFA0];
	v5 =	vadd.f32 v6, v5;
	v6 =	vmul.f32 v7, v7;
	v7 =	vsub.f32 v40, v47  }
0x1c3: {  	v17 =	vadd.s32 s21, v30;
	v30 =	vld.idx.msk [tilespmem:v19+s11+$0x0], $0xffff  }
0x1c4: {  	v5 =	vadd.f32 v6, v5;
	v6 =	vmul.f32 v7, v7;
	v14 =	vadd.s32 s21, v34;
	v34 =	vld.idx.msk [tilespmem:v21+s11+$0x0], $0xffff  }
0x1c5: {  	v7 =	vsub.f32 v58, v22;
	v40 =	vld.idx.msk [tilespmem:v18+s1+$0x0], $0xffff  }
0x1c6: {  	v5 =	vadd.f32 v6, v5;
	v47 =	vld.idx.msk [tilespmem:v18+s11+$0x0], $0xffff  }
0x1c7: {  	v6 =	vmul.f32 v7, v7;
	v7 =	vsub.f32 v23, v25;
	v11 =	vadd.s32 s22, v27;
	v27 =	vld [tilespmem:$0x1FCF0]  }
0x1c8: {  	v58 =	vld.idx.msk [tilespmem:v17+s1+$0x0], $0xffff  }
0x1c9: {  	v5 =	vadd.f32 v6, v5;
	v6 =	vmul.f32 v7, v7;
	v7 =	vsub.f32 v26, v28;
	v22 =	vld.idx.msk [tilespmem:v17+s11+$0x0], $0xffff  }
0x1ca: {  	v28 =	vld.idx.msk [tilespmem:v19+s1+$0x0], $0xffff  }
0x1cb: {  	v5 =	vadd.f32 v6, v5;
	v6 =	vmul.f32 v7, v7;
	v7 =	vsub.f32 v29, v31;
	v29 =	vld [tilespmem:$0x1FC50]  }
0x1cc: {  	v25 =	vadd.s32 s21, v24;
	v23 =	vld.idx.msk [tilespmem:v14+s1+$0x0], $0xffff  }
0x1cd: {  	v26 =	vld.idx.msk [tilespmem:v14+s11+$0x0], $0xffff;
	v5 =	vadd.f32 v6, v5;
	v6 =	vmul.f32 v7, v7;
	v7 =	vsub.f32 v32, v36  }
0x1ce: {  	v31 =	vld.idx.msk [tilespmem:v21+s1+$0x0], $0xffff  }
0x1cf: {  	v32 =	vld [tilespmem:$0x1FC60];
	v5 =	vadd.f32 v6, v5;
	v6 =	vmul.f32 v7, v7;
	v7 =	vsub.f32 v40, v47  }
0x1d0: {  	v40 =	vld [tilespmem:$0x1FC70];
	v14 =	vadd.s32 s21, v29  }
0x1d1: {  	v41 =	vld.idx.msk [tilespmem:v25+s11+$0x0], $0xffff;
	v5 =	vadd.f32 v6, v5;
	v6 =	vmul.f32 v7, v7;
	v7 =	vsub.f32 v58, v22  }
0x1d2: {  	v36 =	vld.idx.msk [tilespmem:v25+s1+$0x0], $0xffff  }
0x1d3: {  	v5 =	vadd.f32 v6, v5;
	v6 =	vmul.f32 v7, v7;
	v7 =	vsub.f32 v23, v26;
	v23 =	vld [tilespmem:$0x1FC80]  }
0x1d4: {  	v26 =	vld [tilespmem:$0x1FD00]  }
0x1d5: {  	v19 =	vadd.s32 s21, v32;
	v18 =	vadd.s32 s21, v40;
	v40 =	vld [tilespmem:$0x1FCD0]  }
0x1d6: {  	v47 =	vld.idx.msk [tilespmem:v14+s1+$0x0], $0xffff  }
0x1d7: {  	v24 =	vld.idx.msk [tilespmem:v14+s11+$0x0], $0xffff  }
0x1d8: {  	v5 =	vadd.f32 v6, v5;
	v6 =	vmul.f32 v7, v7;
	v7 =	vsub.f32 v28, v30;
	v30 =	vld [tilespmem:$0x1FCC0]  }
0x1d9: {  	v28 =	vld [tilespmem:$0x1F8D0]  }
0x1da: {  	v25 =	vld.idx.msk [tilespmem:v19+s1+$0x0], $0xffff  }
0x1db: {  	v29 =	vld.idx.msk [tilespmem:v19+s11+$0x0], $0xffff  }
0x1dc: {  	v5 =	vadd.f32 v6, v5;
	v6 =	vmul.f32 v7, v7;
	v7 =	vsub.f32 v31, v34;
	v31 =	vld [tilespmem:$0x1F8B0]  }
0x1dd: {  	v19 =	vld.idx.msk [tilespmem:v18+s1+$0x0], $0xffff  }
0x1de: {  	v17 =	vadd.s32 s21, v23;
	v34 =	vld.idx.msk [tilespmem:v18+s11+$0x0], $0xffff  }
0x1df: {  	v5 =	vadd.f32 v6, v5;
	v6 =	vmul.f32 v7, v7;
	v7 =	vsub.f32 v36, v41;
	v36 =	vld [tilespmem:$0x1FCE0]  }
0x1e0: {  	v41 =	vld [tilespmem:$0x1F8C0]  }
0x1e1: {  	v58 =	vmov v62;
	v62 =	vadd.s32 s22, v30;
	v30 =	vld [tilespmem:$0x1FAC0]  }
0x1e2: {  	v32 =	vadd.s32 s21, v31;
	v31 =	vld [tilespmem:$0x1FAD0]  }
0x1e3: {  	v5 =	vadd.f32 v6, v5;
	v6 =	vmul.f32 v7, v7;
	v7 =	vsub.f32 v47, v24;
	v20 =	vld.idx.msk [tilespmem:v17+s1+$0x0], $0xffff  }
0x1e4: {  	v47 =	vld.idx.msk [tilespmem:v17+s11+$0x0], $0xffff  }
0x1e5: {  	v5 =	vadd.f32 v6, v5;
	v6 =	vmul.f32 v7, v7;
	v7 =	vsub.f32 v25, v29;
	v29 =	vld [tilespmem:$0x1F8E0]  }
0x1e6: {  	v8 =	vsub.f32 v19, v34;
	v34 =	vld [tilespmem:$0x1F900]  }
0x1e7: {  	v16 =	vadd.s32 s22, v36;
	v36 =	vld [tilespmem:$0x1FB90]  }
0x1e8: {  	v2 =	vsub.f32 v2, v61;
	v21 =	vadd.s32 s21, v41;
	v41 =	vld [tilespmem:$0x1FBA0]  }
0x1e9: {  	v22 =	vadd.s32 s21, v28;
	v5 =	vadd.f32 v6, v5;
	v6 =	vld [tilespmem:$0x1F8F0]  }
0x1ea: {  	v12 =	vadd.s32 s21, v30;
	v30 =	vmul.f32 v2, v2;
	v2 =	vld [tilespmem:$0x1FB40]  }
0x1eb: {  	v23 =	vld.idx.msk [tilespmem:v32+s1+$0x0], $0xffff;
	v10 =	vadd.s32 s21, v29  }
0x1ec: {  	v24 =	vld.idx.msk [tilespmem:v32+s11+$0x0], $0xffff  }
0x1ed: {  	v32 =	vld [tilespmem:$0x1FBE0]  }
0x1ee: {  	v20 =	vsub.f32 v20, v47;
	v47 =	vld.idx.msk [tilespmem:v22+s1+$0x0], $0xffff  }
0x1ef: {  	v22 =	vld.idx.msk [tilespmem:v22+s11+$0x0], $0xffff  }
0x1f0: {  	v14 =	vadd.s32 s22, v26;
	v26 =	vld.idx.msk [tilespmem:v10+s1+$0x0], $0xffff  }
0x1f1: {  	v17 =	vadd.s32 s22, v27;
	v27 =	vld.idx.msk [tilespmem:v10+s11+$0x0], $0xffff  }
0x1f2: {  	v10 =	vadd.s32 s21, v3;
	v3 =	vld [tilespmem:$0x1F910]  }
0x1f3: {  	v7 =	vmul.f32 v7, v7;
	v19 =	vld.idx.msk [tilespmem:v21+s1+$0x0], $0xffff  }
0x1f4: {  	v21 =	vld.idx.msk [tilespmem:v21+s11+$0x0], $0xffff;
	v25 =	vadd.s32 s21, v34  }
0x1f5: {  	v5 =	vadd.f32 v7, v5;
	v7 =	vmul.f32 v8, v8;
	v9 =	vadd.s32 s21, v36;
	v36 =	vld [tilespmem:$0x1FB20]  }
0x1f6: {  	v18 =	vadd.s32 s22, v40;
	v8 =	vadd.s32 s21, v41;
	v41 =	vld [tilespmem:$0x1FAA0];
	v40 =	vadd.s32 s21, v6  }
0x1f7: {  	v5 =	vadd.f32 v7, v5;
	v7 =	vmul.f32 v20, v20;
	v20 =	vadd.s32 s21, v3;
	v3 =	vld [tilespmem:$0x1F920]  }
0x1f8: {  	v60 =	vsub.f32 v59, v60;
	v59 =	vadd.s32 s21, v2;
	v2 =	vld [tilespmem:$0x1F970]  }
0x1f9: {  	v15 =	vadd.s32 s21, v31;
	v31 =	vld.idx.msk [tilespmem:v25+s1+$0x0], $0xffff  }
0x1fa: {  	v25 =	vld.idx.msk [tilespmem:v25+s11+$0x0], $0xffff  }
0x1fb: {  	v61 =	vld.idx.msk [tilespmem:v40+s11+$0x0], $0xffff  }
0x1fc: {  	v28 =	vadd.s32 s21, v3;
	v3 =	vadd.f32 v7, v5;
	v7 =	vld.idx.msk [tilespmem:v40+s1+$0x0], $0xffff  }
0x1fd: {  	v5 =	vmul.f32 v1, v1;
	v1 =	vld [tilespmem:$0x1FB70]  }
0x1fe: {  	v56 =	vsub.f32 v56, v57;
	v57 =	vld.idx.msk [tilespmem:v20+s1+$0x0], $0xffff  }
0x1ff: {  	v43 =	vsub.f32 v43, v44;
	v44 =	vld.idx.msk [tilespmem:v20+s11+$0x0], $0xffff;
	v5 =	vadd.f32 v5, v3  }
0x200: {  	v4 =	vadd.s32 s21, v4;
	v3 =	vadd.s32 s21, v2;
	v2 =	vld [tilespmem:$0x1F980]  }
0x201: {  	v30 =	vadd.f32 v30, v5;
	v5 =	vld [tilespmem:$0x1FB10]  }
0x202: {  	v40 =	vadd.s32 s21, v1;
	v1 =	vld [tilespmem:$0x1F930]  }
0x203: {  	v34 =	vld.idx.msk [tilespmem:v28+s1+$0x0], $0xffff  }
0x204: {  	v35 =	vsub.f32 v35, v37;
	v38 =	vsub.f32 v38, v39;
	v28 =	vld.idx.msk [tilespmem:v28+s11+$0x0], $0xffff  }
0x205: {  	v22 =	vsub.f32 v47, v22;
	v47 =	vsub.f32 v7, v61;
	v7 =	vld.idx.msk [tilespmem:v4+s11+$0x0], $0xffff  }
0x206: {  	v60 =	vmul.f32 v60, v60;
	v4 =	vld.idx.msk [tilespmem:v4+s1+$0x0], $0xffff  }
0x207: {  	v61 =	vmul.f32 v38, v38;
	v38 =	vmul.f32 v35, v35;
	v35 =	vld.idx.msk [tilespmem:v16+s1+$0x0], $0xffff  }
0x208: {  	v30 =	vadd.f32 v60, v30;
	v60 =	vld [tilespmem:$0x1FB30]  }
0x209: {  	v56 =	vmul.f32 v56, v56;
	v52 =	vsub.f32 v52, v53;
	v53 =	vld.idx.msk [tilespmem:v3+s1+$0x0], $0xffff  }
0x20a: {  	v54 =	vsub.f32 v54, v55;
	v3 =	vld.idx.msk [tilespmem:v3+s11+$0x0], $0xffff  }
0x20b: {  	v30 =	vadd.f32 v56, v30;
	v56 =	vld [tilespmem:$0x1FB50]  }
0x20c: {  	v54 =	vmul.f32 v54, v54;
	v33 =	vsub.f32 v5, v33;
	v5 =	vld [tilespmem:$0x1FA50]  }
0x20d: {  	v29 =	vadd.s32 s21, v1;
	v1 =	vld [tilespmem:$0x1F940]  }
0x20e: {  	v52 =	vmul.f32 v52, v52;
	v30 =	vadd.f32 v54, v30;
	v54 =	vld [tilespmem:$0x1FCB0]  }
0x20f: {  	v37 =	vsub.f32 v36, v60;
	v60 =	vadd.s32 s21, v41;
	v41 =	vld [tilespmem:$0x1FB60]  }
0x210: {  	v30 =	vadd.f32 v52, v30;
	v52 =	vld [tilespmem:$0x1FC20]  }
0x211: {  	v13 =	vadd.s32 s21, v32;
	v2 =	vadd.s32 s21, v2;
	v32 =	vadd.s32 s21, v5;
	v5 =	vld [tilespmem:$0x1F9C0]  }
0x212: {  	v55 =	vld.idx.msk [tilespmem:v29+s1+$0x0], $0xffff  }
0x213: {  	v50 =	vsub.f32 v50, v51;
	v20 =	vsub.f32 v23, v24;
	v23 =	vld.idx.msk [tilespmem:v29+s11+$0x0], $0xffff  }
0x214: {  	v45 =	vsub.f32 v45, v46;
	v29 =	vld [tilespmem:$0x1FB00]  }
0x215: {  	v46 =	vmul.f32 v42, v54;
	v42 =	vmul.f32 v50, v50;
	v39 =	vsub.f32 v56, v41;
	v56 =	vld [tilespmem:$0x1FAB0]  }
0x216: {  	v48 =	vsub.f32 v48, v49;
	v41 =	vld.idx.msk [tilespmem:v2+s1+$0x0], $0xffff  }
0x217: {  	v19 =	vsub.f32 v19, v21;
	v1 =	vadd.s32 s21, v1;
	v49 =	vadd.f32 v42, v30;
	v42 =	vld.idx.msk [tilespmem:v32+s1+$0x0], $0xffff  }
0x218: {  	v26 =	vsub.f32 v26, v27;
	v25 =	vsub.f32 v31, v25;
	v21 =	vld.idx.msk [tilespmem:v32+s11+$0x0], $0xffff  }
0x219: {  	v27 =	vmul.f32 $5.000000000e-01, v34;
	v50 =	vmul.f32 v48, v48;
	v34 =	vld.idx.msk [tilespmem:v60+s11+$0x0], $0xffff;
	v0 =	vsub.f32 v52, v0  }
0x21a: {  	v31 =	vmul.f32 v53, v54;
	v30 =	vld.idx.msk [tilespmem:v60+s1+$0x0], $0xffff;
	v53 =	vmul.f32 v39, v39;
	v56 =	vadd.s32 s21, v56  }
0x21b: {  	v39 =	vld.idx.msk [tilespmem:v14+s11+$0x0], $0xffff;
	v0 =	vmul.f32 v0, v0;
	v24 =	vmul.f32 v29, v54;
	v29 =	vadd.f32 v50, v49  }
0x21c: {  	v5 =	vadd.s32 s21, v5;
	v36 =	vld.idx.msk [tilespmem:v1+s1+$0x0], $0xffff  }
0x21d: {  	v52 =	vmul.f32 v45, v45;
	v0 =	vadd.f32 v0, v29;
	v21 =	vsub.f32 v42, v21;
	v42 =	vld.idx.msk [tilespmem:v11+s1+$0x0], $0xffff  }
0x21e: {  	v11 =	vld.idx.msk [tilespmem:v11+s11+$0x0], $0xffff  }
0x21f: {  	v60 =	vmul.f32 v43, v43;
	v48 =	vmul.f32 $5.000000000e-01, v55;
	v0 =	vadd.f32 v52, v0;
	v55 =	vld.idx.msk [tilespmem:v56+s1+$0x0], $0xffff  }
0x220: {  	v32 =	vmul.f32 v57, v54;
	v57 =	vld.idx.msk [tilespmem:v56+s11+$0x0], $0xffff  }
0x221: {  	v51 =	vld.idx.msk [tilespmem:v5+s1+$0x0], $0xffff;
	v0 =	vadd.f32 v60, v0  }
0x222: {  	v29 =	vmul.f32 v33, v33;
	v33 =	vld.idx.msk [tilespmem:v62+s11+$0x0], $0xffff  }
0x223: {  	v28 =	vmul.f32 $5.000000000e-01, v28;
	v43 =	vmul.f32 v44, v54;
	v52 =	vld.idx.msk [tilespmem:v62+s1+$0x0], $0xffff;
	v0 =	vadd.f32 v61, v0  }
0x224: {  	v45 =	vmul.f32 v22, v22;
	v41 =	vmul.f32 $5.000000000e-01, v41;
	[tilespmem:$0x1FB00] =	vst v11;
	v11 =	vsub.f32 v46, v27;
	v46 =	vld.idx.msk [tilespmem:v17+s1+$0x0], $0xffff  }
0x225: {  	v36 =	vmul.f32 v36, v54;
	v17 =	vld.idx.msk [tilespmem:v17+s11+$0x0], $0xffff;
	v55 =	vsub.f32 v55, v57;
	v57 =	vadd.f32 v53, v0  }
0x226: {  	v44 =	vmul.f32 $5.000000000e-01, v23;
	v30 =	vsub.f32 v30, v34;
	v62 =	vmovc v58;
	v56 =	vld.idx.msk [tilespmem:v18+s1+$0x0], $0xffff;
	v50 =	vmul.f32 $5.000000000e-01, v51  }
0x227: {  	v51 =	vmul.f32 v37, v37;
	v0 =	vld.idx.msk [tilespmem:v18+s11+$0x0], $0xffff;
	v18 =	vsub.f32 v36, v41;
	v58 =	vadd.f32 v38, v57  }
0x228: {  	v34 =	vmul.f32 v19, v19;
	v37 =	vld.idx.msk [tilespmem:v16+s11+$0x0], $0xffff;
	v16 =	vsub.f32 v24, v28;
	v19 =	vsub.f32 v31, v50  }
0x229: {  	[tilespmem:$0x1FB10] =	vst v52;
	v61 =	vmul.f32 v55, v55;
	v52 =	vmul.f32 v18, v54;
	v22 =	vadd.f32 v51, v58  }
0x22a: {  	v6 =	vld [tilespmem:$0x1FBB0];
	v53 =	vmul.f32 v19, v54;
	v55 =	vmul.f32 v16, v54;
	[tilespmem:$0x1FB60] =	vst v17;
	v17 =	vsub.f32 v43, v44  }
0x22b: {  	v30 =	vmul.f32 v30, v30;
	v24 =	vadd.f32 v52, v41;
	v41 =	vld.idx.msk [tilespmem:v15+s1+$0x0], $0xffff;
	v22 =	vadd.f32 v29, v22  }
0x22c: {  	v60 =	vmul.f32 v21, v21;
	v21 =	vadd.f32 v55, v28;
	v28 =	vld.idx.msk [tilespmem:v15+s11+$0x0], $0xffff;
	v15 =	vadd.f32 v53, v50  }
0x22d: {  	v38 =	vld.idx.msk [tilespmem:v14+s1+$0x0], $0xffff;
	[tilespmem:$0x1FB30] =	vst v0;
	v0 =	vsub.f32 v32, v48;
	v57 =	vadd.f32 v61, v22  }
0x22e: {  	[tilespmem:$0x1FB20] =	vst v56;
	v49 =	vmul.f32 v11, v54;
	v53 =	vld [tilespmem:$0x1FD20];
	v56 =	vmul.f32 v17, v54;
	v52 =	vsub.f32 v24, v18  }
0x22f: {  	v32 =	vld.idx.msk [tilespmem:v13+s1+$0x0], $0xffff;
	v51 =	vmul.f32 v0, v54;
	v30 =	vadd.f32 v30, v57;
	v57 =	vsub.f32 v15, v19  }
0x230: {  	v25 =	vmul.f32 v25, v25;
	v23 =	vadd.f32 v49, v27;
	[tilespmem:$0x1FB50] =	vst v46;
	v13 =	vld.idx.msk [tilespmem:v13+s11+$0x0], $0xffff  }
0x231: {  	v22 =	vadd.f32 v56, v44;
	v14 =	vadd.f32 v51, v48;
	v56 =	vmul.f32 v57, v52;
	v57 =	vld.idx.msk [tilespmem:v10+s1+$0x0], $0xffff  }
0x232: {  	v58 =	vmax.f32 v11, v16;
	v46 =	vsub.f32 v23, v11;
	v36 =	vsub.f32 v21, v16;
	v10 =	vld.idx.msk [tilespmem:v10+s11+$0x0], $0xffff  }
0x233: {  	v50 =	vsub.f32 v14, v0;
	v30 =	vadd.f32 v60, v30;
	v60 =	vmin.f32 v23, v21;
	v52 =	vld [tilespmem:$0x1FD10]  }
0x234: {  	v29 =	vmax.f32 v0, v17;
	v48 =	vmax.f32 v19, v17;
	v27 =	vsub.f32 v60, v58;
	v60 =	vld.idx.msk [tilespmem:v59+s11+$0x0], $0xffff  }
0x235: {  	v44 =	vsub.f32 v22, v17;
	v61 =	vmin.f32 v14, v22;
	v46 =	vmul.f32 v50, v46;
	v50 =	vld [tilespmem:$0x1FBD0]  }
0x236: {  	v29 =	vsub.f32 v61, v29;
	v61 =	vmin.f32 v15, v22;
	v25 =	vadd.f32 v25, v30;
	v30 =	vld.idx.msk [tilespmem:v59+s1+$0x0], $0xffff  }
0x237: {  	v55 =	vsub.f32 v61, v48;
	v59 =	vld.idx.msk [tilespmem:v9+s1+$0x0], $0xffff  }
0x238: {  	v43 =	vmax.f32 v18, v16;
	v36 =	vmul.f32 v44, v36;
	v58 =	vmin.f32 v24, v21;
	v9 =	vld.idx.msk [tilespmem:v9+s11+$0x0], $0xffff  }
0x239: {  	v47 =	vmul.f32 v47, v47;
	v43 =	vsub.f32 v58, v43;
	v44 =	vmax.f32 v55, $0.0e+00;
	v55 =	vld [tilespmem:$0x1FD50]  }
0x23a: {  	v6 =	vadd.s32 s21, v6;
	v58 =	vadd.f32 v36, v46;
	v36 =	vadd.f32 v36, v56;
	v56 =	vld [tilespmem:$0x1FD40]  }
0x23b: {  	v25 =	vadd.f32 v47, v25;
	v47 =	vld.idx.msk [tilespmem:v40+s1+$0x0], $0xffff  }
0x23c: {  	v26 =	vmul.f32 v26, v26;
	v40 =	vld.idx.msk [tilespmem:v40+s11+$0x0], $0xffff  }
0x23d: {  	v10 =	vsub.f32 v57, v10;
	v57 =	vld [tilespmem:$0x1FD30]  }
0x23e: {  	v25 =	vadd.f32 v26, v25;
	v30 =	vsub.f32 v30, v60;
	v60 =	vld [tilespmem:$0x1FBC0]  }
0x23f: {  	v29 =	vmax.f32 v29, $0.0e+00;
	v27 =	vmax.f32 v27, $0.0e+00;
	v26 =	vld.idx.msk [tilespmem:v6+s1+$0x0], $0xffff;
	v46 =	vadd.s32 s21, v50  }
0x240: {  	v43 =	vmax.f32 v43, $0.0e+00;
	v27 =	vmul.f32 v29, v27;
	v6 =	vld.idx.msk [tilespmem:v6+s11+$0x0], $0xffff;
	v25 =	vadd.f32 v45, v25  }
0x241: {  	v45 =	vmul.f32 v44, v43;
	v48 =	vsub.f32 v47, v40;
	v40 =	vld.idx.msk [tilespmem:v8+s1+$0x0], $0xffff  }
0x242: {  	v20 =	vmul.f32 v20, v20;
	v29 =	vsub.f32 v58, v27;
	v8 =	vld.idx.msk [tilespmem:v8+s11+$0x0], $0xffff;
	v25 =	vadd.f32 v34, v25  }
0x243: {  	v9 =	vsub.f32 v59, v9;
	v59 =	vld [tilespmem:$0x1FD70];
	v61 =	vsub.f32 v36, v45;
	v44 =	vadd.s32 s21, v60  }
0x244: {  	(erf) = vrcp.f32 v29;
	v20 =	vadd.f32 v20, v25;
	v25 =	vld.idx.msk [tilespmem:v46+s1+$0x0], $0xffff  }
0x245: {  	v51 =	vmul.f32 v30, v30;
	(erf) = vrcp.f32 v61;
	v60 =	vld [tilespmem:$0x1FD60]  }
0x246: {  	v46 =	vld.idx.msk [tilespmem:v46+s11+$0x0], $0xffff  }
0x247: {  	v54 =	vmul.f32 v48, v48;
	v20 =	vadd.f32 v51, v20;
	v8 =	vsub.f32 v40, v8;
	v40 =	vld [tilespmem:$0x1FBF0]  }
0x248: {  	v13 =	vsub.f32 v32, v13;
	v34 =	vld.idx.msk [tilespmem:v44+s1+$0x0], $0xffff  }
0x249: {  	v10 =	vmul.f32 v10, v10;
	v29 =	vadd.s32 s22, v52;
	v20 =	vadd.f32 v54, v20;
	v58 =	vld.idx.msk [tilespmem:v44+s11+$0x0], $0xffff  }
0x24a: {  	v49 =	vadd.s32 s22, v56;
	v30 =	vadd.s32 s22, v53;
	v6 =	vsub.f32 v26, v6;
	v61 =	vld [tilespmem:$0x1FC10]  }
0x24b: {  	v9 =	vmul.f32 v9, v9;
	v36 =	vadd.s32 s22, v55;
	v51 =	vld [tilespmem:$0x1FC00];
	v10 =	vadd.f32 v10, v20  }
0x24c: {  	v2 =	vld.idx.msk [tilespmem:v2+s11+$0x0], $0xffff;
	v48 =	vadd.s32 s22, v57;
	v55 =	vadd.s32 s22, v59;
	v6 =	vmul.f32 v6, v6  }
0x24d: {  	v1 =	vld.idx.msk [tilespmem:v1+s11+$0x0], $0xffff;
	v8 =	vmul.f32 v8, v8;
	v53 =	vadd.s32 s22, v60;
	v54 =	vpop (erf);
	v9 =	vadd.f32 v9, v10  }
0x24e: {  	v5 =	vld.idx.msk [tilespmem:v5+s11+$0x0], $0xffff;
	v25 =	vsub.f32 v25, v46;
	v20 =	vadd.s32 s21, v40;
	v57 =	vpop (erf);
	v56 =	vsub.f32 v34, v58  }
0x24f: {  	v31 =	vld.idx.msk [tilespmem:v12+s1+$0x0], $0xffff;
	v8 =	vadd.f32 v8, v9;
	v58 =	vmul.f32 v54, v27;
	v59 =	vmul.f32 v57, v45  }
0x250: {  	v12 =	vld.idx.msk [tilespmem:v12+s11+$0x0], $0xffff;
	v50 =	vadd.s32 s21, v61;
	v26 =	vadd.s32 s21, v51;
	v25 =	vmul.f32 v25, v25  }
0x251: {  	v47 =	vld [tilespmem:$0x1FC90];
	v6 =	vadd.f32 v6, v8;
	v60 =	vmul.f32 v56, v56;
	vm0 =	vgt.f32 v59, v58  }
0x252: {  	v43 =	vld.idx.msk [tilespmem:v30+s1+$0x0], $0xffff;
	v23 =	vsel vm0, v24, v23;
	v11 =	vsel vm0, v18, v11;
	v1 =	vsel vm0, v1, v16  }
0x253: {  	v44 =	vld.idx.msk [tilespmem:v30+s11+$0x0], $0xffff;
	v0 =	vsel vm0, v19, v0;
	v3 =	vsel vm0, v3, v17;
	v2 =	vsel vm0, v2, v21  }
0x254: {  	v61 =	vld.idx.msk [tilespmem:v20+s1+$0x0], $0xffff;
	v5 =	vsel vm0, v5, v22;
	v1 =	vsub.f32 v11, v1;
	v0 =	vsub.f32 v0, v3  }
0x255: {  	v20 =	vld.idx.msk [tilespmem:v20+s11+$0x0], $0xffff;
	v6 =	vadd.f32 v60, v6;
	v2 =	vsub.f32 v23, v2;
	v3 =	vsel vm0, v15, v14  }
0x256: {  	v3 =	vsub.f32 v3, v5;
	v5 =	vld.idx.msk [tilespmem:v48+s1+$0x0], $0xffff;
	v1 =	vmul.f32 v1, v1;
	v0 =	vmul.f32 v0, v0  }
0x257: {  	v12 =	vsub.f32 v31, v12;
	v13 =	vmul.f32 v13, v13;
	v24 =	vld.idx.msk [tilespmem:v26+s1+$0x0], $0xffff;
	v6 =	vadd.f32 v25, v6  }
0x258: {  	v52 =	vsub.f32 v41, v28;
	v26 =	vld.idx.msk [tilespmem:v26+s11+$0x0], $0xffff;
	v2 =	vmul.f32 v2, v2;
	v1 =	vadd.f32 v0, v1  }
0x259: {  	v12 =	vmul.f32 v12, v12;
	v46 =	vld.idx.msk [tilespmem:v29+s11+$0x0], $0xffff;
	v6 =	vadd.f32 v13, v6  }
0x25a: {  	v10 =	vmul.f32 v52, v52;
	v1 =	vadd.f32 v1, v2;
	v2 =	vmul.f32 v3, v3;
	v3 =	vld [tilespmem:$0x1FE90]  }
0x25b: {  	v31 =	vld.idx.msk [tilespmem:v50+s1+$0x0], $0xffff;
	v30 =	vsub.f32 v61, v20;
	[tilespmem:$0x1FC20] =	vst v5;
	v5 =	vadd.f32 v12, v6  }
0x25c: {  	v51 =	vld.idx.msk [tilespmem:v36+s11+$0x0], $0xffff  }
0x25d: {  	v45 =	vld.idx.msk [tilespmem:v29+s1+$0x0], $0xffff;
	v8 =	vsub.f32 v24, v26;
	v6 =	vmul.f32 v30, v30;
	v5 =	vadd.f32 v10, v5  }
0x25e: {  	v29 =	vld.idx.msk [tilespmem:v50+s11+$0x0], $0xffff;
	v1 =	vadd.f32 v1, v2  }
0x25f: {  	v50 =	vld.idx.msk [tilespmem:v36+s1+$0x0], $0xffff;
	v5 =	vadd.f32 v6, v5;
	v6 =	vmul.f32 v8, v8;
	v3 =	vadd.s32 s22, v3  }
0x260: {  	vm1 =	vgt.f32 v7, $0.0e+00;
	v7 =	vsub.f32 v4, v7;
	v52 =	vld.idx.msk [tilespmem:v53+s1+$0x0], $0xffff;
	v4 =	vsel vm0, v31, v4  }
0x261: {  	v53 =	vld.idx.msk [tilespmem:v53+s11+$0x0], $0xffff;
	v2 =	vsel vm0, v59, v58;
	v1 =	vmul.f32 $5.000000000e+00, v1;
	v5 =	vadd.f32 v6, v5  }
0x262: {  	v2 =	vsub.f32 v4, v2;
	v4 =	vld [tilespmem:$0x1FD80]  }
0x263: {  	v1 =	vadd.f32 v1, v5;
	v5 =	vld [tilespmem:$0x1FCA0]  }
0x264: {  	v56 =	vld.idx.msk [tilespmem:v3+s1+$0x0], $0xffff  }
0x265: {  	v57 =	vld.idx.msk [tilespmem:v3+s11+$0x0], $0xffff  }
0x266: {  	v3 =	vld [tilespmem:$0x1FFB0]  }
0x267: {  	v32 =	vimm.s32 $0x0;
	v54 =	vld.idx.msk [tilespmem:v55+s1+$0x0], $0xffff;
	v34 =	vsub.f32 v31, v29;
	v2 =	vmul.f32 v2, v2  }
0x268: {  	v55 =	vld.idx.msk [tilespmem:v55+s11+$0x0], $0xffff;
	v10 =	vsel vm1, $0x3F800000, v32;
	v6 =	vadd.s32 s22, v4  }
0x269: {  	v0 =	vld.idx.msk [tilespmem:v48+s11+$0x0], $0xffff;
	v8 =	vmul.f32 v34, v34;
	v4 =	vmul.f32 v7, v7;
	v2 =	vadd.f32 v1, v2  }
0x26a: {  	v48 =	vld.idx.msk [tilespmem:v49+s1+$0x0], $0xffff;
	v7 =	vsub.f32 $1.000000000e+00, v10;
	v36 =	vadd.s32 s22, v5  }
0x26b: {  	p0 =	sne.s32 s22, $0x4920;
	v5 =	vadd.f32 v8, v4;
	v4 =	vadd.s32 s22, v3;
	v3 =	vmul.f32 v10, v2;
	v2 =	vld [tilespmem:$0x1FFE0]  }
.Ltmp0:
0x26c: {  	v49 =	vld.idx.msk [tilespmem:v49+s11+$0x0], $0xffff;
	v7 =	vmul.f32 $5.000000000e-01, v7;
	(pc) =	sbr.rel @p0 .LBB2_3-.Ltmp0, $4  }
0x26d: {  	v59 =	vld.idx.msk [tilespmem:v6+s1+$0x0], $0xffff  }
0x26e: {  	v60 =	vld.idx.msk [tilespmem:v6+s11+$0x0], $0xffff;
	v7 =	vmul.f32 v5, v7  }
0x26f: {  	v61 =	vld.idx.msk [tilespmem:v36+s11+$0x0], $0xffff  }
0x270: {  	s21 =	smov.u32 s22;
	v1 =	vadd.s32 s22, v47;
	v40 =	vadd.f32 v3, v7;
	v5 =	vadd.s32 s22, v2;
	v2 =	vld.idx.msk [tilespmem:v36+s1+$0x0], $0xffff;
	s22 =	sadd.s32 $0x5A0, s22  }
0x271: {  	v3 =	vld [tilespmem:$0x1FC30];
	_ =	sdelay $0x4  }
0x272: {  	v3 =	vadd.s32 s21, v3;
	_ =	sdelay $0x4  }
0x273: {  	v29 =	vld.idx.msk [tilespmem:v3+s1+$0x0], $0xffff  }
0x274: {  	v30 =	vld.idx.msk [tilespmem:v3+s11+$0x0], $0xffff;
	v3 =	vadd.s32 s21, v63;
	_ =	sdelay $0x4  }
0x275: {  	v41 =	vld.idx.msk [tilespmem:v3+s1+$0x0], $0xffff  }
0x276: {  	v7 =	vld.idx.msk [tilespmem:v3+s11+$0x0], $0xffff  }
0x277: {  	v3 =	vld [tilespmem:$0x1FDF0];
	_ =	sdelay $0x4  }
0x278: {  	v8 =	vadd.s32 s21, v3;
	v3 =	vld [tilespmem:$0x1FDA0];
	_ =	sdelay $0x4  }
0x279: {  	v10 =	vadd.s32 s21, v3;
	v3 =	vld [tilespmem:$0x1FE00];
	_ =	sdelay $0x4  }
0x27a: {  	v12 =	vadd.s32 s21, v3;
	v3 =	vld [tilespmem:$0x1FDB0];
	_ =	sdelay $0x1  }
0x27b: {  	v25 =	vld.idx.msk [tilespmem:v4+s1+$0x0], $0xffff  }
0x27c: {  	v26 =	vld.idx.msk [tilespmem:v4+s11+$0x0], $0xffff  }
0x27d: {  	v27 =	vld.idx.msk [tilespmem:v5+s1+$0x0], $0xffff  }
0x27e: {  	v14 =	vadd.s32 s21, v3;
	v3 =	vld [tilespmem:$0x1FE10]  }
0x27f: {  	v4 =	vadd.s32 s21, v62;
	v28 =	vld.idx.msk [tilespmem:v5+s11+$0x0], $0xffff  }
0x280: {  	v5 =	vld [tilespmem:$0x1FFF0];
	_ =	sdelay $0x2  }
0x281: {  	v16 =	vadd.s32 s21, v3;
	v3 =	vld [tilespmem:$0x1FDC0]  }
0x282: {  	v31 =	vld.idx.msk [tilespmem:v4+s1+$0x0], $0xffff  }
0x283: {  	v5 =	vadd.s32 s21, v5;
	v32 =	vld.idx.msk [tilespmem:v4+s11+$0x0], $0xffff  }
0x284: {  	v4 =	vld [tilespmem:$0x1FEA0];
	_ =	sdelay $0x1  }
0x285: {  	v18 =	vadd.s32 s21, v3;
	v3 =	vld [tilespmem:$0x1FE20];
	_ =	sdelay $0x1  }
0x286: {  	v34 =	vld.idx.msk [tilespmem:v5+s1+$0x0], $0xffff  }
0x287: {  	v4 =	vadd.s32 s21, v4;
	v36 =	vld.idx.msk [tilespmem:v5+s11+$0x0], $0xffff  }
0x288: {  	v5 =	vld [tilespmem:$0x1FDE0]  }
0x289: {  	v20 =	vadd.s32 s21, v3;
	v3 =	vld [tilespmem:$0x1FDD0];
	_ =	sdelay $0x2  }
0x28a: {  	v11 =	vld.idx.msk [tilespmem:v4+s1+$0x0], $0xffff  }
0x28b: {  	v5 =	vadd.s32 s21, v5;
	v9 =	vld.idx.msk [tilespmem:v4+s11+$0x0], $0xffff  }
0x28c: {  	v24 =	vadd.s32 s21, v3;
	v3 =	vld [tilespmem:$0x1FE30]  }
0x28d: {  	v4 =	vld.idx.msk [tilespmem:v20+s1+$0x0], $0xffff;
	_ =	sdelay $0x2  }
0x28e: {  	v15 =	vld.idx.msk [tilespmem:v5+s1+$0x0], $0xffff  }
0x28f: {  	v13 =	vld.idx.msk [tilespmem:v5+s11+$0x0], $0xffff;
	v3 =	vadd.s32 s21, v3  }
0x290: {  	[tilespmem:$0x1EF30] =	vst v4;
	v4 =	vld [tilespmem:$0x1FE40]  }
0x291: {  	v5 =	vld.idx.msk [tilespmem:v24+s1+$0x0], $0xffff;
	_ =	sdelay $0x2  }
0x292: {  	v58 =	vld.idx.msk [tilespmem:v3+s1+$0x0], $0xffff  }
0x293: {  	v3 =	vld.idx.msk [tilespmem:v3+s11+$0x0], $0xffff  }
0x294: {  	v4 =	vadd.s32 s21, v4;
	[tilespmem:$0x1EF40] =	vst v5;
	v5 =	vld [tilespmem:$0x1FE50];
	_ =	sdelay $0x3  }
0x295: {  	[tilespmem:$0x1EF60] =	vst v3;
	v3 =	vld [tilespmem:$0x1FE60]  }
0x296: {  	v5 =	vadd.s32 s21, v5;
	[tilespmem:$0x1EF50] =	vst v58;
	v58 =	vld.idx.msk [tilespmem:v4+s1+$0x0], $0xffff  }
0x297: {  	v4 =	vld.idx.msk [tilespmem:v4+s11+$0x0], $0xffff;
	_ =	sdelay $0x3  }
0x298: {  	v3 =	vadd.s32 s21, v3;
	[tilespmem:$0x1EF70] =	vst v58;
	v58 =	vld.idx.msk [tilespmem:v5+s1+$0x0], $0xffff  }
0x299: {  	[tilespmem:$0x1EF80] =	vst v4;
	v4 =	vld [tilespmem:$0x1FE70]  }
0x29a: {  	v5 =	vld.idx.msk [tilespmem:v5+s11+$0x0], $0xffff;
	_ =	sdelay $0x2  }
0x29b: {  	[tilespmem:$0x1EF90] =	vst v58;
	v58 =	vld.idx.msk [tilespmem:v3+s1+$0x0], $0xffff  }
0x29c: {  	v3 =	vld.idx.msk [tilespmem:v3+s11+$0x0], $0xffff  }
0x29d: {  	v4 =	vadd.s32 s21, v4;
	[tilespmem:$0x1EFA0] =	vst v5;
	v5 =	vld [tilespmem:$0x1FE80];
	_ =	sdelay $0x3  }
0x29e: {  	[tilespmem:$0x1EFC0] =	vst v3;
	v3 =	vld [tilespmem:$0x1FEB0]  }
0x29f: {  	v5 =	vadd.s32 s21, v5;
	[tilespmem:$0x1EFB0] =	vst v58;
	v58 =	vld.idx.msk [tilespmem:v4+s1+$0x0], $0xffff  }
0x2a0: {  	v4 =	vld.idx.msk [tilespmem:v4+s11+$0x0], $0xffff;
	_ =	sdelay $0x3  }
0x2a1: {  	v3 =	vadd.s32 s21, v3;
	[tilespmem:$0x1EFD0] =	vst v58;
	v58 =	vld.idx.msk [tilespmem:v5+s1+$0x0], $0xffff  }
0x2a2: {  	[tilespmem:$0x1EFE0] =	vst v4;
	v4 =	vld [tilespmem:$0x1FEC0]  }
0x2a3: {  	v5 =	vld.idx.msk [tilespmem:v5+s11+$0x0], $0xffff;
	_ =	sdelay $0x2  }
0x2a4: {  	[tilespmem:$0x1EFF0] =	vst v58;
	v58 =	vld.idx.msk [tilespmem:v3+s1+$0x0], $0xffff  }
0x2a5: {  	v3 =	vld.idx.msk [tilespmem:v3+s11+$0x0], $0xffff  }
0x2a6: {  	v4 =	vadd.s32 s21, v4;
	[tilespmem:$0x1F000] =	vst v5;
	v5 =	vld [tilespmem:$0x1FED0];
	_ =	sdelay $0x3  }
0x2a7: {  	[tilespmem:$0x1F020] =	vst v3;
	v3 =	vld [tilespmem:$0x1FEF0]  }
0x2a8: {  	v5 =	vadd.s32 s21, v5;
	[tilespmem:$0x1F010] =	vst v58;
	v58 =	vld.idx.msk [tilespmem:v4+s1+$0x0], $0xffff  }
0x2a9: {  	v4 =	vld.idx.msk [tilespmem:v4+s11+$0x0], $0xffff;
	_ =	sdelay $0x3  }
0x2aa: {  	v3 =	vadd.s32 s21, v3;
	[tilespmem:$0x1F030] =	vst v58;
	v58 =	vld.idx.msk [tilespmem:v5+s1+$0x0], $0xffff  }
0x2ab: {  	[tilespmem:$0x1F040] =	vst v4;
	v4 =	vld [tilespmem:$0x1FF00]  }
0x2ac: {  	v5 =	vld.idx.msk [tilespmem:v5+s11+$0x0], $0xffff;
	_ =	sdelay $0x2  }
0x2ad: {  	[tilespmem:$0x1F050] =	vst v58;
	v58 =	vld.idx.msk [tilespmem:v3+s1+$0x0], $0xffff  }
0x2ae: {  	v3 =	vld.idx.msk [tilespmem:v3+s11+$0x0], $0xffff  }
0x2af: {  	v4 =	vadd.s32 s21, v4;
	[tilespmem:$0x1F060] =	vst v5;
	v5 =	vld [tilespmem:$0x1FF10];
	_ =	sdelay $0x3  }
0x2b0: {  	[tilespmem:$0x1F080] =	vst v3;
	v3 =	vld [tilespmem:$0x1FF20]  }
0x2b1: {  	v5 =	vadd.s32 s21, v5;
	[tilespmem:$0x1F070] =	vst v58;
	v58 =	vld.idx.msk [tilespmem:v4+s1+$0x0], $0xffff;
	_ =	sdelay $0x1  }
0x2b2: {  	v4 =	vld.idx.msk [tilespmem:v4+s11+$0x0], $0xffff;
	_ =	sdelay $0x2  }
0x2b3: {  	v3 =	vadd.s32 s21, v3;
	[tilespmem:$0x1F090] =	vst v58;
	v58 =	vld.idx.msk [tilespmem:v5+s1+$0x0], $0xffff;
	_ =	sdelay $0x1  }
0x2b4: {  	[tilespmem:$0x1F0A0] =	vst v4;
	v4 =	vld [tilespmem:$0x1FF30];
	_ =	sdelay $0x1  }
0x2b5: {  	v5 =	vld.idx.msk [tilespmem:v5+s11+$0x0], $0xffff  }
0x2b6: {  	[tilespmem:$0x1F0B0] =	vst v58;
	v58 =	vld.idx.msk [tilespmem:v3+s1+$0x0], $0xffff  }
0x2b7: {  	v3 =	vld.idx.msk [tilespmem:v3+s11+$0x0], $0xffff  }
0x2b8: {  	v4 =	vadd.s32 s21, v4;
	_ =	sdelay $0x1  }
0x2b9: {  	[tilespmem:$0x1F0C0] =	vst v5;
	v5 =	vld [tilespmem:$0x1FF40];
	_ =	sdelay $0x1  }
0x2ba: {  	[tilespmem:$0x1F0E0] =	vst v3;
	v3 =	vld [tilespmem:$0x1FF50]  }
0x2bb: {  	[tilespmem:$0x1F0D0] =	vst v58;
	v58 =	vld.idx.msk [tilespmem:v4+s1+$0x0], $0xffff  }
0x2bc: {  	v4 =	vld.idx.msk [tilespmem:v4+s11+$0x0], $0xffff  }
0x2bd: {  	v5 =	vadd.s32 s21, v5;
	_ =	sdelay $0x3  }
0x2be: {  	v3 =	vadd.s32 s21, v3;
	[tilespmem:$0x1F100] =	vst v4;
	v4 =	vld [tilespmem:$0x1FF60]  }
0x2bf: {  	[tilespmem:$0x1F0F0] =	vst v58;
	v58 =	vld.idx.msk [tilespmem:v5+s1+$0x0], $0xffff  }
0x2c0: {  	v5 =	vld.idx.msk [tilespmem:v5+s11+$0x0], $0xffff;
	_ =	sdelay $0x2  }
0x2c1: {  	v25 =	vsub.f32 v25, v26;
	v26 =	vsub.f32 v27, v28;
	v27 =	vld.idx.msk [tilespmem:v3+s1+$0x0], $0xffff  }
0x2c2: {  	v3 =	vld.idx.msk [tilespmem:v3+s11+$0x0], $0xffff  }
0x2c3: {  	v4 =	vadd.s32 s21, v4;
	[tilespmem:$0x1F120] =	vst v5;
	v5 =	vld [tilespmem:$0x1FF70];
	_ =	sdelay $0x3  }
0x2c4: {  	[tilespmem:$0x1F140] =	vst v3;
	v3 =	vld [tilespmem:$0x1FF80]  }
0x2c5: {  	v5 =	vadd.s32 s21, v5;
	v28 =	vld.idx.msk [tilespmem:v4+s1+$0x0], $0xffff;
	_ =	sdelay $0x1  }
0x2c6: {  	v4 =	vld.idx.msk [tilespmem:v4+s11+$0x0], $0xffff;
	_ =	sdelay $0x2  }
0x2c7: {  	v3 =	vadd.s32 s21, v3;
	[tilespmem:$0x1F150] =	vst v28;
	v28 =	vld.idx.msk [tilespmem:v5+s1+$0x0], $0xffff;
	_ =	sdelay $0x1  }
0x2c8: {  	[tilespmem:$0x1F160] =	vst v4;
	v4 =	vld [tilespmem:$0x1FF90];
	_ =	sdelay $0x1  }
0x2c9: {  	v5 =	vld.idx.msk [tilespmem:v5+s11+$0x0], $0xffff  }
0x2ca: {  	v25 =	vmul.f32 v25, v25;
	[tilespmem:$0x1F170] =	vst v28;
	v28 =	vld.idx.msk [tilespmem:v3+s1+$0x0], $0xffff  }
0x2cb: {  	v26 =	vmul.f32 v26, v26;
	[tilespmem:$0x1F130] =	vst v27;
	v27 =	vsub.f32 v29, v30;
	v3 =	vld.idx.msk [tilespmem:v3+s11+$0x0], $0xffff  }
0x2cc: {  	v4 =	vadd.s32 s21, v4  }
0x2cd: {  	v25 =	vadd.f32 v26, v25;
	v26 =	vsub.f32 v31, v32;
	v27 =	vmul.f32 v27, v27  }
0x2ce: {  	[tilespmem:$0x1F180] =	vst v5;
	v5 =	vld [tilespmem:$0x1FC40]  }
0x2cf: {  	v26 =	vmul.f32 v26, v26;
	v25 =	vadd.f32 v27, v25;
	v27 =	vsub.f32 v34, v36  }
0x2d0: {  	[tilespmem:$0x1F1A0] =	vst v3;
	v3 =	vld [tilespmem:$0x1FC50]  }
0x2d1: {  	v25 =	vadd.f32 v26, v25;
	v26 =	vmul.f32 v27, v27;
	v27 =	vld.idx.msk [tilespmem:v4+s1+$0x0], $0xffff  }
0x2d2: {  	v4 =	vld.idx.msk [tilespmem:v4+s11+$0x0], $0xffff  }
0x2d3: {  	v5 =	vadd.s32 s21, v5;
	_ =	sdelay $0x2  }
0x2d4: {  	v3 =	vadd.s32 s21, v3  }
0x2d5: {  	[tilespmem:$0x1F1C0] =	vst v4;
	v4 =	vld [tilespmem:$0x1FC60]  }
0x2d6: {  	v9 =	vsub.f32 v11, v9;
	v11 =	vld.idx.msk [tilespmem:v5+s1+$0x0], $0xffff  }
0x2d7: {  	v5 =	vld.idx.msk [tilespmem:v5+s11+$0x0], $0xffff  }
0x2d8: {  	v6 =	vld [tilespmem:$0x1FD90]  }
0x2d9: {  	[tilespmem:$0x1F110] =	vst v58;
	v58 =	vld.idx.msk [tilespmem:v3+s1+$0x0], $0xffff  }
0x2da: {  	v7 =	vsub.f32 v41, v7;
	v3 =	vld.idx.msk [tilespmem:v3+s11+$0x0], $0xffff  }
0x2db: {  	v4 =	vadd.s32 s21, v4  }
0x2dc: {  	v7 =	vmul.f32 v7, v7;
	v25 =	vadd.f32 v26, v25;
	[tilespmem:$0x1F1E0] =	vst v5;
	v5 =	vld [tilespmem:$0x1FC70]  }
0x2dd: {  	v9 =	vmul.f32 v9, v9;
	v19 =	vld.idx.msk [tilespmem:v8+s1+$0x0], $0xffff  }
0x2de: {  	v8 =	vld.idx.msk [tilespmem:v8+s11+$0x0], $0xffff;
	v7 =	vadd.f32 v7, v25;
	[tilespmem:$0x1F1D0] =	vst v11;
	v11 =	vsub.f32 v15, v13  }
0x2df: {  	v6 =	vadd.s32 s21, v6;
	[tilespmem:$0x1F200] =	vst v3;
	v3 =	vld [tilespmem:$0x1FC80]  }
0x2e0: {  	v7 =	vadd.f32 v9, v7;
	v9 =	vmul.f32 v11, v11;
	v11 =	vld.idx.msk [tilespmem:v4+s1+$0x0], $0xffff  }
0x2e1: {  	v5 =	vadd.s32 s21, v5;
	v4 =	vld.idx.msk [tilespmem:v4+s11+$0x0], $0xffff;
	_ =	sdelay $0x2  }
0x2e2: {  	v17 =	vld.idx.msk [tilespmem:v6+s1+$0x0], $0xffff  }
0x2e3: {  	v6 =	vld.idx.msk [tilespmem:v6+s11+$0x0], $0xffff  }
0x2e4: {  	v3 =	vadd.s32 s21, v3;
	[tilespmem:$0x1F220] =	vst v4;
	v4 =	vadd.f32 v9, v7;
	v7 =	vsub.f32 v19, v8;
	v8 =	vld.idx.msk [tilespmem:v5+s1+$0x0], $0xffff  }
0x2e5: {  	v32 =	vld [tilespmem:$0x1F8B0]  }
0x2e6: {  	v21 =	vld.idx.msk [tilespmem:v10+s1+$0x0], $0xffff  }
0x2e7: {  	v10 =	vld.idx.msk [tilespmem:v10+s11+$0x0], $0xffff  }
0x2e8: {  	v5 =	vld.idx.msk [tilespmem:v5+s11+$0x0], $0xffff  }
0x2e9: {  	[tilespmem:$0x1F230] =	vst v8;
	v8 =	vld.idx.msk [tilespmem:v3+s1+$0x0], $0xffff  }
0x2ea: {  	v22 =	vld.idx.msk [tilespmem:v12+s1+$0x0], $0xffff  }
0x2eb: {  	v12 =	vld.idx.msk [tilespmem:v12+s11+$0x0], $0xffff  }
0x2ec: {  	v30 =	vld [tilespmem:$0x1F8C0]  }
0x2ed: {  	[tilespmem:$0x1F240] =	vst v5;
	v3 =	vld.idx.msk [tilespmem:v3+s11+$0x0], $0xffff  }
0x2ee: {  	v5 =	vadd.s32 s21, v32;
	[tilespmem:$0x1F250] =	vst v8;
	v8 =	vld.idx.msk [tilespmem:v1+s1+$0x0], $0xffff  }
0x2ef: {  	v23 =	vld.idx.msk [tilespmem:v14+s1+$0x0], $0xffff  }
0x2f0: {  	v14 =	vld.idx.msk [tilespmem:v14+s11+$0x0], $0xffff  }
0x2f1: {  	v6 =	vsub.f32 v17, v6;
	v29 =	vld [tilespmem:$0x1F8D0]  }
0x2f2: {  	[tilespmem:$0x1F260] =	vst v3;
	v1 =	vld.idx.msk [tilespmem:v1+s11+$0x0], $0xffff  }
0x2f3: {  	v6 =	vmul.f32 v6, v6;
	v3 =	vadd.s32 s21, v30;
	[tilespmem:$0x1F270] =	vst v8;
	v8 =	vld.idx.msk [tilespmem:v5+s1+$0x0], $0xffff  }
0x2f4: {  	v62 =	vld.idx.msk [tilespmem:v16+s1+$0x0], $0xffff  }
0x2f5: {  	v16 =	vld.idx.msk [tilespmem:v16+s11+$0x0], $0xffff;
	v4 =	vadd.f32 v6, v4;
	v7 =	vmul.f32 v7, v7  }
0x2f6: {  	[tilespmem:$0x1F190] =	vst v28;
	v28 =	vld [tilespmem:$0x1F8E0];
	v6 =	vsub.f32 v21, v10  }
0x2f7: {  	v4 =	vadd.f32 v7, v4;
	[tilespmem:$0x1F280] =	vst v1;
	v5 =	vld.idx.msk [tilespmem:v5+s11+$0x0], $0xffff  }
0x2f8: {  	v7 =	vsub.f32 v22, v12;
	v6 =	vmul.f32 v6, v6;
	v1 =	vadd.s32 s21, v29;
	[tilespmem:$0x1F290] =	vst v8;
	v8 =	vld.idx.msk [tilespmem:v3+s1+$0x0], $0xffff;
	_ =	sdelay $0x1  }
0x2f9: {  	v4 =	vadd.f32 v6, v4;
	v7 =	vmul.f32 v7, v7  }
0x2fa: {  	[tilespmem:$0x1F1B0] =	vst v27;
	v27 =	vld [tilespmem:$0x1F8F0];
	v6 =	vsub.f32 v23, v14  }
0x2fb: {  	v4 =	vadd.f32 v7, v4;
	[tilespmem:$0x1F2A0] =	vst v5;
	v3 =	vld.idx.msk [tilespmem:v3+s11+$0x0], $0xffff  }
0x2fc: {  	v7 =	vsub.f32 v62, v16;
	v6 =	vmul.f32 v6, v6;
	v5 =	vadd.s32 s21, v28;
	[tilespmem:$0x1F2B0] =	vst v8;
	v8 =	vld.idx.msk [tilespmem:v1+s1+$0x0], $0xffff  }
0x2fd: {  	v63 =	vld.idx.msk [tilespmem:v18+s1+$0x0], $0xffff  }
0x2fe: {  	v18 =	vld.idx.msk [tilespmem:v18+s11+$0x0], $0xffff;
	v4 =	vadd.f32 v6, v4;
	v7 =	vmul.f32 v7, v7  }
0x2ff: {  	v20 =	vld.idx.msk [tilespmem:v20+s11+$0x0], $0xffff  }
0x300: {  	v4 =	vadd.f32 v7, v4;
	v7 =	vld [tilespmem:$0x1EF30];
	[tilespmem:$0x1F2C0] =	vst v3  }
0x301: {  	v3 =	vadd.s32 s21, v27;
	[tilespmem:$0x1F2F0] =	vst v8;
	v8 =	vld.idx.msk [tilespmem:v5+s1+$0x0], $0xffff;
	_ =	sdelay $0x2  }
0x302: {  	v31 =	vld [tilespmem:$0x1F900];
	v6 =	vsub.f32 v63, v18  }
0x303: {  	v1 =	vld.idx.msk [tilespmem:v1+s11+$0x0], $0xffff  }
0x304: {  	v6 =	vmul.f32 v6, v6;
	v7 =	vsub.f32 v7, v20;
	[tilespmem:$0x1F2D0] =	vst v8;
	v8 =	vld.idx.msk [tilespmem:v3+s1+$0x0], $0xffff;
	_ =	sdelay $0x1  }
0x305: {  	v24 =	vld.idx.msk [tilespmem:v24+s11+$0x0], $0xffff;
	v4 =	vadd.f32 v6, v4;
	v7 =	vmul.f32 v7, v7  }
0x306: {  	v6 =	vld [tilespmem:$0x1EF40]  }
0x307: {  	v4 =	vadd.f32 v7, v4;
	v7 =	vld [tilespmem:$0x1EF50];
	[tilespmem:$0x1F300] =	vst v1  }
0x308: {  	v1 =	vadd.s32 s21, v31;
	[tilespmem:$0x1F310] =	vst v8;
	v8 =	vld [tilespmem:$0x1EF60];
	_ =	sdelay $0x2  }
0x309: {  	[tilespmem:$0x1F1F0] =	vst v58;
	v58 =	vld [tilespmem:$0x1FA50]  }
0x30a: {  	[tilespmem:$0x1F210] =	vst v11;
	v11 =	vld [tilespmem:$0x1EFA0]  }
0x30b: {  	v6 =	vsub.f32 v6, v24;
	v7 =	vsub.f32 v7, v8;
	v8 =	vld.idx.msk [tilespmem:v1+s1+$0x0], $0xffff  }
0x30c: {  	v10 =	vld [tilespmem:$0x1EF90]  }
0x30d: {  	v17 =	vld [tilespmem:$0x1FAB0];
	v6 =	vmul.f32 v6, v6  }
0x30e: {  	v41 =	vld [tilespmem:$0x1F930]  }
0x30f: {  	v4 =	vadd.f32 v6, v4;
	v6 =	vld [tilespmem:$0x1EF70]  }
0x310: {  	[tilespmem:$0x1F330] =	vst v8;
	v8 =	vld [tilespmem:$0x1EF80]  }
0x311: {  	v9 =	vadd.s32 s21, v58;
	v10 =	vsub.f32 v10, v11;
	v11 =	vld [tilespmem:$0x1FAA0]  }
0x312: {  	v34 =	vld [tilespmem:$0x1F910]  }
0x313: {  	v14 =	vadd.s32 s21, v17;
	v62 =	vld [tilespmem:$0x1F980]  }
0x314: {  	v36 =	vld [tilespmem:$0x1F920]  }
0x315: {  	v16 =	vld [tilespmem:$0x1EFC0];
	v7 =	vmul.f32 v7, v7;
	v6 =	vsub.f32 v6, v8  }
0x316: {  	v18 =	vld.idx.msk [tilespmem:v9+s1+$0x0], $0xffff;
	v11 =	vadd.s32 s21, v11  }
0x317: {  	v9 =	vld.idx.msk [tilespmem:v9+s11+$0x0], $0xffff;
	v4 =	vadd.f32 v7, v4;
	v6 =	vmul.f32 v6, v6  }
0x318: {  	v13 =	vadd.s32 s21, v62;
	v62 =	vld.idx.msk [tilespmem:v14+s1+$0x0], $0xffff  }
0x319: {  	v4 =	vadd.f32 v6, v4;
	v6 =	vld [tilespmem:$0x1EFB0]  }
0x31a: {  	v19 =	vld [tilespmem:$0x1EFE0]  }
0x31b: {  	v63 =	vld.idx.msk [tilespmem:v11+s1+$0x0], $0xffff  }
0x31c: {  	v21 =	vld [tilespmem:$0x1F040]  }
0x31d: {  	[tilespmem:$0x1F360] =	vst v9;
	v9 =	vld [tilespmem:$0x1F940]  }
0x31e: {  	v10 =	vmul.f32 v10, v10;
	[tilespmem:$0x1F390] =	vst v62;
	v62 =	vld [tilespmem:$0x1F020];
	v6 =	vsub.f32 v6, v16  }
0x31f: {  	v3 =	vld.idx.msk [tilespmem:v3+s11+$0x0], $0xffff  }
0x320: {  	[tilespmem:$0x1F370] =	vst v63;
	v63 =	vld [tilespmem:$0x1F010];
	v4 =	vadd.f32 v10, v4;
	v6 =	vmul.f32 v6, v6  }
0x321: {  	[tilespmem:$0x1F350] =	vst v18;
	v18 =	vld [tilespmem:$0x1F000]  }
0x322: {  	v4 =	vadd.f32 v6, v4;
	v6 =	vld.idx.msk [tilespmem:v11+s11+$0x0], $0xffff  }
0x323: {  	v5 =	vld.idx.msk [tilespmem:v5+s11+$0x0], $0xffff  }
0x324: {  	[tilespmem:$0x1F320] =	vst v3;
	v3 =	vadd.s32 s21, v36;
	v1 =	vld.idx.msk [tilespmem:v1+s11+$0x0], $0xffff  }
0x325: {  	v16 =	vsub.f32 v63, v62;
	v63 =	vld [tilespmem:$0x1FAD0]  }
0x326: {  	v10 =	vld [tilespmem:$0x1EFD0]  }
0x327: {  	[tilespmem:$0x1F380] =	vst v6;
	v6 =	vld [tilespmem:$0x1F970]  }
0x328: {  	v20 =	vld [tilespmem:$0x1F030]  }
0x329: {  	[tilespmem:$0x1F2E0] =	vst v5;
	v5 =	vadd.s32 s21, v34;
	v7 =	vld.idx.msk [tilespmem:v3+s1+$0x0], $0xffff  }
0x32a: {  	v3 =	vld.idx.msk [tilespmem:v3+s11+$0x0], $0xffff;
	v17 =	vadd.s32 s21, v63  }
0x32b: {  	v10 =	vsub.f32 v10, v19;
	v19 =	vld [tilespmem:$0x1FEE0]  }
0x32c: {  	[tilespmem:$0x1F340] =	vst v1;
	v1 =	vadd.s32 s21, v41;
	v11 =	vadd.s32 s21, v6;
	v6 =	vld [tilespmem:$0x1EFF0]  }
0x32d: {  	v20 =	vsub.f32 v20, v21;
	v21 =	vld [tilespmem:$0x1FAC0]  }
0x32e: {  	v8 =	vld.idx.msk [tilespmem:v5+s1+$0x0], $0xffff  }
0x32f: {  	v24 =	vmul.f32 $5.000000000e-01, v3;
	v3 =	vld.idx.msk [tilespmem:v17+s11+$0x0], $0xffff  }
0x330: {  	v63 =	vld [tilespmem:$0x1FCB0]  }
0x331: {  	v12 =	vld.idx.msk [tilespmem:v1+s1+$0x0], $0xffff;
	v10 =	vmul.f32 v10, v10;
	v15 =	vadd.s32 s21, v19;
	v6 =	vsub.f32 v6, v18  }
0x332: {  	v1 =	vld.idx.msk [tilespmem:v1+s11+$0x0], $0xffff  }
0x333: {  	v62 =	vld [tilespmem:$0x1FBE0];
	v4 =	vadd.f32 v10, v4;
	v6 =	vmul.f32 v6, v6  }
0x334: {  	v21 =	vadd.s32 s21, v21;
	[tilespmem:$0x1F480] =	vst v3;
	v3 =	vld [tilespmem:$0x1FB40]  }
0x335: {  	v7 =	vmul.f32 $5.000000000e-01, v7;
	v10 =	vld [tilespmem:$0x1F9C0];
	v4 =	vadd.f32 v6, v4;
	v6 =	vmul.f32 v42, v63  }
0x336: {  	v22 =	vld.idx.msk [tilespmem:v15+s11+$0x0], $0xffff  }
0x337: {  	v16 =	vmul.f32 v16, v16;
	v15 =	vld.idx.msk [tilespmem:v15+s1+$0x0], $0xffff;
	v25 =	vsub.f32 v6, v7  }
0x338: {  	v6 =	vld.idx.msk [tilespmem:v17+s1+$0x0], $0xffff  }
0x339: {  	v16 =	vadd.f32 v16, v4;
	v17 =	vadd.s32 s21, v3;
	v3 =	vld.idx.msk [tilespmem:v21+s11+$0x0], $0xffff;
	v4 =	vmul.f32 v25, v63  }
0x33a: {  	v10 =	vadd.s32 s21, v10  }
0x33b: {  	v26 =	vadd.f32 v4, v7;
	v7 =	vmul.f32 $5.000000000e-01, v1;
	v1 =	vld.idx.msk [tilespmem:v21+s1+$0x0], $0xffff  }
0x33c: {  	v14 =	vld.idx.msk [tilespmem:v14+s11+$0x0], $0xffff;
	v9 =	vadd.s32 s21, v9  }
0x33d: {  	v5 =	vld.idx.msk [tilespmem:v5+s11+$0x0], $0xffff;
	[tilespmem:$0x1F7A0] =	vst v15  }
0x33e: {  	v12 =	vmul.f32 $5.000000000e-01, v12;
	v8 =	vmul.f32 v8, v63;
	v15 =	vadd.s32 s21, v62;
	[tilespmem:$0x1F4C0] =	vst v3;
	v3 =	vld [tilespmem:$0x1FB70]  }
0x33f: {  	v23 =	vld.idx.msk [tilespmem:v10+s1+$0x0], $0xffff  }
0x340: {  	[tilespmem:$0x1F4B0] =	vst v1;
	v1 =	vsub.f32 v8, v12  }
0x341: {  	[tilespmem:$0x1F3A0] =	vst v14;
	v14 =	vld.idx.msk [tilespmem:v9+s1+$0x0], $0xffff  }
0x342: {  	v18 =	vld.idx.msk [tilespmem:v13+s1+$0x0], $0xffff;
	v4 =	vmul.f32 v5, v63;
	v5 =	vmul.f32 v1, v63  }
0x343: {  	v8 =	vadd.s32 s21, v3;
	v3 =	vld.idx.msk [tilespmem:v15+s1+$0x0], $0xffff  }
0x344: {  	v21 =	vmul.f32 $5.000000000e-01, v23;
	v23 =	vadd.f32 v5, v12;
	v5 =	vld.idx.msk [tilespmem:v17+s11+$0x0], $0xffff  }
0x345: {  	v42 =	vld.idx.msk [tilespmem:v11+s1+$0x0], $0xffff  }
0x346: {  	v62 =	vsub.f32 v4, v7;
	v4 =	vld [tilespmem:$0x1FB80];
	_ =	sdelay $0x1  }
0x347: {  	[tilespmem:$0x1F510] =	vst v3;
	v3 =	vld.idx.msk [tilespmem:v15+s11+$0x0], $0xffff  }
0x348: {  	v14 =	vmul.f32 v14, v63;
	v18 =	vmul.f32 $5.000000000e-01, v18;
	[tilespmem:$0x1F3C0] =	vst v5;
	v5 =	vld.idx.msk [tilespmem:v8+s1+$0x0], $0xffff;
	_ =	sdelay $0x1  }
0x349: {  	[tilespmem:$0x1F7B0] =	vst v22;
	v22 =	vld [tilespmem:$0x1FB00];
	v19 =	vmul.f32 v42, v63;
	v42 =	vsub.f32 v14, v18;
	v14 =	vadd.s32 s21, v4  }
0x34a: {  	v4 =	vld.idx.msk [tilespmem:v17+s1+$0x0], $0xffff  }
0x34b: {  	v17 =	vld [tilespmem:$0x1FB90];
	[tilespmem:$0x1F520] =	vst v3  }
0x34c: {  	v3 =	vmov v1;
	v1 =	vsub.f32 v19, v21;
	v19 =	vmul.f32 v42, v63;
	[tilespmem:$0x1F3D0] =	vst v5;
	v5 =	vld.idx.msk [tilespmem:v8+s11+$0x0], $0xffff  }
0x34d: {  	v8 =	vld [tilespmem:$0x1FBA0]  }
0x34e: {  	v19 =	vadd.f32 v19, v18;
	v18 =	vld.idx.msk [tilespmem:v14+s1+$0x0], $0xffff;
	_ =	sdelay $0x1  }
0x34f: {  	v22 =	vmul.f32 v22, v63  }
0x350: {  	v12 =	vadd.s32 s21, v17  }
0x351: {  	[tilespmem:$0x1F470] =	vst v6;
	v6 =	vsub.f32 v22, v24;
	v22 =	vmul.f32 v62, v63;
	v14 =	vld.idx.msk [tilespmem:v14+s11+$0x0], $0xffff;
	v8 =	vadd.s32 s21, v8  }
0x352: {  	[tilespmem:$0x1F3F0] =	vst v18;
	v18 =	vld [tilespmem:$0x1FBB0]  }
0x353: {  	v22 =	vadd.f32 v22, v7;
	v7 =	vmul.f32 v1, v63  }
0x354: {  	v15 =	vmul.f32 v6, v63  }
0x355: {  	[tilespmem:$0x1F3E0] =	vst v5;
	v5 =	vadd.f32 v7, v21;
	v21 =	vld.idx.msk [tilespmem:v12+s1+$0x0], $0xffff  }
0x356: {  	[tilespmem:$0x1F3B0] =	vst v4;
	v4 =	vadd.f32 v15, v24;
	v24 =	vld.idx.msk [tilespmem:v8+s1+$0x0], $0xffff  }
0x357: {  	[tilespmem:$0x1F400] =	vst v14;
	v14 =	vadd.s32 s21, v18;
	v8 =	vld.idx.msk [tilespmem:v8+s11+$0x0], $0xffff  }
0x358: {  	v15 =	vmax.f32 v25, v6;
	v17 =	vmin.f32 v26, v4  }
0x359: {  	[tilespmem:$0x1F550] =	vst v25;
	v7 =	vsub.f32 v17, v15;
	v15 =	vmax.f32 v3, v62;
	v17 =	vmin.f32 v23, v22  }
0x35a: {  	[tilespmem:$0x1F580] =	vst v1;
	v15 =	vsub.f32 v17, v15;
	v17 =	vmax.f32 v42, v6;
	v18 =	vmin.f32 v19, v4  }
0x35b: {  	[tilespmem:$0x1F410] =	vst v21;
	v17 =	vsub.f32 v18, v17;
	v18 =	vld [tilespmem:$0x1FBC0];
	v21 =	vsub.f32 v26, v25  }
0x35c: {  	v25 =	vsub.f32 v5, v1;
	[tilespmem:$0x1F440] =	vst v8;
	v8 =	vmax.f32 v1, v62;
	v1 =	vld.idx.msk [tilespmem:v14+s1+$0x0], $0xffff;
	_ =	sdelay $0x4  }
0x35d: {  	v18 =	vadd.s32 s21, v18;
	[tilespmem:$0x1F450] =	vst v1;
	v1 =	vld.idx.msk [tilespmem:v14+s11+$0x0], $0xffff;
	_ =	sdelay $0x4  }
0x35e: {  	[tilespmem:$0x1F460] =	vst v1;
	v1 =	vld.idx.msk [tilespmem:v18+s1+$0x0], $0xffff  }
0x35f: {  	[tilespmem:$0x1F5C0] =	vst v23  }
0x360: {  	[tilespmem:$0x1F570] =	vst v3;
	v3 =	vsub.f32 v23, v3  }
0x361: {  	[tilespmem:$0x1F540] =	vst v19;
	v23 =	vld [tilespmem:$0x1FBD0]  }
0x362: {  	[tilespmem:$0x1F430] =	vst v24;
	v24 =	vsub.f32 v19, v42;
	v19 =	vmul.f32 v3, v21;
	v3 =	vld [tilespmem:$0x1F060]  }
0x363: {  	[tilespmem:$0x1F490] =	vst v1;
	v1 =	vld [tilespmem:$0x1F050];
	_ =	sdelay $0x4  }
0x364: {  	v23 =	vadd.s32 s21, v23;
	v21 =	vsub.f32 v1, v3;
	v1 =	vld.idx.msk [tilespmem:v18+s11+$0x0], $0xffff;
	_ =	sdelay $0x4  }
0x365: {  	[tilespmem:$0x1F4A0] =	vst v1;
	v1 =	vld.idx.msk [tilespmem:v23+s1+$0x0], $0xffff;
	_ =	sdelay $0x4  }
0x366: {  	[tilespmem:$0x1F4E0] =	vst v1;
	v1 =	vld.idx.msk [tilespmem:v23+s11+$0x0], $0xffff;
	_ =	sdelay $0x3  }
0x367: {  	v12 =	vld.idx.msk [tilespmem:v12+s11+$0x0], $0xffff  }
0x368: {  	[tilespmem:$0x1F4F0] =	vst v1;
	v1 =	vld.idx.msk [tilespmem:v9+s11+$0x0], $0xffff;
	_ =	sdelay $0x2  }
0x369: {  	[tilespmem:$0x1F5A0] =	vst v4  }
0x36a: {  	[tilespmem:$0x1F420] =	vst v12;
	v3 =	vld [tilespmem:$0x1F080]  }
0x36b: {  	v12 =	vsub.f32 v4, v6;
	v4 =	vsub.f32 v22, v62;
	[tilespmem:$0x1F560] =	vst v1;
	v1 =	vld [tilespmem:$0x1F070];
	_ =	sdelay $0x1  }
0x36c: {  	[tilespmem:$0x1F530] =	vst v26;
	v12 =	vmul.f32 v4, v12  }
0x36d: {  	[tilespmem:$0x1F5E0] =	vst v22;
	v7 =	vmax.f32 v7, $0.0e+00;
	v15 =	vmax.f32 v15, $0.0e+00;
	v26 =	vmin.f32 v5, v22  }
0x36e: {  	[tilespmem:$0x1F5D0] =	vst v5;
	v5 =	vmul.f32 v15, v7;
	v15 =	vmax.f32 v17, $0.0e+00;
	v17 =	vadd.f32 v12, v19;
	v19 =	vld [tilespmem:$0x1FBF0]  }
0x36f: {  	v9 =	vsub.f32 v1, v3;
	v1 =	vld.idx.msk [tilespmem:v11+s11+$0x0], $0xffff;
	_ =	sdelay $0x3  }
0x370: {  	v3 =	vld [tilespmem:$0x1F0A0]  }
0x371: {  	[tilespmem:$0x1F590] =	vst v1;
	v1 =	vld [tilespmem:$0x1F090]  }
0x372: {  	v7 =	vmul.f32 v20, v20;
	_ =	sdelay $0x1  }
0x373: {  	v7 =	vadd.f32 v7, v16;
	v18 =	vmul.f32 v21, v21;
	_ =	sdelay $0x1  }
0x374: {  	v7 =	vadd.f32 v18, v7;
	v18 =	vsub.f32 v1, v3;
	v1 =	vld.idx.msk [tilespmem:v13+s11+$0x0], $0xffff;
	_ =	sdelay $0x1  }
0x375: {  	v8 =	vsub.f32 v26, v8  }
0x376: {  	v14 =	vmul.f32 v25, v24  }
0x377: {  	v8 =	vmax.f32 v8, $0.0e+00  }
0x378: {  	v4 =	vmul.f32 v8, v15;
	v8 =	vadd.f32 v12, v14;
	v12 =	vadd.s32 s21, v19;
	[tilespmem:$0x1F5B0] =	vst v1;
	v1 =	vld.idx.msk [tilespmem:v10+s11+$0x0], $0xffff;
	_ =	sdelay $0x4  }
0x379: {  	[tilespmem:$0x1F5F0] =	vst v1;
	v1 =	vld.idx.msk [tilespmem:v12+s1+$0x0], $0xffff;
	_ =	sdelay $0x2  }
0x37a: {  	v11 =	vld [tilespmem:$0x1FC00]  }
0x37b: {  	v3 =	vld [tilespmem:$0x1F0C0]  }
0x37c: {  	v19 =	vsub.f32 v17, v5;
	[tilespmem:$0x1F600] =	vst v1;
	v1 =	vld [tilespmem:$0x1F0B0]  }
0x37d: {  	v8 =	vsub.f32 v8, v4  }
0x37e: {  	(erf) = vrcp.f32 v19  }
0x37f: {  	(erf) = vrcp.f32 v8;
	v8 =	vmul.f32 v9, v9;
	_ =	sdelay $0x1  }
0x380: {  	v7 =	vadd.f32 v8, v7;
	v11 =	vadd.s32 s21, v11;
	v8 =	vsub.f32 v1, v3;
	v1 =	vld.idx.msk [tilespmem:v12+s11+$0x0], $0xffff;
	_ =	sdelay $0x4  }
0x381: {  	[tilespmem:$0x1F610] =	vst v1;
	v1 =	vld.idx.msk [tilespmem:v11+s1+$0x0], $0xffff;
	_ =	sdelay $0x3  }
0x382: {  	v3 =	vld [tilespmem:$0x1F0E0]  }
0x383: {  	[tilespmem:$0x1F620] =	vst v1;
	v1 =	vld [tilespmem:$0x1F0D0];
	_ =	sdelay $0x2  }
0x384: {  	v9 =	vld [tilespmem:$0x1FC10];
	v10 =	vmul.f32 v18, v18;
	_ =	sdelay $0x1  }
0x385: {  	v7 =	vadd.f32 v10, v7;
	v10 =	vsub.f32 v1, v3;
	v1 =	vld.idx.msk [tilespmem:v11+s11+$0x0], $0xffff;
	_ =	sdelay $0x2  }
0x386: {  	v9 =	vadd.s32 s21, v9  }
0x387: {  	v3 =	vld [tilespmem:$0x1F100]  }
0x388: {  	[tilespmem:$0x1F630] =	vst v1;
	v1 =	vld [tilespmem:$0x1F0F0];
	_ =	sdelay $0x2  }
0x389: {  	v8 =	vmul.f32 v8, v8;
	v11 =	vld.idx.msk [tilespmem:v9+s11+$0x0], $0xffff  }
0x38a: {  	p0 =	seq.s32 s19, $0xD;
	v9 =	vld.idx.msk [tilespmem:v9+s1+$0x0], $0xffff  }
0x38b: {  	s20 =	sadd.s32 @!p0 s8, s20;
	v7 =	vadd.f32 v8, v7;
	v8 =	vsub.f32 v1, v3;
	v1 =	vld [tilespmem:$0x1F110]  }
0x38c: {  	s20 =	smul.u32 @!p0 $0x5A, s20;
	v3 =	vld [tilespmem:$0x1F120];
	_ =	sdelay $0x1  }
0x38d: {  	s20 =	sshrl.u32 @!p0 s20, $0x3  }
0x38e: {  	s22 =	simm.s32 @!p0 $0x0;
	s21 =	sadd.s32 @!p0 s3, s20  }
0x38f: {  	[tilespmem:s22], [sflag:$0x1] =	stream.linear.gather @!p0 [hbm4b:s21+s22], $0x4EC0, $0x38;
	[tilespmem:$0x13C80] =	vst v63  }
0x390: {  	[tilespmem:$0x1F790] =	vst v9;
	v9 =	vsub.f32 v1, v3;
	v1 =	vpop (erf)  }
0x391: {  	v3 =	vld [tilespmem:$0x1F140];
	[tilespmem:$0x1F4D0] =	vst v1;
	v1 =	vpop (erf)  }
0x392: {  	[tilespmem:$0x1F500] =	vst v1;
	v1 =	vld [tilespmem:$0x1F130]  }
0x393: {  	s20 =	sadd.s32 @!p0 s4, s20;
	s21 =	simm.s32 @!p0 $0x4F00;
	v10 =	vmul.f32 v10, v10  }
0x394: {  	[tilespmem:s21], [sflag:$0x1] =	stream.linear.gather @!p0 [hbm4b:s20+s22], $0x4EC0, $0x38;
	[tilespmem:$0x13C80] =	vst v63  }
0x395: {  	v7 =	vadd.f32 v10, v7;
	[tilespmem:$0x1F780] =	vst v11;
	v8 =	vmul.f32 v8, v8  }
0x396: {  	_ =	swait.ge [sflag:s15], $0x4EC0  }
0x397: {  	v7 =	vadd.f32 v8, v7;
	v8 =	vsub.f32 v1, v3;
	v1 =	vld [tilespmem:$0x1F150]  }
0x398: {  	v3 =	vld [tilespmem:$0x1F160];
	_ =	sdelay $0x1  }
0x399: {  	[sflag:s15] =	ssyncset.done $0x0  }
0x39a: {  	v9 =	vmul.f32 v9, v9;
	[sflag:s15] =	ssyncadd.s32 $0xFFFFB140  }
0x39b: {  	_ =	swait.ge [sflag:s15], $0x4EC0  }
0x39c: {  	v7 =	vadd.f32 v9, v7;
	v9 =	vsub.f32 v1, v3;
	v1 =	vld [tilespmem:$0x1F170]  }
0x39d: {  	v3 =	vld [tilespmem:$0x1F180];
	_ =	sdelay $0x2  }
0x39e: {  	v8 =	vmul.f32 v8, v8;
	_ =	sdelay $0x1  }
0x39f: {  	s31 =	simm.s32 $0x0;
	v7 =	vadd.f32 v8, v7;
	v8 =	vsub.f32 v1, v3;
	v1 =	vld [tilespmem:$0x1F190]  }
0x3a0: {  	v10 =	vadd.s32 s31, v32;
	v3 =	vld [tilespmem:$0x1F1A0];
	_ =	sdelay $0x2  }
0x3a1: {  	[sflag:s15] =	ssyncset.done $0x0;
	v9 =	vmul.f32 v9, v9  }
0x3a2: {  	[sflag:s15] =	ssyncadd.s32 $0xFFFFB140  }
0x3a3: {  	v7 =	vadd.f32 v9, v7;
	v9 =	vsub.f32 v1, v3;
	v1 =	vld.idx.msk [tilespmem:v10+s12+$0x0], $0xffff;
	_ =	sdelay $0x4  }
0x3a4: {  	[tilespmem:$0x1F660] =	vst v1;
	v1 =	vld.idx.msk [tilespmem:v10+s13+$0x0], $0xffff;
	_ =	sdelay $0x3  }
0x3a5: {  	v3 =	vld [tilespmem:$0x1F1C0]  }
0x3a6: {  	v11 =	vadd.s32 s31, v30;
	[tilespmem:$0x1F670] =	vst v1;
	v1 =	vld [tilespmem:$0x1F1B0];
	_ =	sdelay $0x2  }
0x3a7: {  	v8 =	vmul.f32 v8, v8;
	_ =	sdelay $0x1  }
0x3a8: {  	v7 =	vadd.f32 v8, v7;
	v8 =	vsub.f32 v1, v3;
	v1 =	vld.idx.msk [tilespmem:v11+s12+$0x0], $0xffff;
	_ =	sdelay $0x4  }
0x3a9: {  	[tilespmem:$0x1F640] =	vst v1;
	v1 =	vld.idx.msk [tilespmem:v11+s13+$0x0], $0xffff;
	_ =	sdelay $0x3  }
0x3aa: {  	v3 =	vld [tilespmem:$0x1F1E0]  }
0x3ab: {  	v19 =	vadd.s32 s31, v29;
	[tilespmem:$0x1F650] =	vst v1;
	v1 =	vld [tilespmem:$0x1F1D0];
	_ =	sdelay $0x2  }
0x3ac: {  	v9 =	vmul.f32 v9, v9;
	_ =	sdelay $0x1  }
0x3ad: {  	v7 =	vadd.f32 v9, v7;
	v9 =	vsub.f32 v1, v3;
	v1 =	vld.idx.msk [tilespmem:v19+s12+$0x0], $0xffff;
	_ =	sdelay $0x4  }
0x3ae: {  	[tilespmem:$0x1F680] =	vst v1;
	v1 =	vld.idx.msk [tilespmem:v19+s13+$0x0], $0xffff;
	_ =	sdelay $0x3  }
0x3af: {  	v3 =	vld [tilespmem:$0x1F200]  }
0x3b0: {  	v10 =	vadd.s32 s31, v28;
	[tilespmem:$0x1F690] =	vst v1;
	v1 =	vld [tilespmem:$0x1F1F0];
	_ =	sdelay $0x2  }
0x3b1: {  	v8 =	vmul.f32 v8, v8;
	_ =	sdelay $0x1  }
0x3b2: {  	v7 =	vadd.f32 v8, v7;
	v8 =	vsub.f32 v1, v3;
	v1 =	vld.idx.msk [tilespmem:v10+s12+$0x0], $0xffff;
	_ =	sdelay $0x4  }
0x3b3: {  	[tilespmem:$0x1F6A0] =	vst v1;
	v1 =	vld.idx.msk [tilespmem:v10+s13+$0x0], $0xffff;
	_ =	sdelay $0x3  }
0x3b4: {  	v3 =	vld [tilespmem:$0x1F220]  }
0x3b5: {  	v11 =	vadd.s32 s31, v27;
	[tilespmem:$0x1F6B0] =	vst v1;
	v1 =	vld [tilespmem:$0x1F210];
	_ =	sdelay $0x2  }
0x3b6: {  	v9 =	vmul.f32 v9, v9;
	_ =	sdelay $0x1  }
0x3b7: {  	v7 =	vadd.f32 v9, v7;
	v9 =	vsub.f32 v1, v3;
	v1 =	vld.idx.msk [tilespmem:v11+s12+$0x0], $0xffff;
	_ =	sdelay $0x4  }
0x3b8: {  	[tilespmem:$0x1F6C0] =	vst v1;
	v1 =	vld.idx.msk [tilespmem:v11+s13+$0x0], $0xffff;
	_ =	sdelay $0x3  }
0x3b9: {  	v3 =	vld [tilespmem:$0x1F240]  }
0x3ba: {  	v32 =	vadd.s32 s31, v31;
	[tilespmem:$0x1F6D0] =	vst v1;
	v1 =	vld [tilespmem:$0x1F230];
	_ =	sdelay $0x2  }
0x3bb: {  	v8 =	vmul.f32 v8, v8;
	_ =	sdelay $0x1  }
0x3bc: {  	v7 =	vadd.f32 v8, v7;
	v8 =	vsub.f32 v1, v3;
	v1 =	vld.idx.msk [tilespmem:v32+s12+$0x0], $0xffff;
	_ =	sdelay $0x3  }
0x3bd: {  	v10 =	vld [tilespmem:$0x1FFA0]  }
0x3be: {  	[tilespmem:$0x1F6E0] =	vst v1;
	v1 =	vld.idx.msk [tilespmem:v32+s13+$0x0], $0xffff;
	_ =	sdelay $0x3  }
0x3bf: {  	v3 =	vld [tilespmem:$0x1F260]  }
0x3c0: {  	v10 =	vadd.s32 s31, v10;
	[tilespmem:$0x1F6F0] =	vst v1;
	v1 =	vld [tilespmem:$0x1F250];
	_ =	sdelay $0x2  }
0x3c1: {  	v9 =	vmul.f32 v9, v9;
	_ =	sdelay $0x1  }
0x3c2: {  	v7 =	vadd.f32 v9, v7;
	v9 =	vsub.f32 v1, v3;
	v1 =	vld.idx.msk [tilespmem:v10+s12+$0x0], $0xffff;
	_ =	sdelay $0x4  }
0x3c3: {  	[tilespmem:$0x1F700] =	vst v1;
	v1 =	vld.idx.msk [tilespmem:v10+s13+$0x0], $0xffff;
	_ =	sdelay $0x3  }
0x3c4: {  	v3 =	vld [tilespmem:$0x1F280]  }
0x3c5: {  	v11 =	vadd.s32 s31, v34;
	[tilespmem:$0x1F740] =	vst v1;
	v1 =	vld [tilespmem:$0x1F270];
	_ =	sdelay $0x2  }
0x3c6: {  	v8 =	vmul.f32 v8, v8;
	_ =	sdelay $0x1  }
0x3c7: {  	v7 =	vadd.f32 v8, v7;
	v8 =	vsub.f32 v1, v3;
	v1 =	vld.idx.msk [tilespmem:v11+s12+$0x0], $0xffff;
	_ =	sdelay $0x4  }
0x3c8: {  	v36 =	vadd.s32 s31, v36;
	[tilespmem:$0x1F720] =	vst v1;
	v1 =	vld.idx.msk [tilespmem:v11+s13+$0x0], $0xffff;
	_ =	sdelay $0x4  }
0x3c9: {  	[tilespmem:$0x1F760] =	vst v1;
	v1 =	vld.idx.msk [tilespmem:v36+s12+$0x0], $0xffff;
	_ =	sdelay $0x4  }
0x3ca: {  	v10 =	vadd.s32 s31, v41;
	[tilespmem:$0x1F710] =	vst v1;
	v1 =	vld.idx.msk [tilespmem:v36+s13+$0x0], $0xffff;
	_ =	sdelay $0x4  }
0x3cb: {  	[tilespmem:$0x1F750] =	vst v1;
	v1 =	vld.idx.msk [tilespmem:v10+s12+$0x0], $0xffff;
	_ =	sdelay $0x4  }
0x3cc: {  	[tilespmem:$0x1F730] =	vst v1;
	v1 =	vld.idx.msk [tilespmem:v10+s13+$0x0], $0xffff;
	_ =	sdelay $0x4  }
0x3cd: {  	[tilespmem:$0x1F770] =	vst v1;
	v1 =	vld [tilespmem:$0x1FC30];
	_ =	sdelay $0x4  }
0x3ce: {  	v32 =	vadd.s32 s31, v1;
	v1 =	vld [tilespmem:$0x1FFC0];
	_ =	sdelay $0x2  }
0x3cf: {  	v27 =	vld [tilespmem:$0x1FC20];
	_ =	sdelay $0x1  }
0x3d0: {  	v16 =	vsub.f32 v35, v37;
	v37 =	vadd.s32 s31, v1;
	v1 =	vld [tilespmem:$0x1FFD0];
	_ =	sdelay $0x1  }
0x3d1: {  	v9 =	vmul.f32 v9, v9  }
0x3d2: {  	v27 =	vsub.f32 v27, v0;
	v0 =	vld [tilespmem:$0x1FDE0]  }
0x3d3: {  	v7 =	vadd.f32 v9, v7;
	v9 =	vsub.f32 v2, v61;
	v2 =	vld [tilespmem:$0x1FFB0]  }
0x3d4: {  	v36 =	vsub.f32 v54, v55;
	v55 =	vadd.s32 s31, v1;
	v1 =	vld [tilespmem:$0x1FEA0]  }
0x3d5: {  	v8 =	vmul.f32 v8, v8;
	_ =	sdelay $0x1  }
0x3d6: {  	v28 =	vadd.s32 s31, v0;
	v0 =	vld [tilespmem:$0x1F290];
	v9 =	vmul.f32 v9, v9;
	v7 =	vadd.f32 v8, v7  }
0x3d7: {  	v11 =	vadd.s32 s31, v58;
	v58 =	vadd.s32 s31, v2;
	v2 =	vld [tilespmem:$0x1FFE0]  }
0x3d8: {  	v7 =	vadd.f32 v9, v7;
	v9 =	vsub.f32 v56, v57;
	v57 =	vadd.s32 s31, v1;
	v1 =	vld [tilespmem:$0x1F2A0];
	_ =	sdelay $0x2  }
0x3d9: {  	v21 =	vld [tilespmem:$0x1FB50];
	v8 =	vsub.f32 v59, v60  }
0x3da: {  	v22 =	vld [tilespmem:$0x1FB60];
	v10 =	vadd.s32 s31, v2  }
0x3db: {  	v19 =	vmul.f32 v8, v8;
	v0 =	vsub.f32 v0, v1;
	v1 =	vld [tilespmem:$0x1FD90]  }
0x3dc: {  	v3 =	vld [tilespmem:$0x1F2C0]  }
0x3dd: {  	v7 =	vadd.f32 v19, v7;
	v9 =	vmul.f32 v9, v9;
	v34 =	vld.idx.msk [tilespmem:v58+s12+$0x0], $0xffff  }
0x3de: {  	v12 =	vld.idx.msk [tilespmem:v58+s13+$0x0], $0xffff  }
0x3df: {  	v52 =	vsub.f32 v52, v53;
	v7 =	vadd.f32 v9, v7;
	v15 =	vmul.f32 v36, v36;
	v9 =	vld.idx.msk [tilespmem:v10+s12+$0x0], $0xffff  }
0x3e0: {  	v29 =	vadd.s32 s31, v1;
	v1 =	vld [tilespmem:$0x1F2B0]  }
0x3e1: {  	v23 =	vsub.f32 v50, v51;
	v54 =	vmul.f32 v52, v52;
	v7 =	vadd.f32 v15, v7;
	v10 =	vld.idx.msk [tilespmem:v10+s13+$0x0], $0xffff  }
0x3e2: {  	v21 =	vsub.f32 v21, v22;
	v22 =	vld.idx.msk [tilespmem:v32+s12+$0x0], $0xffff  }
0x3e3: {  	v23 =	vmul.f32 v23, v23;
	v7 =	vadd.f32 v54, v7;
	v25 =	vld.idx.msk [tilespmem:v37+s12+$0x0], $0xffff  }
0x3e4: {  	v56 =	vld.idx.msk [tilespmem:v37+s13+$0x0], $0xffff  }
0x3e5: {  	v23 =	vadd.f32 v23, v7;
	v7 =	vsub.f32 v1, v3;
	v1 =	vld [tilespmem:$0x1FDF0]  }
0x3e6: {  	v14 =	vld.idx.msk [tilespmem:v32+s13+$0x0], $0xffff  }
0x3e7: {  	v53 =	vld [tilespmem:$0x1FFF0];
	_ =	sdelay $0x1  }
0x3e8: {  	v12 =	vsub.f32 v34, v12;
	v9 =	vsub.f32 v9, v10;
	v3 =	vld [tilespmem:$0x1F2E0]  }
0x3e9: {  	v59 =	vsub.f32 v25, v56;
	v25 =	vadd.s32 s31, v1;
	v1 =	vld [tilespmem:$0x1F2D0]  }
0x3ea: {  	v12 =	vmul.f32 v12, v12;
	v9 =	vmul.f32 v9, v9;
	v14 =	vsub.f32 v22, v14  }
0x3eb: {  	v19 =	vadd.s32 s31, v53  }
0x3ec: {  	v9 =	vadd.f32 v9, v12;
	v14 =	vmul.f32 v14, v14;
	_ =	sdelay $0x1  }
0x3ed: {  	v14 =	vadd.f32 v14, v9;
	v9 =	vsub.f32 v1, v3;
	v1 =	vld [tilespmem:$0x1FDA0];
	_ =	sdelay $0x1  }
0x3ee: {  	v10 =	vld.idx.msk [tilespmem:v19+s12+$0x0], $0xffff  }
0x3ef: {  	v19 =	vld.idx.msk [tilespmem:v19+s13+$0x0], $0xffff  }
0x3f0: {  	v3 =	vld [tilespmem:$0x1F300]  }
0x3f1: {  	v30 =	vadd.s32 s31, v1;
	v1 =	vld [tilespmem:$0x1F2F0]  }
0x3f2: {  	v22 =	vld.idx.msk [tilespmem:v55+s12+$0x0], $0xffff  }
0x3f3: {  	v18 =	vld.idx.msk [tilespmem:v55+s13+$0x0], $0xffff  }
0x3f4: {  	v10 =	vsub.f32 v10, v19  }
0x3f5: {  	v58 =	vsub.f32 v48, v49  }
0x3f6: {  	v35 =	vmul.f32 v10, v10;
	v10 =	vsub.f32 v1, v3;
	v1 =	vld [tilespmem:$0x1FE00]  }
0x3f7: {  	v13 =	vmul.f32 v58, v58  }
0x3f8: {  	v34 =	vsub.f32 v22, v18;
	v22 =	vld.idx.msk [tilespmem:v29+s12+$0x0], $0xffff  }
0x3f9: {  	v13 =	vadd.f32 v13, v23;
	v23 =	vld.idx.msk [tilespmem:v29+s13+$0x0], $0xffff  }
0x3fa: {  	v3 =	vld [tilespmem:$0x1F320]  }
0x3fb: {  	v29 =	vadd.s32 s31, v1;
	v1 =	vld [tilespmem:$0x1F310];
	_ =	sdelay $0x2  }
0x3fc: {  	v8 =	vld [tilespmem:$0x1FB10];
	_ =	sdelay $0x1  }
0x3fd: {  	v18 =	vsub.f32 v1, v3;
	v1 =	vld [tilespmem:$0x1FDB0];
	_ =	sdelay $0x2  }
0x3fe: {  	v8 =	vsub.f32 v8, v33;
	v33 =	vld.idx.msk [tilespmem:v28+s12+$0x0], $0xffff  }
0x3ff: {  	v28 =	vld.idx.msk [tilespmem:v28+s13+$0x0], $0xffff  }
0x400: {  	v31 =	vadd.s32 s31, v1;
	v1 =	vld [tilespmem:$0x1FE10];
	_ =	sdelay $0x1  }
0x401: {  	v41 =	vld [tilespmem:$0x1FB30]  }
0x402: {  	v60 =	vld.idx.msk [tilespmem:v11+s12+$0x0], $0xffff  }
0x403: {  	v3 =	vld [tilespmem:$0x1F340]  }
0x404: {  	v37 =	vsub.f32 v33, v28;
	v28 =	vadd.s32 s31, v1;
	v1 =	vld [tilespmem:$0x1F330]  }
0x405: {  	v2 =	vld.idx.msk [tilespmem:v11+s13+$0x0], $0xffff  }
0x406: {  	v11 =	vld [tilespmem:$0x1FB20]  }
0x407: {  	v36 =	vld.idx.msk [tilespmem:v25+s12+$0x0], $0xffff  }
0x408: {  	v20 =	vsub.f32 v38, v39;
	v24 =	vsub.f32 v45, v46;
	v27 =	vmul.f32 v27, v27;
	v25 =	vld.idx.msk [tilespmem:v25+s13+$0x0], $0xffff  }
0x409: {  	v39 =	vsub.f32 v22, v23;
	v23 =	vsub.f32 v1, v3;
	v1 =	vld [tilespmem:$0x1FDC0]  }
0x40a: {  	v24 =	vmul.f32 v24, v24;
	v13 =	vadd.f32 v27, v13;
	v38 =	vld.idx.msk [tilespmem:v30+s12+$0x0], $0xffff  }
0x40b: {  	v22 =	vld.idx.msk [tilespmem:v29+s12+$0x0], $0xffff  }
0x40c: {  	v26 =	vsub.f32 v43, v44;
	v13 =	vadd.f32 v24, v13;
	v24 =	vld.idx.msk [tilespmem:v29+s13+$0x0], $0xffff  }
0x40d: {  	v3 =	vld [tilespmem:$0x1F360]  }
0x40e: {  	v26 =	vmul.f32 v26, v26;
	v29 =	vadd.s32 s31, v1;
	v1 =	vld [tilespmem:$0x1F350]  }
0x40f: {  	v45 =	vld.idx.msk [tilespmem:v28+s12+$0x0], $0xffff  }
0x410: {  	v13 =	vadd.f32 v26, v13;
	v26 =	vld.idx.msk [tilespmem:v28+s13+$0x0], $0xffff  }
0x411: {  	v27 =	vld.idx.msk [tilespmem:v30+s13+$0x0], $0xffff  }
0x412: {  	v11 =	vsub.f32 v11, v41;
	v43 =	vld.idx.msk [tilespmem:v31+s12+$0x0], $0xffff  }
0x413: {  	v41 =	vsub.f32 v36, v25;
	v25 =	vsub.f32 v1, v3;
	v1 =	vld [tilespmem:$0x1FE20]  }
0x414: {  	v30 =	vld.idx.msk [tilespmem:v31+s13+$0x0], $0xffff  }
0x415: {  	v20 =	vmul.f32 v20, v20;
	v50 =	vsub.f32 v45, v26;
	v26 =	vld [tilespmem:$0x1FE50]  }
0x416: {  	v46 =	vsub.f32 v22, v24;
	v22 =	vld.idx.msk [tilespmem:v29+s12+$0x0], $0xffff  }
0x417: {  	v13 =	vadd.f32 v20, v13;
	v20 =	vld.idx.msk [tilespmem:v29+s13+$0x0], $0xffff  }
0x418: {  	v31 =	vadd.s32 s31, v1;
	v1 =	vld [tilespmem:$0x1FDD0]  }
0x419: {  	v61 =	vld.idx.msk [tilespmem:v57+s12+$0x0], $0xffff  }
0x41a: {  	v17 =	vld.idx.msk [tilespmem:v57+s13+$0x0], $0xffff;
	v26 =	vadd.s32 s31, v26  }
0x41b: {  	v3 =	vld [tilespmem:$0x1F380]  }
0x41c: {  	v52 =	vsub.f32 v22, v20;
	v22 =	vld [tilespmem:$0x1FE60]  }
0x41d: {  	v44 =	vsub.f32 v38, v27;
	v27 =	vadd.s32 s31, v1;
	v1 =	vld [tilespmem:$0x1F370]  }
0x41e: {  	v48 =	vsub.f32 v43, v30;
	v43 =	vld [tilespmem:$0x1FF00]  }
0x41f: {  	v12 =	vmul.f32 v59, v59;
	v58 =	vld.idx.msk [tilespmem:v26+s12+$0x0], $0xffff  }
0x420: {  	v49 =	vld.idx.msk [tilespmem:v31+s12+$0x0], $0xffff  }
0x421: {  	v12 =	vadd.f32 v12, v14;
	v30 =	vld.idx.msk [tilespmem:v31+s13+$0x0], $0xffff  }
0x422: {  	v21 =	vmul.f32 v21, v21;
	v22 =	vadd.s32 s31, v22;
	v24 =	vsub.f32 v1, v3;
	v1 =	vld [tilespmem:$0x1FE30]  }
0x423: {  	v12 =	vadd.f32 v35, v12;
	v14 =	vmul.f32 v34, v34;
	v15 =	vsub.f32 v61, v17;
	v3 =	vld [tilespmem:$0x1F3A0]  }
0x424: {  	v51 =	vld.idx.msk [tilespmem:v27+s12+$0x0], $0xffff  }
0x425: {  	v13 =	vadd.f32 v21, v13;
	v12 =	vadd.f32 v14, v12;
	v15 =	vmul.f32 v15, v15;
	v21 =	vld.idx.msk [tilespmem:v27+s13+$0x0], $0xffff  }
0x426: {  	v27 =	vld [tilespmem:$0x1FE70]  }
0x427: {  	v14 =	vmul.f32 v37, v37;
	v12 =	vadd.f32 v15, v12;
	v17 =	vadd.s32 s31, v43;
	v61 =	vld.idx.msk [tilespmem:v22+s12+$0x0], $0xffff  }
0x428: {  	v28 =	vadd.s32 s31, v1;
	v1 =	vld [tilespmem:$0x1F390]  }
0x429: {  	v12 =	vadd.f32 v14, v12;
	v15 =	vmul.f32 v39, v39;
	v54 =	vsub.f32 v49, v30;
	v49 =	vld [tilespmem:$0x1FF20]  }
0x42a: {  	v57 =	vsub.f32 v51, v21;
	v21 =	vld.idx.msk [tilespmem:v26+s13+$0x0], $0xffff  }
0x42b: {  	v12 =	vadd.f32 v15, v12;
	v14 =	vmul.f32 v41, v41;
	v27 =	vadd.s32 s31, v27;
	v26 =	vld [tilespmem:$0x1FE80]  }
0x42c: {  	v16 =	vmul.f32 v16, v16;
	v51 =	vld.idx.msk [tilespmem:v17+s12+$0x0], $0xffff  }
0x42d: {  	v12 =	vadd.f32 v14, v12;
	v15 =	vmul.f32 v44, v44;
	v29 =	vsub.f32 v1, v3;
	v1 =	vld [tilespmem:$0x1FE40]  }
0x42e: {  	v11 =	vmul.f32 v11, v11;
	v13 =	vadd.f32 v16, v13;
	v20 =	vld.idx.msk [tilespmem:v28+s12+$0x0], $0xffff  }
0x42f: {  	v12 =	vadd.f32 v15, v12;
	v14 =	vmul.f32 v46, v46;
	v53 =	vld.idx.msk [tilespmem:v28+s13+$0x0], $0xffff  }
0x430: {  	v8 =	vmul.f32 v8, v8;
	v11 =	vadd.f32 v11, v13;
	v32 =	vld.idx.msk [tilespmem:v27+s12+$0x0], $0xffff  }
0x431: {  	v12 =	vadd.f32 v14, v12;
	v15 =	vmul.f32 v48, v48;
	v33 =	vld.idx.msk [tilespmem:v27+s13+$0x0], $0xffff  }
0x432: {  	v8 =	vadd.f32 v8, v11;
	v26 =	vadd.s32 s31, v26;
	v3 =	vld [tilespmem:$0x1F3C0];
	v11 =	vmul.f32 v29, v29  }
0x433: {  	v12 =	vadd.f32 v15, v12;
	v14 =	vmul.f32 v50, v50;
	v34 =	vsub.f32 v58, v21;
	v58 =	vld [tilespmem:$0x1FF50]  }
0x434: {  	v8 =	vadd.f32 v11, v8;
	v11 =	vmul.f32 v24, v24;
	v24 =	vld [tilespmem:$0x1FEC0]  }
0x435: {  	v12 =	vadd.f32 v14, v12;
	v15 =	vmul.f32 v52, v52;
	v59 =	vsub.f32 v20, v53;
	v20 =	vld.idx.msk [tilespmem:v22+s13+$0x0], $0xffff  }
0x436: {  	v22 =	vld [tilespmem:$0x1FEB0]  }
0x437: {  	v12 =	vadd.f32 v15, v12;
	v14 =	vmul.f32 v54, v54;
	v35 =	vld.idx.msk [tilespmem:v26+s12+$0x0], $0xffff  }
0x438: {  	v21 =	vld.idx.msk [tilespmem:v26+s13+$0x0], $0xffff  }
0x439: {  	v12 =	vadd.f32 v14, v12;
	v15 =	vmul.f32 v57, v57;
	v31 =	vadd.s32 s31, v1;
	v1 =	vld [tilespmem:$0x1F3B0]  }
0x43a: {  	v53 =	vld [tilespmem:$0x1FF30];
	v8 =	vadd.f32 v11, v8;
	v11 =	vmul.f32 v25, v25  }
0x43b: {  	v12 =	vadd.f32 v15, v12;
	v16 =	vadd.s32 s31, v58;
	v58 =	vld [tilespmem:$0x1FCC0];
	v14 =	vmul.f32 v59, v59  }
0x43c: {  	v8 =	vadd.f32 v11, v8;
	v11 =	vmul.f32 v23, v23;
	v23 =	vld [tilespmem:$0x1FED0]  }
0x43d: {  	v12 =	vadd.f32 v14, v12;
	v14 =	vmul.f32 v34, v34;
	v34 =	vld [tilespmem:$0x1FF70]  }
0x43e: {  	v55 =	vld.idx.msk [tilespmem:v31+s12+$0x0], $0xffff  }
0x43f: {  	v56 =	vld.idx.msk [tilespmem:v31+s13+$0x0], $0xffff  }
0x440: {  	v36 =	vsub.f32 v61, v20;
	v20 =	vld [tilespmem:$0x1FEF0]  }
0x441: {  	v44 =	vsub.f32 v35, v21;
	v21 =	vld [tilespmem:$0x1FF10]  }
0x442: {  	v24 =	vadd.s32 s31, v24;
	v52 =	vsub.f32 v1, v3;
	v1 =	vld [tilespmem:$0x1F3D0]  }
0x443: {  	v3 =	vld [tilespmem:$0x1F3E0]  }
0x444: {  	v22 =	vadd.s32 s31, v22;
	v61 =	vld [tilespmem:$0x1FF60]  }
0x445: {  	v35 =	vld.idx.msk [tilespmem:v16+s12+$0x0], $0xffff  }
0x446: {  	v8 =	vadd.f32 v11, v8;
	v11 =	vmul.f32 v18, v18;
	v18 =	vadd.s32 s31, v49;
	v16 =	vld.idx.msk [tilespmem:v16+s13+$0x0], $0xffff  }
0x447: {  	v41 =	vld.idx.msk [tilespmem:v24+s12+$0x0], $0xffff  }
0x448: {  	v8 =	vadd.f32 v11, v8;
	v11 =	vld.idx.msk [tilespmem:v24+s13+$0x0], $0xffff  }
0x449: {  	v37 =	vld.idx.msk [tilespmem:v22+s12+$0x0], $0xffff  }
0x44a: {  	v38 =	vld.idx.msk [tilespmem:v22+s13+$0x0], $0xffff  }
0x44b: {  	v23 =	vadd.s32 s31, v23;
	v13 =	vsub.f32 v55, v56;
	v56 =	vld.idx.msk [tilespmem:v18+s12+$0x0], $0xffff  }
0x44c: {  	v9 =	vmul.f32 v9, v9;
	v57 =	vld.idx.msk [tilespmem:v18+s13+$0x0], $0xffff  }
0x44d: {  	v55 =	vsub.f32 v1, v3;
	v1 =	vld [tilespmem:$0x1F3F0]  }
0x44e: {  	v8 =	vadd.f32 v9, v8;
	v9 =	vmul.f32 v10, v10;
	v20 =	vadd.s32 s31, v20;
	v3 =	vld [tilespmem:$0x1F400]  }
0x44f: {  	v22 =	vld [tilespmem:$0x1FC60]  }
0x450: {  	v7 =	vmul.f32 v7, v7;
	v21 =	vadd.s32 s31, v21;
	v8 =	vadd.f32 v9, v8;
	v45 =	vld.idx.msk [tilespmem:v23+s12+$0x0], $0xffff  }
0x451: {  	v10 =	vld.idx.msk [tilespmem:v23+s13+$0x0], $0xffff  }
0x452: {  	v7 =	vadd.f32 v7, v8;
	v8 =	vld.idx.msk [tilespmem:v17+s13+$0x0], $0xffff  }
0x453: {  	v48 =	vld.idx.msk [tilespmem:v20+s12+$0x0], $0xffff  }
0x454: {  	v9 =	vld.idx.msk [tilespmem:v20+s13+$0x0], $0xffff  }
0x455: {  	v54 =	vld.idx.msk [tilespmem:v21+s12+$0x0], $0xffff  }
0x456: {  	v20 =	vld.idx.msk [tilespmem:v21+s13+$0x0], $0xffff  }
0x457: {  	v0 =	vmul.f32 v0, v0;
	v13 =	vmul.f32 v13, v13;
	v21 =	vld [tilespmem:$0x1FF40]  }
0x458: {  	v39 =	vsub.f32 v32, v33;
	v17 =	vadd.s32 s31, v53;
	v33 =	vsub.f32 v1, v3;
	v1 =	vld [tilespmem:$0x1F410]  }
0x459: {  	v12 =	vadd.f32 v13, v12;
	v3 =	vld [tilespmem:$0x1F420]  }
0x45a: {  	v46 =	vsub.f32 v37, v38;
	v0 =	vadd.f32 v0, v7;
	v7 =	vmul.f32 v52, v52;
	v38 =	vld [tilespmem:$0x1FF90]  }
0x45b: {  	v13 =	vmul.f32 v36, v36;
	v22 =	vadd.s32 s31, v22;
	v52 =	vld [tilespmem:$0x1F670];
	v12 =	vadd.f32 v14, v12  }
0x45c: {  	v0 =	vadd.f32 v7, v0;
	v7 =	vmul.f32 v55, v55;
	v55 =	vld [tilespmem:$0x1F940]  }
0x45d: {  	v14 =	vmul.f32 v39, v39;
	v12 =	vadd.f32 v13, v12;
	v59 =	vld.idx.msk [tilespmem:v17+s13+$0x0], $0xffff;
	v21 =	vadd.s32 s31, v21  }
0x45e: {  	v36 =	vsub.f32 v1, v3;
	v1 =	vld [tilespmem:$0x1F430]  }
0x45f: {  	v13 =	vmul.f32 v44, v44;
	v12 =	vadd.f32 v14, v12;
	v3 =	vld [tilespmem:$0x1F440]  }
0x460: {  	v9 =	vsub.f32 v48, v9;
	v48 =	vld.idx.msk [tilespmem:v22+s12+$0x0], $0xffff  }
0x461: {  	v11 =	vsub.f32 v41, v11;
	v50 =	vmul.f32 v46, v46;
	v22 =	vld.idx.msk [tilespmem:v22+s13+$0x0], $0xffff;
	v12 =	vadd.f32 v13, v12  }
0x462: {  	v10 =	vsub.f32 v45, v10;
	v32 =	vld.idx.msk [tilespmem:v21+s12+$0x0], $0xffff  }
0x463: {  	v11 =	vmul.f32 v11, v11;
	v0 =	vadd.f32 v7, v0;
	v12 =	vadd.f32 v50, v12;
	v7 =	vld.idx.msk [tilespmem:v21+s13+$0x0], $0xffff  }
0x464: {  	v37 =	vsub.f32 v1, v3;
	v1 =	vld [tilespmem:$0x1F450]  }
0x465: {  	v10 =	vmul.f32 v10, v10;
	v3 =	vld [tilespmem:$0x1F460];
	v11 =	vadd.f32 v11, v12  }
0x466: {  	v21 =	vld [tilespmem:$0x1FC40]  }
0x467: {  	v9 =	vmul.f32 v9, v9;
	v10 =	vadd.f32 v10, v11;
	v11 =	vld.idx.msk [tilespmem:v17+s12+$0x0], $0xffff  }
0x468: {  	v8 =	vsub.f32 v51, v8;
	v17 =	vadd.s32 s31, v61;
	v61 =	vld [tilespmem:$0x1FAA0]  }
0x469: {  	v9 =	vadd.f32 v9, v10;
	v10 =	vsub.f32 v54, v20;
	v20 =	vld [tilespmem:$0x1FF80]  }
0x46a: {  	v39 =	vsub.f32 v1, v3;
	v1 =	vld [tilespmem:$0x1F470]  }
0x46b: {  	v8 =	vmul.f32 v8, v8;
	v3 =	vld [tilespmem:$0x1F480]  }
0x46c: {  	v18 =	vmul.f32 v33, v33;
	v54 =	vld [tilespmem:$0x1F980]  }
0x46d: {  	v8 =	vadd.f32 v8, v9;
	v9 =	vsub.f32 v56, v57;
	v10 =	vmul.f32 v10, v10;
	v56 =	vld [tilespmem:$0x1F970]  }
0x46e: {  	v0 =	vadd.f32 v18, v0;
	v15 =	vmul.f32 v36, v36;
	v57 =	vld [tilespmem:$0x1FAB0]  }
0x46f: {  	v21 =	vadd.s32 s31, v21;
	v8 =	vadd.f32 v10, v8;
	v10 =	vsub.f32 v11, v59;
	v11 =	vld.idx.msk [tilespmem:v17+s12+$0x0], $0xffff  }
0x470: {  	v0 =	vadd.f32 v15, v0;
	v15 =	vsub.f32 v1, v3;
	v1 =	vld [tilespmem:$0x1F490]  }
0x471: {  	v3 =	vld [tilespmem:$0x1F4A0]  }
0x472: {  	v17 =	vld.idx.msk [tilespmem:v17+s13+$0x0], $0xffff  }
0x473: {  	v19 =	vadd.s32 s31, v34;
	v59 =	vld [tilespmem:$0x1F9C0]  }
0x474: {  	v24 =	vld.idx.msk [tilespmem:v21+s12+$0x0], $0xffff  }
0x475: {  	v20 =	vadd.s32 s31, v20;
	v45 =	vld.idx.msk [tilespmem:v21+s13+$0x0], $0xffff  }
0x476: {  	v9 =	vmul.f32 v9, v9;
	v44 =	vsub.f32 v1, v3;
	v1 =	vld [tilespmem:$0x1F4B0]  }
0x477: {  	v3 =	vld [tilespmem:$0x1F4C0]  }
0x478: {  	v8 =	vadd.f32 v9, v8;
	v9 =	vmul.f32 v10, v10;
	v10 =	vld.idx.msk [tilespmem:v19+s12+$0x0], $0xffff  }
0x479: {  	v7 =	vsub.f32 v32, v7;
	v19 =	vld.idx.msk [tilespmem:v19+s13+$0x0], $0xffff  }
0x47a: {  	v18 =	vadd.s32 s31, v38;
	v41 =	vld.idx.msk [tilespmem:v20+s12+$0x0], $0xffff  }
0x47b: {  	v7 =	vmul.f32 v7, v7;
	v8 =	vadd.f32 v9, v8;
	v9 =	vsub.f32 v35, v16;
	v43 =	vld.idx.msk [tilespmem:v20+s13+$0x0], $0xffff  }
0x47c: {  	v23 =	vsub.f32 v1, v3;
	v1 =	vld [tilespmem:$0x1F4E0]  }
0x47d: {  	v7 =	vadd.f32 v7, v8;
	v8 =	vsub.f32 v11, v17;
	v9 =	vmul.f32 v9, v9;
	v3 =	vld [tilespmem:$0x1F4F0]  }
0x47e: {  	v20 =	vld [tilespmem:$0x1FC50]  }
0x47f: {  	v28 =	vadd.s32 s31, v47;
	v11 =	vld.idx.msk [tilespmem:v18+s12+$0x0], $0xffff;
	v7 =	vadd.f32 v9, v7;
	v8 =	vmul.f32 v8, v8  }
0x480: {  	v18 =	vld.idx.msk [tilespmem:v18+s13+$0x0], $0xffff  }
0x481: {  	v8 =	vadd.f32 v8, v7;
	v7 =	vld [tilespmem:$0x1FC80]  }
0x482: {  	v21 =	vsub.f32 v1, v3;
	v1 =	vld [tilespmem:$0x1F500]  }
0x483: {  	v14 =	vmul.f32 v37, v37;
	v33 =	vsub.f32 v24, v45;
	v45 =	vld [tilespmem:$0x1FD50]  }
0x484: {  	v24 =	vld.idx.msk [tilespmem:v28+s12+$0x0], $0xffff  }
0x485: {  	v10 =	vsub.f32 v10, v19;
	v9 =	vadd.f32 v14, v0;
	v0 =	vld [tilespmem:$0x1FC70]  }
0x486: {  	v26 =	vadd.s32 s31, v7;
	v3 =	vld [tilespmem:$0x1F520]  }
0x487: {  	v10 =	vmul.f32 v10, v10;
	v7 =	vmul.f32 v1, v4;
	v1 =	vld [tilespmem:$0x1F510]  }
0x488: {  	v32 =	vadd.s32 s31, v45;
	v45 =	vld [tilespmem:$0x1FC00]  }
0x489: {  	v13 =	vmul.f32 v39, v39;
	v8 =	vadd.f32 v10, v8;
	v10 =	vmul.f32 v44, v44;
	v44 =	vld [tilespmem:$0x1F610]  }
0x48a: {  	v46 =	vadd.s32 s31, v0;
	v0 =	vld [tilespmem:$0x1F4D0]  }
0x48b: {  	v13 =	vadd.f32 v13, v9;
	v9 =	vadd.s32 s31, v55;
	v30 =	vld.idx.msk [tilespmem:v26+s12+$0x0], $0xffff  }
0x48c: {  	v20 =	vadd.s32 s31, v20;
	v27 =	vsub.f32 v1, v3;
	v1 =	vld [tilespmem:$0x1F530]  }
0x48d: {  	v3 =	vld [tilespmem:$0x1F540]  }
0x48e: {  	v34 =	vld.idx.msk [tilespmem:v26+s13+$0x0], $0xffff  }
0x48f: {  	v0 =	vmul.f32 v0, v5;
	v26 =	vld.idx.msk [tilespmem:v28+s13+$0x0], $0xffff  }
0x490: {  	v51 =	vadd.f32 v10, v13;
	v13 =	vld.idx.msk [tilespmem:v9+s12+$0x0], $0xffff  }
0x491: {  	v25 =	vld.idx.msk [tilespmem:v20+s12+$0x0], $0xffff;
	vm0 =	vgt.f32 v7, v0  }
0x492: {  	v29 =	vsel vm0, v3, v1;
	v1 =	vld [tilespmem:$0x1F550]  }
0x493: {  	v20 =	vld.idx.msk [tilespmem:v20+s13+$0x0], $0xffff  }
0x494: {  	v12 =	vsub.f32 v41, v43;
	v41 =	vsub.f32 v24, v26;
	v24 =	vld [tilespmem:$0x1F5E0]  }
0x495: {  	v26 =	vld [tilespmem:$0x1F5F0]  }
0x496: {  	v10 =	vadd.s32 s31, v54;
	v49 =	vld.idx.msk [tilespmem:v46+s12+$0x0], $0xffff  }
0x497: {  	v3 =	vsel vm0, v42, v1;
	v1 =	vld [tilespmem:$0x1F560]  }
0x498: {  	v50 =	vld.idx.msk [tilespmem:v46+s13+$0x0], $0xffff  }
0x499: {  	v5 =	vld [tilespmem:$0x1F590]  }
0x49a: {  	v24 =	vsel vm0, v26, v24;
	v26 =	vld [tilespmem:$0x1FD60]  }
0x49b: {  	v16 =	vld.idx.msk [tilespmem:v10+s12+$0x0], $0xffff  }
0x49c: {  	v4 =	vld [tilespmem:$0x1F580];
	v1 =	vsel vm0, v1, v6  }
0x49d: {  	v11 =	vsub.f32 v11, v18;
	v12 =	vmul.f32 v12, v12;
	v31 =	vsub.f32 v3, v1;
	v1 =	vld [tilespmem:$0x1FCA0]  }
0x49e: {  	v36 =	vsub.f32 v48, v22;
	v17 =	vsub.f32 v49, v50;
	v49 =	vld.idx.msk [tilespmem:v32+s12+$0x0], $0xffff  }
0x49f: {  	v11 =	vmul.f32 v11, v11;
	v12 =	vadd.f32 v12, v8;
	v50 =	vld [tilespmem:$0x1FD10];
	v26 =	vadd.s32 s31, v26  }
0x4a0: {  	v35 =	vmul.f32 v33, v33;
	v28 =	vadd.s32 s31, v61;
	v22 =	vsel vm0, v5, v62;
	v5 =	vld [tilespmem:$0x1F5B0]  }
0x4a1: {  	v11 =	vadd.f32 v11, v12;
	v3 =	vsub.f32 v25, v20;
	v43 =	vmul.f32 v31, v31;
	v31 =	vld [tilespmem:$0x1F600]  }
0x4a2: {  	v8 =	vadd.s32 s31, v56;
	v20 =	vadd.s32 s31, v1;
	v1 =	vld [tilespmem:$0x1F570]  }
0x4a3: {  	v11 =	vadd.f32 v35, v11;
	v62 =	vld [tilespmem:$0x1FCD0];
	v3 =	vmul.f32 v3, v3  }
0x4a4: {  	v47 =	vld.idx.msk [tilespmem:v26+s13+$0x0], $0xffff  }
0x4a5: {  	v11 =	vadd.f32 v3, v11;
	v3 =	vld.idx.msk [tilespmem:v28+s12+$0x0], $0xffff  }
0x4a6: {  	v12 =	vmul.f32 v36, v36;
	v31 =	vsub.f32 v31, v44;
	v44 =	vld [tilespmem:$0x1F6B0]  }
0x4a7: {  	v38 =	vsub.f32 v30, v34;
	v25 =	vsel vm0, v4, v1;
	v1 =	vld.idx.msk [tilespmem:v8+s12+$0x0], $0xffff  }
0x4a8: {  	v17 =	vmul.f32 v17, v17;
	v11 =	vadd.f32 v12, v11;
	v4 =	vmul.f32 v21, v21;
	v21 =	vld [tilespmem:$0x1FD80]  }
0x4a9: {  	v39 =	vld.idx.msk [tilespmem:v20+s13+$0x0], $0xffff  }
0x4aa: {  	v12 =	vmul.f32 v38, v38;
	v11 =	vadd.f32 v17, v11;
	v37 =	vsub.f32 v25, v22;
	v22 =	vld [tilespmem:$0x1FE90]  }
0x4ab: {  	v25 =	vld.idx.msk [tilespmem:v20+s12+$0x0], $0xffff  }
0x4ac: {  	v42 =	vmul.f32 v41, v41;
	v11 =	vadd.f32 v12, v11;
	v19 =	vadd.f32 v4, v51;
	v4 =	vld [tilespmem:$0x1F5A0]  }
0x4ad: {  	v20 =	vmul.f32 v27, v27;
	v27 =	vld [tilespmem:$0x1F5C0]  }
0x4ae: {  	v11 =	vadd.f32 v42, v11;
	v42 =	vld [tilespmem:$0x1F690];
	v18 =	vmul.f32 v37, v37  }
0x4af: {  	v23 =	vmul.f32 v23, v23;
	v6 =	vadd.s32 s31, v59;
	v19 =	vadd.f32 v20, v19;
	v20 =	vld.idx.msk [tilespmem:v28+s13+$0x0], $0xffff  }
0x4b0: {  	v21 =	vadd.s32 s31, v21;
	v17 =	vadd.f32 v18, v43;
	v43 =	vld [tilespmem:$0x1F6A0]  }
0x4b1: {  	v19 =	vadd.f32 v23, v19;
	v23 =	vld [tilespmem:$0x1FD40];
	v5 =	vsel vm0, v5, v4  }
0x4b2: {  	v22 =	vadd.s32 s31, v22;
	v5 =	vsub.f32 v29, v5;
	v29 =	vld [tilespmem:$0x1F5D0]  }
0x4b3: {  	v14 =	vsub.f32 v25, v39;
	v39 =	vadd.s32 s31, v45;
	v45 =	vsub.f32 v60, v2;
	v2 =	vld [tilespmem:$0x1F710]  }
0x4b4: {  	v4 =	vld.idx.msk [tilespmem:v6+s12+$0x0], $0xffff  }
0x4b5: {  	v30 =	vld.idx.msk [tilespmem:v21+s12+$0x0], $0xffff  }
0x4b6: {  	v25 =	vadd.s32 s31, v57;
	v21 =	vld.idx.msk [tilespmem:v21+s13+$0x0], $0xffff  }
0x4b7: {  	v27 =	vsel vm0, v29, v27;
	v29 =	vld [tilespmem:$0x1FD70]  }
0x4b8: {  	v28 =	vld.idx.msk [tilespmem:v22+s12+$0x0], $0xffff  }
0x4b9: {  	v22 =	vld.idx.msk [tilespmem:v22+s13+$0x0], $0xffff  }
0x4ba: {  	v23 =	vadd.s32 s31, v23;
	v12 =	vsub.f32 v27, v24;
	v24 =	vld.idx.msk [tilespmem:v26+s12+$0x0], $0xffff  }
0x4bb: {  	v26 =	vld.idx.msk [tilespmem:v25+s12+$0x0], $0xffff;
	v21 =	vsub.f32 v30, v21  }
0x4bc: {  	v15 =	vmul.f32 v15, v15;
	v27 =	vld [tilespmem:$0x1F630];
	v29 =	vadd.s32 s31, v29  }
0x4bd: {  	v30 =	vld.idx.msk [tilespmem:v32+s13+$0x0], $0xffff;
	v48 =	vmul.f32 v21, v21;
	v21 =	vmul.f32 v5, v5  }
0x4be: {  	v14 =	vmul.f32 v14, v14;
	v5 =	vld [tilespmem:$0x1F620]  }
0x4bf: {  	v19 =	vadd.f32 v15, v19;
	v15 =	vadd.f32 v17, v21;
	v21 =	vld.idx.msk [tilespmem:v23+s12+$0x0], $0xffff  }
0x4c0: {  	v11 =	vadd.f32 v14, v11;
	v14 =	vsub.f32 v24, v47;
	v24 =	vld [tilespmem:$0x1FD20]  }
0x4c1: {  	v46 =	vld.idx.msk [tilespmem:v29+s12+$0x0], $0xffff  }
0x4c2: {  	v17 =	vadd.s32 s31, v50;
	v29 =	vld.idx.msk [tilespmem:v29+s13+$0x0], $0xffff  }
0x4c3: {  	v47 =	vld [tilespmem:$0x1F6D0]  }
0x4c4: {  	v11 =	vadd.f32 v48, v11;
	v48 =	vld [tilespmem:$0x1FC10]  }
0x4c5: {  	v22 =	vsub.f32 v28, v22;
	v5 =	vsub.f32 v5, v27;
	v27 =	vld [tilespmem:$0x1FD30]  }
0x4c6: {  	v50 =	vld [tilespmem:$0x1F6E0]  }
0x4c7: {  	v22 =	vmul.f32 v22, v22;
	v53 =	vld.idx.msk [tilespmem:v17+s12+$0x0], $0xffff;
	v28 =	vsub.f32 v46, v29  }
0x4c8: {  	v17 =	vld.idx.msk [tilespmem:v17+s13+$0x0], $0xffff;
	v29 =	vmul.f32 v31, v31  }
0x4c9: {  	v22 =	vadd.f32 v22, v11;
	v31 =	vld.idx.msk [tilespmem:v23+s13+$0x0], $0xffff;
	v23 =	vmul.f32 v28, v28  }
0x4ca: {  	v27 =	vadd.s32 s31, v27;
	v11 =	vadd.f32 v29, v19;
	v29 =	vadd.s32 s31, v24;
	v24 =	vld [tilespmem:$0x1F650]  }
0x4cb: {  	v22 =	vadd.f32 v23, v22;
	v23 =	vld [tilespmem:$0x1F640]  }
0x4cc: {  	v18 =	vsub.f32 v49, v30;
	v49 =	vld [tilespmem:$0x1FAD0]  }
0x4cd: {  	v46 =	vld [tilespmem:$0x1F6C0]  }
0x4ce: {  	v17 =	vsub.f32 v53, v17;
	v53 =	vld [tilespmem:$0x1F730]  }
0x4cf: {  	v51 =	vld.idx.msk [tilespmem:v27+s12+$0x0], $0xffff  }
0x4d0: {  	v24 =	vsub.f32 v23, v24;
	v23 =	vld [tilespmem:$0x1FCE0]  }
0x4d1: {  	v14 =	vmul.f32 v14, v14;
	v27 =	vld.idx.msk [tilespmem:v27+s13+$0x0], $0xffff  }
0x4d2: {  	v21 =	vsub.f32 v21, v31;
	v31 =	vld [tilespmem:$0x1F680]  }
0x4d3: {  	v14 =	vadd.f32 v14, v22;
	v22 =	vld [tilespmem:$0x1FEE0]  }
0x4d4: {  	v18 =	vmul.f32 v18, v18;
	v41 =	vadd.s32 s31, v48;
	v48 =	vmul.f32 $5.000000000e-01, v53;
	v53 =	vld [tilespmem:$0x1FB70]  }
0x4d5: {  	v33 =	vadd.s32 s31, v23;
	v23 =	vld [tilespmem:$0x1FD00]  }
0x4d6: {  	v14 =	vadd.f32 v18, v14;
	v18 =	vld.idx.msk [tilespmem:v29+s12+$0x0], $0xffff  }
0x4d7: {  	v28 =	vadd.s32 s31, v62;
	v34 =	vsub.f32 v31, v42;
	v31 =	vld [tilespmem:$0x1FCF0]  }
0x4d8: {  	v29 =	vld.idx.msk [tilespmem:v29+s13+$0x0], $0xffff  }
0x4d9: {  	v21 =	vmul.f32 v21, v21;
	v27 =	vsub.f32 v51, v27;
	v51 =	vld [tilespmem:$0x1F6F0]  }
0x4da: {  	v30 =	vadd.s32 s31, v23;
	v23 =	vld [tilespmem:$0x1F660]  }
0x4db: {  	v14 =	vadd.f32 v21, v14;
	v21 =	vld [tilespmem:$0x1FBF0]  }
0x4dc: {  	v36 =	vadd.s32 s31, v22;
	v22 =	vld.idx.msk [tilespmem:v28+s12+$0x0], $0xffff;
	v31 =	vadd.s32 s31, v31  }
0x4dd: {  	v28 =	vld.idx.msk [tilespmem:v28+s13+$0x0], $0xffff  }
0x4de: {  	v38 =	vsub.f32 v43, v44;
	v43 =	vadd.s32 s31, v53;
	v53 =	vld [tilespmem:$0x1F750]  }
0x4df: {  	v23 =	vsub.f32 v23, v52;
	v52 =	vld.idx.msk [tilespmem:v30+s12+$0x0], $0xffff  }
0x4e0: {  	v19 =	vadd.s32 s31, v58;
	v27 =	vmul.f32 v27, v27;
	v44 =	vadd.s32 s31, v21;
	v21 =	vld.idx.msk [tilespmem:v30+s13+$0x0], $0xffff  }
0x4e1: {  	v37 =	vsub.f32 v46, v47;
	v46 =	vld.idx.msk [tilespmem:v31+s12+$0x0], $0xffff  }
0x4e2: {  	v17 =	vmul.f32 v17, v17;
	v14 =	vadd.f32 v27, v14;
	v31 =	vld.idx.msk [tilespmem:v31+s13+$0x0], $0xffff  }
0x4e3: {  	v18 =	vsub.f32 v18, v29;
	v27 =	vld.idx.msk [tilespmem:v33+s12+$0x0], $0xffff  }
0x4e4: {  	v42 =	vadd.s32 s31, v49;
	v49 =	vmul.f32 $5.000000000e-01, v16;
	v14 =	vadd.f32 v17, v14;
	v16 =	vld.idx.msk [tilespmem:v33+s13+$0x0], $0xffff  }
0x4e5: {  	v60 =	vmul.f32 v18, v18;
	v33 =	vmul.f32 v1, v63;
	v1 =	vld.idx.msk [tilespmem:v19+s13+$0x0], $0xffff;
	v52 =	vsub.f32 v52, v21  }
0x4e6: {  	v32 =	vsub.f32 v50, v51;
	v50 =	vmul.f32 $5.000000000e-01, v4;
	v30 =	vld [tilespmem:$0x1FAC0]  }
0x4e7: {  	v4 =	vadd.f32 v60, v14;
	v51 =	vsub.f32 v46, v31;
	v60 =	vmul.f32 v52, v52;
	v52 =	vld [tilespmem:$0x1F740]  }
0x4e8: {  	v21 =	vld.idx.msk [tilespmem:v19+s12+$0x0], $0xffff  }
0x4e9: {  	v4 =	vadd.f32 v60, v4;
	v60 =	vmul.f32 v51, v51;
	v51 =	vld [tilespmem:$0x1F760]  }
0x4ea: {  	v25 =	vld.idx.msk [tilespmem:v25+s13+$0x0], $0xffff;
	v16 =	vsub.f32 v27, v16  }
0x4eb: {  	v47 =	vmul.f32 $5.000000000e-01, v2;
	v2 =	vld [tilespmem:$0x1F720];
	v35 =	vadd.s32 s31, v30;
	v4 =	vadd.f32 v60, v4  }
0x4ec: {  	v30 =	vld [tilespmem:$0x1F700];
	v60 =	vmul.f32 v16, v16;
	v18 =	vmul.f32 v52, v63;
	v52 =	vsub.f32 v22, v28  }
0x4ed: {  	v3 =	vsub.f32 v3, v20;
	v46 =	vmul.f32 $5.000000000e-01, v53;
	v53 =	vld [tilespmem:$0x1F770];
	v21 =	vsub.f32 v21, v1  }
0x4ee: {  	v4 =	vadd.f32 v60, v4;
	v20 =	vmul.f32 v51, v63;
	v51 =	vmul.f32 v52, v52  }
0x4ef: {  	v13 =	vmul.f32 v13, v63;
	v45 =	vmul.f32 v45, v45  }
0x4f0: {  	v25 =	vsub.f32 v26, v25;
	v52 =	vmul.f32 v21, v21;
	v4 =	vadd.f32 v51, v4  }
0x4f1: {  	v2 =	vmul.f32 v2, v63;
	v30 =	vmul.f32 v30, v63  }
0x4f2: {  	v26 =	vmul.f32 $5.000000000e-01, v53;
	v53 =	vmul.f32 v25, v25;
	v25 =	vadd.f32 v52, v4  }
0x4f3: {  	v17 =	vsub.f32 v33, v50;
	v33 =	vmul.f32 v3, v3;
	v19 =	vsub.f32 v30, v47  }
0x4f4: {  	v27 =	vmul.f32 v32, v32;
	v30 =	vsub.f32 v18, v46;
	v25 =	vadd.f32 v53, v25  }
0x4f5: {  	v16 =	vsub.f32 v2, v48;
	v28 =	vmul.f32 v37, v37;
	v60 =	vmul.f32 v19, v63  }
0x4f6: {  	v31 =	vsub.f32 v20, v26;
	v20 =	vmul.f32 v30, v63;
	v25 =	vadd.f32 v33, v25  }
0x4f7: {  	v22 =	vsub.f32 v13, v49;
	v37 =	vadd.f32 v60, v47;
	v52 =	vmul.f32 v17, v63  }
0x4f8: {  	v29 =	vld [tilespmem:$0x1FB40];
	v32 =	vadd.f32 v20, v46;
	v53 =	vmul.f32 v31, v63;
	v25 =	vadd.f32 v45, v25  }
0x4f9: {  	v14 =	vld.idx.msk [tilespmem:v39+s13+$0x0], $0xffff;
	v21 =	vmul.f32 v16, v63;
	v47 =	vmax.f32 v19, v30;
	v46 =	vadd.f32 v52, v50  }
0x4fa: {  	v3 =	vld.idx.msk [tilespmem:v36+s12+$0x0], $0xffff;
	v60 =	vmin.f32 v37, v32;
	v33 =	vadd.f32 v53, v26;
	v25 =	vadd.f32 v27, v25  }
0x4fb: {  	v2 =	vld.idx.msk [tilespmem:v41+s13+$0x0], $0xffff;
	v51 =	vmul.f32 v22, v63;
	v21 =	vadd.f32 v21, v48;
	v27 =	vsub.f32 v60, v47  }
0x4fc: {  	v4 =	vld.idx.msk [tilespmem:v41+s12+$0x0], $0xffff;
	v60 =	vmax.f32 v17, v31;
	v25 =	vadd.f32 v28, v25;
	v28 =	vmin.f32 v46, v33  }
0x4fd: {  	v29 =	vadd.s32 s31, v29;
	v41 =	vadd.f32 v51, v49;
	v28 =	vsub.f32 v28, v60;
	v60 =	vld [tilespmem:$0x1FB80]  }
0x4fe: {  	v13 =	vld.idx.msk [tilespmem:v39+s12+$0x0], $0xffff;
	v39 =	vmax.f32 v22, v30;
	v48 =	vsub.f32 v37, v19;
	v50 =	vsub.f32 v21, v16  }
0x4ff: {  	v1 =	vld.idx.msk [tilespmem:v36+s13+$0x0], $0xffff;
	v36 =	vsub.f32 v32, v30;
	v26 =	vmax.f32 v16, v31;
	v53 =	vsub.f32 v46, v17  }
0x500: {  	v48 =	vmul.f32 v50, v48;
	v45 =	vsub.f32 v33, v31;
	v63 =	vmin.f32 v21, v33  }
0x501: {  	v26 =	vsub.f32 v63, v26;
	v63 =	vsub.f32 v41, v22;
	v47 =	vmin.f32 v41, v32  }
0x502: {  	v36 =	vmul.f32 v45, v36;
	v45 =	vld.idx.msk [tilespmem:v29+s12+$0x0], $0xffff;
	v39 =	vsub.f32 v47, v39;
	v50 =	vadd.s32 s31, v60  }
0x503: {  	v47 =	vmul.f32 v53, v63;
	v63 =	vld [tilespmem:$0x1FBC0];
	v26 =	vmax.f32 v26, $0.0e+00;
	v27 =	vmax.f32 v27, $0.0e+00  }
0x504: {  	v38 =	vmul.f32 v38, v38;
	v26 =	vmul.f32 v26, v27;
	v27 =	vld [tilespmem:$0x1FB90]  }
0x505: {  	v29 =	vld.idx.msk [tilespmem:v29+s13+$0x0], $0xffff  }
0x506: {  	v25 =	vadd.f32 v38, v25;
	v38 =	vld.idx.msk [tilespmem:v43+s12+$0x0], $0xffff  }
0x507: {  	v53 =	vld.idx.msk [tilespmem:v50+s12+$0x0], $0xffff  }
0x508: {  	v34 =	vmul.f32 v34, v34;
	v51 =	vadd.s32 s31, v63;
	v63 =	vld.idx.msk [tilespmem:v50+s13+$0x0], $0xffff  }
0x509: {  	v43 =	vld.idx.msk [tilespmem:v43+s13+$0x0], $0xffff;
	v27 =	vadd.s32 s31, v27  }
0x50a: {  	v24 =	vmul.f32 v24, v24;
	v25 =	vadd.f32 v34, v25;
	v60 =	vadd.f32 v36, v48  }
0x50b: {  	v23 =	vmul.f32 v23, v23;
	v52 =	vld [tilespmem:$0x1FBB0];
	v39 =	vmax.f32 v39, $0.0e+00;
	v29 =	vsub.f32 v45, v29  }
0x50c: {  	v28 =	vmax.f32 v28, $0.0e+00;
	v24 =	vadd.f32 v24, v25;
	v45 =	vsub.f32 v60, v26;
	v60 =	vld [tilespmem:$0x1F7A0]  }
0x50d: {  	v12 =	vmul.f32 v12, v12;
	v28 =	vmul.f32 v28, v39;
	v39 =	vsub.f32 v53, v63;
	v53 =	vld [tilespmem:$0x1F790]  }
0x50e: {  	v29 =	vmul.f32 v29, v29;
	v38 =	vsub.f32 v38, v43;
	v23 =	vadd.f32 v23, v24;
	v24 =	vld.idx.msk [tilespmem:v27+s12+$0x0], $0xffff  }
0x50f: {  	v12 =	vadd.f32 v15, v12;
	v15 =	vld.idx.msk [tilespmem:v27+s13+$0x0], $0xffff  }
0x510: {  	v5 =	vmul.f32 v5, v5;
	v38 =	vmul.f32 v38, v38;
	v23 =	vadd.f32 v29, v23  }
0x511: {  	v0 =	vsel vm0, v7, v0  }
0x512: {  	v5 =	vadd.f32 v5, v11;
	v7 =	vadd.f32 v38, v23;
	v38 =	vsel vm0, v53, v60  }
0x513: {  	v34 =	vadd.s32 s31, v52;
	v52 =	vld [tilespmem:$0x1FBE0];
	v11 =	vsub.f32 v38, v0;
	v0 =	vmul.f32 $5.000000000e+00, v12  }
0x514: {  	v15 =	vsub.f32 v24, v15;
	v24 =	vld [tilespmem:$0x1F8B0]  }
0x515: {  	v36 =	vadd.f32 v36, v47;
	v5 =	vadd.f32 v0, v5;
	v0 =	vld [tilespmem:$0x1F8D0]  }
0x516: {  	v39 =	vmul.f32 v39, v39  }
0x517: {  	v25 =	vld [tilespmem:$0x1FBA0];
	v27 =	vsub.f32 v36, v28  }
0x518: {  	v36 =	vadd.s32 s31, v52;
	v52 =	vld [tilespmem:$0x1F8C0];
	v15 =	vmul.f32 v15, v15;
	v7 =	vadd.f32 v39, v7  }
0x519: {  	s20 =	simm.s32 $0x5A0;
	v63 =	vld [tilespmem:$0x1F7B0]  }
0x51a: {  	v24 =	vadd.s32 s20, v24;
	v7 =	vadd.f32 v15, v7;
	v15 =	vadd.s32 s20, v0;
	v0 =	vld [tilespmem:$0x1F8E0];
	_ =	sdelay $0x3  }
0x51b: {  	(erf) = vrcp.f32 v45;
	v25 =	vadd.s32 s31, v25;
	v45 =	vsub.f32 v60, v63  }
0x51c: {  	vm14 =	vgt.f32 v63, $0.0e+00;
	v38 =	vadd.s32 s20, v52;
	v63 =	vadd.s32 s20, v0;
	v0 =	vld.idx.msk [tilespmem:v24+s13+$0x0], $0xffff;
	_ =	sdelay $0x3  }
0x51d: {  	v43 =	vld.idx.msk [tilespmem:v25+s12+$0x0], $0xffff  }
0x51e: {  	[tilespmem:$0x1F7C0] =	vst v0;
	v0 =	vld.idx.msk [tilespmem:v38+s12+$0x0], $0xffff  }
0x51f: {  	v25 =	vld.idx.msk [tilespmem:v25+s13+$0x0], $0xffff  }
0x520: {  	v29 =	vld.idx.msk [tilespmem:v34+s12+$0x0], $0xffff  }
0x521: {  	v34 =	vld.idx.msk [tilespmem:v34+s13+$0x0], $0xffff;
	_ =	sdelay $0x1  }
0x522: {  	[tilespmem:$0x1F7D0] =	vst v0;
	v0 =	vld [tilespmem:$0x1F8F0]  }
0x523: {  	v25 =	vsub.f32 v43, v25;
	_ =	sdelay $0x1  }
0x524: {  	v29 =	vsub.f32 v29, v34;
	v25 =	vmul.f32 v25, v25;
	_ =	sdelay $0x1  }
0x525: {  	v7 =	vadd.f32 v25, v7;
	v25 =	vmul.f32 v29, v29;
	v29 =	vadd.s32 s20, v0;
	v0 =	vld.idx.msk [tilespmem:v38+s13+$0x0], $0xffff  }
0x526: {  	v18 =	vld.idx.msk [tilespmem:v44+s12+$0x0], $0xffff  }
0x527: {  	v20 =	vld.idx.msk [tilespmem:v44+s13+$0x0], $0xffff  }
0x528: {  	v44 =	vld.idx.msk [tilespmem:v42+s12+$0x0], $0xffff  }
0x529: {  	v42 =	vld.idx.msk [tilespmem:v42+s13+$0x0], $0xffff  }
0x52a: {  	[tilespmem:$0x1F7E0] =	vst v0;
	v0 =	vld.idx.msk [tilespmem:v15+s12+$0x0], $0xffff  }
0x52b: {  	v49 =	vld.idx.msk [tilespmem:v35+s12+$0x0], $0xffff  }
0x52c: {  	v35 =	vld.idx.msk [tilespmem:v35+s13+$0x0], $0xffff  }
0x52d: {  	v47 =	vld.idx.msk [tilespmem:v51+s12+$0x0], $0xffff  }
0x52e: {  	v48 =	vld.idx.msk [tilespmem:v51+s13+$0x0], $0xffff  }
0x52f: {  	[tilespmem:$0x1F7F0] =	vst v0;
	v0 =	vld [tilespmem:$0x1F900];
	_ =	sdelay $0x3  }
0x530: {  	v51 =	vsub.f32 v44, v42  }
0x531: {  	v42 =	vsub.f32 v47, v48;
	v48 =	vsub.f32 v49, v35;
	v49 =	vadd.s32 s20, v0;
	v0 =	vld.idx.msk [tilespmem:v15+s13+$0x0], $0xffff;
	_ =	sdelay $0x1  }
0x532: {  	(erf) = vrcp.f32 v27;
	_ =	sdelay $0x1  }
0x533: {  	v23 =	vld [tilespmem:$0x1F780]  }
0x534: {  	[tilespmem:$0x1F800] =	vst v0;
	v0 =	vld.idx.msk [tilespmem:v63+s12+$0x0], $0xffff;
	_ =	sdelay $0x4  }
0x535: {  	v23 =	vsub.f32 v53, v23;
	v53 =	vpop (erf);
	[tilespmem:$0x1F810] =	vst v0;
	v0 =	vld [tilespmem:$0x1FFA0]  }
0x536: {  	v60 =	vld.idx.msk [tilespmem:v24+s12+$0x0], $0xffff;
	v24 =	vmul.f32 v53, v26;
	v26 =	vpop (erf)  }
0x537: {  	v26 =	vmul.f32 v26, v28;
	_ =	sdelay $0x1  }
0x538: {  	vm15 =	vgt.f32 v26, v24  }
0x539: {  	v19 =	vsel vm15, v22, v19;
	v22 =	vadd.s32 s20, v0;
	v0 =	vld.idx.msk [tilespmem:v63+s13+$0x0], $0xffff;
	_ =	sdelay $0x4  }
0x53a: {  	[tilespmem:$0x1F820] =	vst v0;
	v0 =	vld [tilespmem:$0x1F910];
	_ =	sdelay $0x1  }
0x53b: {  	v27 =	vld [tilespmem:$0x1FBD0]  }
0x53c: {  	v7 =	vadd.f32 v25, v7;
	v25 =	vmul.f32 v42, v42  }
0x53d: {  	v9 =	vld.idx.msk [tilespmem:v9+s13+$0x0], $0xffff  }
0x53e: {  	v7 =	vadd.f32 v25, v7;
	v25 =	vadd.s32 s20, v0;
	v0 =	vld.idx.msk [tilespmem:v29+s12+$0x0], $0xffff  }
0x53f: {  	v10 =	vld.idx.msk [tilespmem:v10+s13+$0x0], $0xffff  }
0x540: {  	v27 =	vadd.s32 s31, v27;
	v43 =	vld.idx.msk [tilespmem:v36+s13+$0x0], $0xffff  }
0x541: {  	v12 =	vld.idx.msk [tilespmem:v36+s12+$0x0], $0xffff  }
0x542: {  	v8 =	vld.idx.msk [tilespmem:v8+s13+$0x0], $0xffff  }
0x543: {  	[tilespmem:$0x1F830] =	vst v0;
	v0 =	vld [tilespmem:$0x1F920]  }
0x544: {  	v6 =	vld.idx.msk [tilespmem:v6+s13+$0x0], $0xffff  }
0x545: {  	v39 =	vld.idx.msk [tilespmem:v27+s12+$0x0], $0xffff  }
0x546: {  	v27 =	vld.idx.msk [tilespmem:v27+s13+$0x0], $0xffff;
	v12 =	vsub.f32 v12, v43;
	v50 =	vsel vm15, v41, v37  }
0x547: {  	v9 =	vsel vm15, v9, v30;
	v16 =	vsel vm15, v17, v16;
	v8 =	vsel vm15, v8, v31  }
0x548: {  	v9 =	vsub.f32 v19, v9;
	v8 =	vsub.f32 v16, v8;
	v17 =	vadd.s32 s20, v0;
	v0 =	vld [tilespmem:$0x1F930]  }
0x549: {  	v10 =	vsel vm15, v10, v32;
	v36 =	vsel vm15, v46, v21;
	v6 =	vsel vm15, v6, v33  }
0x54a: {  	v10 =	vsub.f32 v50, v10;
	v9 =	vmul.f32 v9, v9;
	v8 =	vmul.f32 v8, v8  }
0x54b: {  	v27 =	vsub.f32 v39, v27;
	v6 =	vsub.f32 v36, v6  }
0x54c: {  	v8 =	vadd.f32 v8, v9;
	v9 =	vmul.f32 v10, v10;
	v63 =	vadd.s32 s20, v55  }
0x54d: {  	v52 =	vmul.f32 v27, v27;
	v43 =	vld.idx.msk [tilespmem:v29+s13+$0x0], $0xffff;
	v27 =	vadd.s32 s20, v0;
	v0 =	vadd.s32 s20, v56  }
0x54e: {  	v6 =	vmul.f32 v6, v6;
	v8 =	vadd.f32 v8, v9;
	v30 =	vld.idx.msk [tilespmem:v49+s12+$0x0], $0xffff  }
0x54f: {  	v31 =	vld.idx.msk [tilespmem:v49+s13+$0x0], $0xffff  }
0x550: {  	v6 =	vadd.f32 v8, v6;
	v8 =	vadd.s32 s20, v57;
	v47 =	vld.idx.msk [tilespmem:v22+s12+$0x0], $0xffff  }
0x551: {  	v44 =	vld.idx.msk [tilespmem:v63+s12+$0x0], $0xffff  }
0x552: {  	v12 =	vmul.f32 v12, v12;
	v7 =	vadd.f32 v52, v7;
	v29 =	vadd.s32 s20, v59;
	v49 =	vld.idx.msk [tilespmem:v0+s12+$0x0], $0xffff  }
0x553: {  	[tilespmem:$0x1F850] =	vst v0;
	v0 =	vld [tilespmem:$0x1FA50]  }
0x554: {  	v7 =	vadd.f32 v12, v7;
	v37 =	vmul.f32 v48, v48;
	v48 =	vld.idx.msk [tilespmem:v22+s13+$0x0], $0xffff  }
0x555: {  	vm1 =	vgt.f32 v1, $0.0e+00;
	v1 =	vsub.f32 v3, v1;
	v21 =	vadd.s32 s20, v54;
	v22 =	vld.idx.msk [tilespmem:v8+s12+$0x0], $0xffff  }
0x556: {  	v41 =	vmul.f32 v51, v51;
	v7 =	vadd.f32 v37, v7;
	v38 =	vsub.f32 v18, v20;
	v33 =	vld.idx.msk [tilespmem:v25+s12+$0x0], $0xffff  }
0x557: {  	v2 =	vsub.f32 v4, v2;
	v34 =	vimm.s32 $0x0;
	v11 =	vmul.f32 v11, v11;
	v55 =	vld.idx.msk [tilespmem:v29+s12+$0x0], $0xffff  }
0x558: {  	v9 =	vmul.f32 v38, v38;
	v50 =	vld.idx.msk [tilespmem:v25+s13+$0x0], $0xffff;
	v42 =	vadd.s32 s20, v0;
	v0 =	vadd.f32 v41, v7  }
0x559: {  	v5 =	vadd.f32 v5, v11;
	v11 =	vsub.f32 v13, v14;
	v39 =	vmul.f32 v23, v23;
	v7 =	vld.idx.msk [tilespmem:v17+s13+$0x0], $0xffff  }
0x55a: {  	v28 =	vsel vm14, $0x3F800000, v34;
	v52 =	vld.idx.msk [tilespmem:v17+s12+$0x0], $0xffff;
	v0 =	vadd.f32 v9, v0;
	v9 =	vadd.s32 s20, v61  }
0x55b: {  	v11 =	vmul.f32 v11, v11;
	v53 =	vmul.f32 v45, v45;
	v35 =	vsub.f32 $1.000000000e+00, v28;
	v56 =	vld.idx.msk [tilespmem:v21+s12+$0x0], $0xffff  }
0x55c: {  	v46 =	vsel vm15, v26, v24;
	v3 =	vsel vm15, v4, v3;
	v61 =	vmul.f32 v1, v1;
	v1 =	vld [tilespmem:$0x1F8A0]  }
0x55d: {  	v3 =	vsub.f32 v3, v46;
	v6 =	vmul.f32 $5.000000000e+00, v6;
	v4 =	vadd.f32 v11, v0;
	v59 =	vld.idx.msk [tilespmem:v42+s12+$0x0], $0xffff  }
0x55e: {  	v45 =	vmul.f32 $5.000000000e-01, v35;
	v10 =	vadd.f32 v39, v53;
	v0 =	vadd.s32 s20, v58;
	[tilespmem:$0x1F880] =	vst v7;
	v7 =	vld.idx.msk [tilespmem:v42+s13+$0x0], $0xffff  }
0x55f: {  	v3 =	vmul.f32 v3, v3;
	v4 =	vadd.f32 v6, v4;
	v23 =	vld.idx.msk [tilespmem:v9+s12+$0x0], $0xffff  }
0x560: {  	v5 =	vmul.f32 v28, v5;
	v24 =	vld.idx.msk [tilespmem:v9+s13+$0x0], $0xffff;
	v9 =	vmul.f32 v10, v45  }
0x561: {  	v42 =	vld [tilespmem:$0x1FFB0];
	v3 =	vadd.f32 v4, v3  }
0x562: {  	v4 =	vld.idx.msk [tilespmem:v8+s13+$0x0], $0xffff;
	v8 =	vadd.f32 v40, v1;
	v5 =	vadd.f32 v5, v9  }
0x563: {  	v11 =	vsel vm1, $0x3F800000, v34;
	v34 =	vld.idx.msk [tilespmem:v0+s12+$0x0], $0xffff  }
0x564: {  	v40 =	vld.idx.msk [tilespmem:v0+s13+$0x0], $0xffff;
	v0 =	vadd.f32 v5, v8  }
0x565: {  	v2 =	vmul.f32 v2, v2;
	[tilespmem:$0x1F840] =	vst v63;
	v63 =	vadd.s32 s20, v62;
	v6 =	vsub.f32 $1.000000000e+00, v11;
	v45 =	vld [tilespmem:$0x1FFE0]  }
0x566: {  	[tilespmem:$0x1F890] =	vst v0;
	v0 =	vld [tilespmem:$0x1FCE0]  }
0x567: {  	v54 =	vld.idx.msk [tilespmem:v27+s12+$0x0], $0xffff;
	v2 =	vadd.f32 v2, v61;
	v6 =	vmul.f32 $5.000000000e-01, v6  }
0x568: {  	v51 =	vld.idx.msk [tilespmem:v27+s13+$0x0], $0xffff  }
0x569: {  	v58 =	vld [tilespmem:$0x1FFF0];
	v3 =	vmul.f32 v11, v3;
	v6 =	vmul.f32 v2, v6  }
0x56a: {  	[tilespmem:$0x1F860] =	vst v21;
	v2 =	vld.idx.msk [tilespmem:v63+s12+$0x0], $0xffff;
	v8 =	vadd.s32 s20, v42  }
0x56b: {  	s21 =	simm.s32 $0xB40;
	[tilespmem:$0x1F870] =	vst v29;
	v6 =	vadd.f32 v3, v6;
	v9 =	vadd.s32 s20, v45;
	v3 =	vld.idx.msk [tilespmem:v63+s13+$0x0], $0xffff;
	v57 =	vadd.s32 s20, v0  }
.LBB2_5:
0x56c: {  	v0 =	vld [tilespmem:$0x1FC30];
	_ =	sdelay $0x4  }
0x56d: {  	v10 =	vadd.s32 s20, v0;
	v0 =	vld.idx.msk [tilespmem:v57+s12+$0x0], $0xffff;
	_ =	sdelay $0x4  }
0x56e: {  	[tilespmem:$0x1EF10] =	vst v0;
	v0 =	vld [tilespmem:$0x1F890];
	_ =	sdelay $0x4  }
0x56f: {  	v0 =	vadd.f32 v6, v0;
	_ =	sdelay $0x1  }
0x570: {  	[tilespmem:$0x1F890] =	vst v0;
	v0 =	vld [tilespmem:$0x1FFC0];
	_ =	sdelay $0x4  }
0x571: {  	v11 =	vadd.s32 s20, v0;
	v0 =	vld [tilespmem:$0x1FFD0];
	_ =	sdelay $0x4  }
0x572: {  	v15 =	vadd.s32 s20, v0;
	v0 =	vld [tilespmem:$0x1FEA0];
	_ =	sdelay $0x4  }
0x573: {  	v17 =	vadd.s32 s20, v0;
	v0 =	vld [tilespmem:$0x1FDE0];
	_ =	sdelay $0x4  }
0x574: {  	v36 =	vadd.s32 s20, v0;
	v0 =	vld [tilespmem:$0x1FD90];
	_ =	sdelay $0x4  }
0x575: {  	v19 =	vadd.s32 s20, v0;
	v0 =	vld [tilespmem:$0x1FDF0]  }
0x576: {  	v13 =	vadd.s32 s20, v58;
	_ =	sdelay $0x1  }
0x577: {  	v12 =	vld.idx.msk [tilespmem:v9+s12+$0x0], $0xffff  }
0x578: {  	v9 =	vld.idx.msk [tilespmem:v9+s13+$0x0], $0xffff  }
0x579: {  	v20 =	vadd.s32 s20, v0;
	v0 =	vld [tilespmem:$0x1FDA0]  }
0x57a: {  	v18 =	vld.idx.msk [tilespmem:v13+s12+$0x0], $0xffff  }
0x57b: {  	v14 =	vld.idx.msk [tilespmem:v10+s12+$0x0], $0xffff  }
0x57c: {  	v6 =	vld.idx.msk [tilespmem:v8+s12+$0x0], $0xffff  }
0x57d: {  	v8 =	vld.idx.msk [tilespmem:v8+s13+$0x0], $0xffff  }
0x57e: {  	v46 =	vadd.s32 s20, v0;
	v0 =	vld [tilespmem:$0x1FE00]  }
0x57f: {  	v10 =	vld.idx.msk [tilespmem:v10+s13+$0x0], $0xffff  }
0x580: {  	v16 =	vld.idx.msk [tilespmem:v11+s12+$0x0], $0xffff  }
0x581: {  	v11 =	vld.idx.msk [tilespmem:v11+s13+$0x0], $0xffff  }
0x582: {  	v6 =	vsub.f32 v6, v8;
	v8 =	vsub.f32 v12, v9;
	v9 =	vld.idx.msk [tilespmem:v13+s13+$0x0], $0xffff  }
0x583: {  	v58 =	vadd.s32 s20, v0;
	v0 =	vld [tilespmem:$0x1FDB0]  }
0x584: {  	v10 =	vsub.f32 v14, v10;
	v6 =	vmul.f32 v6, v6;
	v8 =	vmul.f32 v8, v8;
	v37 =	vld.idx.msk [tilespmem:v15+s12+$0x0], $0xffff  }
0x585: {  	v38 =	vld.idx.msk [tilespmem:v15+s13+$0x0], $0xffff  }
0x586: {  	v6 =	vadd.f32 v8, v6;
	v8 =	vmul.f32 v10, v10;
	v10 =	vsub.f32 v16, v11;
	v39 =	vld.idx.msk [tilespmem:v17+s12+$0x0], $0xffff  }
0x587: {  	v9 =	vsub.f32 v18, v9;
	v11 =	vld.idx.msk [tilespmem:v17+s13+$0x0], $0xffff  }
0x588: {  	v6 =	vadd.f32 v8, v6;
	v8 =	vmul.f32 v10, v10;
	v63 =	vadd.s32 s20, v0;
	v0 =	vld [tilespmem:$0x1FE10];
	_ =	sdelay $0x1  }
0x589: {  	v6 =	vadd.f32 v8, v6;
	v8 =	vmul.f32 v9, v9;
	v9 =	vsub.f32 v37, v38  }
0x58a: {  	v62 =	vld.idx.msk [tilespmem:v20+s12+$0x0], $0xffff  }
0x58b: {  	v6 =	vadd.f32 v8, v6;
	v8 =	vmul.f32 v9, v9;
	v9 =	vsub.f32 v39, v11;
	v11 =	vld.idx.msk [tilespmem:v20+s13+$0x0], $0xffff  }
0x58c: {  	v20 =	vadd.s32 s20, v0;
	v0 =	vld [tilespmem:$0x1FDC0];
	_ =	sdelay $0x2  }
0x58d: {  	v41 =	vld.idx.msk [tilespmem:v36+s12+$0x0], $0xffff  }
0x58e: {  	v10 =	vld.idx.msk [tilespmem:v36+s13+$0x0], $0xffff  }
0x58f: {  	v36 =	vadd.s32 s20, v0;
	v0 =	vld [tilespmem:$0x1FE20];
	_ =	sdelay $0x2  }
0x590: {  	v53 =	vld.idx.msk [tilespmem:v19+s12+$0x0], $0xffff  }
0x591: {  	v61 =	vld.idx.msk [tilespmem:v19+s13+$0x0], $0xffff  }
0x592: {  	v39 =	vadd.s32 s20, v0;
	v0 =	vld [tilespmem:$0x1FDD0];
	_ =	sdelay $0x1  }
0x593: {  	v6 =	vadd.f32 v8, v6;
	v8 =	vmul.f32 v9, v9  }
0x594: {  	v9 =	vsub.f32 v41, v10;
	v32 =	vld.idx.msk [tilespmem:v46+s12+$0x0], $0xffff  }
0x595: {  	v6 =	vadd.f32 v8, v6;
	v10 =	vld.idx.msk [tilespmem:v46+s13+$0x0], $0xffff  }
0x596: {  	v8 =	vmul.f32 v9, v9;
	v9 =	vsub.f32 v53, v61;
	v46 =	vadd.s32 s20, v0;
	v0 =	vld [tilespmem:$0x1FE30];
	_ =	sdelay $0x1  }
0x597: {  	v6 =	vadd.f32 v8, v6;
	v8 =	vmul.f32 v9, v9;
	v9 =	vsub.f32 v62, v11  }
0x598: {  	v41 =	vld.idx.msk [tilespmem:v20+s12+$0x0], $0xffff  }
0x599: {  	v6 =	vadd.f32 v8, v6;
	v8 =	vmul.f32 v9, v9;
	v9 =	vsub.f32 v32, v10;
	v10 =	vld.idx.msk [tilespmem:v20+s13+$0x0], $0xffff  }
0x59a: {  	v20 =	vadd.s32 s20, v0;
	v0 =	vld [tilespmem:$0x1FE40];
	_ =	sdelay $0x4  }
0x59b: {  	v62 =	vadd.s32 s20, v0;
	v0 =	vld [tilespmem:$0x1FE50];
	_ =	sdelay $0x4  }
0x59c: {  	v32 =	vadd.s32 s20, v0;
	v0 =	vld [tilespmem:$0x1FE60]  }
0x59d: {  	v35 =	vld.idx.msk [tilespmem:v58+s12+$0x0], $0xffff  }
0x59e: {  	v37 =	vld.idx.msk [tilespmem:v58+s13+$0x0], $0xffff  }
0x59f: {  	v53 =	vld.idx.msk [tilespmem:v36+s12+$0x0], $0xffff  }
0x5a0: {  	v58 =	vld.idx.msk [tilespmem:v36+s13+$0x0], $0xffff  }
0x5a1: {  	v36 =	vadd.s32 s20, v0;
	v0 =	vld [tilespmem:$0x1FE70]  }
0x5a2: {  	v38 =	vld.idx.msk [tilespmem:v63+s12+$0x0], $0xffff  }
0x5a3: {  	v11 =	vld.idx.msk [tilespmem:v63+s13+$0x0], $0xffff  }
0x5a4: {  	v6 =	vadd.f32 v8, v6;
	v8 =	vmul.f32 v9, v9;
	v9 =	vsub.f32 v35, v37;
	v35 =	vld.idx.msk [tilespmem:v20+s12+$0x0], $0xffff  }
0x5a5: {  	v37 =	vld.idx.msk [tilespmem:v20+s13+$0x0], $0xffff  }
0x5a6: {  	v20 =	vadd.s32 s20, v0;
	v0 =	vld [tilespmem:$0x1FE80];
	_ =	sdelay $0x1  }
0x5a7: {  	v6 =	vadd.f32 v8, v6;
	v8 =	vmul.f32 v9, v9  }
0x5a8: {  	v9 =	vsub.f32 v38, v11  }
0x5a9: {  	v6 =	vadd.f32 v8, v6  }
0x5aa: {  	v8 =	vmul.f32 v9, v9;
	v9 =	vsub.f32 v41, v10;
	v41 =	vadd.s32 s20, v0;
	v0 =	vld [tilespmem:$0x1FEB0]  }
0x5ab: {  	v61 =	vld.idx.msk [tilespmem:v39+s12+$0x0], $0xffff  }
0x5ac: {  	v11 =	vld.idx.msk [tilespmem:v39+s13+$0x0], $0xffff  }
0x5ad: {  	v63 =	vld.idx.msk [tilespmem:v46+s12+$0x0], $0xffff  }
0x5ae: {  	v6 =	vadd.f32 v8, v6;
	v10 =	vld.idx.msk [tilespmem:v46+s13+$0x0], $0xffff  }
0x5af: {  	v8 =	vmul.f32 v9, v9;
	v9 =	vsub.f32 v53, v58;
	v53 =	vadd.s32 s20, v0;
	v0 =	vld [tilespmem:$0x1FEC0];
	_ =	sdelay $0x1  }
0x5b0: {  	v6 =	vadd.f32 v8, v6;
	v8 =	vmul.f32 v9, v9  }
0x5b1: {  	v9 =	vsub.f32 v61, v11;
	v38 =	vld.idx.msk [tilespmem:v62+s12+$0x0], $0xffff  }
0x5b2: {  	v6 =	vadd.f32 v8, v6;
	v11 =	vld.idx.msk [tilespmem:v62+s13+$0x0], $0xffff  }
0x5b3: {  	v8 =	vmul.f32 v9, v9;
	v9 =	vsub.f32 v63, v10;
	v62 =	vadd.s32 s20, v0;
	v0 =	vld [tilespmem:$0x1FED0];
	_ =	sdelay $0x1  }
0x5b4: {  	v6 =	vadd.f32 v8, v6;
	v8 =	vmul.f32 v9, v9;
	v9 =	vsub.f32 v35, v37  }
0x5b5: {  	v61 =	vld.idx.msk [tilespmem:v20+s12+$0x0], $0xffff  }
0x5b6: {  	v6 =	vadd.f32 v8, v6;
	v8 =	vmul.f32 v9, v9;
	v9 =	vsub.f32 v38, v11;
	v11 =	vld.idx.msk [tilespmem:v20+s13+$0x0], $0xffff  }
0x5b7: {  	v20 =	vadd.s32 s20, v0;
	v0 =	vld [tilespmem:$0x1FEF0];
	_ =	sdelay $0x4  }
0x5b8: {  	v35 =	vadd.s32 s20, v0;
	v0 =	vld [tilespmem:$0x1FF00]  }
0x5b9: {  	v39 =	vld.idx.msk [tilespmem:v32+s12+$0x0], $0xffff  }
0x5ba: {  	v10 =	vld.idx.msk [tilespmem:v32+s13+$0x0], $0xffff  }
0x5bb: {  	v46 =	vld.idx.msk [tilespmem:v36+s12+$0x0], $0xffff  }
0x5bc: {  	v58 =	vld.idx.msk [tilespmem:v36+s13+$0x0], $0xffff  }
0x5bd: {  	v38 =	vadd.s32 s20, v0;
	v0 =	vld [tilespmem:$0x1FF10];
	_ =	sdelay $0x1  }
0x5be: {  	v6 =	vadd.f32 v8, v6;
	v8 =	vmul.f32 v9, v9  }
0x5bf: {  	v9 =	vsub.f32 v39, v10;
	v63 =	vld.idx.msk [tilespmem:v41+s12+$0x0], $0xffff  }
0x5c0: {  	v6 =	vadd.f32 v8, v6;
	v10 =	vld.idx.msk [tilespmem:v41+s13+$0x0], $0xffff  }
0x5c1: {  	v8 =	vmul.f32 v9, v9;
	v9 =	vsub.f32 v46, v58;
	v41 =	vadd.s32 s20, v0;
	v0 =	vld [tilespmem:$0x1FF20];
	_ =	sdelay $0x1  }
0x5c2: {  	v6 =	vadd.f32 v8, v6;
	v8 =	vmul.f32 v9, v9;
	v9 =	vsub.f32 v61, v11  }
0x5c3: {  	v39 =	vld.idx.msk [tilespmem:v20+s12+$0x0], $0xffff  }
0x5c4: {  	v6 =	vadd.f32 v8, v6;
	v8 =	vmul.f32 v9, v9;
	v9 =	vsub.f32 v63, v10;
	v10 =	vld.idx.msk [tilespmem:v20+s13+$0x0], $0xffff  }
0x5c5: {  	v20 =	vadd.s32 s20, v0;
	v0 =	vld [tilespmem:$0x1FF30];
	_ =	sdelay $0x4  }
0x5c6: {  	v61 =	vadd.s32 s20, v0;
	v0 =	vld [tilespmem:$0x1FF40];
	_ =	sdelay $0x4  }
0x5c7: {  	v63 =	vadd.s32 s20, v0;
	v0 =	vld [tilespmem:$0x1FF50]  }
0x5c8: {  	v32 =	vld.idx.msk [tilespmem:v53+s12+$0x0], $0xffff  }
0x5c9: {  	v36 =	vld.idx.msk [tilespmem:v53+s13+$0x0], $0xffff  }
0x5ca: {  	v46 =	vld.idx.msk [tilespmem:v35+s12+$0x0], $0xffff  }
0x5cb: {  	v53 =	vld.idx.msk [tilespmem:v35+s13+$0x0], $0xffff  }
0x5cc: {  	v35 =	vadd.s32 s20, v0;
	v0 =	vld [tilespmem:$0x1FF60]  }
0x5cd: {  	v37 =	vld.idx.msk [tilespmem:v62+s12+$0x0], $0xffff  }
0x5ce: {  	v11 =	vld.idx.msk [tilespmem:v62+s13+$0x0], $0xffff  }
0x5cf: {  	v6 =	vadd.f32 v8, v6;
	v8 =	vmul.f32 v9, v9;
	v9 =	vsub.f32 v32, v36;
	v32 =	vld.idx.msk [tilespmem:v20+s12+$0x0], $0xffff  }
0x5d0: {  	v36 =	vld.idx.msk [tilespmem:v20+s13+$0x0], $0xffff  }
0x5d1: {  	v20 =	vadd.s32 s20, v0;
	v0 =	vld [tilespmem:$0x1FF70];
	_ =	sdelay $0x1  }
0x5d2: {  	v6 =	vadd.f32 v8, v6;
	v8 =	vmul.f32 v9, v9  }
0x5d3: {  	v9 =	vsub.f32 v37, v11  }
0x5d4: {  	v1 =	vld [tilespmem:$0x1FBE0];
	v6 =	vadd.f32 v8, v6  }
0x5d5: {  	v8 =	vmul.f32 v9, v9;
	v9 =	vsub.f32 v39, v10;
	v39 =	vadd.s32 s20, v0;
	v0 =	vld [tilespmem:$0x1FF80]  }
0x5d6: {  	v58 =	vld.idx.msk [tilespmem:v38+s12+$0x0], $0xffff  }
0x5d7: {  	v11 =	vld.idx.msk [tilespmem:v38+s13+$0x0], $0xffff  }
0x5d8: {  	v62 =	vld.idx.msk [tilespmem:v41+s12+$0x0], $0xffff  }
0x5d9: {  	v6 =	vadd.f32 v8, v6;
	v10 =	vld.idx.msk [tilespmem:v41+s13+$0x0], $0xffff  }
0x5da: {  	v8 =	vmul.f32 v9, v9;
	v9 =	vsub.f32 v46, v53;
	v46 =	vadd.s32 s20, v0;
	v0 =	vld [tilespmem:$0x1FF90]  }
0x5db: {  	v37 =	vld.idx.msk [tilespmem:v61+s12+$0x0], $0xffff  }
0x5dc: {  	v6 =	vadd.f32 v8, v6;
	v8 =	vmul.f32 v9, v9;
	v9 =	vsub.f32 v58, v11;
	v11 =	vld.idx.msk [tilespmem:v61+s13+$0x0], $0xffff  }
0x5dd: {  	v38 =	vld.idx.msk [tilespmem:v63+s12+$0x0], $0xffff  }
0x5de: {  	v6 =	vadd.f32 v8, v6;
	v8 =	vmul.f32 v9, v9;
	v9 =	vsub.f32 v62, v10;
	v10 =	vld.idx.msk [tilespmem:v63+s13+$0x0], $0xffff  }
0x5df: {  	v61 =	vadd.s32 s20, v0;
	v0 =	vld [tilespmem:$0x1FC40]  }
0x5e0: {  	v41 =	vld.idx.msk [tilespmem:v35+s12+$0x0], $0xffff  }
0x5e1: {  	v6 =	vadd.f32 v8, v6;
	v8 =	vmul.f32 v9, v9;
	v9 =	vsub.f32 v32, v36;
	v53 =	vld.idx.msk [tilespmem:v35+s13+$0x0], $0xffff  }
0x5e2: {  	v58 =	vld.idx.msk [tilespmem:v20+s12+$0x0], $0xffff  }
0x5e3: {  	v6 =	vadd.f32 v8, v6;
	v8 =	vmul.f32 v9, v9;
	v9 =	vsub.f32 v37, v11;
	v11 =	vld.idx.msk [tilespmem:v20+s13+$0x0], $0xffff  }
0x5e4: {  	v20 =	vadd.s32 s20, v0;
	v0 =	vld [tilespmem:$0x1FC50];
	_ =	sdelay $0x1  }
0x5e5: {  	v15 =	vadd.s32 s20, v1;
	v1 =	vld [tilespmem:$0x1FAC0];
	v6 =	vadd.f32 v8, v6;
	v8 =	vmul.f32 v9, v9  }
0x5e6: {  	v9 =	vsub.f32 v38, v10;
	v62 =	vld.idx.msk [tilespmem:v39+s12+$0x0], $0xffff  }
0x5e7: {  	v6 =	vadd.f32 v8, v6;
	v10 =	vld.idx.msk [tilespmem:v39+s13+$0x0], $0xffff  }
0x5e8: {  	v8 =	vmul.f32 v9, v9;
	v9 =	vsub.f32 v41, v53;
	v32 =	vadd.s32 s20, v0;
	v0 =	vld [tilespmem:$0x1FC60]  }
0x5e9: {  	v63 =	vld.idx.msk [tilespmem:v46+s12+$0x0], $0xffff  }
0x5ea: {  	v6 =	vadd.f32 v8, v6;
	v8 =	vmul.f32 v9, v9;
	v35 =	vld.idx.msk [tilespmem:v46+s13+$0x0], $0xffff  }
0x5eb: {  	v9 =	vsub.f32 v58, v11;
	v36 =	vld.idx.msk [tilespmem:v61+s12+$0x0], $0xffff  }
0x5ec: {  	v6 =	vadd.f32 v8, v6;
	v11 =	vld.idx.msk [tilespmem:v61+s13+$0x0], $0xffff  }
0x5ed: {  	v8 =	vmul.f32 v9, v9;
	v9 =	vsub.f32 v62, v10;
	v38 =	vld.idx.msk [tilespmem:v20+s12+$0x0], $0xffff;
	v37 =	vadd.s32 s20, v0  }
0x5ee: {  	v19 =	vadd.s32 s20, v1;
	v10 =	vld.idx.msk [tilespmem:v20+s13+$0x0], $0xffff  }
0x5ef: {  	v1 =	vld [tilespmem:$0x1FD60];
	v6 =	vadd.f32 v8, v6;
	v8 =	vmul.f32 v9, v9;
	v9 =	vsub.f32 v63, v35  }
0x5f0: {  	v41 =	vld.idx.msk [tilespmem:v32+s12+$0x0], $0xffff  }
0x5f1: {  	v6 =	vadd.f32 v8, v6;
	v8 =	vmul.f32 v9, v9;
	v9 =	vsub.f32 v36, v11;
	v46 =	vld.idx.msk [tilespmem:v32+s13+$0x0], $0xffff  }
0x5f2: {  	v53 =	vld.idx.msk [tilespmem:v37+s12+$0x0], $0xffff  }
0x5f3: {  	v6 =	vadd.f32 v8, v6;
	v8 =	vmul.f32 v9, v9;
	v9 =	vsub.f32 v38, v10;
	v11 =	vld.idx.msk [tilespmem:v37+s13+$0x0], $0xffff;
	_ =	sdelay $0x1  }
0x5f4: {  	v6 =	vadd.f32 v8, v6;
	v8 =	vmul.f32 v9, v9  }
0x5f5: {  	v0 =	vld [tilespmem:$0x1FC70];
	v9 =	vsub.f32 v41, v46  }
0x5f6: {  	v6 =	vadd.f32 v8, v6  }
0x5f7: {  	v8 =	vmul.f32 v9, v9;
	v9 =	vsub.f32 v53, v11;
	v53 =	vmovc v49;
	v49 =	vmovc v30;
	v30 =	vadd.s32 s20, v1;
	v1 =	vld [tilespmem:$0x1FBC0];
	_ =	sdelay $0x2  }
0x5f8: {  	v39 =	vadd.s32 s20, v0;
	v0 =	vld [tilespmem:$0x1FC80];
	_ =	sdelay $0x1  }
0x5f9: {  	v14 =	vadd.s32 s20, v1;
	v1 =	vld [tilespmem:$0x1FBD0];
	_ =	sdelay $0x2  }
0x5fa: {  	v20 =	vadd.s32 s20, v0;
	v0 =	vld [tilespmem:$0x1FC90];
	_ =	sdelay $0x1  }
0x5fb: {  	v17 =	vadd.s32 s20, v1;
	v1 =	vld [tilespmem:$0x1FD50];
	_ =	sdelay $0x2  }
0x5fc: {  	v58 =	vadd.s32 s20, v0;
	v0 =	vld [tilespmem:$0x1FEE0];
	_ =	sdelay $0x1  }
0x5fd: {  	v46 =	vmovc v40;
	v40 =	vmov v50;
	v50 =	vmov v31;
	v31 =	vadd.s32 s20, v1;
	v1 =	vld [tilespmem:$0x1FBA0];
	_ =	sdelay $0x2  }
0x5fe: {  	v63 =	vmovc v23;
	v6 =	vadd.f32 v8, v6;
	v8 =	vmul.f32 v9, v9;
	v23 =	vadd.s32 s20, v0;
	v0 =	vld [tilespmem:$0x1FCA0];
	_ =	sdelay $0x1  }
0x5ff: {  	v38 =	vadd.f32 v8, v6;
	v8 =	vadd.s32 s20, v1;
	v1 =	vld [tilespmem:$0x1FBB0];
	_ =	sdelay $0x2  }
0x600: {  	v32 =	vld.idx.msk [tilespmem:v39+s12+$0x0], $0xffff;
	v35 =	vadd.s32 s20, v0  }
0x601: {  	v10 =	vld.idx.msk [tilespmem:v39+s13+$0x0], $0xffff  }
0x602: {  	v6 =	vadd.s32 s20, v1;
	v1 =	vld [tilespmem:$0x1FD40];
	_ =	sdelay $0x2  }
0x603: {  	v37 =	vld.idx.msk [tilespmem:v35+s12+$0x0], $0xffff  }
0x604: {  	v9 =	vsub.f32 v32, v10;
	v10 =	vld.idx.msk [tilespmem:v35+s13+$0x0], $0xffff  }
0x605: {  	v35 =	vadd.s32 s20, v1;
	v1 =	vld [tilespmem:$0x1FB80]  }
0x606: {  	v25 =	vld.idx.msk [tilespmem:v20+s12+$0x0], $0xffff  }
0x607: {  	v36 =	vld.idx.msk [tilespmem:v20+s13+$0x0], $0xffff  }
0x608: {  	v0 =	vld [tilespmem:$0x1FD80];
	_ =	sdelay $0x1  }
0x609: {  	v13 =	vadd.s32 s20, v1;
	v1 =	vld [tilespmem:$0x1FB90];
	_ =	sdelay $0x1  }
0x60a: {  	v27 =	vld.idx.msk [tilespmem:v58+s12+$0x0], $0xffff  }
0x60b: {  	v12 =	vsub.f32 v25, v36;
	v26 =	vadd.s32 s20, v0;
	v0 =	vld [tilespmem:$0x1FC00]  }
0x60c: {  	v11 =	vld.idx.msk [tilespmem:v58+s13+$0x0], $0xffff  }
0x60d: {  	v58 =	vmul.f32 v12, v12;
	v12 =	vadd.s32 s20, v1;
	v1 =	vld [tilespmem:$0x1FD30];
	_ =	sdelay $0x2  }
0x60e: {  	v21 =	vadd.s32 s20, v0;
	v0 =	vld [tilespmem:$0x1FC10];
	_ =	sdelay $0x1  }
0x60f: {  	v10 =	vsub.f32 v37, v10;
	v37 =	vadd.s32 s20, v1;
	v1 =	vld [tilespmem:$0x1FB40];
	_ =	sdelay $0x2  }
0x610: {  	v5 =	vmov v24;
	v24 =	vadd.s32 s20, v0;
	v0 =	vld [tilespmem:$0x1FE90];
	_ =	sdelay $0x1  }
0x611: {  	v18 =	vadd.s32 s20, v1;
	v1 =	vld [tilespmem:$0x1FB70];
	_ =	sdelay $0x2  }
0x612: {  	v28 =	vadd.s32 s20, v0;
	v0 =	vld [tilespmem:$0x1FAD0];
	_ =	sdelay $0x1  }
0x613: {  	v16 =	vadd.s32 s20, v1;
	v1 =	vld [tilespmem:$0x1F8C0];
	_ =	sdelay $0x2  }
0x614: {  	v20 =	vadd.s32 s20, v0;
	v0 =	vld [tilespmem:$0x1FBF0]  }
0x615: {  	v9 =	vmul.f32 v9, v9  }
0x616: {  	v32 =	vmul.f32 v10, v10;
	v10 =	vadd.s32 s21, v1;
	v1 =	vld [tilespmem:$0x1F8B0]  }
0x617: {  	v9 =	vadd.f32 v9, v38;
	v11 =	vsub.f32 v27, v11;
	_ =	sdelay $0x1  }
0x618: {  	v29 =	vmovc v3;
	v3 =	vmovc v22;
	v9 =	vadd.f32 v58, v9;
	v11 =	vmul.f32 v11, v11;
	v22 =	vadd.s32 s20, v0;
	v0 =	vld [tilespmem:$0x1FD70];
	_ =	sdelay $0x1  }
0x619: {  	v9 =	vadd.f32 v11, v9;
	v11 =	vadd.s32 s21, v1;
	v1 =	vld [tilespmem:$0x1FD10];
	_ =	sdelay $0x2  }
0x61a: {  	v62 =	vld.idx.msk [tilespmem:v26+s12+$0x0], $0xffff;
	v0 =	vadd.s32 s20, v0  }
0x61b: {  	v25 =	vld.idx.msk [tilespmem:v26+s13+$0x0], $0xffff  }
0x61c: {  	v38 =	vadd.s32 s20, v1;
	v1 =	vld [tilespmem:$0x1F8D0]  }
0x61d: {  	v26 =	vld.idx.msk [tilespmem:v28+s12+$0x0], $0xffff  }
0x61e: {  	v27 =	vld.idx.msk [tilespmem:v28+s13+$0x0], $0xffff  }
0x61f: {  	v28 =	vld.idx.msk [tilespmem:v0+s12+$0x0], $0xffff  }
0x620: {  	v0 =	vld.idx.msk [tilespmem:v0+s13+$0x0], $0xffff  }
0x621: {  	v32 =	vadd.f32 v32, v9;
	v9 =	vadd.s32 s21, v1;
	v1 =	vld [tilespmem:$0x1FD20]  }
0x622: {  	v36 =	vld.idx.msk [tilespmem:v30+s12+$0x0], $0xffff  }
0x623: {  	v30 =	vld.idx.msk [tilespmem:v30+s13+$0x0], $0xffff;
	v25 =	vsub.f32 v62, v25  }
0x624: {  	v61 =	vmov v34;
	v34 =	vld.idx.msk [tilespmem:v31+s12+$0x0], $0xffff  }
0x625: {  	v25 =	vmul.f32 v25, v25;
	v28 =	vsub.f32 v28, v0;
	v0 =	vld [tilespmem:$0x1FD00]  }
0x626: {  	v26 =	vsub.f32 v26, v27;
	v39 =	vadd.s32 s20, v1;
	v1 =	vld [tilespmem:$0x1FCF0]  }
0x627: {  	v25 =	vadd.f32 v25, v32;
	v32 =	vld.idx.msk [tilespmem:v35+s13+$0x0], $0xffff  }
0x628: {  	v27 =	vld.idx.msk [tilespmem:v31+s13+$0x0], $0xffff;
	v26 =	vmul.f32 v26, v26  }
0x629: {  	v31 =	vld.idx.msk [tilespmem:v35+s12+$0x0], $0xffff  }
0x62a: {  	v58 =	vmov v42;
	v25 =	vadd.f32 v26, v25;
	v42 =	vadd.s32 s20, v0;
	v0 =	vld [tilespmem:$0x1F7D0]  }
0x62b: {  	v26 =	vmul.f32 v28, v28;
	v28 =	vsub.f32 v36, v30;
	v41 =	vadd.s32 s20, v1;
	v1 =	vld [tilespmem:$0x1F7E0]  }
0x62c: {  	v49 =	vsub.f32 v49, v50;
	v50 =	vld.idx.msk [tilespmem:v57+s13+$0x0], $0xffff  }
0x62d: {  	v35 =	vld.idx.msk [tilespmem:v37+s12+$0x0], $0xffff;
	v27 =	vsub.f32 v34, v27;
	v25 =	vadd.f32 v26, v25;
	v26 =	vmul.f32 v28, v28  }
0x62e: {  	v30 =	vld.idx.msk [tilespmem:v37+s13+$0x0], $0xffff  }
0x62f: {  	v25 =	vadd.f32 v26, v25;
	v26 =	vmul.f32 v27, v27;
	v27 =	vsub.f32 v31, v32;
	v32 =	vld.idx.msk [tilespmem:v42+s12+$0x0], $0xffff  }
0x630: {  	v62 =	vsub.f32 v0, v1;
	v0 =	vld [tilespmem:$0x1F7C0]  }
0x631: {  	v36 =	vld.idx.msk [tilespmem:v38+s12+$0x0], $0xffff  }
0x632: {  	v28 =	vld.idx.msk [tilespmem:v38+s13+$0x0], $0xffff  }
0x633: {  	v38 =	vld [tilespmem:$0x1F810]  }
0x634: {  	v1 =	vld [tilespmem:$0x1F7F0]  }
0x635: {  	v0 =	vsub.f32 v60, v0;
	v60 =	vld [tilespmem:$0x1F800]  }
0x636: {  	v25 =	vadd.f32 v26, v25;
	v26 =	vmul.f32 v27, v27;
	v27 =	vsub.f32 v35, v30;
	v34 =	vld.idx.msk [tilespmem:v39+s12+$0x0], $0xffff  }
0x637: {  	v35 =	vld.idx.msk [tilespmem:v41+s12+$0x0], $0xffff  }
0x638: {  	v25 =	vadd.f32 v26, v25;
	v26 =	vmul.f32 v27, v27;
	v27 =	vsub.f32 v36, v28;
	v28 =	vld.idx.msk [tilespmem:v41+s13+$0x0], $0xffff  }
0x639: {  	v41 =	vsub.f32 v59, v7;
	v7 =	vld [tilespmem:$0x1F880]  }
0x63a: {  	v37 =	vsub.f32 v1, v60;
	v60 =	vld [tilespmem:$0x1FCB0]  }
0x63b: {  	v1 =	vmov v45;
	v45 =	vmul.f32 $5.000000000e-01, v52;
	v52 =	vld [tilespmem:$0x1F820]  }
0x63c: {  	v31 =	vld.idx.msk [tilespmem:v39+s13+$0x0], $0xffff  }
0x63d: {  	v30 =	vld.idx.msk [tilespmem:v42+s13+$0x0], $0xffff  }
0x63e: {  	v42 =	vld.idx.msk [tilespmem:v20+s13+$0x0], $0xffff;
	v57 =	vmul.f32 $5.000000000e-01, v7  }
0x63f: {  	v7 =	vadd.f32 v26, v25;
	v25 =	vmul.f32 v27, v27;
	v27 =	vsub.f32 v3, v4;
	v3 =	vld.idx.msk [tilespmem:v24+s13+$0x0], $0xffff  }
0x640: {  	v38 =	vsub.f32 v38, v52;
	v52 =	vmul.f32 v33, v60;
	v33 =	vld [tilespmem:$0x1F830]  }
0x641: {  	v26 =	vsub.f32 v34, v31;
	v4 =	vld.idx.msk [tilespmem:v23+s12+$0x0], $0xffff  }
0x642: {  	v31 =	vsub.f32 v63, v5;
	v5 =	vld [tilespmem:$0x1EF10];
	v7 =	vadd.f32 v25, v7  }
0x643: {  	v25 =	vmul.f32 v26, v26;
	v26 =	vsub.f32 v32, v30;
	v32 =	vmul.f32 $5.000000000e-01, v51;
	v51 =	vld.idx.msk [tilespmem:v22+s13+$0x0], $0xffff  }
0x644: {  	[tilespmem:$0x1EF20] =	vst v3;
	v3 =	vld.idx.msk [tilespmem:v21+s12+$0x0], $0xffff  }
0x645: {  	v39 =	vsub.f32 v33, v43;
	v43 =	vmul.f32 v53, v60;
	v53 =	vld.idx.msk [tilespmem:v23+s13+$0x0], $0xffff  }
0x646: {  	v63 =	vmul.f32 v40, v60;
	v23 =	vsub.f32 v2, v29;
	v2 =	vld.idx.msk [tilespmem:v24+s12+$0x0], $0xffff;
	v24 =	vadd.f32 v25, v7  }
0x647: {  	v40 =	vld.idx.msk [tilespmem:v22+s12+$0x0], $0xffff;
	v25 =	vmul.f32 v26, v26;
	v26 =	vsub.f32 v35, v28;
	v28 =	vsub.f32 v5, v50  }
0x648: {  	v7 =	vld.idx.msk [tilespmem:v21+s13+$0x0], $0xffff  }
0x649: {  	v22 =	vmul.f32 v28, v28;
	v28 =	vmul.f32 v41, v41;
	v41 =	vld.idx.msk [tilespmem:v20+s12+$0x0], $0xffff  }
0x64a: {  	v54 =	vmul.f32 $5.000000000e-01, v54;
	v21 =	vadd.f32 v25, v24;
	v24 =	vmul.f32 v26, v26;
	v20 =	vld [tilespmem:$0x1F860]  }
0x64b: {  	v56 =	vmul.f32 $5.000000000e-01, v56;
	v55 =	vmul.f32 $5.000000000e-01, v55  }
0x64c: {  	v27 =	vmul.f32 v27, v27;
	v44 =	vmul.f32 v44, v60;
	v21 =	vadd.f32 v24, v21;
	v24 =	vld [tilespmem:$0x1F870]  }
0x64d: {  	v30 =	vsub.f32 v61, v46;
	v47 =	vmul.f32 v47, v60;
	v33 =	vmul.f32 v62, v62;
	v62 =	vld [tilespmem:$0x1F840]  }
0x64e: {  	v26 =	vmul.f32 v49, v49;
	v49 =	vsub.f32 v52, v54;
	v52 =	vsub.f32 v44, v56  }
0x64f: {  	v59 =	vmul.f32 v48, v60;
	v21 =	vadd.f32 v22, v21;
	v22 =	vmul.f32 v23, v23  }
0x650: {  	v46 =	vsub.f32 v47, v45;
	v50 =	vsub.f32 v43, v55;
	v43 =	vld.idx.msk [tilespmem:v19+s12+$0x0], $0xffff;
	v47 =	vmul.f32 v52, v60  }
0x651: {  	v25 =	vmul.f32 v38, v38;
	v44 =	vld.idx.msk [tilespmem:v19+s13+$0x0], $0xffff;
	v23 =	vmul.f32 v30, v30;
	v22 =	vadd.f32 v22, v21  }
0x652: {  	v30 =	vmul.f32 v49, v60;
	v47 =	vadd.f32 v47, v56;
	v5 =	vld.idx.msk [tilespmem:v20+s13+$0x0], $0xffff;
	v20 =	vsub.f32 v59, v57  }
0x653: {  	v38 =	vmul.f32 v50, v60;
	v21 =	vsub.f32 v63, v32;
	v61 =	vadd.f32 v23, v22;
	v59 =	vld [tilespmem:$0x1F850]  }
0x654: {  	v19 =	vadd.f32 v30, v54;
	v48 =	vld.idx.msk [tilespmem:v24+s13+$0x0], $0xffff;
	v24 =	vmul.f32 v46, v60;
	v63 =	vmul.f32 v20, v60  }
0x655: {  	v23 =	vld.idx.msk [tilespmem:v62+s13+$0x0], $0xffff;
	v30 =	vmul.f32 v21, v60;
	v62 =	vsub.f32 v47, v52;
	v27 =	vadd.f32 v27, v61  }
0x656: {  	v31 =	vmul.f32 v31, v31;
	v56 =	vld.idx.msk [tilespmem:v15+s13+$0x0], $0xffff;
	v24 =	vadd.f32 v24, v45;
	v54 =	vadd.f32 v63, v57  }
0x657: {  	v36 =	vmul.f32 v39, v39;
	v45 =	vld.idx.msk [tilespmem:v15+s12+$0x0], $0xffff;
	v15 =	vadd.f32 v38, v55;
	v55 =	vadd.f32 v30, v32  }
0x658: {  	v34 =	vmax.f32 v46, v20;
	v60 =	vsub.f32 v19, v49;
	v27 =	vadd.f32 v31, v27;
	v31 =	vld.idx.msk [tilespmem:v17+s12+$0x0], $0xffff  }
0x659: {  	v30 =	vmax.f32 v49, v21;
	v17 =	vld.idx.msk [tilespmem:v17+s13+$0x0], $0xffff;
	v32 =	vsub.f32 v54, v20;
	v38 =	vsub.f32 v55, v21  }
0x65a: {  	v57 =	vmax.f32 v50, v21;
	v39 =	vsub.f32 v24, v46;
	v27 =	vadd.f32 v28, v27;
	v28 =	vld.idx.msk [tilespmem:v14+s12+$0x0], $0xffff  }
0x65b: {  	v61 =	vmin.f32 v19, v55;
	v63 =	vsub.f32 v15, v50;
	v22 =	vld.idx.msk [tilespmem:v59+s13+$0x0], $0xffff;
	v59 =	vmin.f32 v24, v54  }
0x65c: {  	v14 =	vld.idx.msk [tilespmem:v14+s13+$0x0], $0xffff;
	v30 =	vsub.f32 v61, v30;
	v61 =	vmin.f32 v15, v55;
	v34 =	vsub.f32 v59, v34  }
0x65d: {  	v26 =	vadd.f32 v26, v27;
	v27 =	vld.idx.msk [tilespmem:v18+s12+$0x0], $0xffff;
	v32 =	vmul.f32 v38, v32;
	v39 =	vmul.f32 v60, v39  }
0x65e: {  	v18 =	vld.idx.msk [tilespmem:v18+s13+$0x0], $0xffff;
	v38 =	vsub.f32 v61, v57;
	v30 =	vmax.f32 v30, $0.0e+00;
	v34 =	vmax.f32 v34, $0.0e+00  }
0x65f: {  	v61 =	vmul.f32 v63, v62;
	v63 =	vld [tilespmem:$0x1F8E0];
	v62 =	vadd.f32 v32, v39;
	v30 =	vmul.f32 v30, v34  }
0x660: {  	v57 =	vld [tilespmem:$0x1F910]  }
0x661: {  	v34 =	vsub.f32 v62, v30;
	v62 =	vld.idx.msk [tilespmem:v10+s12+$0x0], $0xffff  }
0x662: {  	v10 =	vld.idx.msk [tilespmem:v10+s13+$0x0], $0xffff  }
0x663: {  	v60 =	vld.idx.msk [tilespmem:v11+s12+$0x0], $0xffff  }
0x664: {  	v11 =	vld.idx.msk [tilespmem:v11+s13+$0x0], $0xffff  }
0x665: {  	v18 =	vsub.f32 v27, v18;
	v27 =	vld.idx.msk [tilespmem:v12+s12+$0x0], $0xffff  }
0x666: {  	v12 =	vld.idx.msk [tilespmem:v12+s13+$0x0], $0xffff  }
0x667: {  	[tilespmem:$0x1F7E0] =	vst v10;
	v10 =	vld [tilespmem:$0x1F970]  }
0x668: {  	v26 =	vadd.f32 v36, v26;
	v36 =	vld.idx.msk [tilespmem:v16+s12+$0x0], $0xffff  }
0x669: {  	v35 =	vmul.f32 v37, v37;
	v37 =	vmax.f32 v52, v20;
	v59 =	vmin.f32 v47, v54;
	v16 =	vld.idx.msk [tilespmem:v16+s13+$0x0], $0xffff  }
0x66a: {  	v37 =	vsub.f32 v59, v37;
	v59 =	vld.idx.msk [tilespmem:v13+s12+$0x0], $0xffff  }
0x66b: {  	v38 =	vmax.f32 v38, $0.0e+00;
	v39 =	vld [tilespmem:$0x1F900];
	v25 =	vadd.f32 v25, v26  }
0x66c: {  	v37 =	vmax.f32 v37, $0.0e+00;
	v12 =	vsub.f32 v27, v12;
	v27 =	vadd.s32 s21, v10;
	v10 =	vld [tilespmem:$0x1F980]  }
0x66d: {  	v13 =	vld.idx.msk [tilespmem:v13+s13+$0x0], $0xffff;
	v32 =	vadd.f32 v32, v61;
	v25 =	vadd.f32 v35, v25;
	v35 =	vmul.f32 v38, v37  }
0x66e: {  	v61 =	vld [tilespmem:$0x1F940]  }
0x66f: {  	v26 =	vld.idx.msk [tilespmem:v6+s12+$0x0], $0xffff;
	v32 =	vsub.f32 v32, v35  }
0x670: {  	v0 =	vmul.f32 v0, v0;
	v6 =	vld.idx.msk [tilespmem:v6+s13+$0x0], $0xffff;
	v25 =	vadd.f32 v33, v25;
	(erf) = vrcp.f32 v34  }
0x671: {  	(erf) = vrcp.f32 v32;
	v32 =	vadd.s32 s21, v39;
	v39 =	vadd.s32 s21, v10;
	v10 =	vld [tilespmem:$0x1F9C0]  }
0x672: {  	v16 =	vsub.f32 v36, v16;
	v36 =	vld.idx.msk [tilespmem:v8+s12+$0x0], $0xffff;
	v18 =	vmul.f32 v18, v18;
	v0 =	vadd.f32 v0, v25  }
0x673: {  	v37 =	vadd.s32 s21, v63;
	v8 =	vld.idx.msk [tilespmem:v8+s13+$0x0], $0xffff  }
0x674: {  	v38 =	vld [tilespmem:$0x1F8F0];
	v13 =	vsub.f32 v59, v13;
	v16 =	vmul.f32 v16, v16;
	v0 =	vadd.f32 v18, v0  }
0x675: {  	v59 =	vld [tilespmem:$0x1F930];
	v34 =	vadd.s32 s21, v57  }
0x676: {  	v13 =	vmul.f32 v13, v13;
	v0 =	vadd.f32 v16, v0;
	v57 =	vadd.s32 s21, v10;
	v10 =	vld.idx.msk [tilespmem:v9+s12+$0x0], $0xffff  }
0x677: {  	[tilespmem:$0x1F7C0] =	vst v11;
	v11 =	vld [tilespmem:$0x1F920]  }
0x678: {  	v25 =	vld [tilespmem:$0x1FFA0];
	v63 =	vmul.f32 v12, v12;
	v8 =	vsub.f32 v36, v8;
	v0 =	vadd.f32 v13, v0  }
0x679: {  	v33 =	vadd.s32 s21, v38;
	v38 =	vadd.s32 s21, v61;
	v61 =	vld.idx.msk [tilespmem:v37+s13+$0x0], $0xffff  }
0x67a: {  	v36 =	vld [tilespmem:$0x1FAA0];
	v8 =	vmul.f32 v8, v8;
	v0 =	vadd.f32 v63, v0  }
0x67b: {  	v17 =	vsub.f32 v31, v17;
	v18 =	vadd.s32 s21, v59;
	v59 =	vld [tilespmem:$0x1FA50];
	[tilespmem:$0x1F7F0] =	vst v10;
	v10 =	vpop (erf)  }
0x67c: {  	v6 =	vsub.f32 v26, v6;
	v31 =	vld.idx.msk [tilespmem:v32+s13+$0x0], $0xffff;
	v0 =	vadd.f32 v8, v0;
	v26 =	vpop (erf)  }
0x67d: {  	v8 =	vmul.f32 v10, v30;
	v10 =	vmul.f32 v26, v35;
	v26 =	vsub.f32 v45, v56;
	v45 =	vmovc v1;
	v1 =	vld [tilespmem:$0x1FAB0]  }
0x67e: {  	v9 =	vld.idx.msk [tilespmem:v9+s13+$0x0], $0xffff  }
0x67f: {  	v14 =	vsub.f32 v28, v14;
	[tilespmem:$0x1F7D0] =	vst v62;
	v62 =	vsub.f32 v43, v44;
	v28 =	vld.idx.msk [tilespmem:v33+s12+$0x0], $0xffff  }
0x680: {  	v6 =	vmul.f32 v6, v6;
	v43 =	vld.idx.msk [tilespmem:v33+s13+$0x0], $0xffff  }
0x681: {  	v11 =	vadd.s32 s21, v11;
	v16 =	vmul.f32 v62, v62;
	v33 =	vld.idx.msk [tilespmem:v34+s12+$0x0], $0xffff;
	v13 =	vadd.s32 s21, v59  }
0x682: {  	v0 =	vadd.f32 v6, v0;
	v6 =	vmul.f32 v14, v14;
	v62 =	vadd.s32 s21, v1;
	v1 =	vld [tilespmem:$0x1FCC0]  }
0x683: {  	v51 =	vsub.f32 v40, v51;
	[tilespmem:$0x1F800] =	vst v9;
	v9 =	vld.idx.msk [tilespmem:v37+s12+$0x0], $0xffff  }
0x684: {  	v44 =	vld.idx.msk [tilespmem:v38+s12+$0x0], $0xffff;
	v63 =	vmul.f32 v17, v17;
	v0 =	vadd.f32 v6, v0  }
0x685: {  	v3 =	vsub.f32 v3, v7;
	v17 =	vmul.f32 v51, v51;
	v51 =	vld.idx.msk [tilespmem:v18+s13+$0x0], $0xffff  }
0x686: {  	v25 =	vadd.s32 s21, v25;
	v12 =	vadd.s32 s21, v36;
	v59 =	vld.idx.msk [tilespmem:v13+s12+$0x0], $0xffff;
	v0 =	vadd.f32 v63, v0  }
0x687: {  	vm0 =	vgt.f32 v10, v8;
	v36 =	vmul.f32 v26, v26;
	v63 =	vadd.s32 s21, v1;
	v1 =	vld.idx.msk [tilespmem:v11+s13+$0x0], $0xffff  }
0x688: {  	[tilespmem:$0x1F810] =	vst v9;
	v9 =	vsub.f32 v41, v42;
	v6 =	vsel vm0, v52, v46;
	v20 =	vsel vm0, v23, v20  }
0x689: {  	v7 =	vld.idx.msk [tilespmem:v13+s13+$0x0], $0xffff;
	v21 =	vsel vm0, v22, v21;
	v6 =	vsub.f32 v6, v20;
	v20 =	vsel vm0, v50, v49  }
0x68a: {  	v30 =	vld.idx.msk [tilespmem:v32+s12+$0x0], $0xffff;
	v24 =	vsel vm0, v47, v24;
	v15 =	vsel vm0, v15, v19;
	v37 =	vsub.f32 v20, v21  }
0x68b: {  	v56 =	vld.idx.msk [tilespmem:v39+s12+$0x0], $0xffff;
	v41 =	vsel vm0, v48, v55;
	v0 =	vadd.f32 v36, v0;
	v20 =	vsel vm0, v5, v54  }
0x68c: {  	v20 =	vsub.f32 v24, v20;
	v6 =	vmul.f32 v6, v6;
	v14 =	vmul.f32 v37, v37;
	[tilespmem:$0x1F880] =	vst v1;
	v1 =	vld [tilespmem:$0x1EF20]  }
0x68d: {  	[tilespmem:$0x1F820] =	vst v61;
	v42 =	vmov v58;
	v58 =	vld [tilespmem:$0x1FFF0];
	v15 =	vsub.f32 v15, v41;
	v9 =	vmul.f32 v9, v9  }
0x68e: {  	v47 =	vld.idx.msk [tilespmem:v25+s12+$0x0], $0xffff;
	v0 =	vadd.f32 v16, v0;
	v61 =	vmul.f32 v20, v20;
	v6 =	vadd.f32 v14, v6  }
0x68f: {  	v3 =	vmul.f32 v3, v3;
	v52 =	vld.idx.msk [tilespmem:v11+s12+$0x0], $0xffff  }
0x690: {  	v55 =	vld.idx.msk [tilespmem:v57+s12+$0x0], $0xffff;
	v0 =	vadd.f32 v9, v0;
	v9 =	vmul.f32 v15, v15;
	v6 =	vadd.f32 v6, v61  }
0x691: {  	v48 =	vld.idx.msk [tilespmem:v25+s13+$0x0], $0xffff;
	v8 =	vsel vm0, v10, v8;
	v5 =	vsub.f32 v4, v53;
	v1 =	vsub.f32 v2, v1  }
0x692: {  	v23 =	vld.idx.msk [tilespmem:v12+s12+$0x0], $0xffff;
	v4 =	vsel vm0, v2, v4;
	v0 =	vadd.f32 v17, v0;
	v6 =	vadd.f32 v6, v9  }
0x693: {  	v2 =	vsub.f32 v4, v8;
	v4 =	vmul.f32 v5, v5;
	v5 =	vmul.f32 v1, v1;
	v1 =	vld [tilespmem:$0x1FCD0]  }
0x694: {  	v49 =	vld.idx.msk [tilespmem:v27+s12+$0x0], $0xffff  }
0x695: {  	v50 =	vld.idx.msk [tilespmem:v34+s13+$0x0], $0xffff;
	v0 =	vadd.f32 v3, v0;
	v3 =	vmul.f32 $5.000000000e+00, v6  }
0x696: {  	vm1 =	vgt.f32 v53, $0.0e+00;
	v32 =	vimm.s32 $0x0;
	v54 =	vld.idx.msk [tilespmem:v18+s12+$0x0], $0xffff  }
0x697: {  	v24 =	vld.idx.msk [tilespmem:v12+s13+$0x0], $0xffff;
	v6 =	vsel vm1, $0x3F800000, v32;
	v0 =	vadd.f32 v3, v0  }
0x698: {  	v22 =	vld.idx.msk [tilespmem:v62+s12+$0x0], $0xffff;
	v3 =	vsub.f32 $1.000000000e+00, v6;
	v2 =	vmul.f32 v2, v2;
	v10 =	vadd.s32 s21, v1  }
0x699: {  	p0 =	sne.s32 s21, $0x4920;
	v1 =	vld [tilespmem:$0x1FCE0]  }
.Ltmp1:
0x69a: {  	[tilespmem:$0x1F840] =	vst v38;
	v34 =	vld.idx.msk [tilespmem:v63+s12+$0x0], $0xffff;
	v9 =	vadd.f32 v5, v4;
	v0 =	vadd.f32 v0, v2;
	v2 =	vmul.f32 $5.000000000e-01, v3;
	(pc) =	sbr.rel @p0 .LBB2_5-.Ltmp1, $4  }
0x69b: {  	[tilespmem:$0x1F850] =	vst v27;
	v40 =	vld.idx.msk [tilespmem:v63+s13+$0x0], $0xffff  }
0x69c: {  	[tilespmem:$0x1F830] =	vst v28;
	v4 =	vld.idx.msk [tilespmem:v62+s13+$0x0], $0xffff;
	v0 =	vmul.f32 v6, v0;
	v3 =	vmul.f32 v9, v2  }
0x69d: {  	[tilespmem:$0x1F860] =	vst v39;
	v8 =	vadd.s32 s21, v42;
	v2 =	vld.idx.msk [tilespmem:v10+s12+$0x0], $0xffff  }
0x69e: {  	s20 =	smov.u32 s21;
	[tilespmem:$0x1F870] =	vst v57;
	v9 =	vadd.s32 s21, v45;
	v6 =	vadd.f32 v0, v3;
	v57 =	vadd.s32 s21, v1;
	v3 =	vld.idx.msk [tilespmem:v10+s13+$0x0], $0xffff;
	s21 =	sadd.s32 $0x5A0, s21  }
0x69f: {  	_ =	sdelay $0x2  }
0x6a0: {  	v0 =	vld [tilespmem:$0x1FC30]  }
0x6a1: {  	v10 =	vld.idx.msk [tilespmem:v8+s12+$0x0], $0xffff  }
0x6a2: {  	v8 =	vld.idx.msk [tilespmem:v8+s13+$0x0], $0xffff  }
0x6a3: {  	v62 =	vld [tilespmem:$0x1FFC0]  }
0x6a4: {  	v12 =	vld.idx.msk [tilespmem:v9+s12+$0x0], $0xffff;
	v13 =	vadd.s32 s20, v58  }
0x6a5: {  	v9 =	vld.idx.msk [tilespmem:v9+s13+$0x0], $0xffff  }
0x6a6: {  	v1 =	vld [tilespmem:$0x1FDE0]  }
0x6a7: {  	v63 =	vld [tilespmem:$0x1FFD0];
	v0 =	vadd.s32 s20, v0  }
0x6a8: {  	v46 =	vld [tilespmem:$0x1FEA0];
	v11 =	vadd.s32 s20, v62  }
0x6a9: {  	v8 =	vsub.f32 v10, v8;
	v10 =	vld.idx.msk [tilespmem:v13+s12+$0x0], $0xffff  }
0x6aa: {  	v9 =	vsub.f32 v12, v9;
	v12 =	vld.idx.msk [tilespmem:v13+s13+$0x0], $0xffff  }
0x6ab: {  	v13 =	vadd.s32 s20, v1;
	v1 =	vld [tilespmem:$0x1FD90]  }
0x6ac: {  	v14 =	vld.idx.msk [tilespmem:v0+s12+$0x0], $0xffff  }
0x6ad: {  	v16 =	vld.idx.msk [tilespmem:v11+s12+$0x0], $0xffff  }
0x6ae: {  	v17 =	vadd.s32 s20, v46;
	v11 =	vld.idx.msk [tilespmem:v11+s13+$0x0], $0xffff  }
0x6af: {  	v0 =	vld.idx.msk [tilespmem:v0+s13+$0x0], $0xffff  }
0x6b0: {  	v18 =	vadd.s32 s20, v1;
	v1 =	vld [tilespmem:$0x1FDF0]  }
0x6b1: {  	v15 =	vadd.s32 s20, v63;
	v8 =	vmul.f32 v8, v8;
	v9 =	vmul.f32 v9, v9;
	_ =	sdelay $0x1  }
0x6b2: {  	v8 =	vadd.f32 v9, v8;
	v9 =	vsub.f32 v16, v11;
	v11 =	vld.idx.msk [tilespmem:v17+s12+$0x0], $0xffff  }
0x6b3: {  	v0 =	vsub.f32 v14, v0;
	v16 =	vld.idx.msk [tilespmem:v17+s13+$0x0], $0xffff  }
0x6b4: {  	v17 =	vadd.s32 s20, v1;
	v1 =	vld [tilespmem:$0x1FDA0]  }
0x6b5: {  	v14 =	vld.idx.msk [tilespmem:v15+s12+$0x0], $0xffff;
	v0 =	vmul.f32 v0, v0  }
0x6b6: {  	v15 =	vld.idx.msk [tilespmem:v15+s13+$0x0], $0xffff  }
0x6b7: {  	v0 =	vadd.f32 v0, v8;
	v8 =	vsub.f32 v10, v12;
	v10 =	vld.idx.msk [tilespmem:v13+s12+$0x0], $0xffff  }
0x6b8: {  	v12 =	vld.idx.msk [tilespmem:v13+s13+$0x0], $0xffff  }
0x6b9: {  	v13 =	vadd.s32 s20, v1;
	v1 =	vld [tilespmem:$0x1FE00]  }
0x6ba: {  	v9 =	vmul.f32 v9, v9;
	_ =	sdelay $0x1  }
0x6bb: {  	v0 =	vadd.f32 v9, v0;
	v9 =	vsub.f32 v14, v15;
	v14 =	vld.idx.msk [tilespmem:v18+s12+$0x0], $0xffff  }
0x6bc: {  	v15 =	vld.idx.msk [tilespmem:v18+s13+$0x0], $0xffff  }
0x6bd: {  	v18 =	vadd.s32 s20, v1;
	v1 =	vld [tilespmem:$0x1FDB0]  }
0x6be: {  	v8 =	vmul.f32 v8, v8;
	_ =	sdelay $0x1  }
0x6bf: {  	v0 =	vadd.f32 v8, v0;
	v8 =	vsub.f32 v11, v16;
	v11 =	vld.idx.msk [tilespmem:v17+s12+$0x0], $0xffff  }
0x6c0: {  	v16 =	vld.idx.msk [tilespmem:v17+s13+$0x0], $0xffff  }
0x6c1: {  	v17 =	vadd.s32 s20, v1;
	v1 =	vld [tilespmem:$0x1FE10]  }
0x6c2: {  	v9 =	vmul.f32 v9, v9  }
0x6c3: {  	v35 =	vld [tilespmem:$0x1FE30]  }
0x6c4: {  	v0 =	vadd.f32 v9, v0;
	v9 =	vsub.f32 v10, v12;
	v10 =	vld.idx.msk [tilespmem:v13+s12+$0x0], $0xffff  }
0x6c5: {  	v12 =	vld.idx.msk [tilespmem:v13+s13+$0x0], $0xffff  }
0x6c6: {  	v13 =	vadd.s32 s20, v1;
	v1 =	vld [tilespmem:$0x1FDC0]  }
0x6c7: {  	v36 =	vld [tilespmem:$0x1FE40];
	v8 =	vmul.f32 v8, v8  }
0x6c8: {  	v37 =	vld [tilespmem:$0x1FE50]  }
0x6c9: {  	v0 =	vadd.f32 v8, v0;
	v8 =	vsub.f32 v14, v15;
	v14 =	vld.idx.msk [tilespmem:v18+s12+$0x0], $0xffff  }
0x6ca: {  	v15 =	vld.idx.msk [tilespmem:v18+s13+$0x0], $0xffff  }
0x6cb: {  	v9 =	vmul.f32 v9, v9;
	v18 =	vadd.s32 s20, v1;
	v1 =	vld [tilespmem:$0x1FE20]  }
0x6cc: {  	v38 =	vld [tilespmem:$0x1FE60]  }
0x6cd: {  	v0 =	vadd.f32 v9, v0;
	v9 =	vsub.f32 v11, v16;
	v8 =	vmul.f32 v8, v8;
	v11 =	vld.idx.msk [tilespmem:v17+s12+$0x0], $0xffff  }
0x6ce: {  	v16 =	vld.idx.msk [tilespmem:v17+s13+$0x0], $0xffff  }
0x6cf: {  	v0 =	vadd.f32 v8, v0;
	v8 =	vsub.f32 v10, v12;
	v10 =	vld.idx.msk [tilespmem:v13+s12+$0x0], $0xffff  }
0x6d0: {  	v9 =	vmul.f32 v9, v9;
	v17 =	vadd.s32 s20, v1;
	v1 =	vld [tilespmem:$0x1FDD0]  }
0x6d1: {  	v12 =	vld.idx.msk [tilespmem:v13+s13+$0x0], $0xffff  }
0x6d2: {  	v0 =	vadd.f32 v9, v0;
	v8 =	vmul.f32 v8, v8;
	v9 =	vsub.f32 v14, v15;
	v14 =	vld.idx.msk [tilespmem:v18+s12+$0x0], $0xffff  }
0x6d3: {  	v15 =	vld.idx.msk [tilespmem:v18+s13+$0x0], $0xffff;
	v18 =	vadd.s32 s20, v35  }
0x6d4: {  	v39 =	vld [tilespmem:$0x1FE70];
	v0 =	vadd.f32 v8, v0;
	v9 =	vmul.f32 v9, v9;
	v8 =	vsub.f32 v11, v16  }
0x6d5: {  	v13 =	vadd.s32 s20, v1;
	v11 =	vld.idx.msk [tilespmem:v17+s12+$0x0], $0xffff  }
0x6d6: {  	v0 =	vadd.f32 v9, v0;
	v8 =	vmul.f32 v8, v8;
	v16 =	vld.idx.msk [tilespmem:v17+s13+$0x0], $0xffff  }
0x6d7: {  	v41 =	vld [tilespmem:$0x1FE80];
	v9 =	vsub.f32 v10, v12  }
0x6d8: {  	v0 =	vadd.f32 v8, v0;
	v17 =	vadd.s32 s20, v36;
	v8 =	vsub.f32 v14, v15;
	v14 =	vld.idx.msk [tilespmem:v18+s12+$0x0], $0xffff  }
0x6d9: {  	v9 =	vmul.f32 v9, v9;
	v15 =	vld.idx.msk [tilespmem:v18+s13+$0x0], $0xffff  }
0x6da: {  	v18 =	vadd.s32 s20, v38;
	v10 =	vld.idx.msk [tilespmem:v13+s12+$0x0], $0xffff  }
0x6db: {  	v0 =	vadd.f32 v9, v0;
	v8 =	vmul.f32 v8, v8;
	v12 =	vld.idx.msk [tilespmem:v13+s13+$0x0], $0xffff;
	v9 =	vsub.f32 v11, v16  }
0x6dc: {  	v1 =	vld [tilespmem:$0x1FEB0]  }
0x6dd: {  	v0 =	vadd.f32 v8, v0;
	v13 =	vadd.s32 s20, v37;
	v11 =	vld.idx.msk [tilespmem:v17+s12+$0x0], $0xffff;
	v9 =	vmul.f32 v9, v9  }
0x6de: {  	v16 =	vld.idx.msk [tilespmem:v17+s13+$0x0], $0xffff  }
0x6df: {  	v17 =	vadd.s32 s20, v39;
	v0 =	vadd.f32 v9, v0;
	v9 =	vsub.f32 v14, v15;
	v14 =	vld.idx.msk [tilespmem:v18+s12+$0x0], $0xffff  }
0x6e0: {  	v15 =	vld.idx.msk [tilespmem:v18+s13+$0x0], $0xffff;
	v8 =	vsub.f32 v10, v12  }
0x6e1: {  	v18 =	vadd.s32 s20, v1;
	v1 =	vld [tilespmem:$0x1FEC0]  }
0x6e2: {  	v10 =	vld.idx.msk [tilespmem:v13+s12+$0x0], $0xffff;
	v8 =	vmul.f32 v8, v8  }
0x6e3: {  	v12 =	vld.idx.msk [tilespmem:v13+s13+$0x0], $0xffff  }
0x6e4: {  	v13 =	vadd.s32 s20, v41;
	v0 =	vadd.f32 v8, v0;
	v8 =	vsub.f32 v11, v16;
	v11 =	vld.idx.msk [tilespmem:v17+s12+$0x0], $0xffff  }
0x6e5: {  	v16 =	vld.idx.msk [tilespmem:v17+s13+$0x0], $0xffff  }
0x6e6: {  	v17 =	vadd.s32 s20, v1;
	v1 =	vld [tilespmem:$0x1FED0]  }
0x6e7: {  	v9 =	vmul.f32 v9, v9;
	_ =	sdelay $0x1  }
0x6e8: {  	v0 =	vadd.f32 v9, v0;
	v9 =	vsub.f32 v10, v12;
	v10 =	vld.idx.msk [tilespmem:v13+s12+$0x0], $0xffff  }
0x6e9: {  	v12 =	vld.idx.msk [tilespmem:v13+s13+$0x0], $0xffff  }
0x6ea: {  	v13 =	vadd.s32 s20, v1;
	v1 =	vld [tilespmem:$0x1FEF0]  }
0x6eb: {  	v8 =	vmul.f32 v8, v8;
	_ =	sdelay $0x1  }
0x6ec: {  	v0 =	vadd.f32 v8, v0;
	v8 =	vsub.f32 v14, v15;
	v14 =	vld.idx.msk [tilespmem:v18+s12+$0x0], $0xffff  }
0x6ed: {  	v15 =	vld.idx.msk [tilespmem:v18+s13+$0x0], $0xffff  }
0x6ee: {  	v18 =	vadd.s32 s20, v1;
	v1 =	vld [tilespmem:$0x1FF00]  }
0x6ef: {  	v9 =	vmul.f32 v9, v9;
	_ =	sdelay $0x1  }
0x6f0: {  	v0 =	vadd.f32 v9, v0;
	v9 =	vsub.f32 v11, v16;
	v11 =	vld.idx.msk [tilespmem:v17+s12+$0x0], $0xffff  }
0x6f1: {  	v16 =	vld.idx.msk [tilespmem:v17+s13+$0x0], $0xffff  }
0x6f2: {  	v17 =	vadd.s32 s20, v1;
	v1 =	vld [tilespmem:$0x1FF10]  }
0x6f3: {  	v8 =	vmul.f32 v8, v8;
	_ =	sdelay $0x1  }
0x6f4: {  	v0 =	vadd.f32 v8, v0;
	v8 =	vsub.f32 v10, v12;
	v10 =	vld.idx.msk [tilespmem:v13+s12+$0x0], $0xffff  }
0x6f5: {  	v12 =	vld.idx.msk [tilespmem:v13+s13+$0x0], $0xffff  }
0x6f6: {  	v13 =	vadd.s32 s20, v1;
	v1 =	vld [tilespmem:$0x1FF20]  }
0x6f7: {  	v9 =	vmul.f32 v9, v9;
	_ =	sdelay $0x1  }
0x6f8: {  	v0 =	vadd.f32 v9, v0;
	v9 =	vsub.f32 v14, v15;
	v14 =	vld.idx.msk [tilespmem:v18+s12+$0x0], $0xffff  }
0x6f9: {  	v15 =	vld.idx.msk [tilespmem:v18+s13+$0x0], $0xffff  }
0x6fa: {  	v18 =	vadd.s32 s20, v1;
	v1 =	vld [tilespmem:$0x1FF30]  }
0x6fb: {  	v8 =	vmul.f32 v8, v8;
	_ =	sdelay $0x1  }
0x6fc: {  	v0 =	vadd.f32 v8, v0;
	v8 =	vsub.f32 v11, v16;
	v11 =	vld.idx.msk [tilespmem:v17+s12+$0x0], $0xffff  }
0x6fd: {  	v16 =	vld.idx.msk [tilespmem:v17+s13+$0x0], $0xffff  }
0x6fe: {  	v17 =	vadd.s32 s20, v1;
	v1 =	vld [tilespmem:$0x1FF40]  }
0x6ff: {  	v9 =	vmul.f32 v9, v9;
	_ =	sdelay $0x1  }
0x700: {  	v0 =	vadd.f32 v9, v0;
	v9 =	vsub.f32 v10, v12;
	v10 =	vld.idx.msk [tilespmem:v13+s12+$0x0], $0xffff  }
0x701: {  	v12 =	vld.idx.msk [tilespmem:v13+s13+$0x0], $0xffff  }
0x702: {  	v13 =	vadd.s32 s20, v1;
	v1 =	vld [tilespmem:$0x1FF50]  }
0x703: {  	v8 =	vmul.f32 v8, v8;
	_ =	sdelay $0x1  }
0x704: {  	v0 =	vadd.f32 v8, v0;
	v8 =	vsub.f32 v14, v15;
	v14 =	vld.idx.msk [tilespmem:v18+s12+$0x0], $0xffff  }
0x705: {  	v15 =	vld.idx.msk [tilespmem:v18+s13+$0x0], $0xffff  }
0x706: {  	v18 =	vadd.s32 s20, v1;
	v1 =	vld [tilespmem:$0x1FF60]  }
0x707: {  	v9 =	vmul.f32 v9, v9;
	_ =	sdelay $0x1  }
0x708: {  	v0 =	vadd.f32 v9, v0;
	v9 =	vsub.f32 v11, v16;
	v11 =	vld.idx.msk [tilespmem:v17+s12+$0x0], $0xffff  }
0x709: {  	v16 =	vld.idx.msk [tilespmem:v17+s13+$0x0], $0xffff  }
0x70a: {  	v17 =	vadd.s32 s20, v1;
	v1 =	vld [tilespmem:$0x1FF70]  }
0x70b: {  	v8 =	vmul.f32 v8, v8;
	_ =	sdelay $0x1  }
0x70c: {  	v0 =	vadd.f32 v8, v0;
	v8 =	vsub.f32 v10, v12;
	v10 =	vld.idx.msk [tilespmem:v13+s12+$0x0], $0xffff  }
0x70d: {  	v12 =	vld.idx.msk [tilespmem:v13+s13+$0x0], $0xffff  }
0x70e: {  	v13 =	vadd.s32 s20, v1;
	v1 =	vld [tilespmem:$0x1FF80]  }
0x70f: {  	v9 =	vmul.f32 v9, v9;
	_ =	sdelay $0x1  }
0x710: {  	v0 =	vadd.f32 v9, v0;
	v9 =	vsub.f32 v14, v15;
	v14 =	vld.idx.msk [tilespmem:v18+s12+$0x0], $0xffff  }
0x711: {  	v15 =	vld.idx.msk [tilespmem:v18+s13+$0x0], $0xffff  }
0x712: {  	v18 =	vadd.s32 s20, v1;
	v1 =	vld [tilespmem:$0x1FF90]  }
0x713: {  	v8 =	vmul.f32 v8, v8;
	_ =	sdelay $0x1  }
0x714: {  	v0 =	vadd.f32 v8, v0;
	v8 =	vsub.f32 v11, v16;
	v11 =	vld.idx.msk [tilespmem:v17+s12+$0x0], $0xffff  }
0x715: {  	v16 =	vld.idx.msk [tilespmem:v17+s13+$0x0], $0xffff  }
0x716: {  	v17 =	vadd.s32 s20, v1;
	v1 =	vld [tilespmem:$0x1FC40]  }
0x717: {  	v9 =	vmul.f32 v9, v9;
	_ =	sdelay $0x1  }
0x718: {  	v0 =	vadd.f32 v9, v0;
	v9 =	vsub.f32 v10, v12;
	v10 =	vld.idx.msk [tilespmem:v13+s12+$0x0], $0xffff  }
0x719: {  	v12 =	vld.idx.msk [tilespmem:v13+s13+$0x0], $0xffff  }
0x71a: {  	v13 =	vadd.s32 s20, v1;
	v1 =	vld [tilespmem:$0x1FC50]  }
0x71b: {  	v8 =	vmul.f32 v8, v8;
	_ =	sdelay $0x1  }
0x71c: {  	v0 =	vadd.f32 v8, v0;
	v8 =	vsub.f32 v14, v15;
	v14 =	vld.idx.msk [tilespmem:v18+s12+$0x0], $0xffff  }
0x71d: {  	v15 =	vld.idx.msk [tilespmem:v18+s13+$0x0], $0xffff  }
0x71e: {  	v18 =	vadd.s32 s20, v1;
	v1 =	vld [tilespmem:$0x1FC60]  }
0x71f: {  	v9 =	vmul.f32 v9, v9;
	_ =	sdelay $0x1  }
0x720: {  	v0 =	vadd.f32 v9, v0;
	v9 =	vsub.f32 v11, v16;
	v11 =	vld.idx.msk [tilespmem:v17+s12+$0x0], $0xffff  }
0x721: {  	v16 =	vld.idx.msk [tilespmem:v17+s13+$0x0], $0xffff  }
0x722: {  	v17 =	vadd.s32 s20, v1;
	v1 =	vld [tilespmem:$0x1FC70]  }
0x723: {  	v8 =	vmul.f32 v8, v8;
	_ =	sdelay $0x1  }
0x724: {  	v0 =	vadd.f32 v8, v0;
	v8 =	vsub.f32 v10, v12;
	v10 =	vld.idx.msk [tilespmem:v13+s12+$0x0], $0xffff  }
0x725: {  	v12 =	vld.idx.msk [tilespmem:v13+s13+$0x0], $0xffff  }
0x726: {  	v13 =	vadd.s32 s20, v1;
	v1 =	vld [tilespmem:$0x1FC80]  }
0x727: {  	v9 =	vmul.f32 v9, v9;
	_ =	sdelay $0x1  }
0x728: {  	v0 =	vadd.f32 v9, v0;
	v9 =	vsub.f32 v14, v15;
	v14 =	vld.idx.msk [tilespmem:v18+s12+$0x0], $0xffff  }
0x729: {  	v15 =	vld.idx.msk [tilespmem:v18+s13+$0x0], $0xffff  }
0x72a: {  	v18 =	vadd.s32 s20, v1;
	v1 =	vld [tilespmem:$0x1FC90]  }
0x72b: {  	v8 =	vmul.f32 v8, v8;
	_ =	sdelay $0x1  }
0x72c: {  	v0 =	vadd.f32 v8, v0;
	v8 =	vsub.f32 v11, v16;
	v11 =	vld.idx.msk [tilespmem:v17+s12+$0x0], $0xffff  }
0x72d: {  	v16 =	vld.idx.msk [tilespmem:v17+s13+$0x0], $0xffff  }
0x72e: {  	v17 =	vadd.s32 s20, v1;
	v1 =	vld [tilespmem:$0x1FCA0]  }
0x72f: {  	v9 =	vmul.f32 v9, v9;
	_ =	sdelay $0x1  }
0x730: {  	v0 =	vadd.f32 v9, v0;
	v9 =	vsub.f32 v10, v12;
	v10 =	vld.idx.msk [tilespmem:v13+s12+$0x0], $0xffff  }
0x731: {  	v12 =	vld.idx.msk [tilespmem:v13+s13+$0x0], $0xffff  }
0x732: {  	v13 =	vadd.s32 s20, v1;
	v1 =	vld [tilespmem:$0x1FD80]  }
0x733: {  	v8 =	vmul.f32 v8, v8;
	_ =	sdelay $0x1  }
0x734: {  	v0 =	vadd.f32 v8, v0;
	v8 =	vsub.f32 v14, v15;
	v14 =	vld.idx.msk [tilespmem:v18+s12+$0x0], $0xffff  }
0x735: {  	v15 =	vld.idx.msk [tilespmem:v18+s13+$0x0], $0xffff  }
0x736: {  	v18 =	vadd.s32 s20, v1;
	v1 =	vld [tilespmem:$0x1FE90]  }
0x737: {  	v9 =	vmul.f32 v9, v9;
	_ =	sdelay $0x1  }
0x738: {  	v0 =	vadd.f32 v9, v0;
	v9 =	vsub.f32 v11, v16;
	v11 =	vld.idx.msk [tilespmem:v17+s12+$0x0], $0xffff  }
0x739: {  	v16 =	vld.idx.msk [tilespmem:v17+s13+$0x0], $0xffff  }
0x73a: {  	v17 =	vadd.s32 s20, v1;
	v1 =	vld [tilespmem:$0x1FD70]  }
0x73b: {  	v8 =	vmul.f32 v8, v8;
	_ =	sdelay $0x1  }
0x73c: {  	v0 =	vadd.f32 v8, v0;
	v8 =	vsub.f32 v10, v12;
	v10 =	vld.idx.msk [tilespmem:v13+s12+$0x0], $0xffff  }
0x73d: {  	v12 =	vld.idx.msk [tilespmem:v13+s13+$0x0], $0xffff  }
0x73e: {  	v13 =	vadd.s32 s20, v1;
	v1 =	vld [tilespmem:$0x1FD60]  }
0x73f: {  	v9 =	vmul.f32 v9, v9;
	_ =	sdelay $0x1  }
0x740: {  	v0 =	vadd.f32 v9, v0;
	v9 =	vsub.f32 v14, v15;
	v14 =	vld.idx.msk [tilespmem:v18+s12+$0x0], $0xffff  }
0x741: {  	v15 =	vld.idx.msk [tilespmem:v18+s13+$0x0], $0xffff  }
0x742: {  	v8 =	vmul.f32 v8, v8;
	v18 =	vadd.s32 s20, v1;
	v1 =	vld [tilespmem:$0x1FD50];
	_ =	sdelay $0x1  }
0x743: {  	v0 =	vadd.f32 v8, v0;
	v9 =	vmul.f32 v9, v9  }
0x744: {  	v8 =	vsub.f32 v11, v16;
	v11 =	vld.idx.msk [tilespmem:v17+s12+$0x0], $0xffff  }
0x745: {  	v0 =	vadd.f32 v9, v0;
	v16 =	vld.idx.msk [tilespmem:v17+s13+$0x0], $0xffff  }
0x746: {  	v8 =	vmul.f32 v8, v8;
	v9 =	vsub.f32 v10, v12;
	v17 =	vadd.s32 s20, v1;
	v1 =	vld [tilespmem:$0x1FD40]  }
0x747: {  	v10 =	vld.idx.msk [tilespmem:v13+s12+$0x0], $0xffff  }
0x748: {  	v0 =	vadd.f32 v8, v0;
	v9 =	vmul.f32 v9, v9;
	v12 =	vld.idx.msk [tilespmem:v13+s13+$0x0], $0xffff  }
0x749: {  	v8 =	vsub.f32 v14, v15;
	v14 =	vld.idx.msk [tilespmem:v18+s12+$0x0], $0xffff  }
0x74a: {  	v0 =	vadd.f32 v9, v0;
	v15 =	vld.idx.msk [tilespmem:v18+s13+$0x0], $0xffff  }
0x74b: {  	v8 =	vmul.f32 v8, v8;
	v11 =	vsub.f32 v11, v16;
	v13 =	vadd.s32 s20, v1;
	v1 =	vld [tilespmem:$0x1FD30]  }
0x74c: {  	v9 =	vld.idx.msk [tilespmem:v17+s12+$0x0], $0xffff  }
0x74d: {  	v0 =	vadd.f32 v8, v0;
	v11 =	vmul.f32 v11, v11;
	v10 =	vsub.f32 v10, v12;
	v16 =	vld.idx.msk [tilespmem:v17+s13+$0x0], $0xffff;
	_ =	sdelay $0x1  }
0x74e: {  	v61 =	vld [tilespmem:$0x1FD20];
	v0 =	vadd.f32 v11, v0;
	v10 =	vmul.f32 v10, v10  }
0x74f: {  	v53 =	vld [tilespmem:$0x1FD00];
	v11 =	vsub.f32 v14, v15  }
0x750: {  	v20 =	vld [tilespmem:$0x1F800];
	v0 =	vadd.f32 v10, v0  }
0x751: {  	v10 =	vmul.f32 v11, v11;
	v18 =	vadd.s32 s20, v1;
	v1 =	vld [tilespmem:$0x1FD10];
	v9 =	vsub.f32 v9, v16  }
0x752: {  	v5 =	vld.idx.msk [tilespmem:v57+s13+$0x0], $0xffff  }
0x753: {  	v29 =	vld [tilespmem:$0x1FCB0];
	v0 =	vadd.f32 v10, v0;
	v10 =	vmul.f32 v9, v9  }
0x754: {  	v8 =	vld.idx.msk [tilespmem:v13+s12+$0x0], $0xffff  }
0x755: {  	v0 =	vadd.f32 v10, v0;
	v10 =	vld [tilespmem:$0x1F7C0]  }
0x756: {  	v12 =	vld.idx.msk [tilespmem:v13+s13+$0x0], $0xffff;
	v17 =	vadd.s32 s20, v1  }
0x757: {  	v9 =	vld [tilespmem:$0x1F7D0]  }
0x758: {  	v19 =	vld.idx.msk [tilespmem:v18+s12+$0x0], $0xffff  }
0x759: {  	v13 =	vadd.s32 s20, v61;
	v14 =	vld.idx.msk [tilespmem:v18+s13+$0x0], $0xffff;
	v1 =	vmov v60  }
0x75a: {  	v10 =	vsub.f32 v1, v10;
	v1 =	vld [tilespmem:$0x1F7F0]  }
0x75b: {  	v18 =	vld.idx.msk [tilespmem:v17+s12+$0x0], $0xffff  }
0x75c: {  	v8 =	vsub.f32 v8, v12;
	v11 =	vld.idx.msk [tilespmem:v17+s13+$0x0], $0xffff  }
0x75d: {  	v60 =	vld [tilespmem:$0x1FCF0]  }
0x75e: {  	v15 =	vadd.s32 s20, v53;
	v12 =	vld.idx.msk [tilespmem:v13+s13+$0x0], $0xffff;
	v8 =	vmul.f32 v8, v8  }
0x75f: {  	v17 =	vld.idx.msk [tilespmem:v13+s12+$0x0], $0xffff  }
0x760: {  	v0 =	vadd.f32 v8, v0;
	v20 =	vsub.f32 v1, v20;
	v1 =	vld [tilespmem:$0x1F810]  }
0x761: {  	v14 =	vsub.f32 v19, v14;
	v8 =	vsub.f32 v18, v11;
	v18 =	vld [tilespmem:$0x1F820]  }
0x762: {  	v16 =	vadd.s32 s20, v60;
	v13 =	vld [tilespmem:$0x1F7E0]  }
0x763: {  	v19 =	vld.idx.msk [tilespmem:v15+s12+$0x0], $0xffff;
	v14 =	vmul.f32 v14, v14  }
0x764: {  	v15 =	vld.idx.msk [tilespmem:v15+s13+$0x0], $0xffff  }
0x765: {  	v0 =	vadd.f32 v14, v0;
	v14 =	vsub.f32 v30, v31;
	v30 =	vld [tilespmem:$0x1F880]  }
0x766: {  	v27 =	vmul.f32 $5.000000000e-01, v55;
	v3 =	vsub.f32 v2, v3;
	v18 =	vsub.f32 v1, v18;
	v1 =	vld [tilespmem:$0x1F830]  }
0x767: {  	v34 =	vsub.f32 v34, v40;
	v22 =	vsub.f32 v22, v4;
	v25 =	vmul.f32 v49, v29;
	v11 =	vld.idx.msk [tilespmem:v16+s12+$0x0], $0xffff  }
0x768: {  	v3 =	vmul.f32 v3, v3;
	v31 =	vmul.f32 v50, v29;
	v9 =	vsub.f32 v9, v13;
	v16 =	vld.idx.msk [tilespmem:v16+s13+$0x0], $0xffff  }
0x769: {  	v13 =	vld.idx.msk [tilespmem:v57+s12+$0x0], $0xffff;
	v12 =	vsub.f32 v17, v12;
	v17 =	vsub.f32 v59, v7;
	v8 =	vmul.f32 v8, v8  }
0x76a: {  	v4 =	vsub.f32 v19, v15;
	v19 =	vmul.f32 v44, v29;
	v7 =	vmul.f32 v48, v29  }
0x76b: {  	v0 =	vadd.f32 v8, v0;
	v21 =	vsub.f32 v1, v43;
	v1 =	vmul.f32 v12, v12  }
0x76c: {  	v14 =	vmul.f32 v14, v14;
	v4 =	vmul.f32 v4, v4;
	v8 =	vsub.f32 v23, v24  }
0x76d: {  	v24 =	vmul.f32 $5.000000000e-01, v56;
	v0 =	vadd.f32 v1, v0;
	v1 =	vsub.f32 v11, v16  }
0x76e: {  	v30 =	vmul.f32 $5.000000000e-01, v30;
	v5 =	vsub.f32 v13, v5;
	v13 =	vmul.f32 v33, v29  }
0x76f: {  	v12 =	vmul.f32 $5.000000000e-01, v52;
	v0 =	vadd.f32 v4, v0;
	v1 =	vmul.f32 v1, v1  }
0x770: {  	v7 =	vsub.f32 v7, v30;
	v52 =	vmul.f32 $5.000000000e-01, v51;
	v11 =	vmul.f32 v47, v29  }
0x771: {  	v26 =	vld [tilespmem:$0x1FB40];
	v16 =	vmul.f32 $5.000000000e-01, v54;
	v4 =	vmul.f32 v5, v5;
	v1 =	vadd.f32 v1, v0  }
0x772: {  	v28 =	vld [tilespmem:$0x1FB70];
	v2 =	vsub.f32 v11, v12;
	v11 =	vmul.f32 v17, v17;
	v17 =	vmul.f32 v34, v34  }
0x773: {  	v40 =	vld [tilespmem:$0x1FD80];
	v0 =	vsub.f32 v13, v16;
	v13 =	vmul.f32 v8, v8;
	v5 =	vadd.f32 v4, v1  }
0x774: {  	v15 =	vld [tilespmem:$0x1FAD0];
	v8 =	vsub.f32 v31, v52;
	v4 =	vsub.f32 v19, v24;
	v19 =	vmul.f32 v2, v29  }
0x775: {  	v49 =	vld [tilespmem:$0x1FEF0];
	v3 =	vadd.f32 v3, v5;
	v5 =	vmul.f32 v22, v22;
	v22 =	vmul.f32 v0, v29  }
0x776: {  	v50 =	vld [tilespmem:$0x1FF00];
	v1 =	vsub.f32 v25, v27;
	v25 =	vmul.f32 v4, v29;
	v12 =	vadd.f32 v19, v12  }
0x777: {  	v44 =	vld [tilespmem:$0x1FEB0];
	v19 =	vmul.f32 v7, v29;
	v17 =	vadd.f32 v17, v3;
	v3 =	vadd.f32 v22, v16  }
0x778: {  	v48 =	vld [tilespmem:$0x1FED0];
	v16 =	vmul.f32 v8, v29;
	v22 =	vmul.f32 v1, v29;
	v24 =	vadd.f32 v25, v24  }
0x779: {  	v23 =	vld [tilespmem:$0x1FAC0];
	v15 =	vadd.s32 s20, v15;
	v19 =	vadd.f32 v19, v30;
	v17 =	vadd.f32 v5, v17  }
0x77a: {  	v51 =	vld [tilespmem:$0x1FE00];
	v25 =	vmax.f32 v2, v7;
	v5 =	vadd.f32 v16, v52;
	v16 =	vadd.f32 v22, v27  }
0x77b: {  	v43 =	vld [tilespmem:$0x1FE90];
	v22 =	vsub.f32 v19, v7;
	v27 =	vmax.f32 v4, v7;
	v31 =	vmin.f32 v12, v19  }
0x77c: {  	v47 =	vld [tilespmem:$0x1FEC0];
	v54 =	vsub.f32 v24, v4;
	v25 =	vsub.f32 v31, v25;
	v31 =	vmin.f32 v24, v19  }
0x77d: {  	v34 =	vld [tilespmem:$0x1FF40];
	v13 =	vadd.f32 v13, v17;
	v17 =	vmax.f32 v0, v8;
	v30 =	vsub.f32 v5, v8  }
0x77e: {  	v52 =	vld [tilespmem:$0x1FDC0];
	v33 =	vmin.f32 v3, v5;
	v27 =	vsub.f32 v31, v27;
	v31 =	vsub.f32 v16, v1  }
0x77f: {  	v55 =	vmax.f32 v1, v8;
	v17 =	vsub.f32 v33, v17;
	v33 =	vld [tilespmem:$0x1FF30];
	v11 =	vadd.f32 v11, v13  }
0x780: {  	v22 =	vmul.f32 v30, v22;
	v30 =	vmin.f32 v16, v5;
	v31 =	vmul.f32 v31, v54;
	v54 =	vld [tilespmem:$0x1FEE0]  }
0x781: {  	v26 =	vadd.s32 s20, v26;
	v29 =	vsub.f32 v3, v0;
	v30 =	vsub.f32 v30, v55;
	v55 =	vld [tilespmem:$0x1FDA0]  }
0x782: {  	v13 =	vsub.f32 v12, v2;
	v11 =	vadd.f32 v14, v11;
	v14 =	vld.idx.msk [tilespmem:v15+s12+$0x0], $0xffff  }
0x783: {  	v28 =	vadd.s32 s20, v28;
	v21 =	vmul.f32 v21, v21;
	v15 =	vld.idx.msk [tilespmem:v15+s13+$0x0], $0xffff  }
0x784: {  	v25 =	vmax.f32 v25, $0.0e+00;
	v17 =	vmax.f32 v17, $0.0e+00;
	v13 =	vmul.f32 v29, v13;
	v29 =	vld [tilespmem:$0x1FB80]  }
0x785: {  	v17 =	vmul.f32 v17, v25;
	v25 =	vld [tilespmem:$0x1FBA0]  }
0x786: {  	v18 =	vmul.f32 v18, v18;
	v23 =	vadd.s32 s20, v23;
	v11 =	vadd.f32 v21, v11;
	v21 =	vld.idx.msk [tilespmem:v26+s12+$0x0], $0xffff  }
0x787: {  	v26 =	vld.idx.msk [tilespmem:v26+s13+$0x0], $0xffff  }
0x788: {  	v11 =	vadd.f32 v18, v11;
	v18 =	vld.idx.msk [tilespmem:v28+s12+$0x0], $0xffff  }
0x789: {  	v20 =	vmul.f32 v20, v20;
	v13 =	vadd.f32 v22, v13;
	v28 =	vld.idx.msk [tilespmem:v28+s13+$0x0], $0xffff  }
0x78a: {  	v56 =	vadd.s32 s20, v29;
	v29 =	vld [tilespmem:$0x1FB90]  }
0x78b: {  	v13 =	vsub.f32 v13, v17;
	v11 =	vadd.f32 v20, v11;
	v20 =	vld.idx.msk [tilespmem:v23+s12+$0x0], $0xffff  }
0x78c: {  	v23 =	vld.idx.msk [tilespmem:v23+s13+$0x0], $0xffff  }
0x78d: {  	v9 =	vmul.f32 v9, v9;
	v25 =	vadd.s32 s20, v25;
	(erf) = vrcp.f32 v13;
	v13 =	vld [tilespmem:$0x1FBE0]  }
0x78e: {  	v27 =	vmax.f32 v27, $0.0e+00;
	v30 =	vmax.f32 v30, $0.0e+00;
	v21 =	vsub.f32 v21, v26;
	v26 =	vld [tilespmem:$0x1FBB0]  }
0x78f: {  	v27 =	vmul.f32 v30, v27;
	v22 =	vadd.f32 v22, v31;
	v30 =	vld.idx.msk [tilespmem:v56+s12+$0x0], $0xffff  }
0x790: {  	v10 =	vmul.f32 v10, v10;
	v9 =	vadd.f32 v9, v11;
	v57 =	vadd.s32 s20, v29;
	v31 =	vld.idx.msk [tilespmem:v56+s13+$0x0], $0xffff  }
0x791: {  	v22 =	vsub.f32 v22, v27;
	v29 =	vld [tilespmem:$0x1FBC0]  }
0x792: {  	v9 =	vadd.f32 v10, v9;
	v10 =	vld.idx.msk [tilespmem:v25+s12+$0x0], $0xffff  }
0x793: {  	(erf) = vrcp.f32 v22;
	v22 =	vld.idx.msk [tilespmem:v25+s13+$0x0], $0xffff;
	v13 =	vadd.s32 s20, v13  }
0x794: {  	v11 =	vsub.f32 v18, v28;
	v21 =	vmul.f32 v21, v21;
	v56 =	vld [tilespmem:$0x1FDE0]  }
0x795: {  	v18 =	vld.idx.msk [tilespmem:v57+s12+$0x0], $0xffff  }
0x796: {  	v11 =	vmul.f32 v11, v11;
	v9 =	vadd.f32 v21, v9;
	v28 =	vld.idx.msk [tilespmem:v57+s13+$0x0], $0xffff  }
0x797: {  	v26 =	vadd.s32 s20, v26;
	v59 =	vadd.s32 s20, v29;
	v29 =	vld [tilespmem:$0x1FBD0]  }
0x798: {  	v9 =	vadd.f32 v11, v9;
	v11 =	vld.idx.msk [tilespmem:v13+s12+$0x0], $0xffff  }
0x799: {  	v14 =	vsub.f32 v14, v15;
	v15 =	vpop (erf);
	v13 =	vld.idx.msk [tilespmem:v13+s13+$0x0], $0xffff  }
0x79a: {  	v15 =	vmul.f32 v15, v17;
	v17 =	vsub.f32 v20, v23;
	v20 =	vld [tilespmem:$0x1F850]  }
0x79b: {  	v23 =	vld [tilespmem:$0x1F860]  }
0x79c: {  	v21 =	vsub.f32 v30, v31;
	v25 =	vld.idx.msk [tilespmem:v26+s12+$0x0], $0xffff  }
0x79d: {  	v26 =	vld.idx.msk [tilespmem:v26+s13+$0x0], $0xffff  }
0x79e: {  	v21 =	vmul.f32 v21, v21;
	v18 =	vsub.f32 v18, v28;
	v28 =	vld.idx.msk [tilespmem:v59+s12+$0x0], $0xffff  }
0x79f: {  	v30 =	vadd.s32 s20, v29;
	v29 =	vld [tilespmem:$0x1F840]  }
0x7a0: {  	v10 =	vsub.f32 v10, v22;
	v9 =	vadd.f32 v21, v9;
	v21 =	vld.idx.msk [tilespmem:v59+s13+$0x0], $0xffff;
	v18 =	vmul.f32 v18, v18  }
0x7a1: {  	v11 =	vsub.f32 v11, v13;
	v13 =	vld [tilespmem:$0x1F870]  }
0x7a2: {  	v10 =	vmul.f32 v10, v10;
	v22 =	vsub.f32 v25, v26;
	v26 =	vld [tilespmem:$0x1FBF0];
	v9 =	vadd.f32 v18, v9  }
0x7a3: {  	v20 =	vld.idx.msk [tilespmem:v20+s13+$0x0], $0xffff  }
0x7a4: {  	v22 =	vmul.f32 v22, v22;
	v18 =	vld.idx.msk [tilespmem:v30+s12+$0x0], $0xffff;
	v9 =	vadd.f32 v10, v9  }
0x7a5: {  	v25 =	vld.idx.msk [tilespmem:v30+s13+$0x0], $0xffff  }
0x7a6: {  	v10 =	vpop (erf);
	v9 =	vadd.f32 v22, v9;
	v22 =	vld [tilespmem:$0x1FC00]  }
0x7a7: {  	v10 =	vmul.f32 v10, v27;
	v30 =	vld.idx.msk [tilespmem:v29+s13+$0x0], $0xffff  }
0x7a8: {  	v31 =	vld [tilespmem:$0x1FF80]  }
0x7a9: {  	v59 =	vld [tilespmem:$0x1FD90];
	v21 =	vsub.f32 v28, v21;
	v26 =	vadd.s32 s20, v26;
	vm0 =	vgt.f32 v10, v15  }
0x7aa: {  	v0 =	vsel vm0, v1, v0;
	v1 =	vsel vm0, v20, v8;
	v8 =	vld [tilespmem:$0x1FC10]  }
0x7ab: {  	v23 =	vld.idx.msk [tilespmem:v23+s13+$0x0], $0xffff;
	v21 =	vmul.f32 v21, v21;
	v22 =	vadd.s32 s20, v22  }
0x7ac: {  	v28 =	vld [tilespmem:$0x1FF70];
	v18 =	vsub.f32 v18, v25;
	v2 =	vsel vm0, v4, v2;
	v4 =	vsel vm0, v30, v7  }
0x7ad: {  	v13 =	vld.idx.msk [tilespmem:v13+s13+$0x0], $0xffff;
	v2 =	vsub.f32 v2, v4;
	v4 =	vadd.s32 s20, v54  }
0x7ae: {  	v9 =	vadd.f32 v21, v9;
	v18 =	vmul.f32 v18, v18;
	v20 =	vld.idx.msk [tilespmem:v26+s13+$0x0], $0xffff  }
0x7af: {  	v11 =	vmul.f32 v11, v11;
	v0 =	vsub.f32 v0, v1;
	v7 =	vld.idx.msk [tilespmem:v26+s12+$0x0], $0xffff;
	v8 =	vadd.s32 s20, v8  }
0x7b0: {  	v12 =	vsel vm0, v24, v12;
	v9 =	vadd.f32 v18, v9;
	v18 =	vsel vm0, v23, v19;
	v19 =	vld.idx.msk [tilespmem:v22+s12+$0x0], $0xffff  }
0x7b1: {  	v0 =	vmul.f32 v0, v0;
	v1 =	vsub.f32 v12, v18;
	v2 =	vmul.f32 v2, v2;
	v12 =	vld.idx.msk [tilespmem:v22+s13+$0x0], $0xffff  }
0x7b2: {  	v5 =	vsel vm0, v13, v5;
	v9 =	vadd.f32 v11, v9;
	v11 =	vmul.f32 v17, v17;
	v13 =	vld.idx.msk [tilespmem:v4+s13+$0x0], $0xffff  }
0x7b3: {  	v0 =	vadd.f32 v0, v2;
	v2 =	vld.idx.msk [tilespmem:v4+s12+$0x0], $0xffff  }
0x7b4: {  	v9 =	vadd.f32 v11, v9;
	v11 =	vld.idx.msk [tilespmem:v8+s13+$0x0], $0xffff  }
0x7b5: {  	v14 =	vmul.f32 v14, v14;
	v3 =	vsel vm0, v16, v3;
	v7 =	vsub.f32 v7, v20;
	v8 =	vld.idx.msk [tilespmem:v8+s12+$0x0], $0xffff  }
0x7b6: {  	v27 =	vld [tilespmem:$0x1FDD0];
	v3 =	vsub.f32 v3, v5;
	v1 =	vmul.f32 v1, v1  }
0x7b7: {  	v29 =	vld [tilespmem:$0x1FFA0];
	v5 =	vadd.f32 v14, v9;
	v7 =	vmul.f32 v7, v7;
	v4 =	vsub.f32 v19, v12  }
0x7b8: {  	v25 =	vld [tilespmem:$0x1FE20];
	v3 =	vmul.f32 v3, v3;
	v0 =	vadd.f32 v0, v1  }
0x7b9: {  	v16 =	vld [tilespmem:$0x1FD70];
	v1 =	vadd.f32 v7, v5;
	v4 =	vmul.f32 v4, v4  }
0x7ba: {  	v26 =	vmovc v46;
	v46 =	vld [tilespmem:$0x1FF20];
	v0 =	vadd.f32 v0, v3;
	v5 =	vsel vm0, v8, v2;
	v2 =	vsub.f32 v2, v13  }
0x7bb: {  	v30 =	vld [tilespmem:$0x1FF50];
	v3 =	vsel vm0, v10, v15;
	v1 =	vadd.f32 v4, v1;
	v4 =	vsub.f32 v8, v11  }
0x7bc: {  	v23 =	vld [tilespmem:$0x1FE10];
	vm15 =	vgt.f32 v13, $0.0e+00;
	v0 =	vmul.f32 $5.000000000e+00, v0;
	v3 =	vsub.f32 v5, v3  }
0x7bd: {  	v22 =	vld [tilespmem:$0x1FDB0];
	v5 =	vsel vm15, $0x3F800000, v32;
	v2 =	vmul.f32 v2, v2;
	v4 =	vmul.f32 v4, v4  }
0x7be: {  	v9 =	vld [tilespmem:$0x1FF10];
	v0 =	vadd.f32 v0, v1;
	v1 =	vmul.f32 v3, v3;
	v3 =	vsub.f32 $1.000000000e+00, v5  }
0x7bf: {  	v14 =	vld [tilespmem:$0x1FF60]  }
0x7c0: {  	v15 =	vld [tilespmem:$0x1FD60];
	v2 =	vadd.f32 v4, v2;
	v0 =	vadd.f32 v0, v1;
	v1 =	vmul.f32 $5.000000000e-01, v3  }
0x7c1: {  	v10 =	vld [tilespmem:$0x1FD50]  }
0x7c2: {  	v1 =	vmul.f32 v2, v1;
	v2 =	vld [tilespmem:$0x1F890]  }
0x7c3: {  	v7 =	vld [tilespmem:$0x1FD40]  }
0x7c4: {  	s19 =	sadd.s32 $0x1, s19;
	v19 =	vld [tilespmem:$0x1FDF0]  }
0x7c5: {  	p0 =	sne.s32 s19, $0xE;
	v12 =	vmov v61;
	v61 =	vld [tilespmem:$0x1FCE0];
	v0 =	vmul.f32 v5, v0  }
.Ltmp2:
0x7c6: {  	v13 =	vld [tilespmem:$0x1FF90];
	(pc) =	sbr.rel @p0 .LBB2_2-.Ltmp2, $4  }
0x7c7: {  	v8 =	vld [tilespmem:$0x1FD30];
	v0 =	vadd.f32 v0, v1;
	v2 =	vadd.f32 v6, v2  }
0x7c8: {  	v6 =	vld [tilespmem:$0x1FD10]  }
0x7c9: {  	v3 =	vadd.f32 v0, v2;
	v0 =	vld [tilespmem:$0x1FCD0]  }
0x7ca: {  	v57 =	vmov v60;
	v2 =	vld [tilespmem:$0x1FCC0]  }
0x7cb: {  	s18 =	sadd.s32 $0x1, s18  }
0x7cc: {  	p0 =	sne.s32 s18, s10  }
.Ltmp3:
0x7cd: {  	[tilespmem:$0x13C00] =	vst v3;
	(pc) =	sbr.rel @p0 .LBB2_1-.Ltmp3, $4  }
0x7ce: {  	[hbm4b:s9+s1] =	stream.linear.scatter [tilespmem:s16], [sflag:$0x3], $0x80, $0x38;
	[tilespmem:$0x13C80] =	vst v63  }
0x7cf: {  	_ =	swait.ge [sflag:s17], $0x80  }
0x7d0: {  	[sflag:s17] =	ssyncset.done $0x0  }
0x7d1: {  	[sflag:s17] =	ssyncadd.s32 $0xFFFFFF80  }
0x7d2: {  	_ =	sfence.sel $0x180000  }
0x7d3: {  	[bflag:$0x0] =	sbarrier.arrive $0xFFFF  }
0x7d4: {  	p0 =	sne.s32 s2, $0x0;
	_ =	strace $0x90000047  }
0x7d5: {  	s0 =	sadd.s32 @!p0 $0x100000, s0;
	[bflag:$0x2] =	sbarrier.arrive $0xFFFF  }
0x7d6: {  	[sflag:s0] =	ssyncadd.tile.s32 @!p0 $0x1;
	_ =	shalt  }
.Lfunc_end2:
_tile_overlayer_lowered:
.L_overlay_start_2:
0x7d7: {  	(tag) =	ssettag $0x2  }
0x7d8: {  	s0 =	rddreg [dreg:$0x0];
	s2 =	stileid.u32  }
0x7d9: {  	s1 =	rddreg [dreg:$0x1];
	p0 =	sne.s32 s2, $0x0  }
0x7da: {  	s3 =	rddreg [dreg:$0x2];
	[bflag:$0x3] =	sbarrier.arrive $0xFFFF;
	s2 =	simm.s32 @!p0 $0x1C03  }
0x7db: {  	[timem:s3], [sflag:s2] =	dma.local @!p0 [hbm:s0], s1  }
0x7dc: {  	s0 =	simm.s32 @!p0 $0x3  }
0x7dd: {  	_ =	swait.ge @!p0 [sflag:s0], s1  }
0x7de: {  	s1 =	ssub.s32 @!p0 $0x0, s1;
	[sflag:s0] =	ssyncset.done @!p0 $0x0  }
0x7df: {  	[sflag:s0] =	ssyncadd.s32 @!p0 s1  }
0x7e0: {  	[bflag:$0x3] =	sbarrier.arrive $0xFFFF  }
0x7e1: {  	_ =	shalt  }

</sc_bundles>
